<compile_context>
chip_gen: v7x
topology: tpu7x:2x2x1
jax: 0.10.2.dev20260603
libtpu: 0.0.44.dev20260713+nightly
codegen_flags: <defaults>
</compile_context>

<pallas_src>
import functools

import jax
import jax.numpy as jnp
from jax import lax
from jax.experimental import pallas as pl
from jax.experimental.pallas import tpu as pltpu
from jax.experimental.pallas import tpu_sc as plsc

N = 10000
E = 320000
D = 128
NC = 2
NS = 16
NW = NC * NS
CHUNK = 128
CPW = 80
NCHP = NW * CPW
EP = NCHP * CHUNK
DW = 16
NP = 10240
RPS = NP // NS
TRASH = N

_f32 = jnp.float32


NB = 2
BI = 64


def _sc_agg_body(m_hbm, src_hbm, dst_hbm, zer_hbm, out_hbm,
                 src_v, dst_v, g0, g1, acc_sh):
    pl.run_scoped(
        functools.partial(_sc_agg_inner, m_hbm, src_hbm, dst_hbm, zer_hbm,
                          out_hbm, (g0, g1), acc_sh, src_v, dst_v),
        *([pltpu.VMEM((CHUNK, D), _f32)] * NB),
    )


def _sc_agg_inner(m_hbm, src_hbm, dst_hbm, zer_hbm, out_hbm,
                  gsem, acc_sh, src_v, dst_v, *rows):
    cid = lax.axis_index("c")
    sid = lax.axis_index("s")
    wid = sid * NC + cid
    base = sid * RPS
    cbase = wid * CPW
    pltpu.sync_copy(zer_hbm.at[pl.ds(base, RPS)], acc_sh.at[pl.ds(base, RPS)])
    plsc.subcore_barrier()

    def fire_gather(j, b):
        pltpu.async_copy(m_hbm.at[src_v.at[j]], rows[b], gsem[b])

    def wait_gather(j, b):
        pltpu.make_async_copy(m_hbm.at[src_v.at[j]], rows[b],
                              gsem[b]).wait()

    def phase(cstart, cnt):
        pltpu.sync_copy(src_hbm.at[pl.ds(cbase + cstart, cnt)],
                        src_v.at[pl.ds(0, cnt)])
        pltpu.sync_copy(dst_hbm.at[pl.ds(cbase + cstart, cnt)],
                        dst_v.at[pl.ds(0, cnt)])
        fire_gather(0, 0)

        def body(jj, _):
            for b in range(NB):
                j = jj * NB + b
                wait_gather(j, b)

                @pl.when(j + 1 < cnt)
                def _():
                    fire_gather(j + 1, (b + 1) % NB)

                pltpu.sync_copy(rows[b], acc_sh.at[dst_v.at[j]], add=True)
            return 0

        lax.fori_loop(0, cnt // NB, body, 0)

    phase(0, BI)
    phase(BI, CPW - BI)
    plsc.subcore_barrier()
    pltpu.sync_copy(acc_sh.at[pl.ds(base, RPS)],
                    out_hbm.at[cid, pl.ds(base, RPS)])


def _sc_deg_body(dst_hbm, zerd_hbm, oned_hbm, deg_hbm,
                 dst_v, one_v, sem, dacc_sh):
    cid = lax.axis_index("c")
    sid = lax.axis_index("s")
    wid = sid * NC + cid
    base = sid * RPS
    pltpu.sync_copy(zerd_hbm.at[pl.ds(base, RPS)],
                    dacc_sh.at[pl.ds(base, RPS)])
    pltpu.sync_copy(oned_hbm, one_v)
    pltpu.sync_copy(dst_hbm.at[pl.ds(wid * CPW, CPW)], dst_v)
    plsc.subcore_barrier()

    def body(j, _):
        pltpu.sync_copy(one_v, dacc_sh.at[dst_v.at[j]], add=True)
        return 0

    lax.fori_loop(0, CPW, body, 0)
    plsc.subcore_barrier()
    pltpu.sync_copy(dacc_sh.at[pl.ds(base, RPS)],
                    deg_hbm.at[cid, pl.ds(base, RPS)])


_SC_MESH = dict(core_axis_name="c", subcore_axis_name="s")

_sc_deg = pl.kernel(
    _sc_deg_body,
    out_type=jax.ShapeDtypeStruct((NC, NP, DW), _f32),
    mesh=plsc.VectorSubcoreMesh(**_SC_MESH),
    scratch_types=[
        pltpu.VMEM((CPW, CHUNK), jnp.int32),
        pltpu.VMEM((CHUNK, DW), _f32),
        pltpu.SemaphoreType.DMA,
        pltpu.VMEM_SHARED((NP, DW), _f32),
    ],
)

_sc_agg = pl.kernel(
    _sc_agg_body,
    out_type=jax.ShapeDtypeStruct((NC, NP, D), _f32),
    mesh=plsc.VectorSubcoreMesh(**_SC_MESH),
    scratch_types=(
        [pltpu.VMEM((BI, CHUNK), jnp.int32),
         pltpu.VMEM((BI, CHUNK), jnp.int32)]
        + [pltpu.SemaphoreType.DMA] * NB
        + [pltpu.VMEM_SHARED((NP, D), _f32)]
    ),
)



_B = 512
_GRID = NP // _B


def _deg_stats(degp_ref):
    deg = degp_ref[0, :, 0:1] + degp_ref[1, :, 0:1] + 1.0
    dis = lax.rsqrt(deg)
    invc = 1.0 / jnp.maximum(deg - 1.0, 1.0)
    return dis, invc


def _tc1_body(x_ref, s1p_ref, degp_ref, w1_ref, wl1_ref, bl1_ref, wr1_ref,
              mg1_ref, s1_ref):
    dis, invc = _deg_stats(degp_ref)
    x = x_ref[...]
    h1 = jnp.dot(x, w1_ref[...], preferred_element_type=_f32)
    mg1_ref[...] = dis * h1
    mean1 = (s1p_ref[0] + s1p_ref[1]) * invc
    sage1 = (jnp.dot(mean1, wl1_ref[...], preferred_element_type=_f32)
             + bl1_ref[...]
             + jnp.dot(x, wr1_ref[...], preferred_element_type=_f32))
    s1_ref[...] = jnp.maximum(sage1, 0.0)


def _tc2_body(mg1_ref, g1p_ref, s2p_ref, degp_ref, s1_ref,
              w2_ref, wl2_ref, bl2_ref, wr2_ref, b1_ref,
              mg2_ref, sage2_ref):
    dis, invc = _deg_stats(degp_ref)
    gcn1 = dis * (g1p_ref[0] + g1p_ref[1]) + dis * mg1_ref[...] + b1_ref[...]
    g1 = jnp.maximum(gcn1, 0.0)
    h2 = jnp.dot(g1, w2_ref[...], preferred_element_type=_f32)
    mg2_ref[...] = dis * h2
    mean2 = (s2p_ref[0] + s2p_ref[1]) * invc
    sage2_ref[...] = (jnp.dot(mean2, wl2_ref[...], preferred_element_type=_f32)
                      + bl2_ref[...]
                      + jnp.dot(s1_ref[...], wr2_ref[...],
                                preferred_element_type=_f32))


def _layer_norm(v, g, b):
    mu = jnp.mean(v, axis=-1, keepdims=True)
    var = jnp.mean((v - mu) * (v - mu), axis=-1, keepdims=True)
    return (v - mu) * lax.rsqrt(var + 1e-5) * g + b


def _tc3_body(mg2_ref, g2p_ref, degp_ref, sage2_ref,
              b2_ref, gg_ref, gb_ref, sg_ref, sb_ref, fw_ref, fb_ref,
              out_ref):
    dis, _ = _deg_stats(degp_ref)
    gcn2 = dis * (g2p_ref[0] + g2p_ref[1]) + dis * mg2_ref[...] + b2_ref[...]
    gl = _layer_norm(gcn2, gg_ref[...], gb_ref[...])
    sl = _layer_norm(sage2_ref[...], sg_ref[...], sb_ref[...])
    out_ref[...] = (jnp.dot(gl, fw_ref[0], preferred_element_type=_f32)
                    + jnp.dot(sl, fw_ref[1], preferred_element_type=_f32)
                    + fb_ref[...])


def _row_spec(width=D):
    return pl.BlockSpec((_B, width), lambda i: (i, 0))


def _part_spec(width=D):
    return pl.BlockSpec((NC, _B, width), lambda i: (0, i, 0))


def _w_spec():
    return pl.BlockSpec((D, D), lambda i: (0, 0))


def _v_spec():
    return pl.BlockSpec((1, D), lambda i: (0, 0))


_tc1 = pl.pallas_call(
    _tc1_body,
    grid=(_GRID,),
    in_specs=[_row_spec(), _part_spec(), _part_spec(DW),
              _w_spec(), _w_spec(), _v_spec(), _w_spec()],
    out_specs=[_row_spec(), _row_spec()],
    out_shape=[jax.ShapeDtypeStruct((N, D), _f32),
               jax.ShapeDtypeStruct((N, D), _f32)],
)

_tc2 = pl.pallas_call(
    _tc2_body,
    grid=(_GRID,),
    in_specs=[_row_spec(), _part_spec(), _part_spec(), _part_spec(DW),
              _row_spec(), _w_spec(), _w_spec(), _v_spec(), _w_spec(),
              _v_spec()],
    out_specs=[_row_spec(), _row_spec()],
    out_shape=[jax.ShapeDtypeStruct((N, D), _f32),
               jax.ShapeDtypeStruct((N, D), _f32)],
)

_tc3 = pl.pallas_call(
    _tc3_body,
    grid=(_GRID,),
    in_specs=[_row_spec(), _part_spec(), _part_spec(DW), _row_spec(),
              _v_spec(), _v_spec(), _v_spec(), _v_spec(), _v_spec(),
              pl.BlockSpec((2, D, D), lambda i: (0, 0, 0)), _v_spec()],
    out_specs=_row_spec(),
    out_shape=jax.ShapeDtypeStruct((N, D), _f32),
)


def kernel(x, edge_index, gcn_W1, gcn_b1, gcn_W2, gcn_b2,
           sage_Wl1, sage_bl1, sage_Wr1, sage_Wl2, sage_bl2, sage_Wr2,
           gcn_gamma, gcn_beta, sage_gamma, sage_beta, fusion_W, fusion_b):
    pad = EP - E
    src = jnp.concatenate(
        [edge_index[0].astype(jnp.int32),
         jnp.zeros((pad,), jnp.int32)]).reshape(NCHP, CHUNK)
    dst = jnp.concatenate(
        [edge_index[1].astype(jnp.int32),
         jnp.full((pad,), TRASH, jnp.int32)]).reshape(NCHP, CHUNK)
    zer = jnp.zeros((NP, D), _f32)
    zerd = jnp.zeros((NP, DW), _f32)
    oned = jnp.ones((CHUNK, DW), _f32)

    degp = _sc_deg(dst, zerd, oned)
    s1p = _sc_agg(x, src, dst, zer)
    mg1, s1 = _tc1(x, s1p, degp, gcn_W1, sage_Wl1,
                   sage_bl1.reshape(1, D), sage_Wr1)
    g1p = _sc_agg(mg1, src, dst, zer)
    s2p = _sc_agg(s1, src, dst, zer)
    mg2, sage2 = _tc2(mg1, g1p, s2p, degp, s1, gcn_W2, sage_Wl2,
                      sage_bl2.reshape(1, D), sage_Wr2, gcn_b1.reshape(1, D))
    g2p = _sc_agg(mg2, src, dst, zer)
    out = _tc3(mg2, g2p, degp, sage2, gcn_b2.reshape(1, D),
               gcn_gamma.reshape(1, D), gcn_beta.reshape(1, D),
               sage_gamma.reshape(1, D), sage_beta.reshape(1, D),
               fusion_W.reshape(2, D, D), fusion_b.reshape(1, D))
    return out

# --- scband reference (transcript-rebuilt; emitter-appended) ---
"""Pipeline reference for scband-hybrid-gcngraph-sage-2516850835929 (READ-ONLY COPY).

The authoritative reference and input builder live on the scoring server;
editing this copy changes nothing except your own understanding.
"""

import jax, jax.numpy as jnp
import numpy as np

N = 10000
E = 320000
D = 128


def _glorot(k, shape):
    lim = (6.0 / (shape[0] + shape[1])) ** 0.5
    return jax.random.uniform(k, shape, jnp.float32, -lim, lim)


def setup_inputs(seed: int = 0) -> dict:
    key = jax.random.key(seed)
    ks = jax.random.split(key, 20)
    inp = {}
    inp['x'] = jax.random.normal(ks[0], (N, D), jnp.float32)
    inp['edge_index'] = jax.random.randint(ks[1], (2, E), 0, N)
    # GCN branch params (PyG GCNConv: lin without bias, separate bias added post-aggregation)
    inp['gcn_W1'] = _glorot(ks[2], (D, D))
    inp['gcn_b1'] = jnp.zeros((D,), jnp.float32)
    inp['gcn_W2'] = _glorot(ks[3], (D, D))
    inp['gcn_b2'] = jnp.zeros((D,), jnp.float32)
    # SAGE branch params (PyG SAGEConv mean: lin_l with bias on aggregated, lin_r no bias on root)
    inp['sage_Wl1'] = _glorot(ks[4], (D, D))
    inp['sage_bl1'] = jnp.zeros((D,), jnp.float32)
    inp['sage_Wr1'] = _glorot(ks[5], (D, D))
    inp['sage_Wl2'] = _glorot(ks[6], (D, D))
    inp['sage_bl2'] = jnp.zeros((D,), jnp.float32)
    inp['sage_Wr2'] = _glorot(ks[7], (D, D))
    # LayerNorms
    inp['gcn_gamma'] = jnp.ones((D,), jnp.float32)
    inp['gcn_beta'] = jnp.zeros((D,), jnp.float32)
    inp['sage_gamma'] = jnp.ones((D,), jnp.float32)
    inp['sage_beta'] = jnp.zeros((D,), jnp.float32)
    # Fusion projection Linear(2*D -> D)
    inp['fusion_W'] = _glorot(ks[8], (2 * D, D))
    inp['fusion_b'] = jnp.zeros((D,), jnp.float32)
    return inp


def _gcn_conv(x, W, b, src, dst, n):
    loop = jnp.arange(n, dtype=src.dtype)
    src2 = jnp.concatenate([src, loop])
    dst2 = jnp.concatenate([dst, loop])
    deg = jax.ops.segment_sum(jnp.ones(src2.shape, x.dtype), dst2, n)
    dis = jnp.where(deg > 0, 1.0 / jnp.sqrt(jnp.maximum(deg, 1e-12)), 0.0)
    norm = dis[src2] * dis[dst2]
    h = x @ W
    msgs = h[src2] * norm[:, None]
    return jax.ops.segment_sum(msgs, dst2, n) + b


def _sage_conv(x, Wl, bl, Wr, src, dst, n):
    s = jax.ops.segment_sum(x[src], dst, n)
    cnt = jax.ops.segment_sum(jnp.ones(src.shape, x.dtype), dst, n)
    mean = s / jnp.maximum(cnt, 1.0)[:, None]
    return mean @ Wl + bl + x @ Wr


def _layer_norm(x, g, b):
    mu = jnp.mean(x, axis=-1, keepdims=True)
    var = jnp.var(x, axis=-1, keepdims=True)
    return (x - mu) / jnp.sqrt(var + 1e-5) * g + b


def reference(x, edge_index, gcn_W1, gcn_b1, gcn_W2, gcn_b2,
              sage_Wl1, sage_bl1, sage_Wr1, sage_Wl2, sage_bl2, sage_Wr2,
              gcn_gamma, gcn_beta, sage_gamma, sage_beta, fusion_W, fusion_b):
    n = x.shape[0]
    src = edge_index[0]
    dst = edge_index[1]
    # GCN branch
    x_gcn = _gcn_conv(x, gcn_W1, gcn_b1, src, dst, n)
    x_gcn = jax.nn.relu(x_gcn)
    x_gcn = _gcn_conv(x_gcn, gcn_W2, gcn_b2, src, dst, n)
    # SAGE branch
    x_sage = _sage_conv(x, sage_Wl1, sage_bl1, sage_Wr1, src, dst, n)
    x_sage = jax.nn.relu(x_sage)
    x_sage = _sage_conv(x_sage, sage_Wl2, sage_bl2, sage_Wr2, src, dst, n)
    # Norms + fusion
    x_gcn = _layer_norm(x_gcn, gcn_gamma, gcn_beta)
    x_sage = _layer_norm(x_sage, sage_gamma, sage_beta)
    x_cat = jnp.concatenate([x_gcn, x_sage], axis=-1)
    x_fused = x_cat @ fusion_W + fusion_b
    return x_fused

if __name__ == "__main__":
    import jax
    _d = setup_inputs()
    print(jax.jit(kernel)(*tuple(_d.values())))

</pallas_src>

<mosaic_0001>
#map = affine_map<(d0, d1) -> (0, 0)>
#map1 = affine_map<(d0, d1) -> (0, 0, 0)>
module attributes {stable_mosaic.version = 14 : i64} {
  func.func @_sc_deg_body(%arg0: i32, %arg1: i32, %arg2: memref<2560x128xi32, #tpu.memory_space<hbm>>, %arg3: memref<10240x16xf32, #tpu.memory_space<hbm>>, %arg4: memref<128x16xf32, #tpu.memory_space<hbm>>, %arg5: memref<2x10240x16xf32, #tpu.memory_space<hbm>>, %arg6: memref<80x128xi32, #tpu.memory_space<vmem>>, %arg7: memref<128x16xf32, #tpu.memory_space<vmem>>, %arg8: memref<!tpu.dma_semaphore, #tpu.memory_space<semaphore_mem>>, %arg9: memref<10240x16xf32, #tpu.memory_space<vmem_shared>>) attributes {dimension_semantics = [#tpu.dimension_semantics<core_parallel>, #tpu.dimension_semantics<subcore_parallel>], iteration_bounds = array<i64: 2, 16>, scalar_prefetch = 0 : i64, scratch_operands = 4 : i64, tpu.core_type = #tpu.core_type<sc_vector_subcore>, window_params = [{transform_indices = #map}, {transform_indices = #map}, {transform_indices = #map}, {transform_indices = #map1}]} {
    %mul3A = arith.constant 2 : i32
    %mul3A_0 = arith.muli %arg1, %mul3A : i32
    %add3A = arith.addi %mul3A_0, %arg0 : i32
    %mul3A_1 = arith.constant 640 : i32
    %mul3A_2 = arith.muli %arg1, %mul3A_1 : i32
    "tpu.region"() ({
      %run_scoped3A = tpu.sem_alloc : memref<!tpu.dma_semaphore, #tpu.memory_space<semaphore_mem>>
      %dma_start3A = arith.constant 0 : i32
      %dma_start3A_12 = tpu.memref_slice %arg9[%mul3A_2, %dma_start3A] : memref<10240x16xf32, #tpu.memory_space<vmem_shared>> -> memref<640x16xf32, #tpu.memory_space<vmem_shared>>
      %dma_start3A_13 = arith.constant 0 : i32
      %dma_start3A_14 = tpu.memref_slice %arg3[%mul3A_2, %dma_start3A_13] : memref<10240x16xf32, #tpu.memory_space<hbm>> -> memref<640x16xf32, #tpu.memory_space<hbm>>
      tpu.enqueue_dma source(%dma_start3A_14 : memref<640x16xf32, #tpu.memory_space<hbm>>) target(%dma_start3A_12 : memref<640x16xf32, #tpu.memory_space<vmem_shared>>) target_semaphore(%run_scoped3A : memref<!tpu.dma_semaphore, #tpu.memory_space<semaphore_mem>>)
      %dma_wait3A = arith.constant 0 : i32
      %dma_wait3A_15 = tpu.memref_slice %arg9[%mul3A_2, %dma_wait3A] : memref<10240x16xf32, #tpu.memory_space<vmem_shared>> -> memref<640x16xf32, #tpu.memory_space<vmem_shared>>
      %dma_wait3A_16 = arith.constant 0 : i32
      %dma_wait3A_17 = tpu.memref_slice %arg3[%mul3A_2, %dma_wait3A_16] : memref<10240x16xf32, #tpu.memory_space<hbm>> -> memref<640x16xf32, #tpu.memory_space<hbm>>
      tpu.wait_dma2 semaphore(%run_scoped3A : memref<!tpu.dma_semaphore, #tpu.memory_space<semaphore_mem>>) src(%dma_wait3A_17 : memref<640x16xf32, #tpu.memory_space<hbm>>) dst(%dma_wait3A_15 : memref<640x16xf32, #tpu.memory_space<vmem_shared>>)
      tpu.yield
    }) : () -> ()
    "tpu.region"() ({
      %run_scoped3A = tpu.sem_alloc : memref<!tpu.dma_semaphore, #tpu.memory_space<semaphore_mem>>
      tpu.enqueue_dma source(%arg4 : memref<128x16xf32, #tpu.memory_space<hbm>>) target(%arg7 : memref<128x16xf32, #tpu.memory_space<vmem>>) target_semaphore(%run_scoped3A : memref<!tpu.dma_semaphore, #tpu.memory_space<semaphore_mem>>)
      tpu.wait_dma2 semaphore(%run_scoped3A : memref<!tpu.dma_semaphore, #tpu.memory_space<semaphore_mem>>) src(%arg4 : memref<128x16xf32, #tpu.memory_space<hbm>>) dst(%arg7 : memref<128x16xf32, #tpu.memory_space<vmem>>)
      tpu.yield
    }) : () -> ()
    %mul3A_3 = arith.constant 80 : i32
    %mul3A_4 = arith.muli %add3A, %mul3A_3 : i32
    "tpu.region"() ({
      %run_scoped3A = tpu.sem_alloc : memref<!tpu.dma_semaphore, #tpu.memory_space<semaphore_mem>>
      %dma_start3A = arith.constant 0 : i32
      %dma_start3A_12 = tpu.memref_slice %arg2[%mul3A_4, %dma_start3A] : memref<2560x128xi32, #tpu.memory_space<hbm>> -> memref<80x128xi32, #tpu.memory_space<hbm>>
      %dma_start3A_13 = arith.constant 0 : i32
      %dma_start3A_14 = tpu.memref_slice %arg2[%mul3A_4, %dma_start3A_13] : memref<2560x128xi32, #tpu.memory_space<hbm>> -> memref<80x128xi32, #tpu.memory_space<hbm>>
      tpu.enqueue_dma source(%dma_start3A_14 : memref<80x128xi32, #tpu.memory_space<hbm>>) target(%arg6 : memref<80x128xi32, #tpu.memory_space<vmem>>) target_semaphore(%run_scoped3A : memref<!tpu.dma_semaphore, #tpu.memory_space<semaphore_mem>>)
      %dma_wait3A = arith.constant 0 : i32
      %dma_wait3A_15 = tpu.memref_slice %arg2[%mul3A_4, %dma_wait3A] : memref<2560x128xi32, #tpu.memory_space<hbm>> -> memref<80x128xi32, #tpu.memory_space<hbm>>
      %dma_wait3A_16 = arith.constant 0 : i32
      %dma_wait3A_17 = tpu.memref_slice %arg2[%mul3A_4, %dma_wait3A_16] : memref<2560x128xi32, #tpu.memory_space<hbm>> -> memref<80x128xi32, #tpu.memory_space<hbm>>
      tpu.wait_dma2 semaphore(%run_scoped3A : memref<!tpu.dma_semaphore, #tpu.memory_space<semaphore_mem>>) src(%dma_wait3A_17 : memref<80x128xi32, #tpu.memory_space<hbm>>) dst(%arg6 : memref<80x128xi32, #tpu.memory_space<vmem>>)
      tpu.yield
    }) : () -> ()
    %barrier3A = arith.constant 0 : index
    tpu.barrier barrier_id(%barrier3A)
    %scan3A = arith.constant 0 : i32
    %scan3A_5 = arith.constant 0 : i32
    %scan3A_6 = arith.constant 80 : i32
    %scan3A_7 = arith.addi %scan3A_5, %scan3A_6 : i32
    %scan3A_8 = arith.constant 1 : i32
    %scan3A_9 = scf.for %scan3A_12 = %scan3A_5 to %scan3A_7 step %scan3A_8 iter_args(%scan3A_13 = %scan3A) -> (i32)  : i32 {
      "tpu.region"() ({
        %run_scoped3A = tpu.sem_alloc : memref<!tpu.dma_semaphore, #tpu.memory_space<semaphore_mem>>
        %dma_start3A = arith.constant 0 : i32
        %dma_start3A_15 = tpu.memref_slice %arg6[%scan3A_12, %dma_start3A] : memref<80x128xi32, #tpu.memory_space<vmem>> -> memref<1x128xi32, #tpu.memory_space<vmem>>
        %dma_start3A_16 = tpu.memref_squeeze %dma_start3A_15 : memref<1x128xi32, #tpu.memory_space<vmem>> -> memref<128xi32, #tpu.memory_space<vmem>>
        %dma_start3A_17 = arith.constant 0 : i32
        %dma_start3A_18 = arith.constant 0 : i32
        %dma_start3A_19 = tpu.memref_slice %arg9[%dma_start3A_17, %dma_start3A_18] : memref<10240x16xf32, #tpu.memory_space<vmem_shared>> -> memref<10240x16xf32, #tpu.memory_space<vmem_shared>>
        tpu.enqueue_indirect_dma source(%arg7 : memref<128x16xf32, #tpu.memory_space<vmem>>) target(%dma_start3A_19 : memref<10240x16xf32, #tpu.memory_space<vmem_shared>>) offsets(%dma_start3A_16 : memref<128xi32, #tpu.memory_space<vmem>>) semaphore(%run_scoped3A : memref<!tpu.dma_semaphore, #tpu.memory_space<semaphore_mem>>) {add = true}
        %dma_wait3A = arith.constant 0 : i32
        %dma_wait3A_20 = tpu.memref_slice %arg6[%scan3A_12, %dma_wait3A] : memref<80x128xi32, #tpu.memory_space<vmem>> -> memref<1x128xi32, #tpu.memory_space<vmem>>
        %dma_wait3A_21 = tpu.memref_squeeze %dma_wait3A_20 : memref<1x128xi32, #tpu.memory_space<vmem>> -> memref<128xi32, #tpu.memory_space<vmem>>
        %dma_wait3A_22 = arith.constant 0 : i32
        %dma_wait3A_23 = arith.constant 0 : i32
        %dma_wait3A_24 = tpu.memref_slice %arg9[%dma_wait3A_22, %dma_wait3A_23] : memref<10240x16xf32, #tpu.memory_space<vmem_shared>> -> memref<10240x16xf32, #tpu.memory_space<vmem_shared>>
        tpu.wait_indirect_dma semaphore(%run_scoped3A : memref<!tpu.dma_semaphore, #tpu.memory_space<semaphore_mem>>) src(%arg7 : memref<128x16xf32, #tpu.memory_space<vmem>>) dst(%dma_wait3A_24 : memref<10240x16xf32, #tpu.memory_space<vmem_shared>>)
        tpu.yield
      }) : () -> ()
      %scan3A_14 = arith.constant 0 : i32
      scf.yield %scan3A_14 : i32
    }
    %scan3A_10 = arith.constant 80 : i32
    %barrier3A_11 = arith.constant 0 : index
    tpu.barrier barrier_id(%barrier3A_11)
    "tpu.region"() ({
      %run_scoped3A = tpu.sem_alloc : memref<!tpu.dma_semaphore, #tpu.memory_space<semaphore_mem>>
      %dma_start3A = arith.constant 0 : i32
      %dma_start3A_12 = tpu.memref_slice %arg5[%arg0, %mul3A_2, %dma_start3A] : memref<2x10240x16xf32, #tpu.memory_space<hbm>> -> memref<1x640x16xf32, #tpu.memory_space<hbm>>
      %dma_start3A_13 = tpu.memref_squeeze %dma_start3A_12 : memref<1x640x16xf32, #tpu.memory_space<hbm>> -> memref<640x16xf32, #tpu.memory_space<hbm>>
      %dma_start3A_14 = arith.constant 0 : i32
      %dma_start3A_15 = tpu.memref_slice %arg9[%mul3A_2, %dma_start3A_14] : memref<10240x16xf32, #tpu.memory_space<vmem_shared>> -> memref<640x16xf32, #tpu.memory_space<vmem_shared>>
      tpu.enqueue_dma source(%dma_start3A_15 : memref<640x16xf32, #tpu.memory_space<vmem_shared>>) target(%dma_start3A_13 : memref<640x16xf32, #tpu.memory_space<hbm>>) target_semaphore(%run_scoped3A : memref<!tpu.dma_semaphore, #tpu.memory_space<semaphore_mem>>)
      %dma_wait3A = arith.constant 0 : i32
      %dma_wait3A_16 = tpu.memref_slice %arg5[%arg0, %mul3A_2, %dma_wait3A] : memref<2x10240x16xf32, #tpu.memory_space<hbm>> -> memref<1x640x16xf32, #tpu.memory_space<hbm>>
      %dma_wait3A_17 = tpu.memref_squeeze %dma_wait3A_16 : memref<1x640x16xf32, #tpu.memory_space<hbm>> -> memref<640x16xf32, #tpu.memory_space<hbm>>
      %dma_wait3A_18 = arith.constant 0 : i32
      %dma_wait3A_19 = tpu.memref_slice %arg9[%mul3A_2, %dma_wait3A_18] : memref<10240x16xf32, #tpu.memory_space<vmem_shared>> -> memref<640x16xf32, #tpu.memory_space<vmem_shared>>
      tpu.wait_dma2 semaphore(%run_scoped3A : memref<!tpu.dma_semaphore, #tpu.memory_space<semaphore_mem>>) src(%dma_wait3A_19 : memref<640x16xf32, #tpu.memory_space<vmem_shared>>) dst(%dma_wait3A_17 : memref<640x16xf32, #tpu.memory_space<hbm>>)
      tpu.yield
    }) : () -> ()
    return
  }
}

#map = affine_map<(d0, d1) -> (0, 0)>
#map1 = affine_map<(d0, d1) -> (0, 0, 0)>
module attributes {stable_mosaic.version = 14 : i64} {
  func.func @_sc_agg_body(%arg0: i32, %arg1: i32, %arg2: memref<10000x128xf32, #tpu.memory_space<hbm>>, %arg3: memref<2560x128xi32, #tpu.memory_space<hbm>>, %arg4: memref<2560x128xi32, #tpu.memory_space<hbm>>, %arg5: memref<10240x128xf32, #tpu.memory_space<hbm>>, %arg6: memref<2x10240x128xf32, #tpu.memory_space<hbm>>, %arg7: memref<64x128xi32, #tpu.memory_space<vmem>>, %arg8: memref<64x128xi32, #tpu.memory_space<vmem>>, %arg9: memref<!tpu.dma_semaphore, #tpu.memory_space<semaphore_mem>>, %arg10: memref<!tpu.dma_semaphore, #tpu.memory_space<semaphore_mem>>, %arg11: memref<10240x128xf32, #tpu.memory_space<vmem_shared>>) attributes {dimension_semantics = [#tpu.dimension_semantics<core_parallel>, #tpu.dimension_semantics<subcore_parallel>], iteration_bounds = array<i64: 2, 16>, scalar_prefetch = 0 : i64, scratch_operands = 5 : i64, tpu.core_type = #tpu.core_type<sc_vector_subcore>, window_params = [{transform_indices = #map}, {transform_indices = #map}, {transform_indices = #map}, {transform_indices = #map}, {transform_indices = #map1}]} {
    "tpu.region"() ({
      %run_scoped3A = memref.alloca() : memref<128x128xf32, #tpu.memory_space<vmem>>
      %run_scoped3A_0 = memref.alloca() : memref<128x128xf32, #tpu.memory_space<vmem>>
      %mul3A = arith.constant 2 : i32
      %mul3A_1 = arith.muli %arg1, %mul3A : i32
      %add3A = arith.addi %mul3A_1, %arg0 : i32
      %mul3A_2 = arith.constant 640 : i32
      %mul3A_3 = arith.muli %arg1, %mul3A_2 : i32
      %mul3A_4 = arith.constant 80 : i32
      %mul3A_5 = arith.muli %add3A, %mul3A_4 : i32
      "tpu.region"() ({
        %run_scoped3A_41 = tpu.sem_alloc : memref<!tpu.dma_semaphore, #tpu.memory_space<semaphore_mem>>
        %dma_start3A_42 = arith.constant 0 : i32
        %dma_start3A_43 = tpu.memref_slice %arg11[%mul3A_3, %dma_start3A_42] : memref<10240x128xf32, #tpu.memory_space<vmem_shared>> -> memref<640x128xf32, #tpu.memory_space<vmem_shared>>
        %dma_start3A_44 = arith.constant 0 : i32
        %dma_start3A_45 = tpu.memref_slice %arg5[%mul3A_3, %dma_start3A_44] : memref<10240x128xf32, #tpu.memory_space<hbm>> -> memref<640x128xf32, #tpu.memory_space<hbm>>
        tpu.enqueue_dma source(%dma_start3A_45 : memref<640x128xf32, #tpu.memory_space<hbm>>) target(%dma_start3A_43 : memref<640x128xf32, #tpu.memory_space<vmem_shared>>) target_semaphore(%run_scoped3A_41 : memref<!tpu.dma_semaphore, #tpu.memory_space<semaphore_mem>>)
        %dma_wait3A = arith.constant 0 : i32
        %dma_wait3A_46 = tpu.memref_slice %arg11[%mul3A_3, %dma_wait3A] : memref<10240x128xf32, #tpu.memory_space<vmem_shared>> -> memref<640x128xf32, #tpu.memory_space<vmem_shared>>
        %dma_wait3A_47 = arith.constant 0 : i32
        %dma_wait3A_48 = tpu.memref_slice %arg5[%mul3A_3, %dma_wait3A_47] : memref<10240x128xf32, #tpu.memory_space<hbm>> -> memref<640x128xf32, #tpu.memory_space<hbm>>
        tpu.wait_dma2 semaphore(%run_scoped3A_41 : memref<!tpu.dma_semaphore, #tpu.memory_space<semaphore_mem>>) src(%dma_wait3A_48 : memref<640x128xf32, #tpu.memory_space<hbm>>) dst(%dma_wait3A_46 : memref<640x128xf32, #tpu.memory_space<vmem_shared>>)
        tpu.yield
      }) : () -> ()
      %barrier3A = arith.constant 0 : index
      tpu.barrier barrier_id(%barrier3A)
      %add3A_6 = arith.constant 0 : i32
      %add3A_7 = arith.addi %mul3A_5, %add3A_6 : i32
      "tpu.region"() ({
        %run_scoped3A_41 = tpu.sem_alloc : memref<!tpu.dma_semaphore, #tpu.memory_space<semaphore_mem>>
        %dma_start3A_42 = arith.constant 0 : i32
        %dma_start3A_43 = arith.constant 0 : i32
        %dma_start3A_44 = tpu.memref_slice %arg7[%dma_start3A_42, %dma_start3A_43] : memref<64x128xi32, #tpu.memory_space<vmem>> -> memref<64x128xi32, #tpu.memory_space<vmem>>
        %dma_start3A_45 = arith.constant 0 : i32
        %dma_start3A_46 = tpu.memref_slice %arg3[%add3A_7, %dma_start3A_45] : memref<2560x128xi32, #tpu.memory_space<hbm>> -> memref<64x128xi32, #tpu.memory_space<hbm>>
        %dma_start3A_47 = arith.constant 0 : i32
        %dma_start3A_48 = arith.constant 0 : i32
        %dma_start3A_49 = tpu.memref_slice %arg7[%dma_start3A_47, %dma_start3A_48] : memref<64x128xi32, #tpu.memory_space<vmem>> -> memref<64x128xi32, #tpu.memory_space<vmem>>
        %dma_start3A_50 = arith.constant 0 : i32
        %dma_start3A_51 = tpu.memref_slice %arg3[%add3A_7, %dma_start3A_50] : memref<2560x128xi32, #tpu.memory_space<hbm>> -> memref<64x128xi32, #tpu.memory_space<hbm>>
        tpu.enqueue_dma source(%dma_start3A_51 : memref<64x128xi32, #tpu.memory_space<hbm>>) target(%dma_start3A_49 : memref<64x128xi32, #tpu.memory_space<vmem>>) target_semaphore(%run_scoped3A_41 : memref<!tpu.dma_semaphore, #tpu.memory_space<semaphore_mem>>)
        %dma_wait3A = arith.constant 0 : i32
        %dma_wait3A_52 = arith.constant 0 : i32
        %dma_wait3A_53 = tpu.memref_slice %arg7[%dma_wait3A, %dma_wait3A_52] : memref<64x128xi32, #tpu.memory_space<vmem>> -> memref<64x128xi32, #tpu.memory_space<vmem>>
        %dma_wait3A_54 = arith.constant 0 : i32
        %dma_wait3A_55 = tpu.memref_slice %arg3[%add3A_7, %dma_wait3A_54] : memref<2560x128xi32, #tpu.memory_space<hbm>> -> memref<64x128xi32, #tpu.memory_space<hbm>>
        %dma_wait3A_56 = arith.constant 0 : i32
        %dma_wait3A_57 = arith.constant 0 : i32
        %dma_wait3A_58 = tpu.memref_slice %arg7[%dma_wait3A_56, %dma_wait3A_57] : memref<64x128xi32, #tpu.memory_space<vmem>> -> memref<64x128xi32, #tpu.memory_space<vmem>>
        %dma_wait3A_59 = arith.constant 0 : i32
        %dma_wait3A_60 = tpu.memref_slice %arg3[%add3A_7, %dma_wait3A_59] : memref<2560x128xi32, #tpu.memory_space<hbm>> -> memref<64x128xi32, #tpu.memory_space<hbm>>
        tpu.wait_dma2 semaphore(%run_scoped3A_41 : memref<!tpu.dma_semaphore, #tpu.memory_space<semaphore_mem>>) src(%dma_wait3A_60 : memref<64x128xi32, #tpu.memory_space<hbm>>) dst(%dma_wait3A_58 : memref<64x128xi32, #tpu.memory_space<vmem>>)
        tpu.yield
      }) : () -> ()
      %add3A_8 = arith.constant 0 : i32
      %add3A_9 = arith.addi %mul3A_5, %add3A_8 : i32
      "tpu.region"() ({
        %run_scoped3A_41 = tpu.sem_alloc : memref<!tpu.dma_semaphore, #tpu.memory_space<semaphore_mem>>
        %dma_start3A_42 = arith.constant 0 : i32
        %dma_start3A_43 = arith.constant 0 : i32
        %dma_start3A_44 = tpu.memref_slice %arg8[%dma_start3A_42, %dma_start3A_43] : memref<64x128xi32, #tpu.memory_space<vmem>> -> memref<64x128xi32, #tpu.memory_space<vmem>>
        %dma_start3A_45 = arith.constant 0 : i32
        %dma_start3A_46 = tpu.memref_slice %arg4[%add3A_9, %dma_start3A_45] : memref<2560x128xi32, #tpu.memory_space<hbm>> -> memref<64x128xi32, #tpu.memory_space<hbm>>
        %dma_start3A_47 = arith.constant 0 : i32
        %dma_start3A_48 = arith.constant 0 : i32
        %dma_start3A_49 = tpu.memref_slice %arg8[%dma_start3A_47, %dma_start3A_48] : memref<64x128xi32, #tpu.memory_space<vmem>> -> memref<64x128xi32, #tpu.memory_space<vmem>>
        %dma_start3A_50 = arith.constant 0 : i32
        %dma_start3A_51 = tpu.memref_slice %arg4[%add3A_9, %dma_start3A_50] : memref<2560x128xi32, #tpu.memory_space<hbm>> -> memref<64x128xi32, #tpu.memory_space<hbm>>
        tpu.enqueue_dma source(%dma_start3A_51 : memref<64x128xi32, #tpu.memory_space<hbm>>) target(%dma_start3A_49 : memref<64x128xi32, #tpu.memory_space<vmem>>) target_semaphore(%run_scoped3A_41 : memref<!tpu.dma_semaphore, #tpu.memory_space<semaphore_mem>>)
        %dma_wait3A = arith.constant 0 : i32
        %dma_wait3A_52 = arith.constant 0 : i32
        %dma_wait3A_53 = tpu.memref_slice %arg8[%dma_wait3A, %dma_wait3A_52] : memref<64x128xi32, #tpu.memory_space<vmem>> -> memref<64x128xi32, #tpu.memory_space<vmem>>
        %dma_wait3A_54 = arith.constant 0 : i32
        %dma_wait3A_55 = tpu.memref_slice %arg4[%add3A_9, %dma_wait3A_54] : memref<2560x128xi32, #tpu.memory_space<hbm>> -> memref<64x128xi32, #tpu.memory_space<hbm>>
        %dma_wait3A_56 = arith.constant 0 : i32
        %dma_wait3A_57 = arith.constant 0 : i32
        %dma_wait3A_58 = tpu.memref_slice %arg8[%dma_wait3A_56, %dma_wait3A_57] : memref<64x128xi32, #tpu.memory_space<vmem>> -> memref<64x128xi32, #tpu.memory_space<vmem>>
        %dma_wait3A_59 = arith.constant 0 : i32
        %dma_wait3A_60 = tpu.memref_slice %arg4[%add3A_9, %dma_wait3A_59] : memref<2560x128xi32, #tpu.memory_space<hbm>> -> memref<64x128xi32, #tpu.memory_space<hbm>>
        tpu.wait_dma2 semaphore(%run_scoped3A_41 : memref<!tpu.dma_semaphore, #tpu.memory_space<semaphore_mem>>) src(%dma_wait3A_60 : memref<64x128xi32, #tpu.memory_space<hbm>>) dst(%dma_wait3A_58 : memref<64x128xi32, #tpu.memory_space<vmem>>)
        tpu.yield
      }) : () -> ()
      %dma_start3A = arith.constant 0 : i32
      %dma_start3A_10 = arith.constant 0 : i32
      %dma_start3A_11 = tpu.memref_slice %arg7[%dma_start3A, %dma_start3A_10] : memref<64x128xi32, #tpu.memory_space<vmem>> -> memref<1x128xi32, #tpu.memory_space<vmem>>
      %dma_start3A_12 = tpu.memref_squeeze %dma_start3A_11 : memref<1x128xi32, #tpu.memory_space<vmem>> -> memref<128xi32, #tpu.memory_space<vmem>>
      %dma_start3A_13 = arith.constant 0 : i32
      %dma_start3A_14 = arith.constant 0 : i32
      %dma_start3A_15 = tpu.memref_slice %arg2[%dma_start3A_13, %dma_start3A_14] : memref<10000x128xf32, #tpu.memory_space<hbm>> -> memref<10000x128xf32, #tpu.memory_space<hbm>>
      tpu.enqueue_indirect_dma source(%dma_start3A_15 : memref<10000x128xf32, #tpu.memory_space<hbm>>) target(%run_scoped3A : memref<128x128xf32, #tpu.memory_space<vmem>>) offsets(%dma_start3A_12 : memref<128xi32, #tpu.memory_space<vmem>>) semaphore(%arg9 : memref<!tpu.dma_semaphore, #tpu.memory_space<semaphore_mem>>)
      %scan3A = arith.constant 0 : i32
      %scan3A_16 = arith.constant 0 : i32
      %scan3A_17 = arith.constant 32 : i32
      %scan3A_18 = arith.addi %scan3A_16, %scan3A_17 : i32
      %scan3A_19 = arith.constant 1 : i32
      %scan3A_20 = scf.for %scan3A_41 = %scan3A_16 to %scan3A_18 step %scan3A_19 iter_args(%scan3A_42 = %scan3A) -> (i32)  : i32 {
        %mul3A_43 = arith.constant 2 : i32
        %mul3A_44 = arith.muli %scan3A_41, %mul3A_43 : i32
        %add3A_45 = arith.constant 0 : i32
        %add3A_46 = arith.addi %mul3A_44, %add3A_45 : i32
        %dma_wait3A = arith.constant 0 : i32
        %dma_wait3A_47 = tpu.memref_slice %arg7[%add3A_46, %dma_wait3A] : memref<64x128xi32, #tpu.memory_space<vmem>> -> memref<1x128xi32, #tpu.memory_space<vmem>>
        %dma_wait3A_48 = tpu.memref_squeeze %dma_wait3A_47 : memref<1x128xi32, #tpu.memory_space<vmem>> -> memref<128xi32, #tpu.memory_space<vmem>>
        %dma_wait3A_49 = arith.constant 0 : i32
        %dma_wait3A_50 = arith.constant 0 : i32
        %dma_wait3A_51 = tpu.memref_slice %arg2[%dma_wait3A_49, %dma_wait3A_50] : memref<10000x128xf32, #tpu.memory_space<hbm>> -> memref<10000x128xf32, #tpu.memory_space<hbm>>
        tpu.wait_indirect_dma semaphore(%arg9 : memref<!tpu.dma_semaphore, #tpu.memory_space<semaphore_mem>>) src(%dma_wait3A_51 : memref<10000x128xf32, #tpu.memory_space<hbm>>) dst(%run_scoped3A : memref<128x128xf32, #tpu.memory_space<vmem>>)
        %add3A_52 = arith.constant 1 : i32
        %add3A_53 = arith.addi %add3A_46, %add3A_52 : i32
        %lt3A = arith.constant 64 : i32
        %lt3A_54 = arith.cmpi slt, %add3A_53, %lt3A : i32
        %convert_element_type3A = arith.extui %lt3A_54 : i1 to i32
        %cond3A = arith.constant 0 : i32
        %cond3A_55 = arith.cmpi ne, %convert_element_type3A, %cond3A : i32
        scf.if %cond3A_55 {
          %add3A_74 = arith.constant 1 : i32
          %add3A_75 = arith.addi %add3A_46, %add3A_74 : i32
          %dma_start3A_76 = arith.constant 0 : i32
          %dma_start3A_77 = tpu.memref_slice %arg7[%add3A_75, %dma_start3A_76] : memref<64x128xi32, #tpu.memory_space<vmem>> -> memref<1x128xi32, #tpu.memory_space<vmem>>
          %dma_start3A_78 = tpu.memref_squeeze %dma_start3A_77 : memref<1x128xi32, #tpu.memory_space<vmem>> -> memref<128xi32, #tpu.memory_space<vmem>>
          %dma_start3A_79 = arith.constant 0 : i32
          %dma_start3A_80 = arith.constant 0 : i32
          %dma_start3A_81 = tpu.memref_slice %arg2[%dma_start3A_79, %dma_start3A_80] : memref<10000x128xf32, #tpu.memory_space<hbm>> -> memref<10000x128xf32, #tpu.memory_space<hbm>>
          tpu.enqueue_indirect_dma source(%dma_start3A_81 : memref<10000x128xf32, #tpu.memory_space<hbm>>) target(%run_scoped3A_0 : memref<128x128xf32, #tpu.memory_space<vmem>>) offsets(%dma_start3A_78 : memref<128xi32, #tpu.memory_space<vmem>>) semaphore(%arg10 : memref<!tpu.dma_semaphore, #tpu.memory_space<semaphore_mem>>)
        } else {
        }
        "tpu.region"() ({
          %run_scoped3A_74 = tpu.sem_alloc : memref<!tpu.dma_semaphore, #tpu.memory_space<semaphore_mem>>
          %dma_start3A_75 = arith.constant 0 : i32
          %dma_start3A_76 = tpu.memref_slice %arg8[%add3A_46, %dma_start3A_75] : memref<64x128xi32, #tpu.memory_space<vmem>> -> memref<1x128xi32, #tpu.memory_space<vmem>>
          %dma_start3A_77 = tpu.memref_squeeze %dma_start3A_76 : memref<1x128xi32, #tpu.memory_space<vmem>> -> memref<128xi32, #tpu.memory_space<vmem>>
          %dma_start3A_78 = arith.constant 0 : i32
          %dma_start3A_79 = arith.constant 0 : i32
          %dma_start3A_80 = tpu.memref_slice %arg11[%dma_start3A_78, %dma_start3A_79] : memref<10240x128xf32, #tpu.memory_space<vmem_shared>> -> memref<10240x128xf32, #tpu.memory_space<vmem_shared>>
          tpu.enqueue_indirect_dma source(%run_scoped3A : memref<128x128xf32, #tpu.memory_space<vmem>>) target(%dma_start3A_80 : memref<10240x128xf32, #tpu.memory_space<vmem_shared>>) offsets(%dma_start3A_77 : memref<128xi32, #tpu.memory_space<vmem>>) semaphore(%run_scoped3A_74 : memref<!tpu.dma_semaphore, #tpu.memory_space<semaphore_mem>>) {add = true}
          %dma_wait3A_81 = arith.constant 0 : i32
          %dma_wait3A_82 = tpu.memref_slice %arg8[%add3A_46, %dma_wait3A_81] : memref<64x128xi32, #tpu.memory_space<vmem>> -> memref<1x128xi32, #tpu.memory_space<vmem>>
          %dma_wait3A_83 = tpu.memref_squeeze %dma_wait3A_82 : memref<1x128xi32, #tpu.memory_space<vmem>> -> memref<128xi32, #tpu.memory_space<vmem>>
          %dma_wait3A_84 = arith.constant 0 : i32
          %dma_wait3A_85 = arith.constant 0 : i32
          %dma_wait3A_86 = tpu.memref_slice %arg11[%dma_wait3A_84, %dma_wait3A_85] : memref<10240x128xf32, #tpu.memory_space<vmem_shared>> -> memref<10240x128xf32, #tpu.memory_space<vmem_shared>>
          tpu.wait_indirect_dma semaphore(%run_scoped3A_74 : memref<!tpu.dma_semaphore, #tpu.memory_space<semaphore_mem>>) src(%run_scoped3A : memref<128x128xf32, #tpu.memory_space<vmem>>) dst(%dma_wait3A_86 : memref<10240x128xf32, #tpu.memory_space<vmem_shared>>)
          tpu.yield
        }) : () -> ()
        %mul3A_56 = arith.constant 2 : i32
        %mul3A_57 = arith.muli %scan3A_41, %mul3A_56 : i32
        %add3A_58 = arith.constant 1 : i32
        %add3A_59 = arith.addi %mul3A_57, %add3A_58 : i32
        %dma_wait3A_60 = arith.constant 0 : i32
        %dma_wait3A_61 = tpu.memref_slice %arg7[%add3A_59, %dma_wait3A_60] : memref<64x128xi32, #tpu.memory_space<vmem>> -> memref<1x128xi32, #tpu.memory_space<vmem>>
        %dma_wait3A_62 = tpu.memref_squeeze %dma_wait3A_61 : memref<1x128xi32, #tpu.memory_space<vmem>> -> memref<128xi32, #tpu.memory_space<vmem>>
        %dma_wait3A_63 = arith.constant 0 : i32
        %dma_wait3A_64 = arith.constant 0 : i32
        %dma_wait3A_65 = tpu.memref_slice %arg2[%dma_wait3A_63, %dma_wait3A_64] : memref<10000x128xf32, #tpu.memory_space<hbm>> -> memref<10000x128xf32, #tpu.memory_space<hbm>>
        tpu.wait_indirect_dma semaphore(%arg10 : memref<!tpu.dma_semaphore, #tpu.memory_space<semaphore_mem>>) src(%dma_wait3A_65 : memref<10000x128xf32, #tpu.memory_space<hbm>>) dst(%run_scoped3A_0 : memref<128x128xf32, #tpu.memory_space<vmem>>)
        %add3A_66 = arith.constant 1 : i32
        %add3A_67 = arith.addi %add3A_59, %add3A_66 : i32
        %lt3A_68 = arith.constant 64 : i32
        %lt3A_69 = arith.cmpi slt, %add3A_67, %lt3A_68 : i32
        %convert_element_type3A_70 = arith.extui %lt3A_69 : i1 to i32
        %cond3A_71 = arith.constant 0 : i32
        %cond3A_72 = arith.cmpi ne, %convert_element_type3A_70, %cond3A_71 : i32
        scf.if %cond3A_72 {
          %add3A_74 = arith.constant 1 : i32
          %add3A_75 = arith.addi %add3A_59, %add3A_74 : i32
          %dma_start3A_76 = arith.constant 0 : i32
          %dma_start3A_77 = tpu.memref_slice %arg7[%add3A_75, %dma_start3A_76] : memref<64x128xi32, #tpu.memory_space<vmem>> -> memref<1x128xi32, #tpu.memory_space<vmem>>
          %dma_start3A_78 = tpu.memref_squeeze %dma_start3A_77 : memref<1x128xi32, #tpu.memory_space<vmem>> -> memref<128xi32, #tpu.memory_space<vmem>>
          %dma_start3A_79 = arith.constant 0 : i32
          %dma_start3A_80 = arith.constant 0 : i32
          %dma_start3A_81 = tpu.memref_slice %arg2[%dma_start3A_79, %dma_start3A_80] : memref<10000x128xf32, #tpu.memory_space<hbm>> -> memref<10000x128xf32, #tpu.memory_space<hbm>>
          tpu.enqueue_indirect_dma source(%dma_start3A_81 : memref<10000x128xf32, #tpu.memory_space<hbm>>) target(%run_scoped3A : memref<128x128xf32, #tpu.memory_space<vmem>>) offsets(%dma_start3A_78 : memref<128xi32, #tpu.memory_space<vmem>>) semaphore(%arg9 : memref<!tpu.dma_semaphore, #tpu.memory_space<semaphore_mem>>)
        } else {
        }
        "tpu.region"() ({
          %run_scoped3A_74 = tpu.sem_alloc : memref<!tpu.dma_semaphore, #tpu.memory_space<semaphore_mem>>
          %dma_start3A_75 = arith.constant 0 : i32
          %dma_start3A_76 = tpu.memref_slice %arg8[%add3A_59, %dma_start3A_75] : memref<64x128xi32, #tpu.memory_space<vmem>> -> memref<1x128xi32, #tpu.memory_space<vmem>>
          %dma_start3A_77 = tpu.memref_squeeze %dma_start3A_76 : memref<1x128xi32, #tpu.memory_space<vmem>> -> memref<128xi32, #tpu.memory_space<vmem>>
          %dma_start3A_78 = arith.constant 0 : i32
          %dma_start3A_79 = arith.constant 0 : i32
          %dma_start3A_80 = tpu.memref_slice %arg11[%dma_start3A_78, %dma_start3A_79] : memref<10240x128xf32, #tpu.memory_space<vmem_shared>> -> memref<10240x128xf32, #tpu.memory_space<vmem_shared>>
          tpu.enqueue_indirect_dma source(%run_scoped3A_0 : memref<128x128xf32, #tpu.memory_space<vmem>>) target(%dma_start3A_80 : memref<10240x128xf32, #tpu.memory_space<vmem_shared>>) offsets(%dma_start3A_77 : memref<128xi32, #tpu.memory_space<vmem>>) semaphore(%run_scoped3A_74 : memref<!tpu.dma_semaphore, #tpu.memory_space<semaphore_mem>>) {add = true}
          %dma_wait3A_81 = arith.constant 0 : i32
          %dma_wait3A_82 = tpu.memref_slice %arg8[%add3A_59, %dma_wait3A_81] : memref<64x128xi32, #tpu.memory_space<vmem>> -> memref<1x128xi32, #tpu.memory_space<vmem>>
          %dma_wait3A_83 = tpu.memref_squeeze %dma_wait3A_82 : memref<1x128xi32, #tpu.memory_space<vmem>> -> memref<128xi32, #tpu.memory_space<vmem>>
          %dma_wait3A_84 = arith.constant 0 : i32
          %dma_wait3A_85 = arith.constant 0 : i32
          %dma_wait3A_86 = tpu.memref_slice %arg11[%dma_wait3A_84, %dma_wait3A_85] : memref<10240x128xf32, #tpu.memory_space<vmem_shared>> -> memref<10240x128xf32, #tpu.memory_space<vmem_shared>>
          tpu.wait_indirect_dma semaphore(%run_scoped3A_74 : memref<!tpu.dma_semaphore, #tpu.memory_space<semaphore_mem>>) src(%run_scoped3A_0 : memref<128x128xf32, #tpu.memory_space<vmem>>) dst(%dma_wait3A_86 : memref<10240x128xf32, #tpu.memory_space<vmem_shared>>)
          tpu.yield
        }) : () -> ()
        %scan3A_73 = arith.constant 0 : i32
        scf.yield %scan3A_73 : i32
      }
      %scan3A_21 = arith.constant 32 : i32
      %add3A_22 = arith.constant 64 : i32
      %add3A_23 = arith.addi %mul3A_5, %add3A_22 : i32
      "tpu.region"() ({
        %run_scoped3A_41 = tpu.sem_alloc : memref<!tpu.dma_semaphore, #tpu.memory_space<semaphore_mem>>
        %dma_start3A_42 = arith.constant 0 : i32
        %dma_start3A_43 = arith.constant 0 : i32
        %dma_start3A_44 = tpu.memref_slice %arg7[%dma_start3A_42, %dma_start3A_43] : memref<64x128xi32, #tpu.memory_space<vmem>> -> memref<16x128xi32, #tpu.memory_space<vmem>>
        %dma_start3A_45 = arith.constant 0 : i32
        %dma_start3A_46 = tpu.memref_slice %arg3[%add3A_23, %dma_start3A_45] : memref<2560x128xi32, #tpu.memory_space<hbm>> -> memref<16x128xi32, #tpu.memory_space<hbm>>
        %dma_start3A_47 = arith.constant 0 : i32
        %dma_start3A_48 = arith.constant 0 : i32
        %dma_start3A_49 = tpu.memref_slice %arg7[%dma_start3A_47, %dma_start3A_48] : memref<64x128xi32, #tpu.memory_space<vmem>> -> memref<16x128xi32, #tpu.memory_space<vmem>>
        %dma_start3A_50 = arith.constant 0 : i32
        %dma_start3A_51 = tpu.memref_slice %arg3[%add3A_23, %dma_start3A_50] : memref<2560x128xi32, #tpu.memory_space<hbm>> -> memref<16x128xi32, #tpu.memory_space<hbm>>
        tpu.enqueue_dma source(%dma_start3A_51 : memref<16x128xi32, #tpu.memory_space<hbm>>) target(%dma_start3A_49 : memref<16x128xi32, #tpu.memory_space<vmem>>) target_semaphore(%run_scoped3A_41 : memref<!tpu.dma_semaphore, #tpu.memory_space<semaphore_mem>>)
        %dma_wait3A = arith.constant 0 : i32
        %dma_wait3A_52 = arith.constant 0 : i32
        %dma_wait3A_53 = tpu.memref_slice %arg7[%dma_wait3A, %dma_wait3A_52] : memref<64x128xi32, #tpu.memory_space<vmem>> -> memref<16x128xi32, #tpu.memory_space<vmem>>
        %dma_wait3A_54 = arith.constant 0 : i32
        %dma_wait3A_55 = tpu.memref_slice %arg3[%add3A_23, %dma_wait3A_54] : memref<2560x128xi32, #tpu.memory_space<hbm>> -> memref<16x128xi32, #tpu.memory_space<hbm>>
        %dma_wait3A_56 = arith.constant 0 : i32
        %dma_wait3A_57 = arith.constant 0 : i32
        %dma_wait3A_58 = tpu.memref_slice %arg7[%dma_wait3A_56, %dma_wait3A_57] : memref<64x128xi32, #tpu.memory_space<vmem>> -> memref<16x128xi32, #tpu.memory_space<vmem>>
        %dma_wait3A_59 = arith.constant 0 : i32
        %dma_wait3A_60 = tpu.memref_slice %arg3[%add3A_23, %dma_wait3A_59] : memref<2560x128xi32, #tpu.memory_space<hbm>> -> memref<16x128xi32, #tpu.memory_space<hbm>>
        tpu.wait_dma2 semaphore(%run_scoped3A_41 : memref<!tpu.dma_semaphore, #tpu.memory_space<semaphore_mem>>) src(%dma_wait3A_60 : memref<16x128xi32, #tpu.memory_space<hbm>>) dst(%dma_wait3A_58 : memref<16x128xi32, #tpu.memory_space<vmem>>)
        tpu.yield
      }) : () -> ()
      %add3A_24 = arith.constant 64 : i32
      %add3A_25 = arith.addi %mul3A_5, %add3A_24 : i32
      "tpu.region"() ({
        %run_scoped3A_41 = tpu.sem_alloc : memref<!tpu.dma_semaphore, #tpu.memory_space<semaphore_mem>>
        %dma_start3A_42 = arith.constant 0 : i32
        %dma_start3A_43 = arith.constant 0 : i32
        %dma_start3A_44 = tpu.memref_slice %arg8[%dma_start3A_42, %dma_start3A_43] : memref<64x128xi32, #tpu.memory_space<vmem>> -> memref<16x128xi32, #tpu.memory_space<vmem>>
        %dma_start3A_45 = arith.constant 0 : i32
        %dma_start3A_46 = tpu.memref_slice %arg4[%add3A_25, %dma_start3A_45] : memref<2560x128xi32, #tpu.memory_space<hbm>> -> memref<16x128xi32, #tpu.memory_space<hbm>>
        %dma_start3A_47 = arith.constant 0 : i32
        %dma_start3A_48 = arith.constant 0 : i32
        %dma_start3A_49 = tpu.memref_slice %arg8[%dma_start3A_47, %dma_start3A_48] : memref<64x128xi32, #tpu.memory_space<vmem>> -> memref<16x128xi32, #tpu.memory_space<vmem>>
        %dma_start3A_50 = arith.constant 0 : i32
        %dma_start3A_51 = tpu.memref_slice %arg4[%add3A_25, %dma_start3A_50] : memref<2560x128xi32, #tpu.memory_space<hbm>> -> memref<16x128xi32, #tpu.memory_space<hbm>>
        tpu.enqueue_dma source(%dma_start3A_51 : memref<16x128xi32, #tpu.memory_space<hbm>>) target(%dma_start3A_49 : memref<16x128xi32, #tpu.memory_space<vmem>>) target_semaphore(%run_scoped3A_41 : memref<!tpu.dma_semaphore, #tpu.memory_space<semaphore_mem>>)
        %dma_wait3A = arith.constant 0 : i32
        %dma_wait3A_52 = arith.constant 0 : i32
        %dma_wait3A_53 = tpu.memref_slice %arg8[%dma_wait3A, %dma_wait3A_52] : memref<64x128xi32, #tpu.memory_space<vmem>> -> memref<16x128xi32, #tpu.memory_space<vmem>>
        %dma_wait3A_54 = arith.constant 0 : i32
        %dma_wait3A_55 = tpu.memref_slice %arg4[%add3A_25, %dma_wait3A_54] : memref<2560x128xi32, #tpu.memory_space<hbm>> -> memref<16x128xi32, #tpu.memory_space<hbm>>
        %dma_wait3A_56 = arith.constant 0 : i32
        %dma_wait3A_57 = arith.constant 0 : i32
        %dma_wait3A_58 = tpu.memref_slice %arg8[%dma_wait3A_56, %dma_wait3A_57] : memref<64x128xi32, #tpu.memory_space<vmem>> -> memref<16x128xi32, #tpu.memory_space<vmem>>
        %dma_wait3A_59 = arith.constant 0 : i32
        %dma_wait3A_60 = tpu.memref_slice %arg4[%add3A_25, %dma_wait3A_59] : memref<2560x128xi32, #tpu.memory_space<hbm>> -> memref<16x128xi32, #tpu.memory_space<hbm>>
        tpu.wait_dma2 semaphore(%run_scoped3A_41 : memref<!tpu.dma_semaphore, #tpu.memory_space<semaphore_mem>>) src(%dma_wait3A_60 : memref<16x128xi32, #tpu.memory_space<hbm>>) dst(%dma_wait3A_58 : memref<16x128xi32, #tpu.memory_space<vmem>>)
        tpu.yield
      }) : () -> ()
      %dma_start3A_26 = arith.constant 0 : i32
      %dma_start3A_27 = arith.constant 0 : i32
      %dma_start3A_28 = tpu.memref_slice %arg7[%dma_start3A_26, %dma_start3A_27] : memref<64x128xi32, #tpu.memory_space<vmem>> -> memref<1x128xi32, #tpu.memory_space<vmem>>
      %dma_start3A_29 = tpu.memref_squeeze %dma_start3A_28 : memref<1x128xi32, #tpu.memory_space<vmem>> -> memref<128xi32, #tpu.memory_space<vmem>>
      %dma_start3A_30 = arith.constant 0 : i32
      %dma_start3A_31 = arith.constant 0 : i32
      %dma_start3A_32 = tpu.memref_slice %arg2[%dma_start3A_30, %dma_start3A_31] : memref<10000x128xf32, #tpu.memory_space<hbm>> -> memref<10000x128xf32, #tpu.memory_space<hbm>>
      tpu.enqueue_indirect_dma source(%dma_start3A_32 : memref<10000x128xf32, #tpu.memory_space<hbm>>) target(%run_scoped3A : memref<128x128xf32, #tpu.memory_space<vmem>>) offsets(%dma_start3A_29 : memref<128xi32, #tpu.memory_space<vmem>>) semaphore(%arg9 : memref<!tpu.dma_semaphore, #tpu.memory_space<semaphore_mem>>)
      %scan3A_33 = arith.constant 0 : i32
      %scan3A_34 = arith.constant 0 : i32
      %scan3A_35 = arith.constant 8 : i32
      %scan3A_36 = arith.addi %scan3A_34, %scan3A_35 : i32
      %scan3A_37 = arith.constant 1 : i32
      %scan3A_38 = scf.for %scan3A_41 = %scan3A_34 to %scan3A_36 step %scan3A_37 iter_args(%scan3A_42 = %scan3A_33) -> (i32)  : i32 {
        %mul3A_43 = arith.constant 2 : i32
        %mul3A_44 = arith.muli %scan3A_41, %mul3A_43 : i32
        %add3A_45 = arith.constant 0 : i32
        %add3A_46 = arith.addi %mul3A_44, %add3A_45 : i32
        %dma_wait3A = arith.constant 0 : i32
        %dma_wait3A_47 = tpu.memref_slice %arg7[%add3A_46, %dma_wait3A] : memref<64x128xi32, #tpu.memory_space<vmem>> -> memref<1x128xi32, #tpu.memory_space<vmem>>
        %dma_wait3A_48 = tpu.memref_squeeze %dma_wait3A_47 : memref<1x128xi32, #tpu.memory_space<vmem>> -> memref<128xi32, #tpu.memory_space<vmem>>
        %dma_wait3A_49 = arith.constant 0 : i32
        %dma_wait3A_50 = arith.constant 0 : i32
        %dma_wait3A_51 = tpu.memref_slice %arg2[%dma_wait3A_49, %dma_wait3A_50] : memref<10000x128xf32, #tpu.memory_space<hbm>> -> memref<10000x128xf32, #tpu.memory_space<hbm>>
        tpu.wait_indirect_dma semaphore(%arg9 : memref<!tpu.dma_semaphore, #tpu.memory_space<semaphore_mem>>) src(%dma_wait3A_51 : memref<10000x128xf32, #tpu.memory_space<hbm>>) dst(%run_scoped3A : memref<128x128xf32, #tpu.memory_space<vmem>>)
        %add3A_52 = arith.constant 1 : i32
        %add3A_53 = arith.addi %add3A_46, %add3A_52 : i32
        %lt3A = arith.constant 16 : i32
        %lt3A_54 = arith.cmpi slt, %add3A_53, %lt3A : i32
        %convert_element_type3A = arith.extui %lt3A_54 : i1 to i32
        %cond3A = arith.constant 0 : i32
        %cond3A_55 = arith.cmpi ne, %convert_element_type3A, %cond3A : i32
        scf.if %cond3A_55 {
          %add3A_74 = arith.constant 1 : i32
          %add3A_75 = arith.addi %add3A_46, %add3A_74 : i32
          %dma_start3A_76 = arith.constant 0 : i32
          %dma_start3A_77 = tpu.memref_slice %arg7[%add3A_75, %dma_start3A_76] : memref<64x128xi32, #tpu.memory_space<vmem>> -> memref<1x128xi32, #tpu.memory_space<vmem>>
          %dma_start3A_78 = tpu.memref_squeeze %dma_start3A_77 : memref<1x128xi32, #tpu.memory_space<vmem>> -> memref<128xi32, #tpu.memory_space<vmem>>
          %dma_start3A_79 = arith.constant 0 : i32
          %dma_start3A_80 = arith.constant 0 : i32
          %dma_start3A_81 = tpu.memref_slice %arg2[%dma_start3A_79, %dma_start3A_80] : memref<10000x128xf32, #tpu.memory_space<hbm>> -> memref<10000x128xf32, #tpu.memory_space<hbm>>
          tpu.enqueue_indirect_dma source(%dma_start3A_81 : memref<10000x128xf32, #tpu.memory_space<hbm>>) target(%run_scoped3A_0 : memref<128x128xf32, #tpu.memory_space<vmem>>) offsets(%dma_start3A_78 : memref<128xi32, #tpu.memory_space<vmem>>) semaphore(%arg10 : memref<!tpu.dma_semaphore, #tpu.memory_space<semaphore_mem>>)
        } else {
        }
        "tpu.region"() ({
          %run_scoped3A_74 = tpu.sem_alloc : memref<!tpu.dma_semaphore, #tpu.memory_space<semaphore_mem>>
          %dma_start3A_75 = arith.constant 0 : i32
          %dma_start3A_76 = tpu.memref_slice %arg8[%add3A_46, %dma_start3A_75] : memref<64x128xi32, #tpu.memory_space<vmem>> -> memref<1x128xi32, #tpu.memory_space<vmem>>
          %dma_start3A_77 = tpu.memref_squeeze %dma_start3A_76 : memref<1x128xi32, #tpu.memory_space<vmem>> -> memref<128xi32, #tpu.memory_space<vmem>>
          %dma_start3A_78 = arith.constant 0 : i32
          %dma_start3A_79 = arith.constant 0 : i32
          %dma_start3A_80 = tpu.memref_slice %arg11[%dma_start3A_78, %dma_start3A_79] : memref<10240x128xf32, #tpu.memory_space<vmem_shared>> -> memref<10240x128xf32, #tpu.memory_space<vmem_shared>>
          tpu.enqueue_indirect_dma source(%run_scoped3A : memref<128x128xf32, #tpu.memory_space<vmem>>) target(%dma_start3A_80 : memref<10240x128xf32, #tpu.memory_space<vmem_shared>>) offsets(%dma_start3A_77 : memref<128xi32, #tpu.memory_space<vmem>>) semaphore(%run_scoped3A_74 : memref<!tpu.dma_semaphore, #tpu.memory_space<semaphore_mem>>) {add = true}
          %dma_wait3A_81 = arith.constant 0 : i32
          %dma_wait3A_82 = tpu.memref_slice %arg8[%add3A_46, %dma_wait3A_81] : memref<64x128xi32, #tpu.memory_space<vmem>> -> memref<1x128xi32, #tpu.memory_space<vmem>>
          %dma_wait3A_83 = tpu.memref_squeeze %dma_wait3A_82 : memref<1x128xi32, #tpu.memory_space<vmem>> -> memref<128xi32, #tpu.memory_space<vmem>>
          %dma_wait3A_84 = arith.constant 0 : i32
          %dma_wait3A_85 = arith.constant 0 : i32
          %dma_wait3A_86 = tpu.memref_slice %arg11[%dma_wait3A_84, %dma_wait3A_85] : memref<10240x128xf32, #tpu.memory_space<vmem_shared>> -> memref<10240x128xf32, #tpu.memory_space<vmem_shared>>
          tpu.wait_indirect_dma semaphore(%run_scoped3A_74 : memref<!tpu.dma_semaphore, #tpu.memory_space<semaphore_mem>>) src(%run_scoped3A : memref<128x128xf32, #tpu.memory_space<vmem>>) dst(%dma_wait3A_86 : memref<10240x128xf32, #tpu.memory_space<vmem_shared>>)
          tpu.yield
        }) : () -> ()
        %mul3A_56 = arith.constant 2 : i32
        %mul3A_57 = arith.muli %scan3A_41, %mul3A_56 : i32
        %add3A_58 = arith.constant 1 : i32
        %add3A_59 = arith.addi %mul3A_57, %add3A_58 : i32
        %dma_wait3A_60 = arith.constant 0 : i32
        %dma_wait3A_61 = tpu.memref_slice %arg7[%add3A_59, %dma_wait3A_60] : memref<64x128xi32, #tpu.memory_space<vmem>> -> memref<1x128xi32, #tpu.memory_space<vmem>>
        %dma_wait3A_62 = tpu.memref_squeeze %dma_wait3A_61 : memref<1x128xi32, #tpu.memory_space<vmem>> -> memref<128xi32, #tpu.memory_space<vmem>>
        %dma_wait3A_63 = arith.constant 0 : i32
        %dma_wait3A_64 = arith.constant 0 : i32
        %dma_wait3A_65 = tpu.memref_slice %arg2[%dma_wait3A_63, %dma_wait3A_64] : memref<10000x128xf32, #tpu.memory_space<hbm>> -> memref<10000x128xf32, #tpu.memory_space<hbm>>
        tpu.wait_indirect_dma semaphore(%arg10 : memref<!tpu.dma_semaphore, #tpu.memory_space<semaphore_mem>>) src(%dma_wait3A_65 : memref<10000x128xf32, #tpu.memory_space<hbm>>) dst(%run_scoped3A_0 : memref<128x128xf32, #tpu.memory_space<vmem>>)
        %add3A_66 = arith.constant 1 : i32
        %add3A_67 = arith.addi %add3A_59, %add3A_66 : i32
        %lt3A_68 = arith.constant 16 : i32
        %lt3A_69 = arith.cmpi slt, %add3A_67, %lt3A_68 : i32
        %convert_element_type3A_70 = arith.extui %lt3A_69 : i1 to i32
        %cond3A_71 = arith.constant 0 : i32
        %cond3A_72 = arith.cmpi ne, %convert_element_type3A_70, %cond3A_71 : i32
        scf.if %cond3A_72 {
          %add3A_74 = arith.constant 1 : i32
          %add3A_75 = arith.addi %add3A_59, %add3A_74 : i32
          %dma_start3A_76 = arith.constant 0 : i32
          %dma_start3A_77 = tpu.memref_slice %arg7[%add3A_75, %dma_start3A_76] : memref<64x128xi32, #tpu.memory_space<vmem>> -> memref<1x128xi32, #tpu.memory_space<vmem>>
          %dma_start3A_78 = tpu.memref_squeeze %dma_start3A_77 : memref<1x128xi32, #tpu.memory_space<vmem>> -> memref<128xi32, #tpu.memory_space<vmem>>
          %dma_start3A_79 = arith.constant 0 : i32
          %dma_start3A_80 = arith.constant 0 : i32
          %dma_start3A_81 = tpu.memref_slice %arg2[%dma_start3A_79, %dma_start3A_80] : memref<10000x128xf32, #tpu.memory_space<hbm>> -> memref<10000x128xf32, #tpu.memory_space<hbm>>
          tpu.enqueue_indirect_dma source(%dma_start3A_81 : memref<10000x128xf32, #tpu.memory_space<hbm>>) target(%run_scoped3A : memref<128x128xf32, #tpu.memory_space<vmem>>) offsets(%dma_start3A_78 : memref<128xi32, #tpu.memory_space<vmem>>) semaphore(%arg9 : memref<!tpu.dma_semaphore, #tpu.memory_space<semaphore_mem>>)
        } else {
        }
        "tpu.region"() ({
          %run_scoped3A_74 = tpu.sem_alloc : memref<!tpu.dma_semaphore, #tpu.memory_space<semaphore_mem>>
          %dma_start3A_75 = arith.constant 0 : i32
          %dma_start3A_76 = tpu.memref_slice %arg8[%add3A_59, %dma_start3A_75] : memref<64x128xi32, #tpu.memory_space<vmem>> -> memref<1x128xi32, #tpu.memory_space<vmem>>
          %dma_start3A_77 = tpu.memref_squeeze %dma_start3A_76 : memref<1x128xi32, #tpu.memory_space<vmem>> -> memref<128xi32, #tpu.memory_space<vmem>>
          %dma_start3A_78 = arith.constant 0 : i32
          %dma_start3A_79 = arith.constant 0 : i32
          %dma_start3A_80 = tpu.memref_slice %arg11[%dma_start3A_78, %dma_start3A_79] : memref<10240x128xf32, #tpu.memory_space<vmem_shared>> -> memref<10240x128xf32, #tpu.memory_space<vmem_shared>>
          tpu.enqueue_indirect_dma source(%run_scoped3A_0 : memref<128x128xf32, #tpu.memory_space<vmem>>) target(%dma_start3A_80 : memref<10240x128xf32, #tpu.memory_space<vmem_shared>>) offsets(%dma_start3A_77 : memref<128xi32, #tpu.memory_space<vmem>>) semaphore(%run_scoped3A_74 : memref<!tpu.dma_semaphore, #tpu.memory_space<semaphore_mem>>) {add = true}
          %dma_wait3A_81 = arith.constant 0 : i32
          %dma_wait3A_82 = tpu.memref_slice %arg8[%add3A_59, %dma_wait3A_81] : memref<64x128xi32, #tpu.memory_space<vmem>> -> memref<1x128xi32, #tpu.memory_space<vmem>>
          %dma_wait3A_83 = tpu.memref_squeeze %dma_wait3A_82 : memref<1x128xi32, #tpu.memory_space<vmem>> -> memref<128xi32, #tpu.memory_space<vmem>>
          %dma_wait3A_84 = arith.constant 0 : i32
          %dma_wait3A_85 = arith.constant 0 : i32
          %dma_wait3A_86 = tpu.memref_slice %arg11[%dma_wait3A_84, %dma_wait3A_85] : memref<10240x128xf32, #tpu.memory_space<vmem_shared>> -> memref<10240x128xf32, #tpu.memory_space<vmem_shared>>
          tpu.wait_indirect_dma semaphore(%run_scoped3A_74 : memref<!tpu.dma_semaphore, #tpu.memory_space<semaphore_mem>>) src(%run_scoped3A_0 : memref<128x128xf32, #tpu.memory_space<vmem>>) dst(%dma_wait3A_86 : memref<10240x128xf32, #tpu.memory_space<vmem_shared>>)
          tpu.yield
        }) : () -> ()
        %scan3A_73 = arith.constant 0 : i32
        scf.yield %scan3A_73 : i32
      }
      %scan3A_39 = arith.constant 8 : i32
      %barrier3A_40 = arith.constant 0 : index
      tpu.barrier barrier_id(%barrier3A_40)
      "tpu.region"() ({
        %run_scoped3A_41 = tpu.sem_alloc : memref<!tpu.dma_semaphore, #tpu.memory_space<semaphore_mem>>
        %dma_start3A_42 = arith.constant 0 : i32
        %dma_start3A_43 = tpu.memref_slice %arg6[%arg0, %mul3A_3, %dma_start3A_42] : memref<2x10240x128xf32, #tpu.memory_space<hbm>> -> memref<1x640x128xf32, #tpu.memory_space<hbm>>
        %dma_start3A_44 = tpu.memref_squeeze %dma_start3A_43 : memref<1x640x128xf32, #tpu.memory_space<hbm>> -> memref<640x128xf32, #tpu.memory_space<hbm>>
        %dma_start3A_45 = arith.constant 0 : i32
        %dma_start3A_46 = tpu.memref_slice %arg11[%mul3A_3, %dma_start3A_45] : memref<10240x128xf32, #tpu.memory_space<vmem_shared>> -> memref<640x128xf32, #tpu.memory_space<vmem_shared>>
        tpu.enqueue_dma source(%dma_start3A_46 : memref<640x128xf32, #tpu.memory_space<vmem_shared>>) target(%dma_start3A_44 : memref<640x128xf32, #tpu.memory_space<hbm>>) target_semaphore(%run_scoped3A_41 : memref<!tpu.dma_semaphore, #tpu.memory_space<semaphore_mem>>)
        %dma_wait3A = arith.constant 0 : i32
        %dma_wait3A_47 = tpu.memref_slice %arg6[%arg0, %mul3A_3, %dma_wait3A] : memref<2x10240x128xf32, #tpu.memory_space<hbm>> -> memref<1x640x128xf32, #tpu.memory_space<hbm>>
        %dma_wait3A_48 = tpu.memref_squeeze %dma_wait3A_47 : memref<1x640x128xf32, #tpu.memory_space<hbm>> -> memref<640x128xf32, #tpu.memory_space<hbm>>
        %dma_wait3A_49 = arith.constant 0 : i32
        %dma_wait3A_50 = tpu.memref_slice %arg11[%mul3A_3, %dma_wait3A_49] : memref<10240x128xf32, #tpu.memory_space<vmem_shared>> -> memref<640x128xf32, #tpu.memory_space<vmem_shared>>
        tpu.wait_dma2 semaphore(%run_scoped3A_41 : memref<!tpu.dma_semaphore, #tpu.memory_space<semaphore_mem>>) src(%dma_wait3A_50 : memref<640x128xf32, #tpu.memory_space<vmem_shared>>) dst(%dma_wait3A_48 : memref<640x128xf32, #tpu.memory_space<hbm>>)
        tpu.yield
      }) : () -> ()
      tpu.yield
    }) : () -> ()
    return
  }
}

#map = affine_map<(d0, d1) -> (0, 0)>
#map1 = affine_map<(d0, d1) -> (0, 0, 0)>
module attributes {stable_mosaic.version = 14 : i64} {
  func.func @_sc_agg_body(%arg0: i32, %arg1: i32, %arg2: memref<10000x128xf32, #tpu.memory_space<hbm>>, %arg3: memref<2560x128xi32, #tpu.memory_space<hbm>>, %arg4: memref<2560x128xi32, #tpu.memory_space<hbm>>, %arg5: memref<10240x128xf32, #tpu.memory_space<hbm>>, %arg6: memref<2x10240x128xf32, #tpu.memory_space<hbm>>, %arg7: memref<64x128xi32, #tpu.memory_space<vmem>>, %arg8: memref<64x128xi32, #tpu.memory_space<vmem>>, %arg9: memref<!tpu.dma_semaphore, #tpu.memory_space<semaphore_mem>>, %arg10: memref<!tpu.dma_semaphore, #tpu.memory_space<semaphore_mem>>, %arg11: memref<10240x128xf32, #tpu.memory_space<vmem_shared>>) attributes {dimension_semantics = [#tpu.dimension_semantics<core_parallel>, #tpu.dimension_semantics<subcore_parallel>], iteration_bounds = array<i64: 2, 16>, scalar_prefetch = 0 : i64, scratch_operands = 5 : i64, tpu.core_type = #tpu.core_type<sc_vector_subcore>, window_params = [{transform_indices = #map}, {transform_indices = #map}, {transform_indices = #map}, {transform_indices = #map}, {transform_indices = #map1}]} {
    "tpu.region"() ({
      %run_scoped3A = memref.alloca() : memref<128x128xf32, #tpu.memory_space<vmem>>
      %run_scoped3A_0 = memref.alloca() : memref<128x128xf32, #tpu.memory_space<vmem>>
      %mul3A = arith.constant 2 : i32
      %mul3A_1 = arith.muli %arg1, %mul3A : i32
      %add3A = arith.addi %mul3A_1, %arg0 : i32
      %mul3A_2 = arith.constant 640 : i32
      %mul3A_3 = arith.muli %arg1, %mul3A_2 : i32
      %mul3A_4 = arith.constant 80 : i32
      %mul3A_5 = arith.muli %add3A, %mul3A_4 : i32
      "tpu.region"() ({
        %run_scoped3A_41 = tpu.sem_alloc : memref<!tpu.dma_semaphore, #tpu.memory_space<semaphore_mem>>
        %dma_start3A_42 = arith.constant 0 : i32
        %dma_start3A_43 = tpu.memref_slice %arg11[%mul3A_3, %dma_start3A_42] : memref<10240x128xf32, #tpu.memory_space<vmem_shared>> -> memref<640x128xf32, #tpu.memory_space<vmem_shared>>
        %dma_start3A_44 = arith.constant 0 : i32
        %dma_start3A_45 = tpu.memref_slice %arg5[%mul3A_3, %dma_start3A_44] : memref<10240x128xf32, #tpu.memory_space<hbm>> -> memref<640x128xf32, #tpu.memory_space<hbm>>
        tpu.enqueue_dma source(%dma_start3A_45 : memref<640x128xf32, #tpu.memory_space<hbm>>) target(%dma_start3A_43 : memref<640x128xf32, #tpu.memory_space<vmem_shared>>) target_semaphore(%run_scoped3A_41 : memref<!tpu.dma_semaphore, #tpu.memory_space<semaphore_mem>>)
        %dma_wait3A = arith.constant 0 : i32
        %dma_wait3A_46 = tpu.memref_slice %arg11[%mul3A_3, %dma_wait3A] : memref<10240x128xf32, #tpu.memory_space<vmem_shared>> -> memref<640x128xf32, #tpu.memory_space<vmem_shared>>
        %dma_wait3A_47 = arith.constant 0 : i32
        %dma_wait3A_48 = tpu.memref_slice %arg5[%mul3A_3, %dma_wait3A_47] : memref<10240x128xf32, #tpu.memory_space<hbm>> -> memref<640x128xf32, #tpu.memory_space<hbm>>
        tpu.wait_dma2 semaphore(%run_scoped3A_41 : memref<!tpu.dma_semaphore, #tpu.memory_space<semaphore_mem>>) src(%dma_wait3A_48 : memref<640x128xf32, #tpu.memory_space<hbm>>) dst(%dma_wait3A_46 : memref<640x128xf32, #tpu.memory_space<vmem_shared>>)
        tpu.yield
      }) : () -> ()
      %barrier3A = arith.constant 0 : index
      tpu.barrier barrier_id(%barrier3A)
      %add3A_6 = arith.constant 0 : i32
      %add3A_7 = arith.addi %mul3A_5, %add3A_6 : i32
      "tpu.region"() ({
        %run_scoped3A_41 = tpu.sem_alloc : memref<!tpu.dma_semaphore, #tpu.memory_space<semaphore_mem>>
        %dma_start3A_42 = arith.constant 0 : i32
        %dma_start3A_43 = arith.constant 0 : i32
        %dma_start3A_44 = tpu.memref_slice %arg7[%dma_start3A_42, %dma_start3A_43] : memref<64x128xi32, #tpu.memory_space<vmem>> -> memref<64x128xi32, #tpu.memory_space<vmem>>
        %dma_start3A_45 = arith.constant 0 : i32
        %dma_start3A_46 = tpu.memref_slice %arg3[%add3A_7, %dma_start3A_45] : memref<2560x128xi32, #tpu.memory_space<hbm>> -> memref<64x128xi32, #tpu.memory_space<hbm>>
        %dma_start3A_47 = arith.constant 0 : i32
        %dma_start3A_48 = arith.constant 0 : i32
        %dma_start3A_49 = tpu.memref_slice %arg7[%dma_start3A_47, %dma_start3A_48] : memref<64x128xi32, #tpu.memory_space<vmem>> -> memref<64x128xi32, #tpu.memory_space<vmem>>
        %dma_start3A_50 = arith.constant 0 : i32
        %dma_start3A_51 = tpu.memref_slice %arg3[%add3A_7, %dma_start3A_50] : memref<2560x128xi32, #tpu.memory_space<hbm>> -> memref<64x128xi32, #tpu.memory_space<hbm>>
        tpu.enqueue_dma source(%dma_start3A_51 : memref<64x128xi32, #tpu.memory_space<hbm>>) target(%dma_start3A_49 : memref<64x128xi32, #tpu.memory_space<vmem>>) target_semaphore(%run_scoped3A_41 : memref<!tpu.dma_semaphore, #tpu.memory_space<semaphore_mem>>)
        %dma_wait3A = arith.constant 0 : i32
        %dma_wait3A_52 = arith.constant 0 : i32
        %dma_wait3A_53 = tpu.memref_slice %arg7[%dma_wait3A, %dma_wait3A_52] : memref<64x128xi32, #tpu.memory_space<vmem>> -> memref<64x128xi32, #tpu.memory_space<vmem>>
        %dma_wait3A_54 = arith.constant 0 : i32
        %dma_wait3A_55 = tpu.memref_slice %arg3[%add3A_7, %dma_wait3A_54] : memref<2560x128xi32, #tpu.memory_space<hbm>> -> memref<64x128xi32, #tpu.memory_space<hbm>>
        %dma_wait3A_56 = arith.constant 0 : i32
        %dma_wait3A_57 = arith.constant 0 : i32
        %dma_wait3A_58 = tpu.memref_slice %arg7[%dma_wait3A_56, %dma_wait3A_57] : memref<64x128xi32, #tpu.memory_space<vmem>> -> memref<64x128xi32, #tpu.memory_space<vmem>>
        %dma_wait3A_59 = arith.constant 0 : i32
        %dma_wait3A_60 = tpu.memref_slice %arg3[%add3A_7, %dma_wait3A_59] : memref<2560x128xi32, #tpu.memory_space<hbm>> -> memref<64x128xi32, #tpu.memory_space<hbm>>
        tpu.wait_dma2 semaphore(%run_scoped3A_41 : memref<!tpu.dma_semaphore, #tpu.memory_space<semaphore_mem>>) src(%dma_wait3A_60 : memref<64x128xi32, #tpu.memory_space<hbm>>) dst(%dma_wait3A_58 : memref<64x128xi32, #tpu.memory_space<vmem>>)
        tpu.yield
      }) : () -> ()
      %add3A_8 = arith.constant 0 : i32
      %add3A_9 = arith.addi %mul3A_5, %add3A_8 : i32
      "tpu.region"() ({
        %run_scoped3A_41 = tpu.sem_alloc : memref<!tpu.dma_semaphore, #tpu.memory_space<semaphore_mem>>
        %dma_start3A_42 = arith.constant 0 : i32
        %dma_start3A_43 = arith.constant 0 : i32
        %dma_start3A_44 = tpu.memref_slice %arg8[%dma_start3A_42, %dma_start3A_43] : memref<64x128xi32, #tpu.memory_space<vmem>> -> memref<64x128xi32, #tpu.memory_space<vmem>>
        %dma_start3A_45 = arith.constant 0 : i32
        %dma_start3A_46 = tpu.memref_slice %arg4[%add3A_9, %dma_start3A_45] : memref<2560x128xi32, #tpu.memory_space<hbm>> -> memref<64x128xi32, #tpu.memory_space<hbm>>
        %dma_start3A_47 = arith.constant 0 : i32
        %dma_start3A_48 = arith.constant 0 : i32
        %dma_start3A_49 = tpu.memref_slice %arg8[%dma_start3A_47, %dma_start3A_48] : memref<64x128xi32, #tpu.memory_space<vmem>> -> memref<64x128xi32, #tpu.memory_space<vmem>>
        %dma_start3A_50 = arith.constant 0 : i32
        %dma_start3A_51 = tpu.memref_slice %arg4[%add3A_9, %dma_start3A_50] : memref<2560x128xi32, #tpu.memory_space<hbm>> -> memref<64x128xi32, #tpu.memory_space<hbm>>
        tpu.enqueue_dma source(%dma_start3A_51 : memref<64x128xi32, #tpu.memory_space<hbm>>) target(%dma_start3A_49 : memref<64x128xi32, #tpu.memory_space<vmem>>) target_semaphore(%run_scoped3A_41 : memref<!tpu.dma_semaphore, #tpu.memory_space<semaphore_mem>>)
        %dma_wait3A = arith.constant 0 : i32
        %dma_wait3A_52 = arith.constant 0 : i32
        %dma_wait3A_53 = tpu.memref_slice %arg8[%dma_wait3A, %dma_wait3A_52] : memref<64x128xi32, #tpu.memory_space<vmem>> -> memref<64x128xi32, #tpu.memory_space<vmem>>
        %dma_wait3A_54 = arith.constant 0 : i32
        %dma_wait3A_55 = tpu.memref_slice %arg4[%add3A_9, %dma_wait3A_54] : memref<2560x128xi32, #tpu.memory_space<hbm>> -> memref<64x128xi32, #tpu.memory_space<hbm>>
        %dma_wait3A_56 = arith.constant 0 : i32
        %dma_wait3A_57 = arith.constant 0 : i32
        %dma_wait3A_58 = tpu.memref_slice %arg8[%dma_wait3A_56, %dma_wait3A_57] : memref<64x128xi32, #tpu.memory_space<vmem>> -> memref<64x128xi32, #tpu.memory_space<vmem>>
        %dma_wait3A_59 = arith.constant 0 : i32
        %dma_wait3A_60 = tpu.memref_slice %arg4[%add3A_9, %dma_wait3A_59] : memref<2560x128xi32, #tpu.memory_space<hbm>> -> memref<64x128xi32, #tpu.memory_space<hbm>>
        tpu.wait_dma2 semaphore(%run_scoped3A_41 : memref<!tpu.dma_semaphore, #tpu.memory_space<semaphore_mem>>) src(%dma_wait3A_60 : memref<64x128xi32, #tpu.memory_space<hbm>>) dst(%dma_wait3A_58 : memref<64x128xi32, #tpu.memory_space<vmem>>)
        tpu.yield
      }) : () -> ()
      %dma_start3A = arith.constant 0 : i32
      %dma_start3A_10 = arith.constant 0 : i32
      %dma_start3A_11 = tpu.memref_slice %arg7[%dma_start3A, %dma_start3A_10] : memref<64x128xi32, #tpu.memory_space<vmem>> -> memref<1x128xi32, #tpu.memory_space<vmem>>
      %dma_start3A_12 = tpu.memref_squeeze %dma_start3A_11 : memref<1x128xi32, #tpu.memory_space<vmem>> -> memref<128xi32, #tpu.memory_space<vmem>>
      %dma_start3A_13 = arith.constant 0 : i32
      %dma_start3A_14 = arith.constant 0 : i32
      %dma_start3A_15 = tpu.memref_slice %arg2[%dma_start3A_13, %dma_start3A_14] : memref<10000x128xf32, #tpu.memory_space<hbm>> -> memref<10000x128xf32, #tpu.memory_space<hbm>>
      tpu.enqueue_indirect_dma source(%dma_start3A_15 : memref<10000x128xf32, #tpu.memory_space<hbm>>) target(%run_scoped3A : memref<128x128xf32, #tpu.memory_space<vmem>>) offsets(%dma_start3A_12 : memref<128xi32, #tpu.memory_space<vmem>>) semaphore(%arg9 : memref<!tpu.dma_semaphore, #tpu.memory_space<semaphore_mem>>)
      %scan3A = arith.constant 0 : i32
      %scan3A_16 = arith.constant 0 : i32
      %scan3A_17 = arith.constant 32 : i32
      %scan3A_18 = arith.addi %scan3A_16, %scan3A_17 : i32
      %scan3A_19 = arith.constant 1 : i32
      %scan3A_20 = scf.for %scan3A_41 = %scan3A_16 to %scan3A_18 step %scan3A_19 iter_args(%scan3A_42 = %scan3A) -> (i32)  : i32 {
        %mul3A_43 = arith.constant 2 : i32
        %mul3A_44 = arith.muli %scan3A_41, %mul3A_43 : i32
        %add3A_45 = arith.constant 0 : i32
        %add3A_46 = arith.addi %mul3A_44, %add3A_45 : i32
        %dma_wait3A = arith.constant 0 : i32
        %dma_wait3A_47 = tpu.memref_slice %arg7[%add3A_46, %dma_wait3A] : memref<64x128xi32, #tpu.memory_space<vmem>> -> memref<1x128xi32, #tpu.memory_space<vmem>>
        %dma_wait3A_48 = tpu.memref_squeeze %dma_wait3A_47 : memref<1x128xi32, #tpu.memory_space<vmem>> -> memref<128xi32, #tpu.memory_space<vmem>>
        %dma_wait3A_49 = arith.constant 0 : i32
        %dma_wait3A_50 = arith.constant 0 : i32
        %dma_wait3A_51 = tpu.memref_slice %arg2[%dma_wait3A_49, %dma_wait3A_50] : memref<10000x128xf32, #tpu.memory_space<hbm>> -> memref<10000x128xf32, #tpu.memory_space<hbm>>
        tpu.wait_indirect_dma semaphore(%arg9 : memref<!tpu.dma_semaphore, #tpu.memory_space<semaphore_mem>>) src(%dma_wait3A_51 : memref<10000x128xf32, #tpu.memory_space<hbm>>) dst(%run_scoped3A : memref<128x128xf32, #tpu.memory_space<vmem>>)
        %add3A_52 = arith.constant 1 : i32
        %add3A_53 = arith.addi %add3A_46, %add3A_52 : i32
        %lt3A = arith.constant 64 : i32
        %lt3A_54 = arith.cmpi slt, %add3A_53, %lt3A : i32
        %convert_element_type3A = arith.extui %lt3A_54 : i1 to i32
        %cond3A = arith.constant 0 : i32
        %cond3A_55 = arith.cmpi ne, %convert_element_type3A, %cond3A : i32
        scf.if %cond3A_55 {
          %add3A_74 = arith.constant 1 : i32
          %add3A_75 = arith.addi %add3A_46, %add3A_74 : i32
          %dma_start3A_76 = arith.constant 0 : i32
          %dma_start3A_77 = tpu.memref_slice %arg7[%add3A_75, %dma_start3A_76] : memref<64x128xi32, #tpu.memory_space<vmem>> -> memref<1x128xi32, #tpu.memory_space<vmem>>
          %dma_start3A_78 = tpu.memref_squeeze %dma_start3A_77 : memref<1x128xi32, #tpu.memory_space<vmem>> -> memref<128xi32, #tpu.memory_space<vmem>>
          %dma_start3A_79 = arith.constant 0 : i32
          %dma_start3A_80 = arith.constant 0 : i32
          %dma_start3A_81 = tpu.memref_slice %arg2[%dma_start3A_79, %dma_start3A_80] : memref<10000x128xf32, #tpu.memory_space<hbm>> -> memref<10000x128xf32, #tpu.memory_space<hbm>>
          tpu.enqueue_indirect_dma source(%dma_start3A_81 : memref<10000x128xf32, #tpu.memory_space<hbm>>) target(%run_scoped3A_0 : memref<128x128xf32, #tpu.memory_space<vmem>>) offsets(%dma_start3A_78 : memref<128xi32, #tpu.memory_space<vmem>>) semaphore(%arg10 : memref<!tpu.dma_semaphore, #tpu.memory_space<semaphore_mem>>)
        } else {
        }
        "tpu.region"() ({
          %run_scoped3A_74 = tpu.sem_alloc : memref<!tpu.dma_semaphore, #tpu.memory_space<semaphore_mem>>
          %dma_start3A_75 = arith.constant 0 : i32
          %dma_start3A_76 = tpu.memref_slice %arg8[%add3A_46, %dma_start3A_75] : memref<64x128xi32, #tpu.memory_space<vmem>> -> memref<1x128xi32, #tpu.memory_space<vmem>>
          %dma_start3A_77 = tpu.memref_squeeze %dma_start3A_76 : memref<1x128xi32, #tpu.memory_space<vmem>> -> memref<128xi32, #tpu.memory_space<vmem>>
          %dma_start3A_78 = arith.constant 0 : i32
          %dma_start3A_79 = arith.constant 0 : i32
          %dma_start3A_80 = tpu.memref_slice %arg11[%dma_start3A_78, %dma_start3A_79] : memref<10240x128xf32, #tpu.memory_space<vmem_shared>> -> memref<10240x128xf32, #tpu.memory_space<vmem_shared>>
          tpu.enqueue_indirect_dma source(%run_scoped3A : memref<128x128xf32, #tpu.memory_space<vmem>>) target(%dma_start3A_80 : memref<10240x128xf32, #tpu.memory_space<vmem_shared>>) offsets(%dma_start3A_77 : memref<128xi32, #tpu.memory_space<vmem>>) semaphore(%run_scoped3A_74 : memref<!tpu.dma_semaphore, #tpu.memory_space<semaphore_mem>>) {add = true}
          %dma_wait3A_81 = arith.constant 0 : i32
          %dma_wait3A_82 = tpu.memref_slice %arg8[%add3A_46, %dma_wait3A_81] : memref<64x128xi32, #tpu.memory_space<vmem>> -> memref<1x128xi32, #tpu.memory_space<vmem>>
          %dma_wait3A_83 = tpu.memref_squeeze %dma_wait3A_82 : memref<1x128xi32, #tpu.memory_space<vmem>> -> memref<128xi32, #tpu.memory_space<vmem>>
          %dma_wait3A_84 = arith.constant 0 : i32
          %dma_wait3A_85 = arith.constant 0 : i32
          %dma_wait3A_86 = tpu.memref_slice %arg11[%dma_wait3A_84, %dma_wait3A_85] : memref<10240x128xf32, #tpu.memory_space<vmem_shared>> -> memref<10240x128xf32, #tpu.memory_space<vmem_shared>>
          tpu.wait_indirect_dma semaphore(%run_scoped3A_74 : memref<!tpu.dma_semaphore, #tpu.memory_space<semaphore_mem>>) src(%run_scoped3A : memref<128x128xf32, #tpu.memory_space<vmem>>) dst(%dma_wait3A_86 : memref<10240x128xf32, #tpu.memory_space<vmem_shared>>)
          tpu.yield
        }) : () -> ()
        %mul3A_56 = arith.constant 2 : i32
        %mul3A_57 = arith.muli %scan3A_41, %mul3A_56 : i32
        %add3A_58 = arith.constant 1 : i32
        %add3A_59 = arith.addi %mul3A_57, %add3A_58 : i32
        %dma_wait3A_60 = arith.constant 0 : i32
        %dma_wait3A_61 = tpu.memref_slice %arg7[%add3A_59, %dma_wait3A_60] : memref<64x128xi32, #tpu.memory_space<vmem>> -> memref<1x128xi32, #tpu.memory_space<vmem>>
        %dma_wait3A_62 = tpu.memref_squeeze %dma_wait3A_61 : memref<1x128xi32, #tpu.memory_space<vmem>> -> memref<128xi32, #tpu.memory_space<vmem>>
        %dma_wait3A_63 = arith.constant 0 : i32
        %dma_wait3A_64 = arith.constant 0 : i32
        %dma_wait3A_65 = tpu.memref_slice %arg2[%dma_wait3A_63, %dma_wait3A_64] : memref<10000x128xf32, #tpu.memory_space<hbm>> -> memref<10000x128xf32, #tpu.memory_space<hbm>>
        tpu.wait_indirect_dma semaphore(%arg10 : memref<!tpu.dma_semaphore, #tpu.memory_space<semaphore_mem>>) src(%dma_wait3A_65 : memref<10000x128xf32, #tpu.memory_space<hbm>>) dst(%run_scoped3A_0 : memref<128x128xf32, #tpu.memory_space<vmem>>)
        %add3A_66 = arith.constant 1 : i32
        %add3A_67 = arith.addi %add3A_59, %add3A_66 : i32
        %lt3A_68 = arith.constant 64 : i32
        %lt3A_69 = arith.cmpi slt, %add3A_67, %lt3A_68 : i32
        %convert_element_type3A_70 = arith.extui %lt3A_69 : i1 to i32
        %cond3A_71 = arith.constant 0 : i32
        %cond3A_72 = arith.cmpi ne, %convert_element_type3A_70, %cond3A_71 : i32
        scf.if %cond3A_72 {
          %add3A_74 = arith.constant 1 : i32
          %add3A_75 = arith.addi %add3A_59, %add3A_74 : i32
          %dma_start3A_76 = arith.constant 0 : i32
          %dma_start3A_77 = tpu.memref_slice %arg7[%add3A_75, %dma_start3A_76] : memref<64x128xi32, #tpu.memory_space<vmem>> -> memref<1x128xi32, #tpu.memory_space<vmem>>
          %dma_start3A_78 = tpu.memref_squeeze %dma_start3A_77 : memref<1x128xi32, #tpu.memory_space<vmem>> -> memref<128xi32, #tpu.memory_space<vmem>>
          %dma_start3A_79 = arith.constant 0 : i32
          %dma_start3A_80 = arith.constant 0 : i32
          %dma_start3A_81 = tpu.memref_slice %arg2[%dma_start3A_79, %dma_start3A_80] : memref<10000x128xf32, #tpu.memory_space<hbm>> -> memref<10000x128xf32, #tpu.memory_space<hbm>>
          tpu.enqueue_indirect_dma source(%dma_start3A_81 : memref<10000x128xf32, #tpu.memory_space<hbm>>) target(%run_scoped3A : memref<128x128xf32, #tpu.memory_space<vmem>>) offsets(%dma_start3A_78 : memref<128xi32, #tpu.memory_space<vmem>>) semaphore(%arg9 : memref<!tpu.dma_semaphore, #tpu.memory_space<semaphore_mem>>)
        } else {
        }
        "tpu.region"() ({
          %run_scoped3A_74 = tpu.sem_alloc : memref<!tpu.dma_semaphore, #tpu.memory_space<semaphore_mem>>
          %dma_start3A_75 = arith.constant 0 : i32
          %dma_start3A_76 = tpu.memref_slice %arg8[%add3A_59, %dma_start3A_75] : memref<64x128xi32, #tpu.memory_space<vmem>> -> memref<1x128xi32, #tpu.memory_space<vmem>>
          %dma_start3A_77 = tpu.memref_squeeze %dma_start3A_76 : memref<1x128xi32, #tpu.memory_space<vmem>> -> memref<128xi32, #tpu.memory_space<vmem>>
          %dma_start3A_78 = arith.constant 0 : i32
          %dma_start3A_79 = arith.constant 0 : i32
          %dma_start3A_80 = tpu.memref_slice %arg11[%dma_start3A_78, %dma_start3A_79] : memref<10240x128xf32, #tpu.memory_space<vmem_shared>> -> memref<10240x128xf32, #tpu.memory_space<vmem_shared>>
          tpu.enqueue_indirect_dma source(%run_scoped3A_0 : memref<128x128xf32, #tpu.memory_space<vmem>>) target(%dma_start3A_80 : memref<10240x128xf32, #tpu.memory_space<vmem_shared>>) offsets(%dma_start3A_77 : memref<128xi32, #tpu.memory_space<vmem>>) semaphore(%run_scoped3A_74 : memref<!tpu.dma_semaphore, #tpu.memory_space<semaphore_mem>>) {add = true}
          %dma_wait3A_81 = arith.constant 0 : i32
          %dma_wait3A_82 = tpu.memref_slice %arg8[%add3A_59, %dma_wait3A_81] : memref<64x128xi32, #tpu.memory_space<vmem>> -> memref<1x128xi32, #tpu.memory_space<vmem>>
          %dma_wait3A_83 = tpu.memref_squeeze %dma_wait3A_82 : memref<1x128xi32, #tpu.memory_space<vmem>> -> memref<128xi32, #tpu.memory_space<vmem>>
          %dma_wait3A_84 = arith.constant 0 : i32
          %dma_wait3A_85 = arith.constant 0 : i32
          %dma_wait3A_86 = tpu.memref_slice %arg11[%dma_wait3A_84, %dma_wait3A_85] : memref<10240x128xf32, #tpu.memory_space<vmem_shared>> -> memref<10240x128xf32, #tpu.memory_space<vmem_shared>>
          tpu.wait_indirect_dma semaphore(%run_scoped3A_74 : memref<!tpu.dma_semaphore, #tpu.memory_space<semaphore_mem>>) src(%run_scoped3A_0 : memref<128x128xf32, #tpu.memory_space<vmem>>) dst(%dma_wait3A_86 : memref<10240x128xf32, #tpu.memory_space<vmem_shared>>)
          tpu.yield
        }) : () -> ()
        %scan3A_73 = arith.constant 0 : i32
        scf.yield %scan3A_73 : i32
      }
      %scan3A_21 = arith.constant 32 : i32
      %add3A_22 = arith.constant 64 : i32
      %add3A_23 = arith.addi %mul3A_5, %add3A_22 : i32
      "tpu.region"() ({
        %run_scoped3A_41 = tpu.sem_alloc : memref<!tpu.dma_semaphore, #tpu.memory_space<semaphore_mem>>
        %dma_start3A_42 = arith.constant 0 : i32
        %dma_start3A_43 = arith.constant 0 : i32
        %dma_start3A_44 = tpu.memref_slice %arg7[%dma_start3A_42, %dma_start3A_43] : memref<64x128xi32, #tpu.memory_space<vmem>> -> memref<16x128xi32, #tpu.memory_space<vmem>>
        %dma_start3A_45 = arith.constant 0 : i32
        %dma_start3A_46 = tpu.memref_slice %arg3[%add3A_23, %dma_start3A_45] : memref<2560x128xi32, #tpu.memory_space<hbm>> -> memref<16x128xi32, #tpu.memory_space<hbm>>
        %dma_start3A_47 = arith.constant 0 : i32
        %dma_start3A_48 = arith.constant 0 : i32
        %dma_start3A_49 = tpu.memref_slice %arg7[%dma_start3A_47, %dma_start3A_48] : memref<64x128xi32, #tpu.memory_space<vmem>> -> memref<16x128xi32, #tpu.memory_space<vmem>>
        %dma_start3A_50 = arith.constant 0 : i32
        %dma_start3A_51 = tpu.memref_slice %arg3[%add3A_23, %dma_start3A_50] : memref<2560x128xi32, #tpu.memory_space<hbm>> -> memref<16x128xi32, #tpu.memory_space<hbm>>
        tpu.enqueue_dma source(%dma_start3A_51 : memref<16x128xi32, #tpu.memory_space<hbm>>) target(%dma_start3A_49 : memref<16x128xi32, #tpu.memory_space<vmem>>) target_semaphore(%run_scoped3A_41 : memref<!tpu.dma_semaphore, #tpu.memory_space<semaphore_mem>>)
        %dma_wait3A = arith.constant 0 : i32
        %dma_wait3A_52 = arith.constant 0 : i32
        %dma_wait3A_53 = tpu.memref_slice %arg7[%dma_wait3A, %dma_wait3A_52] : memref<64x128xi32, #tpu.memory_space<vmem>> -> memref<16x128xi32, #tpu.memory_space<vmem>>
        %dma_wait3A_54 = arith.constant 0 : i32
        %dma_wait3A_55 = tpu.memref_slice %arg3[%add3A_23, %dma_wait3A_54] : memref<2560x128xi32, #tpu.memory_space<hbm>> -> memref<16x128xi32, #tpu.memory_space<hbm>>
        %dma_wait3A_56 = arith.constant 0 : i32
        %dma_wait3A_57 = arith.constant 0 : i32
        %dma_wait3A_58 = tpu.memref_slice %arg7[%dma_wait3A_56, %dma_wait3A_57] : memref<64x128xi32, #tpu.memory_space<vmem>> -> memref<16x128xi32, #tpu.memory_space<vmem>>
        %dma_wait3A_59 = arith.constant 0 : i32
        %dma_wait3A_60 = tpu.memref_slice %arg3[%add3A_23, %dma_wait3A_59] : memref<2560x128xi32, #tpu.memory_space<hbm>> -> memref<16x128xi32, #tpu.memory_space<hbm>>
        tpu.wait_dma2 semaphore(%run_scoped3A_41 : memref<!tpu.dma_semaphore, #tpu.memory_space<semaphore_mem>>) src(%dma_wait3A_60 : memref<16x128xi32, #tpu.memory_space<hbm>>) dst(%dma_wait3A_58 : memref<16x128xi32, #tpu.memory_space<vmem>>)
        tpu.yield
      }) : () -> ()
      %add3A_24 = arith.constant 64 : i32
      %add3A_25 = arith.addi %mul3A_5, %add3A_24 : i32
      "tpu.region"() ({
        %run_scoped3A_41 = tpu.sem_alloc : memref<!tpu.dma_semaphore, #tpu.memory_space<semaphore_mem>>
        %dma_start3A_42 = arith.constant 0 : i32
        %dma_start3A_43 = arith.constant 0 : i32
        %dma_start3A_44 = tpu.memref_slice %arg8[%dma_start3A_42, %dma_start3A_43] : memref<64x128xi32, #tpu.memory_space<vmem>> -> memref<16x128xi32, #tpu.memory_space<vmem>>
        %dma_start3A_45 = arith.constant 0 : i32
        %dma_start3A_46 = tpu.memref_slice %arg4[%add3A_25, %dma_start3A_45] : memref<2560x128xi32, #tpu.memory_space<hbm>> -> memref<16x128xi32, #tpu.memory_space<hbm>>
        %dma_start3A_47 = arith.constant 0 : i32
        %dma_start3A_48 = arith.constant 0 : i32
        %dma_start3A_49 = tpu.memref_slice %arg8[%dma_start3A_47, %dma_start3A_48] : memref<64x128xi32, #tpu.memory_space<vmem>> -> memref<16x128xi32, #tpu.memory_space<vmem>>
        %dma_start3A_50 = arith.constant 0 : i32
        %dma_start3A_51 = tpu.memref_slice %arg4[%add3A_25, %dma_start3A_50] : memref<2560x128xi32, #tpu.memory_space<hbm>> -> memref<16x128xi32, #tpu.memory_space<hbm>>
        tpu.enqueue_dma source(%dma_start3A_51 : memref<16x128xi32, #tpu.memory_space<hbm>>) target(%dma_start3A_49 : memref<16x128xi32, #tpu.memory_space<vmem>>) target_semaphore(%run_scoped3A_41 : memref<!tpu.dma_semaphore, #tpu.memory_space<semaphore_mem>>)
        %dma_wait3A = arith.constant 0 : i32
        %dma_wait3A_52 = arith.constant 0 : i32
        %dma_wait3A_53 = tpu.memref_slice %arg8[%dma_wait3A, %dma_wait3A_52] : memref<64x128xi32, #tpu.memory_space<vmem>> -> memref<16x128xi32, #tpu.memory_space<vmem>>
        %dma_wait3A_54 = arith.constant 0 : i32
        %dma_wait3A_55 = tpu.memref_slice %arg4[%add3A_25, %dma_wait3A_54] : memref<2560x128xi32, #tpu.memory_space<hbm>> -> memref<16x128xi32, #tpu.memory_space<hbm>>
        %dma_wait3A_56 = arith.constant 0 : i32
        %dma_wait3A_57 = arith.constant 0 : i32
        %dma_wait3A_58 = tpu.memref_slice %arg8[%dma_wait3A_56, %dma_wait3A_57] : memref<64x128xi32, #tpu.memory_space<vmem>> -> memref<16x128xi32, #tpu.memory_space<vmem>>
        %dma_wait3A_59 = arith.constant 0 : i32
        %dma_wait3A_60 = tpu.memref_slice %arg4[%add3A_25, %dma_wait3A_59] : memref<2560x128xi32, #tpu.memory_space<hbm>> -> memref<16x128xi32, #tpu.memory_space<hbm>>
        tpu.wait_dma2 semaphore(%run_scoped3A_41 : memref<!tpu.dma_semaphore, #tpu.memory_space<semaphore_mem>>) src(%dma_wait3A_60 : memref<16x128xi32, #tpu.memory_space<hbm>>) dst(%dma_wait3A_58 : memref<16x128xi32, #tpu.memory_space<vmem>>)
        tpu.yield
      }) : () -> ()
      %dma_start3A_26 = arith.constant 0 : i32
      %dma_start3A_27 = arith.constant 0 : i32
      %dma_start3A_28 = tpu.memref_slice %arg7[%dma_start3A_26, %dma_start3A_27] : memref<64x128xi32, #tpu.memory_space<vmem>> -> memref<1x128xi32, #tpu.memory_space<vmem>>
      %dma_start3A_29 = tpu.memref_squeeze %dma_start3A_28 : memref<1x128xi32, #tpu.memory_space<vmem>> -> memref<128xi32, #tpu.memory_space<vmem>>
      %dma_start3A_30 = arith.constant 0 : i32
      %dma_start3A_31 = arith.constant 0 : i32
      %dma_start3A_32 = tpu.memref_slice %arg2[%dma_start3A_30, %dma_start3A_31] : memref<10000x128xf32, #tpu.memory_space<hbm>> -> memref<10000x128xf32, #tpu.memory_space<hbm>>
      tpu.enqueue_indirect_dma source(%dma_start3A_32 : memref<10000x128xf32, #tpu.memory_space<hbm>>) target(%run_scoped3A : memref<128x128xf32, #tpu.memory_space<vmem>>) offsets(%dma_start3A_29 : memref<128xi32, #tpu.memory_space<vmem>>) semaphore(%arg9 : memref<!tpu.dma_semaphore, #tpu.memory_space<semaphore_mem>>)
      %scan3A_33 = arith.constant 0 : i32
      %scan3A_34 = arith.constant 0 : i32
      %scan3A_35 = arith.constant 8 : i32
      %scan3A_36 = arith.addi %scan3A_34, %scan3A_35 : i32
      %scan3A_37 = arith.constant 1 : i32
      %scan3A_38 = scf.for %scan3A_41 = %scan3A_34 to %scan3A_36 step %scan3A_37 iter_args(%scan3A_42 = %scan3A_33) -> (i32)  : i32 {
        %mul3A_43 = arith.constant 2 : i32
        %mul3A_44 = arith.muli %scan3A_41, %mul3A_43 : i32
        %add3A_45 = arith.constant 0 : i32
        %add3A_46 = arith.addi %mul3A_44, %add3A_45 : i32
        %dma_wait3A = arith.constant 0 : i32
        %dma_wait3A_47 = tpu.memref_slice %arg7[%add3A_46, %dma_wait3A] : memref<64x128xi32, #tpu.memory_space<vmem>> -> memref<1x128xi32, #tpu.memory_space<vmem>>
        %dma_wait3A_48 = tpu.memref_squeeze %dma_wait3A_47 : memref<1x128xi32, #tpu.memory_space<vmem>> -> memref<128xi32, #tpu.memory_space<vmem>>
        %dma_wait3A_49 = arith.constant 0 : i32
        %dma_wait3A_50 = arith.constant 0 : i32
        %dma_wait3A_51 = tpu.memref_slice %arg2[%dma_wait3A_49, %dma_wait3A_50] : memref<10000x128xf32, #tpu.memory_space<hbm>> -> memref<10000x128xf32, #tpu.memory_space<hbm>>
        tpu.wait_indirect_dma semaphore(%arg9 : memref<!tpu.dma_semaphore, #tpu.memory_space<semaphore_mem>>) src(%dma_wait3A_51 : memref<10000x128xf32, #tpu.memory_space<hbm>>) dst(%run_scoped3A : memref<128x128xf32, #tpu.memory_space<vmem>>)
        %add3A_52 = arith.constant 1 : i32
        %add3A_53 = arith.addi %add3A_46, %add3A_52 : i32
        %lt3A = arith.constant 16 : i32
        %lt3A_54 = arith.cmpi slt, %add3A_53, %lt3A : i32
        %convert_element_type3A = arith.extui %lt3A_54 : i1 to i32
        %cond3A = arith.constant 0 : i32
        %cond3A_55 = arith.cmpi ne, %convert_element_type3A, %cond3A : i32
        scf.if %cond3A_55 {
          %add3A_74 = arith.constant 1 : i32
          %add3A_75 = arith.addi %add3A_46, %add3A_74 : i32
          %dma_start3A_76 = arith.constant 0 : i32
          %dma_start3A_77 = tpu.memref_slice %arg7[%add3A_75, %dma_start3A_76] : memref<64x128xi32, #tpu.memory_space<vmem>> -> memref<1x128xi32, #tpu.memory_space<vmem>>
          %dma_start3A_78 = tpu.memref_squeeze %dma_start3A_77 : memref<1x128xi32, #tpu.memory_space<vmem>> -> memref<128xi32, #tpu.memory_space<vmem>>
          %dma_start3A_79 = arith.constant 0 : i32
          %dma_start3A_80 = arith.constant 0 : i32
          %dma_start3A_81 = tpu.memref_slice %arg2[%dma_start3A_79, %dma_start3A_80] : memref<10000x128xf32, #tpu.memory_space<hbm>> -> memref<10000x128xf32, #tpu.memory_space<hbm>>
          tpu.enqueue_indirect_dma source(%dma_start3A_81 : memref<10000x128xf32, #tpu.memory_space<hbm>>) target(%run_scoped3A_0 : memref<128x128xf32, #tpu.memory_space<vmem>>) offsets(%dma_start3A_78 : memref<128xi32, #tpu.memory_space<vmem>>) semaphore(%arg10 : memref<!tpu.dma_semaphore, #tpu.memory_space<semaphore_mem>>)
        } else {
        }
        "tpu.region"() ({
          %run_scoped3A_74 = tpu.sem_alloc : memref<!tpu.dma_semaphore, #tpu.memory_space<semaphore_mem>>
          %dma_start3A_75 = arith.constant 0 : i32
          %dma_start3A_76 = tpu.memref_slice %arg8[%add3A_46, %dma_start3A_75] : memref<64x128xi32, #tpu.memory_space<vmem>> -> memref<1x128xi32, #tpu.memory_space<vmem>>
          %dma_start3A_77 = tpu.memref_squeeze %dma_start3A_76 : memref<1x128xi32, #tpu.memory_space<vmem>> -> memref<128xi32, #tpu.memory_space<vmem>>
          %dma_start3A_78 = arith.constant 0 : i32
          %dma_start3A_79 = arith.constant 0 : i32
          %dma_start3A_80 = tpu.memref_slice %arg11[%dma_start3A_78, %dma_start3A_79] : memref<10240x128xf32, #tpu.memory_space<vmem_shared>> -> memref<10240x128xf32, #tpu.memory_space<vmem_shared>>
          tpu.enqueue_indirect_dma source(%run_scoped3A : memref<128x128xf32, #tpu.memory_space<vmem>>) target(%dma_start3A_80 : memref<10240x128xf32, #tpu.memory_space<vmem_shared>>) offsets(%dma_start3A_77 : memref<128xi32, #tpu.memory_space<vmem>>) semaphore(%run_scoped3A_74 : memref<!tpu.dma_semaphore, #tpu.memory_space<semaphore_mem>>) {add = true}
          %dma_wait3A_81 = arith.constant 0 : i32
          %dma_wait3A_82 = tpu.memref_slice %arg8[%add3A_46, %dma_wait3A_81] : memref<64x128xi32, #tpu.memory_space<vmem>> -> memref<1x128xi32, #tpu.memory_space<vmem>>
          %dma_wait3A_83 = tpu.memref_squeeze %dma_wait3A_82 : memref<1x128xi32, #tpu.memory_space<vmem>> -> memref<128xi32, #tpu.memory_space<vmem>>
          %dma_wait3A_84 = arith.constant 0 : i32
          %dma_wait3A_85 = arith.constant 0 : i32
          %dma_wait3A_86 = tpu.memref_slice %arg11[%dma_wait3A_84, %dma_wait3A_85] : memref<10240x128xf32, #tpu.memory_space<vmem_shared>> -> memref<10240x128xf32, #tpu.memory_space<vmem_shared>>
          tpu.wait_indirect_dma semaphore(%run_scoped3A_74 : memref<!tpu.dma_semaphore, #tpu.memory_space<semaphore_mem>>) src(%run_scoped3A : memref<128x128xf32, #tpu.memory_space<vmem>>) dst(%dma_wait3A_86 : memref<10240x128xf32, #tpu.memory_space<vmem_shared>>)
          tpu.yield
        }) : () -> ()
        %mul3A_56 = arith.constant 2 : i32
        %mul3A_57 = arith.muli %scan3A_41, %mul3A_56 : i32
        %add3A_58 = arith.constant 1 : i32
        %add3A_59 = arith.addi %mul3A_57, %add3A_58 : i32
        %dma_wait3A_60 = arith.constant 0 : i32
        %dma_wait3A_61 = tpu.memref_slice %arg7[%add3A_59, %dma_wait3A_60] : memref<64x128xi32, #tpu.memory_space<vmem>> -> memref<1x128xi32, #tpu.memory_space<vmem>>
        %dma_wait3A_62 = tpu.memref_squeeze %dma_wait3A_61 : memref<1x128xi32, #tpu.memory_space<vmem>> -> memref<128xi32, #tpu.memory_space<vmem>>
        %dma_wait3A_63 = arith.constant 0 : i32
        %dma_wait3A_64 = arith.constant 0 : i32
        %dma_wait3A_65 = tpu.memref_slice %arg2[%dma_wait3A_63, %dma_wait3A_64] : memref<10000x128xf32, #tpu.memory_space<hbm>> -> memref<10000x128xf32, #tpu.memory_space<hbm>>
        tpu.wait_indirect_dma semaphore(%arg10 : memref<!tpu.dma_semaphore, #tpu.memory_space<semaphore_mem>>) src(%dma_wait3A_65 : memref<10000x128xf32, #tpu.memory_space<hbm>>) dst(%run_scoped3A_0 : memref<128x128xf32, #tpu.memory_space<vmem>>)
        %add3A_66 = arith.constant 1 : i32
        %add3A_67 = arith.addi %add3A_59, %add3A_66 : i32
        %lt3A_68 = arith.constant 16 : i32
        %lt3A_69 = arith.cmpi slt, %add3A_67, %lt3A_68 : i32
        %convert_element_type3A_70 = arith.extui %lt3A_69 : i1 to i32
        %cond3A_71 = arith.constant 0 : i32
        %cond3A_72 = arith.cmpi ne, %convert_element_type3A_70, %cond3A_71 : i32
        scf.if %cond3A_72 {
          %add3A_74 = arith.constant 1 : i32
          %add3A_75 = arith.addi %add3A_59, %add3A_74 : i32
          %dma_start3A_76 = arith.constant 0 : i32
          %dma_start3A_77 = tpu.memref_slice %arg7[%add3A_75, %dma_start3A_76] : memref<64x128xi32, #tpu.memory_space<vmem>> -> memref<1x128xi32, #tpu.memory_space<vmem>>
          %dma_start3A_78 = tpu.memref_squeeze %dma_start3A_77 : memref<1x128xi32, #tpu.memory_space<vmem>> -> memref<128xi32, #tpu.memory_space<vmem>>
          %dma_start3A_79 = arith.constant 0 : i32
          %dma_start3A_80 = arith.constant 0 : i32
          %dma_start3A_81 = tpu.memref_slice %arg2[%dma_start3A_79, %dma_start3A_80] : memref<10000x128xf32, #tpu.memory_space<hbm>> -> memref<10000x128xf32, #tpu.memory_space<hbm>>
          tpu.enqueue_indirect_dma source(%dma_start3A_81 : memref<10000x128xf32, #tpu.memory_space<hbm>>) target(%run_scoped3A : memref<128x128xf32, #tpu.memory_space<vmem>>) offsets(%dma_start3A_78 : memref<128xi32, #tpu.memory_space<vmem>>) semaphore(%arg9 : memref<!tpu.dma_semaphore, #tpu.memory_space<semaphore_mem>>)
        } else {
        }
        "tpu.region"() ({
          %run_scoped3A_74 = tpu.sem_alloc : memref<!tpu.dma_semaphore, #tpu.memory_space<semaphore_mem>>
          %dma_start3A_75 = arith.constant 0 : i32
          %dma_start3A_76 = tpu.memref_slice %arg8[%add3A_59, %dma_start3A_75] : memref<64x128xi32, #tpu.memory_space<vmem>> -> memref<1x128xi32, #tpu.memory_space<vmem>>
          %dma_start3A_77 = tpu.memref_squeeze %dma_start3A_76 : memref<1x128xi32, #tpu.memory_space<vmem>> -> memref<128xi32, #tpu.memory_space<vmem>>
          %dma_start3A_78 = arith.constant 0 : i32
          %dma_start3A_79 = arith.constant 0 : i32
          %dma_start3A_80 = tpu.memref_slice %arg11[%dma_start3A_78, %dma_start3A_79] : memref<10240x128xf32, #tpu.memory_space<vmem_shared>> -> memref<10240x128xf32, #tpu.memory_space<vmem_shared>>
          tpu.enqueue_indirect_dma source(%run_scoped3A_0 : memref<128x128xf32, #tpu.memory_space<vmem>>) target(%dma_start3A_80 : memref<10240x128xf32, #tpu.memory_space<vmem_shared>>) offsets(%dma_start3A_77 : memref<128xi32, #tpu.memory_space<vmem>>) semaphore(%run_scoped3A_74 : memref<!tpu.dma_semaphore, #tpu.memory_space<semaphore_mem>>) {add = true}
          %dma_wait3A_81 = arith.constant 0 : i32
          %dma_wait3A_82 = tpu.memref_slice %arg8[%add3A_59, %dma_wait3A_81] : memref<64x128xi32, #tpu.memory_space<vmem>> -> memref<1x128xi32, #tpu.memory_space<vmem>>
          %dma_wait3A_83 = tpu.memref_squeeze %dma_wait3A_82 : memref<1x128xi32, #tpu.memory_space<vmem>> -> memref<128xi32, #tpu.memory_space<vmem>>
          %dma_wait3A_84 = arith.constant 0 : i32
          %dma_wait3A_85 = arith.constant 0 : i32
          %dma_wait3A_86 = tpu.memref_slice %arg11[%dma_wait3A_84, %dma_wait3A_85] : memref<10240x128xf32, #tpu.memory_space<vmem_shared>> -> memref<10240x128xf32, #tpu.memory_space<vmem_shared>>
          tpu.wait_indirect_dma semaphore(%run_scoped3A_74 : memref<!tpu.dma_semaphore, #tpu.memory_space<semaphore_mem>>) src(%run_scoped3A_0 : memref<128x128xf32, #tpu.memory_space<vmem>>) dst(%dma_wait3A_86 : memref<10240x128xf32, #tpu.memory_space<vmem_shared>>)
          tpu.yield
        }) : () -> ()
        %scan3A_73 = arith.constant 0 : i32
        scf.yield %scan3A_73 : i32
      }
      %scan3A_39 = arith.constant 8 : i32
      %barrier3A_40 = arith.constant 0 : index
      tpu.barrier barrier_id(%barrier3A_40)
      "tpu.region"() ({
        %run_scoped3A_41 = tpu.sem_alloc : memref<!tpu.dma_semaphore, #tpu.memory_space<semaphore_mem>>
        %dma_start3A_42 = arith.constant 0 : i32
        %dma_start3A_43 = tpu.memref_slice %arg6[%arg0, %mul3A_3, %dma_start3A_42] : memref<2x10240x128xf32, #tpu.memory_space<hbm>> -> memref<1x640x128xf32, #tpu.memory_space<hbm>>
        %dma_start3A_44 = tpu.memref_squeeze %dma_start3A_43 : memref<1x640x128xf32, #tpu.memory_space<hbm>> -> memref<640x128xf32, #tpu.memory_space<hbm>>
        %dma_start3A_45 = arith.constant 0 : i32
        %dma_start3A_46 = tpu.memref_slice %arg11[%mul3A_3, %dma_start3A_45] : memref<10240x128xf32, #tpu.memory_space<vmem_shared>> -> memref<640x128xf32, #tpu.memory_space<vmem_shared>>
        tpu.enqueue_dma source(%dma_start3A_46 : memref<640x128xf32, #tpu.memory_space<vmem_shared>>) target(%dma_start3A_44 : memref<640x128xf32, #tpu.memory_space<hbm>>) target_semaphore(%run_scoped3A_41 : memref<!tpu.dma_semaphore, #tpu.memory_space<semaphore_mem>>)
        %dma_wait3A = arith.constant 0 : i32
        %dma_wait3A_47 = tpu.memref_slice %arg6[%arg0, %mul3A_3, %dma_wait3A] : memref<2x10240x128xf32, #tpu.memory_space<hbm>> -> memref<1x640x128xf32, #tpu.memory_space<hbm>>
        %dma_wait3A_48 = tpu.memref_squeeze %dma_wait3A_47 : memref<1x640x128xf32, #tpu.memory_space<hbm>> -> memref<640x128xf32, #tpu.memory_space<hbm>>
        %dma_wait3A_49 = arith.constant 0 : i32
        %dma_wait3A_50 = tpu.memref_slice %arg11[%mul3A_3, %dma_wait3A_49] : memref<10240x128xf32, #tpu.memory_space<vmem_shared>> -> memref<640x128xf32, #tpu.memory_space<vmem_shared>>
        tpu.wait_dma2 semaphore(%run_scoped3A_41 : memref<!tpu.dma_semaphore, #tpu.memory_space<semaphore_mem>>) src(%dma_wait3A_50 : memref<640x128xf32, #tpu.memory_space<vmem_shared>>) dst(%dma_wait3A_48 : memref<640x128xf32, #tpu.memory_space<hbm>>)
        tpu.yield
      }) : () -> ()
      tpu.yield
    }) : () -> ()
    return
  }
}

#map = affine_map<(d0, d1) -> (0, 0)>
#map1 = affine_map<(d0, d1) -> (0, 0, 0)>
module attributes {stable_mosaic.version = 14 : i64} {
  func.func @_sc_agg_body(%arg0: i32, %arg1: i32, %arg2: memref<10000x128xf32, #tpu.memory_space<hbm>>, %arg3: memref<2560x128xi32, #tpu.memory_space<hbm>>, %arg4: memref<2560x128xi32, #tpu.memory_space<hbm>>, %arg5: memref<10240x128xf32, #tpu.memory_space<hbm>>, %arg6: memref<2x10240x128xf32, #tpu.memory_space<hbm>>, %arg7: memref<64x128xi32, #tpu.memory_space<vmem>>, %arg8: memref<64x128xi32, #tpu.memory_space<vmem>>, %arg9: memref<!tpu.dma_semaphore, #tpu.memory_space<semaphore_mem>>, %arg10: memref<!tpu.dma_semaphore, #tpu.memory_space<semaphore_mem>>, %arg11: memref<10240x128xf32, #tpu.memory_space<vmem_shared>>) attributes {dimension_semantics = [#tpu.dimension_semantics<core_parallel>, #tpu.dimension_semantics<subcore_parallel>], iteration_bounds = array<i64: 2, 16>, scalar_prefetch = 0 : i64, scratch_operands = 5 : i64, tpu.core_type = #tpu.core_type<sc_vector_subcore>, window_params = [{transform_indices = #map}, {transform_indices = #map}, {transform_indices = #map}, {transform_indices = #map}, {transform_indices = #map1}]} {
    "tpu.region"() ({
      %run_scoped3A = memref.alloca() : memref<128x128xf32, #tpu.memory_space<vmem>>
      %run_scoped3A_0 = memref.alloca() : memref<128x128xf32, #tpu.memory_space<vmem>>
      %mul3A = arith.constant 2 : i32
      %mul3A_1 = arith.muli %arg1, %mul3A : i32
      %add3A = arith.addi %mul3A_1, %arg0 : i32
      %mul3A_2 = arith.constant 640 : i32
      %mul3A_3 = arith.muli %arg1, %mul3A_2 : i32
      %mul3A_4 = arith.constant 80 : i32
      %mul3A_5 = arith.muli %add3A, %mul3A_4 : i32
      "tpu.region"() ({
        %run_scoped3A_41 = tpu.sem_alloc : memref<!tpu.dma_semaphore, #tpu.memory_space<semaphore_mem>>
        %dma_start3A_42 = arith.constant 0 : i32
        %dma_start3A_43 = tpu.memref_slice %arg11[%mul3A_3, %dma_start3A_42] : memref<10240x128xf32, #tpu.memory_space<vmem_shared>> -> memref<640x128xf32, #tpu.memory_space<vmem_shared>>
        %dma_start3A_44 = arith.constant 0 : i32
        %dma_start3A_45 = tpu.memref_slice %arg5[%mul3A_3, %dma_start3A_44] : memref<10240x128xf32, #tpu.memory_space<hbm>> -> memref<640x128xf32, #tpu.memory_space<hbm>>
        tpu.enqueue_dma source(%dma_start3A_45 : memref<640x128xf32, #tpu.memory_space<hbm>>) target(%dma_start3A_43 : memref<640x128xf32, #tpu.memory_space<vmem_shared>>) target_semaphore(%run_scoped3A_41 : memref<!tpu.dma_semaphore, #tpu.memory_space<semaphore_mem>>)
        %dma_wait3A = arith.constant 0 : i32
        %dma_wait3A_46 = tpu.memref_slice %arg11[%mul3A_3, %dma_wait3A] : memref<10240x128xf32, #tpu.memory_space<vmem_shared>> -> memref<640x128xf32, #tpu.memory_space<vmem_shared>>
        %dma_wait3A_47 = arith.constant 0 : i32
        %dma_wait3A_48 = tpu.memref_slice %arg5[%mul3A_3, %dma_wait3A_47] : memref<10240x128xf32, #tpu.memory_space<hbm>> -> memref<640x128xf32, #tpu.memory_space<hbm>>
        tpu.wait_dma2 semaphore(%run_scoped3A_41 : memref<!tpu.dma_semaphore, #tpu.memory_space<semaphore_mem>>) src(%dma_wait3A_48 : memref<640x128xf32, #tpu.memory_space<hbm>>) dst(%dma_wait3A_46 : memref<640x128xf32, #tpu.memory_space<vmem_shared>>)
        tpu.yield
      }) : () -> ()
      %barrier3A = arith.constant 0 : index
      tpu.barrier barrier_id(%barrier3A)
      %add3A_6 = arith.constant 0 : i32
      %add3A_7 = arith.addi %mul3A_5, %add3A_6 : i32
      "tpu.region"() ({
        %run_scoped3A_41 = tpu.sem_alloc : memref<!tpu.dma_semaphore, #tpu.memory_space<semaphore_mem>>
        %dma_start3A_42 = arith.constant 0 : i32
        %dma_start3A_43 = arith.constant 0 : i32
        %dma_start3A_44 = tpu.memref_slice %arg7[%dma_start3A_42, %dma_start3A_43] : memref<64x128xi32, #tpu.memory_space<vmem>> -> memref<64x128xi32, #tpu.memory_space<vmem>>
        %dma_start3A_45 = arith.constant 0 : i32
        %dma_start3A_46 = tpu.memref_slice %arg3[%add3A_7, %dma_start3A_45] : memref<2560x128xi32, #tpu.memory_space<hbm>> -> memref<64x128xi32, #tpu.memory_space<hbm>>
        %dma_start3A_47 = arith.constant 0 : i32
        %dma_start3A_48 = arith.constant 0 : i32
        %dma_start3A_49 = tpu.memref_slice %arg7[%dma_start3A_47, %dma_start3A_48] : memref<64x128xi32, #tpu.memory_space<vmem>> -> memref<64x128xi32, #tpu.memory_space<vmem>>
        %dma_start3A_50 = arith.constant 0 : i32
        %dma_start3A_51 = tpu.memref_slice %arg3[%add3A_7, %dma_start3A_50] : memref<2560x128xi32, #tpu.memory_space<hbm>> -> memref<64x128xi32, #tpu.memory_space<hbm>>
        tpu.enqueue_dma source(%dma_start3A_51 : memref<64x128xi32, #tpu.memory_space<hbm>>) target(%dma_start3A_49 : memref<64x128xi32, #tpu.memory_space<vmem>>) target_semaphore(%run_scoped3A_41 : memref<!tpu.dma_semaphore, #tpu.memory_space<semaphore_mem>>)
        %dma_wait3A = arith.constant 0 : i32
        %dma_wait3A_52 = arith.constant 0 : i32
        %dma_wait3A_53 = tpu.memref_slice %arg7[%dma_wait3A, %dma_wait3A_52] : memref<64x128xi32, #tpu.memory_space<vmem>> -> memref<64x128xi32, #tpu.memory_space<vmem>>
        %dma_wait3A_54 = arith.constant 0 : i32
        %dma_wait3A_55 = tpu.memref_slice %arg3[%add3A_7, %dma_wait3A_54] : memref<2560x128xi32, #tpu.memory_space<hbm>> -> memref<64x128xi32, #tpu.memory_space<hbm>>
        %dma_wait3A_56 = arith.constant 0 : i32
        %dma_wait3A_57 = arith.constant 0 : i32
        %dma_wait3A_58 = tpu.memref_slice %arg7[%dma_wait3A_56, %dma_wait3A_57] : memref<64x128xi32, #tpu.memory_space<vmem>> -> memref<64x128xi32, #tpu.memory_space<vmem>>
        %dma_wait3A_59 = arith.constant 0 : i32
        %dma_wait3A_60 = tpu.memref_slice %arg3[%add3A_7, %dma_wait3A_59] : memref<2560x128xi32, #tpu.memory_space<hbm>> -> memref<64x128xi32, #tpu.memory_space<hbm>>
        tpu.wait_dma2 semaphore(%run_scoped3A_41 : memref<!tpu.dma_semaphore, #tpu.memory_space<semaphore_mem>>) src(%dma_wait3A_60 : memref<64x128xi32, #tpu.memory_space<hbm>>) dst(%dma_wait3A_58 : memref<64x128xi32, #tpu.memory_space<vmem>>)
        tpu.yield
      }) : () -> ()
      %add3A_8 = arith.constant 0 : i32
      %add3A_9 = arith.addi %mul3A_5, %add3A_8 : i32
      "tpu.region"() ({
        %run_scoped3A_41 = tpu.sem_alloc : memref<!tpu.dma_semaphore, #tpu.memory_space<semaphore_mem>>
        %dma_start3A_42 = arith.constant 0 : i32
        %dma_start3A_43 = arith.constant 0 : i32
        %dma_start3A_44 = tpu.memref_slice %arg8[%dma_start3A_42, %dma_start3A_43] : memref<64x128xi32, #tpu.memory_space<vmem>> -> memref<64x128xi32, #tpu.memory_space<vmem>>
        %dma_start3A_45 = arith.constant 0 : i32
        %dma_start3A_46 = tpu.memref_slice %arg4[%add3A_9, %dma_start3A_45] : memref<2560x128xi32, #tpu.memory_space<hbm>> -> memref<64x128xi32, #tpu.memory_space<hbm>>
        %dma_start3A_47 = arith.constant 0 : i32
        %dma_start3A_48 = arith.constant 0 : i32
        %dma_start3A_49 = tpu.memref_slice %arg8[%dma_start3A_47, %dma_start3A_48] : memref<64x128xi32, #tpu.memory_space<vmem>> -> memref<64x128xi32, #tpu.memory_space<vmem>>
        %dma_start3A_50 = arith.constant 0 : i32
        %dma_start3A_51 = tpu.memref_slice %arg4[%add3A_9, %dma_start3A_50] : memref<2560x128xi32, #tpu.memory_space<hbm>> -> memref<64x128xi32, #tpu.memory_space<hbm>>
        tpu.enqueue_dma source(%dma_start3A_51 : memref<64x128xi32, #tpu.memory_space<hbm>>) target(%dma_start3A_49 : memref<64x128xi32, #tpu.memory_space<vmem>>) target_semaphore(%run_scoped3A_41 : memref<!tpu.dma_semaphore, #tpu.memory_space<semaphore_mem>>)
        %dma_wait3A = arith.constant 0 : i32
        %dma_wait3A_52 = arith.constant 0 : i32
        %dma_wait3A_53 = tpu.memref_slice %arg8[%dma_wait3A, %dma_wait3A_52] : memref<64x128xi32, #tpu.memory_space<vmem>> -> memref<64x128xi32, #tpu.memory_space<vmem>>
        %dma_wait3A_54 = arith.constant 0 : i32
        %dma_wait3A_55 = tpu.memref_slice %arg4[%add3A_9, %dma_wait3A_54] : memref<2560x128xi32, #tpu.memory_space<hbm>> -> memref<64x128xi32, #tpu.memory_space<hbm>>
        %dma_wait3A_56 = arith.constant 0 : i32
        %dma_wait3A_57 = arith.constant 0 : i32
        %dma_wait3A_58 = tpu.memref_slice %arg8[%dma_wait3A_56, %dma_wait3A_57] : memref<64x128xi32, #tpu.memory_space<vmem>> -> memref<64x128xi32, #tpu.memory_space<vmem>>
        %dma_wait3A_59 = arith.constant 0 : i32
        %dma_wait3A_60 = tpu.memref_slice %arg4[%add3A_9, %dma_wait3A_59] : memref<2560x128xi32, #tpu.memory_space<hbm>> -> memref<64x128xi32, #tpu.memory_space<hbm>>
        tpu.wait_dma2 semaphore(%run_scoped3A_41 : memref<!tpu.dma_semaphore, #tpu.memory_space<semaphore_mem>>) src(%dma_wait3A_60 : memref<64x128xi32, #tpu.memory_space<hbm>>) dst(%dma_wait3A_58 : memref<64x128xi32, #tpu.memory_space<vmem>>)
        tpu.yield
      }) : () -> ()
      %dma_start3A = arith.constant 0 : i32
      %dma_start3A_10 = arith.constant 0 : i32
      %dma_start3A_11 = tpu.memref_slice %arg7[%dma_start3A, %dma_start3A_10] : memref<64x128xi32, #tpu.memory_space<vmem>> -> memref<1x128xi32, #tpu.memory_space<vmem>>
      %dma_start3A_12 = tpu.memref_squeeze %dma_start3A_11 : memref<1x128xi32, #tpu.memory_space<vmem>> -> memref<128xi32, #tpu.memory_space<vmem>>
      %dma_start3A_13 = arith.constant 0 : i32
      %dma_start3A_14 = arith.constant 0 : i32
      %dma_start3A_15 = tpu.memref_slice %arg2[%dma_start3A_13, %dma_start3A_14] : memref<10000x128xf32, #tpu.memory_space<hbm>> -> memref<10000x128xf32, #tpu.memory_space<hbm>>
      tpu.enqueue_indirect_dma source(%dma_start3A_15 : memref<10000x128xf32, #tpu.memory_space<hbm>>) target(%run_scoped3A : memref<128x128xf32, #tpu.memory_space<vmem>>) offsets(%dma_start3A_12 : memref<128xi32, #tpu.memory_space<vmem>>) semaphore(%arg9 : memref<!tpu.dma_semaphore, #tpu.memory_space<semaphore_mem>>)
      %scan3A = arith.constant 0 : i32
      %scan3A_16 = arith.constant 0 : i32
      %scan3A_17 = arith.constant 32 : i32
      %scan3A_18 = arith.addi %scan3A_16, %scan3A_17 : i32
      %scan3A_19 = arith.constant 1 : i32
      %scan3A_20 = scf.for %scan3A_41 = %scan3A_16 to %scan3A_18 step %scan3A_19 iter_args(%scan3A_42 = %scan3A) -> (i32)  : i32 {
        %mul3A_43 = arith.constant 2 : i32
        %mul3A_44 = arith.muli %scan3A_41, %mul3A_43 : i32
        %add3A_45 = arith.constant 0 : i32
        %add3A_46 = arith.addi %mul3A_44, %add3A_45 : i32
        %dma_wait3A = arith.constant 0 : i32
        %dma_wait3A_47 = tpu.memref_slice %arg7[%add3A_46, %dma_wait3A] : memref<64x128xi32, #tpu.memory_space<vmem>> -> memref<1x128xi32, #tpu.memory_space<vmem>>
        %dma_wait3A_48 = tpu.memref_squeeze %dma_wait3A_47 : memref<1x128xi32, #tpu.memory_space<vmem>> -> memref<128xi32, #tpu.memory_space<vmem>>
        %dma_wait3A_49 = arith.constant 0 : i32
        %dma_wait3A_50 = arith.constant 0 : i32
        %dma_wait3A_51 = tpu.memref_slice %arg2[%dma_wait3A_49, %dma_wait3A_50] : memref<10000x128xf32, #tpu.memory_space<hbm>> -> memref<10000x128xf32, #tpu.memory_space<hbm>>
        tpu.wait_indirect_dma semaphore(%arg9 : memref<!tpu.dma_semaphore, #tpu.memory_space<semaphore_mem>>) src(%dma_wait3A_51 : memref<10000x128xf32, #tpu.memory_space<hbm>>) dst(%run_scoped3A : memref<128x128xf32, #tpu.memory_space<vmem>>)
        %add3A_52 = arith.constant 1 : i32
        %add3A_53 = arith.addi %add3A_46, %add3A_52 : i32
        %lt3A = arith.constant 64 : i32
        %lt3A_54 = arith.cmpi slt, %add3A_53, %lt3A : i32
        %convert_element_type3A = arith.extui %lt3A_54 : i1 to i32
        %cond3A = arith.constant 0 : i32
        %cond3A_55 = arith.cmpi ne, %convert_element_type3A, %cond3A : i32
        scf.if %cond3A_55 {
          %add3A_74 = arith.constant 1 : i32
          %add3A_75 = arith.addi %add3A_46, %add3A_74 : i32
          %dma_start3A_76 = arith.constant 0 : i32
          %dma_start3A_77 = tpu.memref_slice %arg7[%add3A_75, %dma_start3A_76] : memref<64x128xi32, #tpu.memory_space<vmem>> -> memref<1x128xi32, #tpu.memory_space<vmem>>
          %dma_start3A_78 = tpu.memref_squeeze %dma_start3A_77 : memref<1x128xi32, #tpu.memory_space<vmem>> -> memref<128xi32, #tpu.memory_space<vmem>>
          %dma_start3A_79 = arith.constant 0 : i32
          %dma_start3A_80 = arith.constant 0 : i32
          %dma_start3A_81 = tpu.memref_slice %arg2[%dma_start3A_79, %dma_start3A_80] : memref<10000x128xf32, #tpu.memory_space<hbm>> -> memref<10000x128xf32, #tpu.memory_space<hbm>>
          tpu.enqueue_indirect_dma source(%dma_start3A_81 : memref<10000x128xf32, #tpu.memory_space<hbm>>) target(%run_scoped3A_0 : memref<128x128xf32, #tpu.memory_space<vmem>>) offsets(%dma_start3A_78 : memref<128xi32, #tpu.memory_space<vmem>>) semaphore(%arg10 : memref<!tpu.dma_semaphore, #tpu.memory_space<semaphore_mem>>)
        } else {
        }
        "tpu.region"() ({
          %run_scoped3A_74 = tpu.sem_alloc : memref<!tpu.dma_semaphore, #tpu.memory_space<semaphore_mem>>
          %dma_start3A_75 = arith.constant 0 : i32
          %dma_start3A_76 = tpu.memref_slice %arg8[%add3A_46, %dma_start3A_75] : memref<64x128xi32, #tpu.memory_space<vmem>> -> memref<1x128xi32, #tpu.memory_space<vmem>>
          %dma_start3A_77 = tpu.memref_squeeze %dma_start3A_76 : memref<1x128xi32, #tpu.memory_space<vmem>> -> memref<128xi32, #tpu.memory_space<vmem>>
          %dma_start3A_78 = arith.constant 0 : i32
          %dma_start3A_79 = arith.constant 0 : i32
          %dma_start3A_80 = tpu.memref_slice %arg11[%dma_start3A_78, %dma_start3A_79] : memref<10240x128xf32, #tpu.memory_space<vmem_shared>> -> memref<10240x128xf32, #tpu.memory_space<vmem_shared>>
          tpu.enqueue_indirect_dma source(%run_scoped3A : memref<128x128xf32, #tpu.memory_space<vmem>>) target(%dma_start3A_80 : memref<10240x128xf32, #tpu.memory_space<vmem_shared>>) offsets(%dma_start3A_77 : memref<128xi32, #tpu.memory_space<vmem>>) semaphore(%run_scoped3A_74 : memref<!tpu.dma_semaphore, #tpu.memory_space<semaphore_mem>>) {add = true}
          %dma_wait3A_81 = arith.constant 0 : i32
          %dma_wait3A_82 = tpu.memref_slice %arg8[%add3A_46, %dma_wait3A_81] : memref<64x128xi32, #tpu.memory_space<vmem>> -> memref<1x128xi32, #tpu.memory_space<vmem>>
          %dma_wait3A_83 = tpu.memref_squeeze %dma_wait3A_82 : memref<1x128xi32, #tpu.memory_space<vmem>> -> memref<128xi32, #tpu.memory_space<vmem>>
          %dma_wait3A_84 = arith.constant 0 : i32
          %dma_wait3A_85 = arith.constant 0 : i32
          %dma_wait3A_86 = tpu.memref_slice %arg11[%dma_wait3A_84, %dma_wait3A_85] : memref<10240x128xf32, #tpu.memory_space<vmem_shared>> -> memref<10240x128xf32, #tpu.memory_space<vmem_shared>>
          tpu.wait_indirect_dma semaphore(%run_scoped3A_74 : memref<!tpu.dma_semaphore, #tpu.memory_space<semaphore_mem>>) src(%run_scoped3A : memref<128x128xf32, #tpu.memory_space<vmem>>) dst(%dma_wait3A_86 : memref<10240x128xf32, #tpu.memory_space<vmem_shared>>)
          tpu.yield
        }) : () -> ()
        %mul3A_56 = arith.constant 2 : i32
        %mul3A_57 = arith.muli %scan3A_41, %mul3A_56 : i32
        %add3A_58 = arith.constant 1 : i32
        %add3A_59 = arith.addi %mul3A_57, %add3A_58 : i32
        %dma_wait3A_60 = arith.constant 0 : i32
        %dma_wait3A_61 = tpu.memref_slice %arg7[%add3A_59, %dma_wait3A_60] : memref<64x128xi32, #tpu.memory_space<vmem>> -> memref<1x128xi32, #tpu.memory_space<vmem>>
        %dma_wait3A_62 = tpu.memref_squeeze %dma_wait3A_61 : memref<1x128xi32, #tpu.memory_space<vmem>> -> memref<128xi32, #tpu.memory_space<vmem>>
        %dma_wait3A_63 = arith.constant 0 : i32
        %dma_wait3A_64 = arith.constant 0 : i32
        %dma_wait3A_65 = tpu.memref_slice %arg2[%dma_wait3A_63, %dma_wait3A_64] : memref<10000x128xf32, #tpu.memory_space<hbm>> -> memref<10000x128xf32, #tpu.memory_space<hbm>>
        tpu.wait_indirect_dma semaphore(%arg10 : memref<!tpu.dma_semaphore, #tpu.memory_space<semaphore_mem>>) src(%dma_wait3A_65 : memref<10000x128xf32, #tpu.memory_space<hbm>>) dst(%run_scoped3A_0 : memref<128x128xf32, #tpu.memory_space<vmem>>)
        %add3A_66 = arith.constant 1 : i32
        %add3A_67 = arith.addi %add3A_59, %add3A_66 : i32
        %lt3A_68 = arith.constant 64 : i32
        %lt3A_69 = arith.cmpi slt, %add3A_67, %lt3A_68 : i32
        %convert_element_type3A_70 = arith.extui %lt3A_69 : i1 to i32
        %cond3A_71 = arith.constant 0 : i32
        %cond3A_72 = arith.cmpi ne, %convert_element_type3A_70, %cond3A_71 : i32
        scf.if %cond3A_72 {
          %add3A_74 = arith.constant 1 : i32
          %add3A_75 = arith.addi %add3A_59, %add3A_74 : i32
          %dma_start3A_76 = arith.constant 0 : i32
          %dma_start3A_77 = tpu.memref_slice %arg7[%add3A_75, %dma_start3A_76] : memref<64x128xi32, #tpu.memory_space<vmem>> -> memref<1x128xi32, #tpu.memory_space<vmem>>
          %dma_start3A_78 = tpu.memref_squeeze %dma_start3A_77 : memref<1x128xi32, #tpu.memory_space<vmem>> -> memref<128xi32, #tpu.memory_space<vmem>>
          %dma_start3A_79 = arith.constant 0 : i32
          %dma_start3A_80 = arith.constant 0 : i32
          %dma_start3A_81 = tpu.memref_slice %arg2[%dma_start3A_79, %dma_start3A_80] : memref<10000x128xf32, #tpu.memory_space<hbm>> -> memref<10000x128xf32, #tpu.memory_space<hbm>>
          tpu.enqueue_indirect_dma source(%dma_start3A_81 : memref<10000x128xf32, #tpu.memory_space<hbm>>) target(%run_scoped3A : memref<128x128xf32, #tpu.memory_space<vmem>>) offsets(%dma_start3A_78 : memref<128xi32, #tpu.memory_space<vmem>>) semaphore(%arg9 : memref<!tpu.dma_semaphore, #tpu.memory_space<semaphore_mem>>)
        } else {
        }
        "tpu.region"() ({
          %run_scoped3A_74 = tpu.sem_alloc : memref<!tpu.dma_semaphore, #tpu.memory_space<semaphore_mem>>
          %dma_start3A_75 = arith.constant 0 : i32
          %dma_start3A_76 = tpu.memref_slice %arg8[%add3A_59, %dma_start3A_75] : memref<64x128xi32, #tpu.memory_space<vmem>> -> memref<1x128xi32, #tpu.memory_space<vmem>>
          %dma_start3A_77 = tpu.memref_squeeze %dma_start3A_76 : memref<1x128xi32, #tpu.memory_space<vmem>> -> memref<128xi32, #tpu.memory_space<vmem>>
          %dma_start3A_78 = arith.constant 0 : i32
          %dma_start3A_79 = arith.constant 0 : i32
          %dma_start3A_80 = tpu.memref_slice %arg11[%dma_start3A_78, %dma_start3A_79] : memref<10240x128xf32, #tpu.memory_space<vmem_shared>> -> memref<10240x128xf32, #tpu.memory_space<vmem_shared>>
          tpu.enqueue_indirect_dma source(%run_scoped3A_0 : memref<128x128xf32, #tpu.memory_space<vmem>>) target(%dma_start3A_80 : memref<10240x128xf32, #tpu.memory_space<vmem_shared>>) offsets(%dma_start3A_77 : memref<128xi32, #tpu.memory_space<vmem>>) semaphore(%run_scoped3A_74 : memref<!tpu.dma_semaphore, #tpu.memory_space<semaphore_mem>>) {add = true}
          %dma_wait3A_81 = arith.constant 0 : i32
          %dma_wait3A_82 = tpu.memref_slice %arg8[%add3A_59, %dma_wait3A_81] : memref<64x128xi32, #tpu.memory_space<vmem>> -> memref<1x128xi32, #tpu.memory_space<vmem>>
          %dma_wait3A_83 = tpu.memref_squeeze %dma_wait3A_82 : memref<1x128xi32, #tpu.memory_space<vmem>> -> memref<128xi32, #tpu.memory_space<vmem>>
          %dma_wait3A_84 = arith.constant 0 : i32
          %dma_wait3A_85 = arith.constant 0 : i32
          %dma_wait3A_86 = tpu.memref_slice %arg11[%dma_wait3A_84, %dma_wait3A_85] : memref<10240x128xf32, #tpu.memory_space<vmem_shared>> -> memref<10240x128xf32, #tpu.memory_space<vmem_shared>>
          tpu.wait_indirect_dma semaphore(%run_scoped3A_74 : memref<!tpu.dma_semaphore, #tpu.memory_space<semaphore_mem>>) src(%run_scoped3A_0 : memref<128x128xf32, #tpu.memory_space<vmem>>) dst(%dma_wait3A_86 : memref<10240x128xf32, #tpu.memory_space<vmem_shared>>)
          tpu.yield
        }) : () -> ()
        %scan3A_73 = arith.constant 0 : i32
        scf.yield %scan3A_73 : i32
      }
      %scan3A_21 = arith.constant 32 : i32
      %add3A_22 = arith.constant 64 : i32
      %add3A_23 = arith.addi %mul3A_5, %add3A_22 : i32
      "tpu.region"() ({
        %run_scoped3A_41 = tpu.sem_alloc : memref<!tpu.dma_semaphore, #tpu.memory_space<semaphore_mem>>
        %dma_start3A_42 = arith.constant 0 : i32
        %dma_start3A_43 = arith.constant 0 : i32
        %dma_start3A_44 = tpu.memref_slice %arg7[%dma_start3A_42, %dma_start3A_43] : memref<64x128xi32, #tpu.memory_space<vmem>> -> memref<16x128xi32, #tpu.memory_space<vmem>>
        %dma_start3A_45 = arith.constant 0 : i32
        %dma_start3A_46 = tpu.memref_slice %arg3[%add3A_23, %dma_start3A_45] : memref<2560x128xi32, #tpu.memory_space<hbm>> -> memref<16x128xi32, #tpu.memory_space<hbm>>
        %dma_start3A_47 = arith.constant 0 : i32
        %dma_start3A_48 = arith.constant 0 : i32
        %dma_start3A_49 = tpu.memref_slice %arg7[%dma_start3A_47, %dma_start3A_48] : memref<64x128xi32, #tpu.memory_space<vmem>> -> memref<16x128xi32, #tpu.memory_space<vmem>>
        %dma_start3A_50 = arith.constant 0 : i32
        %dma_start3A_51 = tpu.memref_slice %arg3[%add3A_23, %dma_start3A_50] : memref<2560x128xi32, #tpu.memory_space<hbm>> -> memref<16x128xi32, #tpu.memory_space<hbm>>
        tpu.enqueue_dma source(%dma_start3A_51 : memref<16x128xi32, #tpu.memory_space<hbm>>) target(%dma_start3A_49 : memref<16x128xi32, #tpu.memory_space<vmem>>) target_semaphore(%run_scoped3A_41 : memref<!tpu.dma_semaphore, #tpu.memory_space<semaphore_mem>>)
        %dma_wait3A = arith.constant 0 : i32
        %dma_wait3A_52 = arith.constant 0 : i32
        %dma_wait3A_53 = tpu.memref_slice %arg7[%dma_wait3A, %dma_wait3A_52] : memref<64x128xi32, #tpu.memory_space<vmem>> -> memref<16x128xi32, #tpu.memory_space<vmem>>
        %dma_wait3A_54 = arith.constant 0 : i32
        %dma_wait3A_55 = tpu.memref_slice %arg3[%add3A_23, %dma_wait3A_54] : memref<2560x128xi32, #tpu.memory_space<hbm>> -> memref<16x128xi32, #tpu.memory_space<hbm>>
        %dma_wait3A_56 = arith.constant 0 : i32
        %dma_wait3A_57 = arith.constant 0 : i32
        %dma_wait3A_58 = tpu.memref_slice %arg7[%dma_wait3A_56, %dma_wait3A_57] : memref<64x128xi32, #tpu.memory_space<vmem>> -> memref<16x128xi32, #tpu.memory_space<vmem>>
        %dma_wait3A_59 = arith.constant 0 : i32
        %dma_wait3A_60 = tpu.memref_slice %arg3[%add3A_23, %dma_wait3A_59] : memref<2560x128xi32, #tpu.memory_space<hbm>> -> memref<16x128xi32, #tpu.memory_space<hbm>>
        tpu.wait_dma2 semaphore(%run_scoped3A_41 : memref<!tpu.dma_semaphore, #tpu.memory_space<semaphore_mem>>) src(%dma_wait3A_60 : memref<16x128xi32, #tpu.memory_space<hbm>>) dst(%dma_wait3A_58 : memref<16x128xi32, #tpu.memory_space<vmem>>)
        tpu.yield
      }) : () -> ()
      %add3A_24 = arith.constant 64 : i32
      %add3A_25 = arith.addi %mul3A_5, %add3A_24 : i32
      "tpu.region"() ({
        %run_scoped3A_41 = tpu.sem_alloc : memref<!tpu.dma_semaphore, #tpu.memory_space<semaphore_mem>>
        %dma_start3A_42 = arith.constant 0 : i32
        %dma_start3A_43 = arith.constant 0 : i32
        %dma_start3A_44 = tpu.memref_slice %arg8[%dma_start3A_42, %dma_start3A_43] : memref<64x128xi32, #tpu.memory_space<vmem>> -> memref<16x128xi32, #tpu.memory_space<vmem>>
        %dma_start3A_45 = arith.constant 0 : i32
        %dma_start3A_46 = tpu.memref_slice %arg4[%add3A_25, %dma_start3A_45] : memref<2560x128xi32, #tpu.memory_space<hbm>> -> memref<16x128xi32, #tpu.memory_space<hbm>>
        %dma_start3A_47 = arith.constant 0 : i32
        %dma_start3A_48 = arith.constant 0 : i32
        %dma_start3A_49 = tpu.memref_slice %arg8[%dma_start3A_47, %dma_start3A_48] : memref<64x128xi32, #tpu.memory_space<vmem>> -> memref<16x128xi32, #tpu.memory_space<vmem>>
        %dma_start3A_50 = arith.constant 0 : i32
        %dma_start3A_51 = tpu.memref_slice %arg4[%add3A_25, %dma_start3A_50] : memref<2560x128xi32, #tpu.memory_space<hbm>> -> memref<16x128xi32, #tpu.memory_space<hbm>>
        tpu.enqueue_dma source(%dma_start3A_51 : memref<16x128xi32, #tpu.memory_space<hbm>>) target(%dma_start3A_49 : memref<16x128xi32, #tpu.memory_space<vmem>>) target_semaphore(%run_scoped3A_41 : memref<!tpu.dma_semaphore, #tpu.memory_space<semaphore_mem>>)
        %dma_wait3A = arith.constant 0 : i32
        %dma_wait3A_52 = arith.constant 0 : i32
        %dma_wait3A_53 = tpu.memref_slice %arg8[%dma_wait3A, %dma_wait3A_52] : memref<64x128xi32, #tpu.memory_space<vmem>> -> memref<16x128xi32, #tpu.memory_space<vmem>>
        %dma_wait3A_54 = arith.constant 0 : i32
        %dma_wait3A_55 = tpu.memref_slice %arg4[%add3A_25, %dma_wait3A_54] : memref<2560x128xi32, #tpu.memory_space<hbm>> -> memref<16x128xi32, #tpu.memory_space<hbm>>
        %dma_wait3A_56 = arith.constant 0 : i32
        %dma_wait3A_57 = arith.constant 0 : i32
        %dma_wait3A_58 = tpu.memref_slice %arg8[%dma_wait3A_56, %dma_wait3A_57] : memref<64x128xi32, #tpu.memory_space<vmem>> -> memref<16x128xi32, #tpu.memory_space<vmem>>
        %dma_wait3A_59 = arith.constant 0 : i32
        %dma_wait3A_60 = tpu.memref_slice %arg4[%add3A_25, %dma_wait3A_59] : memref<2560x128xi32, #tpu.memory_space<hbm>> -> memref<16x128xi32, #tpu.memory_space<hbm>>
        tpu.wait_dma2 semaphore(%run_scoped3A_41 : memref<!tpu.dma_semaphore, #tpu.memory_space<semaphore_mem>>) src(%dma_wait3A_60 : memref<16x128xi32, #tpu.memory_space<hbm>>) dst(%dma_wait3A_58 : memref<16x128xi32, #tpu.memory_space<vmem>>)
        tpu.yield
      }) : () -> ()
      %dma_start3A_26 = arith.constant 0 : i32
      %dma_start3A_27 = arith.constant 0 : i32
      %dma_start3A_28 = tpu.memref_slice %arg7[%dma_start3A_26, %dma_start3A_27] : memref<64x128xi32, #tpu.memory_space<vmem>> -> memref<1x128xi32, #tpu.memory_space<vmem>>
      %dma_start3A_29 = tpu.memref_squeeze %dma_start3A_28 : memref<1x128xi32, #tpu.memory_space<vmem>> -> memref<128xi32, #tpu.memory_space<vmem>>
      %dma_start3A_30 = arith.constant 0 : i32
      %dma_start3A_31 = arith.constant 0 : i32
      %dma_start3A_32 = tpu.memref_slice %arg2[%dma_start3A_30, %dma_start3A_31] : memref<10000x128xf32, #tpu.memory_space<hbm>> -> memref<10000x128xf32, #tpu.memory_space<hbm>>
      tpu.enqueue_indirect_dma source(%dma_start3A_32 : memref<10000x128xf32, #tpu.memory_space<hbm>>) target(%run_scoped3A : memref<128x128xf32, #tpu.memory_space<vmem>>) offsets(%dma_start3A_29 : memref<128xi32, #tpu.memory_space<vmem>>) semaphore(%arg9 : memref<!tpu.dma_semaphore, #tpu.memory_space<semaphore_mem>>)
      %scan3A_33 = arith.constant 0 : i32
      %scan3A_34 = arith.constant 0 : i32
      %scan3A_35 = arith.constant 8 : i32
      %scan3A_36 = arith.addi %scan3A_34, %scan3A_35 : i32
      %scan3A_37 = arith.constant 1 : i32
      %scan3A_38 = scf.for %scan3A_41 = %scan3A_34 to %scan3A_36 step %scan3A_37 iter_args(%scan3A_42 = %scan3A_33) -> (i32)  : i32 {
        %mul3A_43 = arith.constant 2 : i32
        %mul3A_44 = arith.muli %scan3A_41, %mul3A_43 : i32
        %add3A_45 = arith.constant 0 : i32
        %add3A_46 = arith.addi %mul3A_44, %add3A_45 : i32
        %dma_wait3A = arith.constant 0 : i32
        %dma_wait3A_47 = tpu.memref_slice %arg7[%add3A_46, %dma_wait3A] : memref<64x128xi32, #tpu.memory_space<vmem>> -> memref<1x128xi32, #tpu.memory_space<vmem>>
        %dma_wait3A_48 = tpu.memref_squeeze %dma_wait3A_47 : memref<1x128xi32, #tpu.memory_space<vmem>> -> memref<128xi32, #tpu.memory_space<vmem>>
        %dma_wait3A_49 = arith.constant 0 : i32
        %dma_wait3A_50 = arith.constant 0 : i32
        %dma_wait3A_51 = tpu.memref_slice %arg2[%dma_wait3A_49, %dma_wait3A_50] : memref<10000x128xf32, #tpu.memory_space<hbm>> -> memref<10000x128xf32, #tpu.memory_space<hbm>>
        tpu.wait_indirect_dma semaphore(%arg9 : memref<!tpu.dma_semaphore, #tpu.memory_space<semaphore_mem>>) src(%dma_wait3A_51 : memref<10000x128xf32, #tpu.memory_space<hbm>>) dst(%run_scoped3A : memref<128x128xf32, #tpu.memory_space<vmem>>)
        %add3A_52 = arith.constant 1 : i32
        %add3A_53 = arith.addi %add3A_46, %add3A_52 : i32
        %lt3A = arith.constant 16 : i32
        %lt3A_54 = arith.cmpi slt, %add3A_53, %lt3A : i32
        %convert_element_type3A = arith.extui %lt3A_54 : i1 to i32
        %cond3A = arith.constant 0 : i32
        %cond3A_55 = arith.cmpi ne, %convert_element_type3A, %cond3A : i32
        scf.if %cond3A_55 {
          %add3A_74 = arith.constant 1 : i32
          %add3A_75 = arith.addi %add3A_46, %add3A_74 : i32
          %dma_start3A_76 = arith.constant 0 : i32
          %dma_start3A_77 = tpu.memref_slice %arg7[%add3A_75, %dma_start3A_76] : memref<64x128xi32, #tpu.memory_space<vmem>> -> memref<1x128xi32, #tpu.memory_space<vmem>>
          %dma_start3A_78 = tpu.memref_squeeze %dma_start3A_77 : memref<1x128xi32, #tpu.memory_space<vmem>> -> memref<128xi32, #tpu.memory_space<vmem>>
          %dma_start3A_79 = arith.constant 0 : i32
          %dma_start3A_80 = arith.constant 0 : i32
          %dma_start3A_81 = tpu.memref_slice %arg2[%dma_start3A_79, %dma_start3A_80] : memref<10000x128xf32, #tpu.memory_space<hbm>> -> memref<10000x128xf32, #tpu.memory_space<hbm>>
          tpu.enqueue_indirect_dma source(%dma_start3A_81 : memref<10000x128xf32, #tpu.memory_space<hbm>>) target(%run_scoped3A_0 : memref<128x128xf32, #tpu.memory_space<vmem>>) offsets(%dma_start3A_78 : memref<128xi32, #tpu.memory_space<vmem>>) semaphore(%arg10 : memref<!tpu.dma_semaphore, #tpu.memory_space<semaphore_mem>>)
        } else {
        }
        "tpu.region"() ({
          %run_scoped3A_74 = tpu.sem_alloc : memref<!tpu.dma_semaphore, #tpu.memory_space<semaphore_mem>>
          %dma_start3A_75 = arith.constant 0 : i32
          %dma_start3A_76 = tpu.memref_slice %arg8[%add3A_46, %dma_start3A_75] : memref<64x128xi32, #tpu.memory_space<vmem>> -> memref<1x128xi32, #tpu.memory_space<vmem>>
          %dma_start3A_77 = tpu.memref_squeeze %dma_start3A_76 : memref<1x128xi32, #tpu.memory_space<vmem>> -> memref<128xi32, #tpu.memory_space<vmem>>
          %dma_start3A_78 = arith.constant 0 : i32
          %dma_start3A_79 = arith.constant 0 : i32
          %dma_start3A_80 = tpu.memref_slice %arg11[%dma_start3A_78, %dma_start3A_79] : memref<10240x128xf32, #tpu.memory_space<vmem_shared>> -> memref<10240x128xf32, #tpu.memory_space<vmem_shared>>
          tpu.enqueue_indirect_dma source(%run_scoped3A : memref<128x128xf32, #tpu.memory_space<vmem>>) target(%dma_start3A_80 : memref<10240x128xf32, #tpu.memory_space<vmem_shared>>) offsets(%dma_start3A_77 : memref<128xi32, #tpu.memory_space<vmem>>) semaphore(%run_scoped3A_74 : memref<!tpu.dma_semaphore, #tpu.memory_space<semaphore_mem>>) {add = true}
          %dma_wait3A_81 = arith.constant 0 : i32
          %dma_wait3A_82 = tpu.memref_slice %arg8[%add3A_46, %dma_wait3A_81] : memref<64x128xi32, #tpu.memory_space<vmem>> -> memref<1x128xi32, #tpu.memory_space<vmem>>
          %dma_wait3A_83 = tpu.memref_squeeze %dma_wait3A_82 : memref<1x128xi32, #tpu.memory_space<vmem>> -> memref<128xi32, #tpu.memory_space<vmem>>
          %dma_wait3A_84 = arith.constant 0 : i32
          %dma_wait3A_85 = arith.constant 0 : i32
          %dma_wait3A_86 = tpu.memref_slice %arg11[%dma_wait3A_84, %dma_wait3A_85] : memref<10240x128xf32, #tpu.memory_space<vmem_shared>> -> memref<10240x128xf32, #tpu.memory_space<vmem_shared>>
          tpu.wait_indirect_dma semaphore(%run_scoped3A_74 : memref<!tpu.dma_semaphore, #tpu.memory_space<semaphore_mem>>) src(%run_scoped3A : memref<128x128xf32, #tpu.memory_space<vmem>>) dst(%dma_wait3A_86 : memref<10240x128xf32, #tpu.memory_space<vmem_shared>>)
          tpu.yield
        }) : () -> ()
        %mul3A_56 = arith.constant 2 : i32
        %mul3A_57 = arith.muli %scan3A_41, %mul3A_56 : i32
        %add3A_58 = arith.constant 1 : i32
        %add3A_59 = arith.addi %mul3A_57, %add3A_58 : i32
        %dma_wait3A_60 = arith.constant 0 : i32
        %dma_wait3A_61 = tpu.memref_slice %arg7[%add3A_59, %dma_wait3A_60] : memref<64x128xi32, #tpu.memory_space<vmem>> -> memref<1x128xi32, #tpu.memory_space<vmem>>
        %dma_wait3A_62 = tpu.memref_squeeze %dma_wait3A_61 : memref<1x128xi32, #tpu.memory_space<vmem>> -> memref<128xi32, #tpu.memory_space<vmem>>
        %dma_wait3A_63 = arith.constant 0 : i32
        %dma_wait3A_64 = arith.constant 0 : i32
        %dma_wait3A_65 = tpu.memref_slice %arg2[%dma_wait3A_63, %dma_wait3A_64] : memref<10000x128xf32, #tpu.memory_space<hbm>> -> memref<10000x128xf32, #tpu.memory_space<hbm>>
        tpu.wait_indirect_dma semaphore(%arg10 : memref<!tpu.dma_semaphore, #tpu.memory_space<semaphore_mem>>) src(%dma_wait3A_65 : memref<10000x128xf32, #tpu.memory_space<hbm>>) dst(%run_scoped3A_0 : memref<128x128xf32, #tpu.memory_space<vmem>>)
        %add3A_66 = arith.constant 1 : i32
        %add3A_67 = arith.addi %add3A_59, %add3A_66 : i32
        %lt3A_68 = arith.constant 16 : i32
        %lt3A_69 = arith.cmpi slt, %add3A_67, %lt3A_68 : i32
        %convert_element_type3A_70 = arith.extui %lt3A_69 : i1 to i32
        %cond3A_71 = arith.constant 0 : i32
        %cond3A_72 = arith.cmpi ne, %convert_element_type3A_70, %cond3A_71 : i32
        scf.if %cond3A_72 {
          %add3A_74 = arith.constant 1 : i32
          %add3A_75 = arith.addi %add3A_59, %add3A_74 : i32
          %dma_start3A_76 = arith.constant 0 : i32
          %dma_start3A_77 = tpu.memref_slice %arg7[%add3A_75, %dma_start3A_76] : memref<64x128xi32, #tpu.memory_space<vmem>> -> memref<1x128xi32, #tpu.memory_space<vmem>>
          %dma_start3A_78 = tpu.memref_squeeze %dma_start3A_77 : memref<1x128xi32, #tpu.memory_space<vmem>> -> memref<128xi32, #tpu.memory_space<vmem>>
          %dma_start3A_79 = arith.constant 0 : i32
          %dma_start3A_80 = arith.constant 0 : i32
          %dma_start3A_81 = tpu.memref_slice %arg2[%dma_start3A_79, %dma_start3A_80] : memref<10000x128xf32, #tpu.memory_space<hbm>> -> memref<10000x128xf32, #tpu.memory_space<hbm>>
          tpu.enqueue_indirect_dma source(%dma_start3A_81 : memref<10000x128xf32, #tpu.memory_space<hbm>>) target(%run_scoped3A : memref<128x128xf32, #tpu.memory_space<vmem>>) offsets(%dma_start3A_78 : memref<128xi32, #tpu.memory_space<vmem>>) semaphore(%arg9 : memref<!tpu.dma_semaphore, #tpu.memory_space<semaphore_mem>>)
        } else {
        }
        "tpu.region"() ({
          %run_scoped3A_74 = tpu.sem_alloc : memref<!tpu.dma_semaphore, #tpu.memory_space<semaphore_mem>>
          %dma_start3A_75 = arith.constant 0 : i32
          %dma_start3A_76 = tpu.memref_slice %arg8[%add3A_59, %dma_start3A_75] : memref<64x128xi32, #tpu.memory_space<vmem>> -> memref<1x128xi32, #tpu.memory_space<vmem>>
          %dma_start3A_77 = tpu.memref_squeeze %dma_start3A_76 : memref<1x128xi32, #tpu.memory_space<vmem>> -> memref<128xi32, #tpu.memory_space<vmem>>
          %dma_start3A_78 = arith.constant 0 : i32
          %dma_start3A_79 = arith.constant 0 : i32
          %dma_start3A_80 = tpu.memref_slice %arg11[%dma_start3A_78, %dma_start3A_79] : memref<10240x128xf32, #tpu.memory_space<vmem_shared>> -> memref<10240x128xf32, #tpu.memory_space<vmem_shared>>
          tpu.enqueue_indirect_dma source(%run_scoped3A_0 : memref<128x128xf32, #tpu.memory_space<vmem>>) target(%dma_start3A_80 : memref<10240x128xf32, #tpu.memory_space<vmem_shared>>) offsets(%dma_start3A_77 : memref<128xi32, #tpu.memory_space<vmem>>) semaphore(%run_scoped3A_74 : memref<!tpu.dma_semaphore, #tpu.memory_space<semaphore_mem>>) {add = true}
          %dma_wait3A_81 = arith.constant 0 : i32
          %dma_wait3A_82 = tpu.memref_slice %arg8[%add3A_59, %dma_wait3A_81] : memref<64x128xi32, #tpu.memory_space<vmem>> -> memref<1x128xi32, #tpu.memory_space<vmem>>
          %dma_wait3A_83 = tpu.memref_squeeze %dma_wait3A_82 : memref<1x128xi32, #tpu.memory_space<vmem>> -> memref<128xi32, #tpu.memory_space<vmem>>
          %dma_wait3A_84 = arith.constant 0 : i32
          %dma_wait3A_85 = arith.constant 0 : i32
          %dma_wait3A_86 = tpu.memref_slice %arg11[%dma_wait3A_84, %dma_wait3A_85] : memref<10240x128xf32, #tpu.memory_space<vmem_shared>> -> memref<10240x128xf32, #tpu.memory_space<vmem_shared>>
          tpu.wait_indirect_dma semaphore(%run_scoped3A_74 : memref<!tpu.dma_semaphore, #tpu.memory_space<semaphore_mem>>) src(%run_scoped3A_0 : memref<128x128xf32, #tpu.memory_space<vmem>>) dst(%dma_wait3A_86 : memref<10240x128xf32, #tpu.memory_space<vmem_shared>>)
          tpu.yield
        }) : () -> ()
        %scan3A_73 = arith.constant 0 : i32
        scf.yield %scan3A_73 : i32
      }
      %scan3A_39 = arith.constant 8 : i32
      %barrier3A_40 = arith.constant 0 : index
      tpu.barrier barrier_id(%barrier3A_40)
      "tpu.region"() ({
        %run_scoped3A_41 = tpu.sem_alloc : memref<!tpu.dma_semaphore, #tpu.memory_space<semaphore_mem>>
        %dma_start3A_42 = arith.constant 0 : i32
        %dma_start3A_43 = tpu.memref_slice %arg6[%arg0, %mul3A_3, %dma_start3A_42] : memref<2x10240x128xf32, #tpu.memory_space<hbm>> -> memref<1x640x128xf32, #tpu.memory_space<hbm>>
        %dma_start3A_44 = tpu.memref_squeeze %dma_start3A_43 : memref<1x640x128xf32, #tpu.memory_space<hbm>> -> memref<640x128xf32, #tpu.memory_space<hbm>>
        %dma_start3A_45 = arith.constant 0 : i32
        %dma_start3A_46 = tpu.memref_slice %arg11[%mul3A_3, %dma_start3A_45] : memref<10240x128xf32, #tpu.memory_space<vmem_shared>> -> memref<640x128xf32, #tpu.memory_space<vmem_shared>>
        tpu.enqueue_dma source(%dma_start3A_46 : memref<640x128xf32, #tpu.memory_space<vmem_shared>>) target(%dma_start3A_44 : memref<640x128xf32, #tpu.memory_space<hbm>>) target_semaphore(%run_scoped3A_41 : memref<!tpu.dma_semaphore, #tpu.memory_space<semaphore_mem>>)
        %dma_wait3A = arith.constant 0 : i32
        %dma_wait3A_47 = tpu.memref_slice %arg6[%arg0, %mul3A_3, %dma_wait3A] : memref<2x10240x128xf32, #tpu.memory_space<hbm>> -> memref<1x640x128xf32, #tpu.memory_space<hbm>>
        %dma_wait3A_48 = tpu.memref_squeeze %dma_wait3A_47 : memref<1x640x128xf32, #tpu.memory_space<hbm>> -> memref<640x128xf32, #tpu.memory_space<hbm>>
        %dma_wait3A_49 = arith.constant 0 : i32
        %dma_wait3A_50 = tpu.memref_slice %arg11[%mul3A_3, %dma_wait3A_49] : memref<10240x128xf32, #tpu.memory_space<vmem_shared>> -> memref<640x128xf32, #tpu.memory_space<vmem_shared>>
        tpu.wait_dma2 semaphore(%run_scoped3A_41 : memref<!tpu.dma_semaphore, #tpu.memory_space<semaphore_mem>>) src(%dma_wait3A_50 : memref<640x128xf32, #tpu.memory_space<vmem_shared>>) dst(%dma_wait3A_48 : memref<640x128xf32, #tpu.memory_space<hbm>>)
        tpu.yield
      }) : () -> ()
      tpu.yield
    }) : () -> ()
    return
  }
}

#map = affine_map<(d0, d1) -> (0, 0)>
#map1 = affine_map<(d0, d1) -> (0, 0, 0)>
module attributes {stable_mosaic.version = 14 : i64} {
  func.func @_sc_agg_body(%arg0: i32, %arg1: i32, %arg2: memref<10000x128xf32, #tpu.memory_space<hbm>>, %arg3: memref<2560x128xi32, #tpu.memory_space<hbm>>, %arg4: memref<2560x128xi32, #tpu.memory_space<hbm>>, %arg5: memref<10240x128xf32, #tpu.memory_space<hbm>>, %arg6: memref<2x10240x128xf32, #tpu.memory_space<hbm>>, %arg7: memref<64x128xi32, #tpu.memory_space<vmem>>, %arg8: memref<64x128xi32, #tpu.memory_space<vmem>>, %arg9: memref<!tpu.dma_semaphore, #tpu.memory_space<semaphore_mem>>, %arg10: memref<!tpu.dma_semaphore, #tpu.memory_space<semaphore_mem>>, %arg11: memref<10240x128xf32, #tpu.memory_space<vmem_shared>>) attributes {dimension_semantics = [#tpu.dimension_semantics<core_parallel>, #tpu.dimension_semantics<subcore_parallel>], iteration_bounds = array<i64: 2, 16>, scalar_prefetch = 0 : i64, scratch_operands = 5 : i64, tpu.core_type = #tpu.core_type<sc_vector_subcore>, window_params = [{transform_indices = #map}, {transform_indices = #map}, {transform_indices = #map}, {transform_indices = #map}, {transform_indices = #map1}]} {
    "tpu.region"() ({
      %run_scoped3A = memref.alloca() : memref<128x128xf32, #tpu.memory_space<vmem>>
      %run_scoped3A_0 = memref.alloca() : memref<128x128xf32, #tpu.memory_space<vmem>>
      %mul3A = arith.constant 2 : i32
      %mul3A_1 = arith.muli %arg1, %mul3A : i32
      %add3A = arith.addi %mul3A_1, %arg0 : i32
      %mul3A_2 = arith.constant 640 : i32
      %mul3A_3 = arith.muli %arg1, %mul3A_2 : i32
      %mul3A_4 = arith.constant 80 : i32
      %mul3A_5 = arith.muli %add3A, %mul3A_4 : i32
      "tpu.region"() ({
        %run_scoped3A_41 = tpu.sem_alloc : memref<!tpu.dma_semaphore, #tpu.memory_space<semaphore_mem>>
        %dma_start3A_42 = arith.constant 0 : i32
        %dma_start3A_43 = tpu.memref_slice %arg11[%mul3A_3, %dma_start3A_42] : memref<10240x128xf32, #tpu.memory_space<vmem_shared>> -> memref<640x128xf32, #tpu.memory_space<vmem_shared>>
        %dma_start3A_44 = arith.constant 0 : i32
        %dma_start3A_45 = tpu.memref_slice %arg5[%mul3A_3, %dma_start3A_44] : memref<10240x128xf32, #tpu.memory_space<hbm>> -> memref<640x128xf32, #tpu.memory_space<hbm>>
        tpu.enqueue_dma source(%dma_start3A_45 : memref<640x128xf32, #tpu.memory_space<hbm>>) target(%dma_start3A_43 : memref<640x128xf32, #tpu.memory_space<vmem_shared>>) target_semaphore(%run_scoped3A_41 : memref<!tpu.dma_semaphore, #tpu.memory_space<semaphore_mem>>)
        %dma_wait3A = arith.constant 0 : i32
        %dma_wait3A_46 = tpu.memref_slice %arg11[%mul3A_3, %dma_wait3A] : memref<10240x128xf32, #tpu.memory_space<vmem_shared>> -> memref<640x128xf32, #tpu.memory_space<vmem_shared>>
        %dma_wait3A_47 = arith.constant 0 : i32
        %dma_wait3A_48 = tpu.memref_slice %arg5[%mul3A_3, %dma_wait3A_47] : memref<10240x128xf32, #tpu.memory_space<hbm>> -> memref<640x128xf32, #tpu.memory_space<hbm>>
        tpu.wait_dma2 semaphore(%run_scoped3A_41 : memref<!tpu.dma_semaphore, #tpu.memory_space<semaphore_mem>>) src(%dma_wait3A_48 : memref<640x128xf32, #tpu.memory_space<hbm>>) dst(%dma_wait3A_46 : memref<640x128xf32, #tpu.memory_space<vmem_shared>>)
        tpu.yield
      }) : () -> ()
      %barrier3A = arith.constant 0 : index
      tpu.barrier barrier_id(%barrier3A)
      %add3A_6 = arith.constant 0 : i32
      %add3A_7 = arith.addi %mul3A_5, %add3A_6 : i32
      "tpu.region"() ({
        %run_scoped3A_41 = tpu.sem_alloc : memref<!tpu.dma_semaphore, #tpu.memory_space<semaphore_mem>>
        %dma_start3A_42 = arith.constant 0 : i32
        %dma_start3A_43 = arith.constant 0 : i32
        %dma_start3A_44 = tpu.memref_slice %arg7[%dma_start3A_42, %dma_start3A_43] : memref<64x128xi32, #tpu.memory_space<vmem>> -> memref<64x128xi32, #tpu.memory_space<vmem>>
        %dma_start3A_45 = arith.constant 0 : i32
        %dma_start3A_46 = tpu.memref_slice %arg3[%add3A_7, %dma_start3A_45] : memref<2560x128xi32, #tpu.memory_space<hbm>> -> memref<64x128xi32, #tpu.memory_space<hbm>>
        %dma_start3A_47 = arith.constant 0 : i32
        %dma_start3A_48 = arith.constant 0 : i32
        %dma_start3A_49 = tpu.memref_slice %arg7[%dma_start3A_47, %dma_start3A_48] : memref<64x128xi32, #tpu.memory_space<vmem>> -> memref<64x128xi32, #tpu.memory_space<vmem>>
        %dma_start3A_50 = arith.constant 0 : i32
        %dma_start3A_51 = tpu.memref_slice %arg3[%add3A_7, %dma_start3A_50] : memref<2560x128xi32, #tpu.memory_space<hbm>> -> memref<64x128xi32, #tpu.memory_space<hbm>>
        tpu.enqueue_dma source(%dma_start3A_51 : memref<64x128xi32, #tpu.memory_space<hbm>>) target(%dma_start3A_49 : memref<64x128xi32, #tpu.memory_space<vmem>>) target_semaphore(%run_scoped3A_41 : memref<!tpu.dma_semaphore, #tpu.memory_space<semaphore_mem>>)
        %dma_wait3A = arith.constant 0 : i32
        %dma_wait3A_52 = arith.constant 0 : i32
        %dma_wait3A_53 = tpu.memref_slice %arg7[%dma_wait3A, %dma_wait3A_52] : memref<64x128xi32, #tpu.memory_space<vmem>> -> memref<64x128xi32, #tpu.memory_space<vmem>>
        %dma_wait3A_54 = arith.constant 0 : i32
        %dma_wait3A_55 = tpu.memref_slice %arg3[%add3A_7, %dma_wait3A_54] : memref<2560x128xi32, #tpu.memory_space<hbm>> -> memref<64x128xi32, #tpu.memory_space<hbm>>
        %dma_wait3A_56 = arith.constant 0 : i32
        %dma_wait3A_57 = arith.constant 0 : i32
        %dma_wait3A_58 = tpu.memref_slice %arg7[%dma_wait3A_56, %dma_wait3A_57] : memref<64x128xi32, #tpu.memory_space<vmem>> -> memref<64x128xi32, #tpu.memory_space<vmem>>
        %dma_wait3A_59 = arith.constant 0 : i32
        %dma_wait3A_60 = tpu.memref_slice %arg3[%add3A_7, %dma_wait3A_59] : memref<2560x128xi32, #tpu.memory_space<hbm>> -> memref<64x128xi32, #tpu.memory_space<hbm>>
        tpu.wait_dma2 semaphore(%run_scoped3A_41 : memref<!tpu.dma_semaphore, #tpu.memory_space<semaphore_mem>>) src(%dma_wait3A_60 : memref<64x128xi32, #tpu.memory_space<hbm>>) dst(%dma_wait3A_58 : memref<64x128xi32, #tpu.memory_space<vmem>>)
        tpu.yield
      }) : () -> ()
      %add3A_8 = arith.constant 0 : i32
      %add3A_9 = arith.addi %mul3A_5, %add3A_8 : i32
      "tpu.region"() ({
        %run_scoped3A_41 = tpu.sem_alloc : memref<!tpu.dma_semaphore, #tpu.memory_space<semaphore_mem>>
        %dma_start3A_42 = arith.constant 0 : i32
        %dma_start3A_43 = arith.constant 0 : i32
        %dma_start3A_44 = tpu.memref_slice %arg8[%dma_start3A_42, %dma_start3A_43] : memref<64x128xi32, #tpu.memory_space<vmem>> -> memref<64x128xi32, #tpu.memory_space<vmem>>
        %dma_start3A_45 = arith.constant 0 : i32
        %dma_start3A_46 = tpu.memref_slice %arg4[%add3A_9, %dma_start3A_45] : memref<2560x128xi32, #tpu.memory_space<hbm>> -> memref<64x128xi32, #tpu.memory_space<hbm>>
        %dma_start3A_47 = arith.constant 0 : i32
        %dma_start3A_48 = arith.constant 0 : i32
        %dma_start3A_49 = tpu.memref_slice %arg8[%dma_start3A_47, %dma_start3A_48] : memref<64x128xi32, #tpu.memory_space<vmem>> -> memref<64x128xi32, #tpu.memory_space<vmem>>
        %dma_start3A_50 = arith.constant 0 : i32
        %dma_start3A_51 = tpu.memref_slice %arg4[%add3A_9, %dma_start3A_50] : memref<2560x128xi32, #tpu.memory_space<hbm>> -> memref<64x128xi32, #tpu.memory_space<hbm>>
        tpu.enqueue_dma source(%dma_start3A_51 : memref<64x128xi32, #tpu.memory_space<hbm>>) target(%dma_start3A_49 : memref<64x128xi32, #tpu.memory_space<vmem>>) target_semaphore(%run_scoped3A_41 : memref<!tpu.dma_semaphore, #tpu.memory_space<semaphore_mem>>)
        %dma_wait3A = arith.constant 0 : i32
        %dma_wait3A_52 = arith.constant 0 : i32
        %dma_wait3A_53 = tpu.memref_slice %arg8[%dma_wait3A, %dma_wait3A_52] : memref<64x128xi32, #tpu.memory_space<vmem>> -> memref<64x128xi32, #tpu.memory_space<vmem>>
        %dma_wait3A_54 = arith.constant 0 : i32
        %dma_wait3A_55 = tpu.memref_slice %arg4[%add3A_9, %dma_wait3A_54] : memref<2560x128xi32, #tpu.memory_space<hbm>> -> memref<64x128xi32, #tpu.memory_space<hbm>>
        %dma_wait3A_56 = arith.constant 0 : i32
        %dma_wait3A_57 = arith.constant 0 : i32
        %dma_wait3A_58 = tpu.memref_slice %arg8[%dma_wait3A_56, %dma_wait3A_57] : memref<64x128xi32, #tpu.memory_space<vmem>> -> memref<64x128xi32, #tpu.memory_space<vmem>>
        %dma_wait3A_59 = arith.constant 0 : i32
        %dma_wait3A_60 = tpu.memref_slice %arg4[%add3A_9, %dma_wait3A_59] : memref<2560x128xi32, #tpu.memory_space<hbm>> -> memref<64x128xi32, #tpu.memory_space<hbm>>
        tpu.wait_dma2 semaphore(%run_scoped3A_41 : memref<!tpu.dma_semaphore, #tpu.memory_space<semaphore_mem>>) src(%dma_wait3A_60 : memref<64x128xi32, #tpu.memory_space<hbm>>) dst(%dma_wait3A_58 : memref<64x128xi32, #tpu.memory_space<vmem>>)
        tpu.yield
      }) : () -> ()
      %dma_start3A = arith.constant 0 : i32
      %dma_start3A_10 = arith.constant 0 : i32
      %dma_start3A_11 = tpu.memref_slice %arg7[%dma_start3A, %dma_start3A_10] : memref<64x128xi32, #tpu.memory_space<vmem>> -> memref<1x128xi32, #tpu.memory_space<vmem>>
      %dma_start3A_12 = tpu.memref_squeeze %dma_start3A_11 : memref<1x128xi32, #tpu.memory_space<vmem>> -> memref<128xi32, #tpu.memory_space<vmem>>
      %dma_start3A_13 = arith.constant 0 : i32
      %dma_start3A_14 = arith.constant 0 : i32
      %dma_start3A_15 = tpu.memref_slice %arg2[%dma_start3A_13, %dma_start3A_14] : memref<10000x128xf32, #tpu.memory_space<hbm>> -> memref<10000x128xf32, #tpu.memory_space<hbm>>
      tpu.enqueue_indirect_dma source(%dma_start3A_15 : memref<10000x128xf32, #tpu.memory_space<hbm>>) target(%run_scoped3A : memref<128x128xf32, #tpu.memory_space<vmem>>) offsets(%dma_start3A_12 : memref<128xi32, #tpu.memory_space<vmem>>) semaphore(%arg9 : memref<!tpu.dma_semaphore, #tpu.memory_space<semaphore_mem>>)
      %scan3A = arith.constant 0 : i32
      %scan3A_16 = arith.constant 0 : i32
      %scan3A_17 = arith.constant 32 : i32
      %scan3A_18 = arith.addi %scan3A_16, %scan3A_17 : i32
      %scan3A_19 = arith.constant 1 : i32
      %scan3A_20 = scf.for %scan3A_41 = %scan3A_16 to %scan3A_18 step %scan3A_19 iter_args(%scan3A_42 = %scan3A) -> (i32)  : i32 {
        %mul3A_43 = arith.constant 2 : i32
        %mul3A_44 = arith.muli %scan3A_41, %mul3A_43 : i32
        %add3A_45 = arith.constant 0 : i32
        %add3A_46 = arith.addi %mul3A_44, %add3A_45 : i32
        %dma_wait3A = arith.constant 0 : i32
        %dma_wait3A_47 = tpu.memref_slice %arg7[%add3A_46, %dma_wait3A] : memref<64x128xi32, #tpu.memory_space<vmem>> -> memref<1x128xi32, #tpu.memory_space<vmem>>
        %dma_wait3A_48 = tpu.memref_squeeze %dma_wait3A_47 : memref<1x128xi32, #tpu.memory_space<vmem>> -> memref<128xi32, #tpu.memory_space<vmem>>
        %dma_wait3A_49 = arith.constant 0 : i32
        %dma_wait3A_50 = arith.constant 0 : i32
        %dma_wait3A_51 = tpu.memref_slice %arg2[%dma_wait3A_49, %dma_wait3A_50] : memref<10000x128xf32, #tpu.memory_space<hbm>> -> memref<10000x128xf32, #tpu.memory_space<hbm>>
        tpu.wait_indirect_dma semaphore(%arg9 : memref<!tpu.dma_semaphore, #tpu.memory_space<semaphore_mem>>) src(%dma_wait3A_51 : memref<10000x128xf32, #tpu.memory_space<hbm>>) dst(%run_scoped3A : memref<128x128xf32, #tpu.memory_space<vmem>>)
        %add3A_52 = arith.constant 1 : i32
        %add3A_53 = arith.addi %add3A_46, %add3A_52 : i32
        %lt3A = arith.constant 64 : i32
        %lt3A_54 = arith.cmpi slt, %add3A_53, %lt3A : i32
        %convert_element_type3A = arith.extui %lt3A_54 : i1 to i32
        %cond3A = arith.constant 0 : i32
        %cond3A_55 = arith.cmpi ne, %convert_element_type3A, %cond3A : i32
        scf.if %cond3A_55 {
          %add3A_74 = arith.constant 1 : i32
          %add3A_75 = arith.addi %add3A_46, %add3A_74 : i32
          %dma_start3A_76 = arith.constant 0 : i32
          %dma_start3A_77 = tpu.memref_slice %arg7[%add3A_75, %dma_start3A_76] : memref<64x128xi32, #tpu.memory_space<vmem>> -> memref<1x128xi32, #tpu.memory_space<vmem>>
          %dma_start3A_78 = tpu.memref_squeeze %dma_start3A_77 : memref<1x128xi32, #tpu.memory_space<vmem>> -> memref<128xi32, #tpu.memory_space<vmem>>
          %dma_start3A_79 = arith.constant 0 : i32
          %dma_start3A_80 = arith.constant 0 : i32
          %dma_start3A_81 = tpu.memref_slice %arg2[%dma_start3A_79, %dma_start3A_80] : memref<10000x128xf32, #tpu.memory_space<hbm>> -> memref<10000x128xf32, #tpu.memory_space<hbm>>
          tpu.enqueue_indirect_dma source(%dma_start3A_81 : memref<10000x128xf32, #tpu.memory_space<hbm>>) target(%run_scoped3A_0 : memref<128x128xf32, #tpu.memory_space<vmem>>) offsets(%dma_start3A_78 : memref<128xi32, #tpu.memory_space<vmem>>) semaphore(%arg10 : memref<!tpu.dma_semaphore, #tpu.memory_space<semaphore_mem>>)
        } else {
        }
        "tpu.region"() ({
          %run_scoped3A_74 = tpu.sem_alloc : memref<!tpu.dma_semaphore, #tpu.memory_space<semaphore_mem>>
          %dma_start3A_75 = arith.constant 0 : i32
          %dma_start3A_76 = tpu.memref_slice %arg8[%add3A_46, %dma_start3A_75] : memref<64x128xi32, #tpu.memory_space<vmem>> -> memref<1x128xi32, #tpu.memory_space<vmem>>
          %dma_start3A_77 = tpu.memref_squeeze %dma_start3A_76 : memref<1x128xi32, #tpu.memory_space<vmem>> -> memref<128xi32, #tpu.memory_space<vmem>>
          %dma_start3A_78 = arith.constant 0 : i32
          %dma_start3A_79 = arith.constant 0 : i32
          %dma_start3A_80 = tpu.memref_slice %arg11[%dma_start3A_78, %dma_start3A_79] : memref<10240x128xf32, #tpu.memory_space<vmem_shared>> -> memref<10240x128xf32, #tpu.memory_space<vmem_shared>>
          tpu.enqueue_indirect_dma source(%run_scoped3A : memref<128x128xf32, #tpu.memory_space<vmem>>) target(%dma_start3A_80 : memref<10240x128xf32, #tpu.memory_space<vmem_shared>>) offsets(%dma_start3A_77 : memref<128xi32, #tpu.memory_space<vmem>>) semaphore(%run_scoped3A_74 : memref<!tpu.dma_semaphore, #tpu.memory_space<semaphore_mem>>) {add = true}
          %dma_wait3A_81 = arith.constant 0 : i32
          %dma_wait3A_82 = tpu.memref_slice %arg8[%add3A_46, %dma_wait3A_81] : memref<64x128xi32, #tpu.memory_space<vmem>> -> memref<1x128xi32, #tpu.memory_space<vmem>>
          %dma_wait3A_83 = tpu.memref_squeeze %dma_wait3A_82 : memref<1x128xi32, #tpu.memory_space<vmem>> -> memref<128xi32, #tpu.memory_space<vmem>>
          %dma_wait3A_84 = arith.constant 0 : i32
          %dma_wait3A_85 = arith.constant 0 : i32
          %dma_wait3A_86 = tpu.memref_slice %arg11[%dma_wait3A_84, %dma_wait3A_85] : memref<10240x128xf32, #tpu.memory_space<vmem_shared>> -> memref<10240x128xf32, #tpu.memory_space<vmem_shared>>
          tpu.wait_indirect_dma semaphore(%run_scoped3A_74 : memref<!tpu.dma_semaphore, #tpu.memory_space<semaphore_mem>>) src(%run_scoped3A : memref<128x128xf32, #tpu.memory_space<vmem>>) dst(%dma_wait3A_86 : memref<10240x128xf32, #tpu.memory_space<vmem_shared>>)
          tpu.yield
        }) : () -> ()
        %mul3A_56 = arith.constant 2 : i32
        %mul3A_57 = arith.muli %scan3A_41, %mul3A_56 : i32
        %add3A_58 = arith.constant 1 : i32
        %add3A_59 = arith.addi %mul3A_57, %add3A_58 : i32
        %dma_wait3A_60 = arith.constant 0 : i32
        %dma_wait3A_61 = tpu.memref_slice %arg7[%add3A_59, %dma_wait3A_60] : memref<64x128xi32, #tpu.memory_space<vmem>> -> memref<1x128xi32, #tpu.memory_space<vmem>>
        %dma_wait3A_62 = tpu.memref_squeeze %dma_wait3A_61 : memref<1x128xi32, #tpu.memory_space<vmem>> -> memref<128xi32, #tpu.memory_space<vmem>>
        %dma_wait3A_63 = arith.constant 0 : i32
        %dma_wait3A_64 = arith.constant 0 : i32
        %dma_wait3A_65 = tpu.memref_slice %arg2[%dma_wait3A_63, %dma_wait3A_64] : memref<10000x128xf32, #tpu.memory_space<hbm>> -> memref<10000x128xf32, #tpu.memory_space<hbm>>
        tpu.wait_indirect_dma semaphore(%arg10 : memref<!tpu.dma_semaphore, #tpu.memory_space<semaphore_mem>>) src(%dma_wait3A_65 : memref<10000x128xf32, #tpu.memory_space<hbm>>) dst(%run_scoped3A_0 : memref<128x128xf32, #tpu.memory_space<vmem>>)
        %add3A_66 = arith.constant 1 : i32
        %add3A_67 = arith.addi %add3A_59, %add3A_66 : i32
        %lt3A_68 = arith.constant 64 : i32
        %lt3A_69 = arith.cmpi slt, %add3A_67, %lt3A_68 : i32
        %convert_element_type3A_70 = arith.extui %lt3A_69 : i1 to i32
        %cond3A_71 = arith.constant 0 : i32
        %cond3A_72 = arith.cmpi ne, %convert_element_type3A_70, %cond3A_71 : i32
        scf.if %cond3A_72 {
          %add3A_74 = arith.constant 1 : i32
          %add3A_75 = arith.addi %add3A_59, %add3A_74 : i32
          %dma_start3A_76 = arith.constant 0 : i32
          %dma_start3A_77 = tpu.memref_slice %arg7[%add3A_75, %dma_start3A_76] : memref<64x128xi32, #tpu.memory_space<vmem>> -> memref<1x128xi32, #tpu.memory_space<vmem>>
          %dma_start3A_78 = tpu.memref_squeeze %dma_start3A_77 : memref<1x128xi32, #tpu.memory_space<vmem>> -> memref<128xi32, #tpu.memory_space<vmem>>
          %dma_start3A_79 = arith.constant 0 : i32
          %dma_start3A_80 = arith.constant 0 : i32
          %dma_start3A_81 = tpu.memref_slice %arg2[%dma_start3A_79, %dma_start3A_80] : memref<10000x128xf32, #tpu.memory_space<hbm>> -> memref<10000x128xf32, #tpu.memory_space<hbm>>
          tpu.enqueue_indirect_dma source(%dma_start3A_81 : memref<10000x128xf32, #tpu.memory_space<hbm>>) target(%run_scoped3A : memref<128x128xf32, #tpu.memory_space<vmem>>) offsets(%dma_start3A_78 : memref<128xi32, #tpu.memory_space<vmem>>) semaphore(%arg9 : memref<!tpu.dma_semaphore, #tpu.memory_space<semaphore_mem>>)
        } else {
        }
        "tpu.region"() ({
          %run_scoped3A_74 = tpu.sem_alloc : memref<!tpu.dma_semaphore, #tpu.memory_space<semaphore_mem>>
          %dma_start3A_75 = arith.constant 0 : i32
          %dma_start3A_76 = tpu.memref_slice %arg8[%add3A_59, %dma_start3A_75] : memref<64x128xi32, #tpu.memory_space<vmem>> -> memref<1x128xi32, #tpu.memory_space<vmem>>
          %dma_start3A_77 = tpu.memref_squeeze %dma_start3A_76 : memref<1x128xi32, #tpu.memory_space<vmem>> -> memref<128xi32, #tpu.memory_space<vmem>>
          %dma_start3A_78 = arith.constant 0 : i32
          %dma_start3A_79 = arith.constant 0 : i32
          %dma_start3A_80 = tpu.memref_slice %arg11[%dma_start3A_78, %dma_start3A_79] : memref<10240x128xf32, #tpu.memory_space<vmem_shared>> -> memref<10240x128xf32, #tpu.memory_space<vmem_shared>>
          tpu.enqueue_indirect_dma source(%run_scoped3A_0 : memref<128x128xf32, #tpu.memory_space<vmem>>) target(%dma_start3A_80 : memref<10240x128xf32, #tpu.memory_space<vmem_shared>>) offsets(%dma_start3A_77 : memref<128xi32, #tpu.memory_space<vmem>>) semaphore(%run_scoped3A_74 : memref<!tpu.dma_semaphore, #tpu.memory_space<semaphore_mem>>) {add = true}
          %dma_wait3A_81 = arith.constant 0 : i32
          %dma_wait3A_82 = tpu.memref_slice %arg8[%add3A_59, %dma_wait3A_81] : memref<64x128xi32, #tpu.memory_space<vmem>> -> memref<1x128xi32, #tpu.memory_space<vmem>>
          %dma_wait3A_83 = tpu.memref_squeeze %dma_wait3A_82 : memref<1x128xi32, #tpu.memory_space<vmem>> -> memref<128xi32, #tpu.memory_space<vmem>>
          %dma_wait3A_84 = arith.constant 0 : i32
          %dma_wait3A_85 = arith.constant 0 : i32
          %dma_wait3A_86 = tpu.memref_slice %arg11[%dma_wait3A_84, %dma_wait3A_85] : memref<10240x128xf32, #tpu.memory_space<vmem_shared>> -> memref<10240x128xf32, #tpu.memory_space<vmem_shared>>
          tpu.wait_indirect_dma semaphore(%run_scoped3A_74 : memref<!tpu.dma_semaphore, #tpu.memory_space<semaphore_mem>>) src(%run_scoped3A_0 : memref<128x128xf32, #tpu.memory_space<vmem>>) dst(%dma_wait3A_86 : memref<10240x128xf32, #tpu.memory_space<vmem_shared>>)
          tpu.yield
        }) : () -> ()
        %scan3A_73 = arith.constant 0 : i32
        scf.yield %scan3A_73 : i32
      }
      %scan3A_21 = arith.constant 32 : i32
      %add3A_22 = arith.constant 64 : i32
      %add3A_23 = arith.addi %mul3A_5, %add3A_22 : i32
      "tpu.region"() ({
        %run_scoped3A_41 = tpu.sem_alloc : memref<!tpu.dma_semaphore, #tpu.memory_space<semaphore_mem>>
        %dma_start3A_42 = arith.constant 0 : i32
        %dma_start3A_43 = arith.constant 0 : i32
        %dma_start3A_44 = tpu.memref_slice %arg7[%dma_start3A_42, %dma_start3A_43] : memref<64x128xi32, #tpu.memory_space<vmem>> -> memref<16x128xi32, #tpu.memory_space<vmem>>
        %dma_start3A_45 = arith.constant 0 : i32
        %dma_start3A_46 = tpu.memref_slice %arg3[%add3A_23, %dma_start3A_45] : memref<2560x128xi32, #tpu.memory_space<hbm>> -> memref<16x128xi32, #tpu.memory_space<hbm>>
        %dma_start3A_47 = arith.constant 0 : i32
        %dma_start3A_48 = arith.constant 0 : i32
        %dma_start3A_49 = tpu.memref_slice %arg7[%dma_start3A_47, %dma_start3A_48] : memref<64x128xi32, #tpu.memory_space<vmem>> -> memref<16x128xi32, #tpu.memory_space<vmem>>
        %dma_start3A_50 = arith.constant 0 : i32
        %dma_start3A_51 = tpu.memref_slice %arg3[%add3A_23, %dma_start3A_50] : memref<2560x128xi32, #tpu.memory_space<hbm>> -> memref<16x128xi32, #tpu.memory_space<hbm>>
        tpu.enqueue_dma source(%dma_start3A_51 : memref<16x128xi32, #tpu.memory_space<hbm>>) target(%dma_start3A_49 : memref<16x128xi32, #tpu.memory_space<vmem>>) target_semaphore(%run_scoped3A_41 : memref<!tpu.dma_semaphore, #tpu.memory_space<semaphore_mem>>)
        %dma_wait3A = arith.constant 0 : i32
        %dma_wait3A_52 = arith.constant 0 : i32
        %dma_wait3A_53 = tpu.memref_slice %arg7[%dma_wait3A, %dma_wait3A_52] : memref<64x128xi32, #tpu.memory_space<vmem>> -> memref<16x128xi32, #tpu.memory_space<vmem>>
        %dma_wait3A_54 = arith.constant 0 : i32
        %dma_wait3A_55 = tpu.memref_slice %arg3[%add3A_23, %dma_wait3A_54] : memref<2560x128xi32, #tpu.memory_space<hbm>> -> memref<16x128xi32, #tpu.memory_space<hbm>>
        %dma_wait3A_56 = arith.constant 0 : i32
        %dma_wait3A_57 = arith.constant 0 : i32
        %dma_wait3A_58 = tpu.memref_slice %arg7[%dma_wait3A_56, %dma_wait3A_57] : memref<64x128xi32, #tpu.memory_space<vmem>> -> memref<16x128xi32, #tpu.memory_space<vmem>>
        %dma_wait3A_59 = arith.constant 0 : i32
        %dma_wait3A_60 = tpu.memref_slice %arg3[%add3A_23, %dma_wait3A_59] : memref<2560x128xi32, #tpu.memory_space<hbm>> -> memref<16x128xi32, #tpu.memory_space<hbm>>
        tpu.wait_dma2 semaphore(%run_scoped3A_41 : memref<!tpu.dma_semaphore, #tpu.memory_space<semaphore_mem>>) src(%dma_wait3A_60 : memref<16x128xi32, #tpu.memory_space<hbm>>) dst(%dma_wait3A_58 : memref<16x128xi32, #tpu.memory_space<vmem>>)
        tpu.yield
      }) : () -> ()
      %add3A_24 = arith.constant 64 : i32
      %add3A_25 = arith.addi %mul3A_5, %add3A_24 : i32
      "tpu.region"() ({
        %run_scoped3A_41 = tpu.sem_alloc : memref<!tpu.dma_semaphore, #tpu.memory_space<semaphore_mem>>
        %dma_start3A_42 = arith.constant 0 : i32
        %dma_start3A_43 = arith.constant 0 : i32
        %dma_start3A_44 = tpu.memref_slice %arg8[%dma_start3A_42, %dma_start3A_43] : memref<64x128xi32, #tpu.memory_space<vmem>> -> memref<16x128xi32, #tpu.memory_space<vmem>>
        %dma_start3A_45 = arith.constant 0 : i32
        %dma_start3A_46 = tpu.memref_slice %arg4[%add3A_25, %dma_start3A_45] : memref<2560x128xi32, #tpu.memory_space<hbm>> -> memref<16x128xi32, #tpu.memory_space<hbm>>
        %dma_start3A_47 = arith.constant 0 : i32
        %dma_start3A_48 = arith.constant 0 : i32
        %dma_start3A_49 = tpu.memref_slice %arg8[%dma_start3A_47, %dma_start3A_48] : memref<64x128xi32, #tpu.memory_space<vmem>> -> memref<16x128xi32, #tpu.memory_space<vmem>>
        %dma_start3A_50 = arith.constant 0 : i32
        %dma_start3A_51 = tpu.memref_slice %arg4[%add3A_25, %dma_start3A_50] : memref<2560x128xi32, #tpu.memory_space<hbm>> -> memref<16x128xi32, #tpu.memory_space<hbm>>
        tpu.enqueue_dma source(%dma_start3A_51 : memref<16x128xi32, #tpu.memory_space<hbm>>) target(%dma_start3A_49 : memref<16x128xi32, #tpu.memory_space<vmem>>) target_semaphore(%run_scoped3A_41 : memref<!tpu.dma_semaphore, #tpu.memory_space<semaphore_mem>>)
        %dma_wait3A = arith.constant 0 : i32
        %dma_wait3A_52 = arith.constant 0 : i32
        %dma_wait3A_53 = tpu.memref_slice %arg8[%dma_wait3A, %dma_wait3A_52] : memref<64x128xi32, #tpu.memory_space<vmem>> -> memref<16x128xi32, #tpu.memory_space<vmem>>
        %dma_wait3A_54 = arith.constant 0 : i32
        %dma_wait3A_55 = tpu.memref_slice %arg4[%add3A_25, %dma_wait3A_54] : memref<2560x128xi32, #tpu.memory_space<hbm>> -> memref<16x128xi32, #tpu.memory_space<hbm>>
        %dma_wait3A_56 = arith.constant 0 : i32
        %dma_wait3A_57 = arith.constant 0 : i32
        %dma_wait3A_58 = tpu.memref_slice %arg8[%dma_wait3A_56, %dma_wait3A_57] : memref<64x128xi32, #tpu.memory_space<vmem>> -> memref<16x128xi32, #tpu.memory_space<vmem>>
        %dma_wait3A_59 = arith.constant 0 : i32
        %dma_wait3A_60 = tpu.memref_slice %arg4[%add3A_25, %dma_wait3A_59] : memref<2560x128xi32, #tpu.memory_space<hbm>> -> memref<16x128xi32, #tpu.memory_space<hbm>>
        tpu.wait_dma2 semaphore(%run_scoped3A_41 : memref<!tpu.dma_semaphore, #tpu.memory_space<semaphore_mem>>) src(%dma_wait3A_60 : memref<16x128xi32, #tpu.memory_space<hbm>>) dst(%dma_wait3A_58 : memref<16x128xi32, #tpu.memory_space<vmem>>)
        tpu.yield
      }) : () -> ()
      %dma_start3A_26 = arith.constant 0 : i32
      %dma_start3A_27 = arith.constant 0 : i32
      %dma_start3A_28 = tpu.memref_slice %arg7[%dma_start3A_26, %dma_start3A_27] : memref<64x128xi32, #tpu.memory_space<vmem>> -> memref<1x128xi32, #tpu.memory_space<vmem>>
      %dma_start3A_29 = tpu.memref_squeeze %dma_start3A_28 : memref<1x128xi32, #tpu.memory_space<vmem>> -> memref<128xi32, #tpu.memory_space<vmem>>
      %dma_start3A_30 = arith.constant 0 : i32
      %dma_start3A_31 = arith.constant 0 : i32
      %dma_start3A_32 = tpu.memref_slice %arg2[%dma_start3A_30, %dma_start3A_31] : memref<10000x128xf32, #tpu.memory_space<hbm>> -> memref<10000x128xf32, #tpu.memory_space<hbm>>
      tpu.enqueue_indirect_dma source(%dma_start3A_32 : memref<10000x128xf32, #tpu.memory_space<hbm>>) target(%run_scoped3A : memref<128x128xf32, #tpu.memory_space<vmem>>) offsets(%dma_start3A_29 : memref<128xi32, #tpu.memory_space<vmem>>) semaphore(%arg9 : memref<!tpu.dma_semaphore, #tpu.memory_space<semaphore_mem>>)
      %scan3A_33 = arith.constant 0 : i32
      %scan3A_34 = arith.constant 0 : i32
      %scan3A_35 = arith.constant 8 : i32
      %scan3A_36 = arith.addi %scan3A_34, %scan3A_35 : i32
      %scan3A_37 = arith.constant 1 : i32
      %scan3A_38 = scf.for %scan3A_41 = %scan3A_34 to %scan3A_36 step %scan3A_37 iter_args(%scan3A_42 = %scan3A_33) -> (i32)  : i32 {
        %mul3A_43 = arith.constant 2 : i32
        %mul3A_44 = arith.muli %scan3A_41, %mul3A_43 : i32
        %add3A_45 = arith.constant 0 : i32
        %add3A_46 = arith.addi %mul3A_44, %add3A_45 : i32
        %dma_wait3A = arith.constant 0 : i32
        %dma_wait3A_47 = tpu.memref_slice %arg7[%add3A_46, %dma_wait3A] : memref<64x128xi32, #tpu.memory_space<vmem>> -> memref<1x128xi32, #tpu.memory_space<vmem>>
        %dma_wait3A_48 = tpu.memref_squeeze %dma_wait3A_47 : memref<1x128xi32, #tpu.memory_space<vmem>> -> memref<128xi32, #tpu.memory_space<vmem>>
        %dma_wait3A_49 = arith.constant 0 : i32
        %dma_wait3A_50 = arith.constant 0 : i32
        %dma_wait3A_51 = tpu.memref_slice %arg2[%dma_wait3A_49, %dma_wait3A_50] : memref<10000x128xf32, #tpu.memory_space<hbm>> -> memref<10000x128xf32, #tpu.memory_space<hbm>>
        tpu.wait_indirect_dma semaphore(%arg9 : memref<!tpu.dma_semaphore, #tpu.memory_space<semaphore_mem>>) src(%dma_wait3A_51 : memref<10000x128xf32, #tpu.memory_space<hbm>>) dst(%run_scoped3A : memref<128x128xf32, #tpu.memory_space<vmem>>)
        %add3A_52 = arith.constant 1 : i32
        %add3A_53 = arith.addi %add3A_46, %add3A_52 : i32
        %lt3A = arith.constant 16 : i32
        %lt3A_54 = arith.cmpi slt, %add3A_53, %lt3A : i32
        %convert_element_type3A = arith.extui %lt3A_54 : i1 to i32
        %cond3A = arith.constant 0 : i32
        %cond3A_55 = arith.cmpi ne, %convert_element_type3A, %cond3A : i32
        scf.if %cond3A_55 {
          %add3A_74 = arith.constant 1 : i32
          %add3A_75 = arith.addi %add3A_46, %add3A_74 : i32
          %dma_start3A_76 = arith.constant 0 : i32
          %dma_start3A_77 = tpu.memref_slice %arg7[%add3A_75, %dma_start3A_76] : memref<64x128xi32, #tpu.memory_space<vmem>> -> memref<1x128xi32, #tpu.memory_space<vmem>>
          %dma_start3A_78 = tpu.memref_squeeze %dma_start3A_77 : memref<1x128xi32, #tpu.memory_space<vmem>> -> memref<128xi32, #tpu.memory_space<vmem>>
          %dma_start3A_79 = arith.constant 0 : i32
          %dma_start3A_80 = arith.constant 0 : i32
          %dma_start3A_81 = tpu.memref_slice %arg2[%dma_start3A_79, %dma_start3A_80] : memref<10000x128xf32, #tpu.memory_space<hbm>> -> memref<10000x128xf32, #tpu.memory_space<hbm>>
          tpu.enqueue_indirect_dma source(%dma_start3A_81 : memref<10000x128xf32, #tpu.memory_space<hbm>>) target(%run_scoped3A_0 : memref<128x128xf32, #tpu.memory_space<vmem>>) offsets(%dma_start3A_78 : memref<128xi32, #tpu.memory_space<vmem>>) semaphore(%arg10 : memref<!tpu.dma_semaphore, #tpu.memory_space<semaphore_mem>>)
        } else {
        }
        "tpu.region"() ({
          %run_scoped3A_74 = tpu.sem_alloc : memref<!tpu.dma_semaphore, #tpu.memory_space<semaphore_mem>>
          %dma_start3A_75 = arith.constant 0 : i32
          %dma_start3A_76 = tpu.memref_slice %arg8[%add3A_46, %dma_start3A_75] : memref<64x128xi32, #tpu.memory_space<vmem>> -> memref<1x128xi32, #tpu.memory_space<vmem>>
          %dma_start3A_77 = tpu.memref_squeeze %dma_start3A_76 : memref<1x128xi32, #tpu.memory_space<vmem>> -> memref<128xi32, #tpu.memory_space<vmem>>
          %dma_start3A_78 = arith.constant 0 : i32
          %dma_start3A_79 = arith.constant 0 : i32
          %dma_start3A_80 = tpu.memref_slice %arg11[%dma_start3A_78, %dma_start3A_79] : memref<10240x128xf32, #tpu.memory_space<vmem_shared>> -> memref<10240x128xf32, #tpu.memory_space<vmem_shared>>
          tpu.enqueue_indirect_dma source(%run_scoped3A : memref<128x128xf32, #tpu.memory_space<vmem>>) target(%dma_start3A_80 : memref<10240x128xf32, #tpu.memory_space<vmem_shared>>) offsets(%dma_start3A_77 : memref<128xi32, #tpu.memory_space<vmem>>) semaphore(%run_scoped3A_74 : memref<!tpu.dma_semaphore, #tpu.memory_space<semaphore_mem>>) {add = true}
          %dma_wait3A_81 = arith.constant 0 : i32
          %dma_wait3A_82 = tpu.memref_slice %arg8[%add3A_46, %dma_wait3A_81] : memref<64x128xi32, #tpu.memory_space<vmem>> -> memref<1x128xi32, #tpu.memory_space<vmem>>
          %dma_wait3A_83 = tpu.memref_squeeze %dma_wait3A_82 : memref<1x128xi32, #tpu.memory_space<vmem>> -> memref<128xi32, #tpu.memory_space<vmem>>
          %dma_wait3A_84 = arith.constant 0 : i32
          %dma_wait3A_85 = arith.constant 0 : i32
          %dma_wait3A_86 = tpu.memref_slice %arg11[%dma_wait3A_84, %dma_wait3A_85] : memref<10240x128xf32, #tpu.memory_space<vmem_shared>> -> memref<10240x128xf32, #tpu.memory_space<vmem_shared>>
          tpu.wait_indirect_dma semaphore(%run_scoped3A_74 : memref<!tpu.dma_semaphore, #tpu.memory_space<semaphore_mem>>) src(%run_scoped3A : memref<128x128xf32, #tpu.memory_space<vmem>>) dst(%dma_wait3A_86 : memref<10240x128xf32, #tpu.memory_space<vmem_shared>>)
          tpu.yield
        }) : () -> ()
        %mul3A_56 = arith.constant 2 : i32
        %mul3A_57 = arith.muli %scan3A_41, %mul3A_56 : i32
        %add3A_58 = arith.constant 1 : i32
        %add3A_59 = arith.addi %mul3A_57, %add3A_58 : i32
        %dma_wait3A_60 = arith.constant 0 : i32
        %dma_wait3A_61 = tpu.memref_slice %arg7[%add3A_59, %dma_wait3A_60] : memref<64x128xi32, #tpu.memory_space<vmem>> -> memref<1x128xi32, #tpu.memory_space<vmem>>
        %dma_wait3A_62 = tpu.memref_squeeze %dma_wait3A_61 : memref<1x128xi32, #tpu.memory_space<vmem>> -> memref<128xi32, #tpu.memory_space<vmem>>
        %dma_wait3A_63 = arith.constant 0 : i32
        %dma_wait3A_64 = arith.constant 0 : i32
        %dma_wait3A_65 = tpu.memref_slice %arg2[%dma_wait3A_63, %dma_wait3A_64] : memref<10000x128xf32, #tpu.memory_space<hbm>> -> memref<10000x128xf32, #tpu.memory_space<hbm>>
        tpu.wait_indirect_dma semaphore(%arg10 : memref<!tpu.dma_semaphore, #tpu.memory_space<semaphore_mem>>) src(%dma_wait3A_65 : memref<10000x128xf32, #tpu.memory_space<hbm>>) dst(%run_scoped3A_0 : memref<128x128xf32, #tpu.memory_space<vmem>>)
        %add3A_66 = arith.constant 1 : i32
        %add3A_67 = arith.addi %add3A_59, %add3A_66 : i32
        %lt3A_68 = arith.constant 16 : i32
        %lt3A_69 = arith.cmpi slt, %add3A_67, %lt3A_68 : i32
        %convert_element_type3A_70 = arith.extui %lt3A_69 : i1 to i32
        %cond3A_71 = arith.constant 0 : i32
        %cond3A_72 = arith.cmpi ne, %convert_element_type3A_70, %cond3A_71 : i32
        scf.if %cond3A_72 {
          %add3A_74 = arith.constant 1 : i32
          %add3A_75 = arith.addi %add3A_59, %add3A_74 : i32
          %dma_start3A_76 = arith.constant 0 : i32
          %dma_start3A_77 = tpu.memref_slice %arg7[%add3A_75, %dma_start3A_76] : memref<64x128xi32, #tpu.memory_space<vmem>> -> memref<1x128xi32, #tpu.memory_space<vmem>>
          %dma_start3A_78 = tpu.memref_squeeze %dma_start3A_77 : memref<1x128xi32, #tpu.memory_space<vmem>> -> memref<128xi32, #tpu.memory_space<vmem>>
          %dma_start3A_79 = arith.constant 0 : i32
          %dma_start3A_80 = arith.constant 0 : i32
          %dma_start3A_81 = tpu.memref_slice %arg2[%dma_start3A_79, %dma_start3A_80] : memref<10000x128xf32, #tpu.memory_space<hbm>> -> memref<10000x128xf32, #tpu.memory_space<hbm>>
          tpu.enqueue_indirect_dma source(%dma_start3A_81 : memref<10000x128xf32, #tpu.memory_space<hbm>>) target(%run_scoped3A : memref<128x128xf32, #tpu.memory_space<vmem>>) offsets(%dma_start3A_78 : memref<128xi32, #tpu.memory_space<vmem>>) semaphore(%arg9 : memref<!tpu.dma_semaphore, #tpu.memory_space<semaphore_mem>>)
        } else {
        }
        "tpu.region"() ({
          %run_scoped3A_74 = tpu.sem_alloc : memref<!tpu.dma_semaphore, #tpu.memory_space<semaphore_mem>>
          %dma_start3A_75 = arith.constant 0 : i32
          %dma_start3A_76 = tpu.memref_slice %arg8[%add3A_59, %dma_start3A_75] : memref<64x128xi32, #tpu.memory_space<vmem>> -> memref<1x128xi32, #tpu.memory_space<vmem>>
          %dma_start3A_77 = tpu.memref_squeeze %dma_start3A_76 : memref<1x128xi32, #tpu.memory_space<vmem>> -> memref<128xi32, #tpu.memory_space<vmem>>
          %dma_start3A_78 = arith.constant 0 : i32
          %dma_start3A_79 = arith.constant 0 : i32
          %dma_start3A_80 = tpu.memref_slice %arg11[%dma_start3A_78, %dma_start3A_79] : memref<10240x128xf32, #tpu.memory_space<vmem_shared>> -> memref<10240x128xf32, #tpu.memory_space<vmem_shared>>
          tpu.enqueue_indirect_dma source(%run_scoped3A_0 : memref<128x128xf32, #tpu.memory_space<vmem>>) target(%dma_start3A_80 : memref<10240x128xf32, #tpu.memory_space<vmem_shared>>) offsets(%dma_start3A_77 : memref<128xi32, #tpu.memory_space<vmem>>) semaphore(%run_scoped3A_74 : memref<!tpu.dma_semaphore, #tpu.memory_space<semaphore_mem>>) {add = true}
          %dma_wait3A_81 = arith.constant 0 : i32
          %dma_wait3A_82 = tpu.memref_slice %arg8[%add3A_59, %dma_wait3A_81] : memref<64x128xi32, #tpu.memory_space<vmem>> -> memref<1x128xi32, #tpu.memory_space<vmem>>
          %dma_wait3A_83 = tpu.memref_squeeze %dma_wait3A_82 : memref<1x128xi32, #tpu.memory_space<vmem>> -> memref<128xi32, #tpu.memory_space<vmem>>
          %dma_wait3A_84 = arith.constant 0 : i32
          %dma_wait3A_85 = arith.constant 0 : i32
          %dma_wait3A_86 = tpu.memref_slice %arg11[%dma_wait3A_84, %dma_wait3A_85] : memref<10240x128xf32, #tpu.memory_space<vmem_shared>> -> memref<10240x128xf32, #tpu.memory_space<vmem_shared>>
          tpu.wait_indirect_dma semaphore(%run_scoped3A_74 : memref<!tpu.dma_semaphore, #tpu.memory_space<semaphore_mem>>) src(%run_scoped3A_0 : memref<128x128xf32, #tpu.memory_space<vmem>>) dst(%dma_wait3A_86 : memref<10240x128xf32, #tpu.memory_space<vmem_shared>>)
          tpu.yield
        }) : () -> ()
        %scan3A_73 = arith.constant 0 : i32
        scf.yield %scan3A_73 : i32
      }
      %scan3A_39 = arith.constant 8 : i32
      %barrier3A_40 = arith.constant 0 : index
      tpu.barrier barrier_id(%barrier3A_40)
      "tpu.region"() ({
        %run_scoped3A_41 = tpu.sem_alloc : memref<!tpu.dma_semaphore, #tpu.memory_space<semaphore_mem>>
        %dma_start3A_42 = arith.constant 0 : i32
        %dma_start3A_43 = tpu.memref_slice %arg6[%arg0, %mul3A_3, %dma_start3A_42] : memref<2x10240x128xf32, #tpu.memory_space<hbm>> -> memref<1x640x128xf32, #tpu.memory_space<hbm>>
        %dma_start3A_44 = tpu.memref_squeeze %dma_start3A_43 : memref<1x640x128xf32, #tpu.memory_space<hbm>> -> memref<640x128xf32, #tpu.memory_space<hbm>>
        %dma_start3A_45 = arith.constant 0 : i32
        %dma_start3A_46 = tpu.memref_slice %arg11[%mul3A_3, %dma_start3A_45] : memref<10240x128xf32, #tpu.memory_space<vmem_shared>> -> memref<640x128xf32, #tpu.memory_space<vmem_shared>>
        tpu.enqueue_dma source(%dma_start3A_46 : memref<640x128xf32, #tpu.memory_space<vmem_shared>>) target(%dma_start3A_44 : memref<640x128xf32, #tpu.memory_space<hbm>>) target_semaphore(%run_scoped3A_41 : memref<!tpu.dma_semaphore, #tpu.memory_space<semaphore_mem>>)
        %dma_wait3A = arith.constant 0 : i32
        %dma_wait3A_47 = tpu.memref_slice %arg6[%arg0, %mul3A_3, %dma_wait3A] : memref<2x10240x128xf32, #tpu.memory_space<hbm>> -> memref<1x640x128xf32, #tpu.memory_space<hbm>>
        %dma_wait3A_48 = tpu.memref_squeeze %dma_wait3A_47 : memref<1x640x128xf32, #tpu.memory_space<hbm>> -> memref<640x128xf32, #tpu.memory_space<hbm>>
        %dma_wait3A_49 = arith.constant 0 : i32
        %dma_wait3A_50 = tpu.memref_slice %arg11[%mul3A_3, %dma_wait3A_49] : memref<10240x128xf32, #tpu.memory_space<vmem_shared>> -> memref<640x128xf32, #tpu.memory_space<vmem_shared>>
        tpu.wait_dma2 semaphore(%run_scoped3A_41 : memref<!tpu.dma_semaphore, #tpu.memory_space<semaphore_mem>>) src(%dma_wait3A_50 : memref<640x128xf32, #tpu.memory_space<vmem_shared>>) dst(%dma_wait3A_48 : memref<640x128xf32, #tpu.memory_space<hbm>>)
        tpu.yield
      }) : () -> ()
      tpu.yield
    }) : () -> ()
    return
  }
}

module attributes {stable_mosaic.version = 14 : i64} {
  func.func @_tc1_body(%arg0: i32, %arg1: memref<512x128xf32, #tpu.memory_space<vmem>>, %arg2: memref<2x512x128xf32, #tpu.memory_space<vmem>>, %arg3: memref<2x512x16xf32, #tpu.memory_space<vmem>>, %arg4: memref<128x128xf32, #tpu.memory_space<vmem>>, %arg5: memref<128x128xf32, #tpu.memory_space<vmem>>, %arg6: memref<1x128xf32, #tpu.memory_space<vmem>>, %arg7: memref<128x128xf32, #tpu.memory_space<vmem>>, %arg8: memref<512x128xf32, #tpu.memory_space<vmem>>, %arg9: memref<512x128xf32, #tpu.memory_space<vmem>>) attributes {dimension_semantics = [#tpu.dimension_semantics<arbitrary>], iteration_bounds = array<i64: 20>, scalar_prefetch = 0 : i64, scratch_operands = 0 : i64, tpu.core_type = #tpu.core_type<tc>, window_params = [{transform_indices = @transform_0, window_bounds = array<i64: 512, 128>}, {transform_indices = @transform_1, window_bounds = array<i64: 2, 512, 128>}, {transform_indices = @transform_2, window_bounds = array<i64: 2, 512, 16>}, {pipeline_mode = #tpu.pipeline_mode<synchronous>, transform_indices = @transform_3, window_bounds = array<i64: 128, 128>}, {pipeline_mode = #tpu.pipeline_mode<synchronous>, transform_indices = @transform_4, window_bounds = array<i64: 128, 128>}, {pipeline_mode = #tpu.pipeline_mode<synchronous>, transform_indices = @transform_5, window_bounds = array<i64: 1, 128>}, {pipeline_mode = #tpu.pipeline_mode<synchronous>, transform_indices = @transform_6, window_bounds = array<i64: 128, 128>}, {transform_indices = @transform_7, window_bounds = array<i64: 512, 128>}, {transform_indices = @transform_8, window_bounds = array<i64: 512, 128>}]} {
    %get3A = arith.constant 0 : index
    %get3A_0 = arith.constant 0 : index
    %get3A_1 = arith.constant 0 : index
    %get3A_2 = vector.load %arg3[%get3A, %get3A_0, %get3A_1] : memref<2x512x16xf32, #tpu.memory_space<vmem>>, vector<1x512x1xf32>
    %get3A_3 = vector.shape_cast %get3A_2 : vector<1x512x1xf32> to vector<512x1xf32>
    %get3A_4 = arith.constant 1 : index
    %get3A_5 = arith.constant 0 : index
    %get3A_6 = arith.constant 0 : index
    %get3A_7 = vector.load %arg3[%get3A_4, %get3A_5, %get3A_6] : memref<2x512x16xf32, #tpu.memory_space<vmem>>, vector<1x512x1xf32>
    %get3A_8 = vector.shape_cast %get3A_7 : vector<1x512x1xf32> to vector<512x1xf32>
    %add3A = arith.addf %get3A_3, %get3A_8 : vector<512x1xf32>
    %add3A_9 = arith.constant 1.000000e+00 : f32
    %add3A_10 = vector.broadcast %add3A_9 : f32 to vector<512x1xf32>
    %add3A_11 = arith.addf %add3A, %add3A_10 : vector<512x1xf32>
    %rsqrt3A = math.rsqrt %add3A_11 : vector<512x1xf32>
    %sub3A = arith.constant 1.000000e+00 : f32
    %sub3A_12 = vector.broadcast %sub3A : f32 to vector<512x1xf32>
    %sub3A_13 = arith.subf %add3A_11, %sub3A_12 : vector<512x1xf32>
    %max3A = arith.constant 1.000000e+00 : f32
    %max3A_14 = vector.broadcast %max3A : f32 to vector<512x1xf32>
    %max3A_15 = arith.maximumf %sub3A_13, %max3A_14 : vector<512x1xf32>
    %div3A = arith.constant 1.000000e+00 : f32
    %div3A_16 = vector.broadcast %div3A : f32 to vector<512x1xf32>
    %div3A_17 = arith.divf %div3A_16, %max3A_15 : vector<512x1xf32>
    %get3A_18 = arith.constant 0 : index
    %get3A_19 = arith.constant 0 : index
    %get3A_20 = vector.load %arg1[%get3A_18, %get3A_19] : memref<512x128xf32, #tpu.memory_space<vmem>>, vector<512x128xf32>
    %get3A_21 = arith.constant 0 : index
    %get3A_22 = arith.constant 0 : index
    %get3A_23 = vector.load %arg4[%get3A_21, %get3A_22] : memref<128x128xf32, #tpu.memory_space<vmem>>, vector<128x128xf32>
    %dot_general3A = arith.constant dense<0.000000e+00> : vector<512x128xf32>
    %dot_general3A_24 = tpu.matmul %get3A_20, %get3A_23, %dot_general3A {dimension_numbers = #tpu.dot_dimension_numbers<[1], [0], [0], [1], [0, 0, 1, 1], [], []>, transpose_lhs_hint = false} : vector<512x128xf32>, vector<128x128xf32>, vector<512x128xf32> -> vector<512x128xf32>
    %mul3A = vector.broadcast %rsqrt3A : vector<512x1xf32> to vector<512x128xf32>
    %mul3A_25 = arith.mulf %mul3A, %dot_general3A_24 : vector<512x128xf32>
    %swap3A = arith.constant 0 : index
    %swap3A_26 = arith.constant 0 : index
    %swap3A_27 = vector.load %arg8[%swap3A, %swap3A_26] : memref<512x128xf32, #tpu.memory_space<vmem>>, vector<512x128xf32>
    tpu.vector_store %arg8[%swap3A, %swap3A_26], %mul3A_25 {strides = array<i32>} : memref<512x128xf32, #tpu.memory_space<vmem>>, vector<512x128xf32>,
    %get3A_28 = arith.constant 0 : index
    %get3A_29 = arith.constant 0 : index
    %get3A_30 = arith.constant 0 : index
    %get3A_31 = vector.load %arg2[%get3A_28, %get3A_29, %get3A_30] : memref<2x512x128xf32, #tpu.memory_space<vmem>>, vector<1x512x128xf32>
    %get3A_32 = vector.shape_cast %get3A_31 : vector<1x512x128xf32> to vector<512x128xf32>
    %get3A_33 = arith.constant 1 : index
    %get3A_34 = arith.constant 0 : index
    %get3A_35 = arith.constant 0 : index
    %get3A_36 = vector.load %arg2[%get3A_33, %get3A_34, %get3A_35] : memref<2x512x128xf32, #tpu.memory_space<vmem>>, vector<1x512x128xf32>
    %get3A_37 = vector.shape_cast %get3A_36 : vector<1x512x128xf32> to vector<512x128xf32>
    %add3A_38 = arith.addf %get3A_32, %get3A_37 : vector<512x128xf32>
    %mul3A_39 = vector.broadcast %div3A_17 : vector<512x1xf32> to vector<512x128xf32>
    %mul3A_40 = arith.mulf %add3A_38, %mul3A_39 : vector<512x128xf32>
    %get3A_41 = arith.constant 0 : index
    %get3A_42 = arith.constant 0 : index
    %get3A_43 = vector.load %arg5[%get3A_41, %get3A_42] : memref<128x128xf32, #tpu.memory_space<vmem>>, vector<128x128xf32>
    %dot_general3A_44 = arith.constant dense<0.000000e+00> : vector<512x128xf32>
    %dot_general3A_45 = tpu.matmul %mul3A_40, %get3A_43, %dot_general3A_44 {dimension_numbers = #tpu.dot_dimension_numbers<[1], [0], [0], [1], [0, 0, 1, 1], [], []>, transpose_lhs_hint = false} : vector<512x128xf32>, vector<128x128xf32>, vector<512x128xf32> -> vector<512x128xf32>
    %get3A_46 = arith.constant 0 : index
    %get3A_47 = arith.constant 0 : index
    %get3A_48 = vector.load %arg6[%get3A_46, %get3A_47] : memref<1x128xf32, #tpu.memory_space<vmem>>, vector<1x128xf32>
    %add3A_49 = vector.broadcast %get3A_48 : vector<1x128xf32> to vector<512x128xf32>
    %add3A_50 = arith.addf %dot_general3A_45, %add3A_49 : vector<512x128xf32>
    %get3A_51 = arith.constant 0 : index
    %get3A_52 = arith.constant 0 : index
    %get3A_53 = vector.load %arg7[%get3A_51, %get3A_52] : memref<128x128xf32, #tpu.memory_space<vmem>>, vector<128x128xf32>
    %dot_general3A_54 = arith.constant dense<0.000000e+00> : vector<512x128xf32>
    %dot_general3A_55 = tpu.matmul %get3A_20, %get3A_53, %dot_general3A_54 {dimension_numbers = #tpu.dot_dimension_numbers<[1], [0], [0], [1], [0, 0, 1, 1], [], []>, transpose_lhs_hint = false} : vector<512x128xf32>, vector<128x128xf32>, vector<512x128xf32> -> vector<512x128xf32>
    %add3A_56 = arith.addf %add3A_50, %dot_general3A_55 : vector<512x128xf32>
    %max3A_57 = arith.constant 0.000000e+00 : f32
    %max3A_58 = vector.broadcast %max3A_57 : f32 to vector<512x128xf32>
    %max3A_59 = arith.maximumf %add3A_56, %max3A_58 : vector<512x128xf32>
    %swap3A_60 = arith.constant 0 : index
    %swap3A_61 = arith.constant 0 : index
    %swap3A_62 = vector.load %arg9[%swap3A_60, %swap3A_61] : memref<512x128xf32, #tpu.memory_space<vmem>>, vector<512x128xf32>
    tpu.vector_store %arg9[%swap3A_60, %swap3A_61], %max3A_59 {strides = array<i32>} : memref<512x128xf32, #tpu.memory_space<vmem>>, vector<512x128xf32>,
    return
  }
  func.func @transform_0(%arg0: i32) -> (i32, i32) {
    %c0_i32 = arith.constant 0 : i32
    %c0_i32_0 = arith.constant 0 : i32
    return %arg0, %c0_i32 : i32, i32
  }
  func.func @transform_1(%arg0: i32) -> (i32, i32, i32) {
    %c0_i32 = arith.constant 0 : i32
    %c0_i32_0 = arith.constant 0 : i32
    %c0_i32_1 = arith.constant 0 : i32
    return %c0_i32, %arg0, %c0_i32_0 : i32, i32, i32
  }
  func.func @transform_2(%arg0: i32) -> (i32, i32, i32) {
    %c0_i32 = arith.constant 0 : i32
    %c0_i32_0 = arith.constant 0 : i32
    %c0_i32_1 = arith.constant 0 : i32
    return %c0_i32, %arg0, %c0_i32_0 : i32, i32, i32
  }
  func.func @transform_3(%arg0: i32) -> (i32, i32) {
    %c0_i32 = arith.constant 0 : i32
    %c0_i32_0 = arith.constant 0 : i32
    %c0_i32_1 = arith.constant 0 : i32
    return %c0_i32, %c0_i32_0 : i32, i32
  }
  func.func @transform_4(%arg0: i32) -> (i32, i32) {
    %c0_i32 = arith.constant 0 : i32
    %c0_i32_0 = arith.constant 0 : i32
    %c0_i32_1 = arith.constant 0 : i32
    return %c0_i32, %c0_i32_0 : i32, i32
  }
  func.func @transform_5(%arg0: i32) -> (i32, i32) {
    %c0_i32 = arith.constant 0 : i32
    %c0_i32_0 = arith.constant 0 : i32
    %c0_i32_1 = arith.constant 0 : i32
    return %c0_i32, %c0_i32_0 : i32, i32
  }
  func.func @transform_6(%arg0: i32) -> (i32, i32) {
    %c0_i32 = arith.constant 0 : i32
    %c0_i32_0 = arith.constant 0 : i32
    %c0_i32_1 = arith.constant 0 : i32
    return %c0_i32, %c0_i32_0 : i32, i32
  }
  func.func @transform_7(%arg0: i32) -> (i32, i32) {
    %c0_i32 = arith.constant 0 : i32
    %c0_i32_0 = arith.constant 0 : i32
    return %arg0, %c0_i32 : i32, i32
  }
  func.func @transform_8(%arg0: i32) -> (i32, i32) {
    %c0_i32 = arith.constant 0 : i32
    %c0_i32_0 = arith.constant 0 : i32
    return %arg0, %c0_i32 : i32, i32
  }
}

module attributes {stable_mosaic.version = 14 : i64} {
  func.func @_tc2_body(%arg0: i32, %arg1: memref<512x128xf32, #tpu.memory_space<vmem>>, %arg2: memref<2x512x128xf32, #tpu.memory_space<vmem>>, %arg3: memref<2x512x128xf32, #tpu.memory_space<vmem>>, %arg4: memref<2x512x16xf32, #tpu.memory_space<vmem>>, %arg5: memref<512x128xf32, #tpu.memory_space<vmem>>, %arg6: memref<128x128xf32, #tpu.memory_space<vmem>>, %arg7: memref<128x128xf32, #tpu.memory_space<vmem>>, %arg8: memref<1x128xf32, #tpu.memory_space<vmem>>, %arg9: memref<128x128xf32, #tpu.memory_space<vmem>>, %arg10: memref<1x128xf32, #tpu.memory_space<vmem>>, %arg11: memref<512x128xf32, #tpu.memory_space<vmem>>, %arg12: memref<512x128xf32, #tpu.memory_space<vmem>>) attributes {dimension_semantics = [#tpu.dimension_semantics<arbitrary>], iteration_bounds = array<i64: 20>, scalar_prefetch = 0 : i64, scratch_operands = 0 : i64, tpu.core_type = #tpu.core_type<tc>, window_params = [{transform_indices = @transform_0, window_bounds = array<i64: 512, 128>}, {transform_indices = @transform_1, window_bounds = array<i64: 2, 512, 128>}, {transform_indices = @transform_2, window_bounds = array<i64: 2, 512, 128>}, {transform_indices = @transform_3, window_bounds = array<i64: 2, 512, 16>}, {transform_indices = @transform_4, window_bounds = array<i64: 512, 128>}, {pipeline_mode = #tpu.pipeline_mode<synchronous>, transform_indices = @transform_5, window_bounds = array<i64: 128, 128>}, {pipeline_mode = #tpu.pipeline_mode<synchronous>, transform_indices = @transform_6, window_bounds = array<i64: 128, 128>}, {pipeline_mode = #tpu.pipeline_mode<synchronous>, transform_indices = @transform_7, window_bounds = array<i64: 1, 128>}, {pipeline_mode = #tpu.pipeline_mode<synchronous>, transform_indices = @transform_8, window_bounds = array<i64: 128, 128>}, {pipeline_mode = #tpu.pipeline_mode<synchronous>, transform_indices = @transform_9, window_bounds = array<i64: 1, 128>}, {transform_indices = @transform_10, window_bounds = array<i64: 512, 128>}, {transform_indices = @transform_11, window_bounds = array<i64: 512, 128>}]} {
    %get3A = arith.constant 0 : index
    %get3A_0 = arith.constant 0 : index
    %get3A_1 = arith.constant 0 : index
    %get3A_2 = vector.load %arg4[%get3A, %get3A_0, %get3A_1] : memref<2x512x16xf32, #tpu.memory_space<vmem>>, vector<1x512x1xf32>
    %get3A_3 = vector.shape_cast %get3A_2 : vector<1x512x1xf32> to vector<512x1xf32>
    %get3A_4 = arith.constant 1 : index
    %get3A_5 = arith.constant 0 : index
    %get3A_6 = arith.constant 0 : index
    %get3A_7 = vector.load %arg4[%get3A_4, %get3A_5, %get3A_6] : memref<2x512x16xf32, #tpu.memory_space<vmem>>, vector<1x512x1xf32>
    %get3A_8 = vector.shape_cast %get3A_7 : vector<1x512x1xf32> to vector<512x1xf32>
    %add3A = arith.addf %get3A_3, %get3A_8 : vector<512x1xf32>
    %add3A_9 = arith.constant 1.000000e+00 : f32
    %add3A_10 = vector.broadcast %add3A_9 : f32 to vector<512x1xf32>
    %add3A_11 = arith.addf %add3A, %add3A_10 : vector<512x1xf32>
    %rsqrt3A = math.rsqrt %add3A_11 : vector<512x1xf32>
    %sub3A = arith.constant 1.000000e+00 : f32
    %sub3A_12 = vector.broadcast %sub3A : f32 to vector<512x1xf32>
    %sub3A_13 = arith.subf %add3A_11, %sub3A_12 : vector<512x1xf32>
    %max3A = arith.constant 1.000000e+00 : f32
    %max3A_14 = vector.broadcast %max3A : f32 to vector<512x1xf32>
    %max3A_15 = arith.maximumf %sub3A_13, %max3A_14 : vector<512x1xf32>
    %div3A = arith.constant 1.000000e+00 : f32
    %div3A_16 = vector.broadcast %div3A : f32 to vector<512x1xf32>
    %div3A_17 = arith.divf %div3A_16, %max3A_15 : vector<512x1xf32>
    %get3A_18 = arith.constant 0 : index
    %get3A_19 = arith.constant 0 : index
    %get3A_20 = arith.constant 0 : index
    %get3A_21 = vector.load %arg2[%get3A_18, %get3A_19, %get3A_20] : memref<2x512x128xf32, #tpu.memory_space<vmem>>, vector<1x512x128xf32>
    %get3A_22 = vector.shape_cast %get3A_21 : vector<1x512x128xf32> to vector<512x128xf32>
    %get3A_23 = arith.constant 1 : index
    %get3A_24 = arith.constant 0 : index
    %get3A_25 = arith.constant 0 : index
    %get3A_26 = vector.load %arg2[%get3A_23, %get3A_24, %get3A_25] : memref<2x512x128xf32, #tpu.memory_space<vmem>>, vector<1x512x128xf32>
    %get3A_27 = vector.shape_cast %get3A_26 : vector<1x512x128xf32> to vector<512x128xf32>
    %add3A_28 = arith.addf %get3A_22, %get3A_27 : vector<512x128xf32>
    %mul3A = vector.broadcast %rsqrt3A : vector<512x1xf32> to vector<512x128xf32>
    %mul3A_29 = arith.mulf %mul3A, %add3A_28 : vector<512x128xf32>
    %get3A_30 = arith.constant 0 : index
    %get3A_31 = arith.constant 0 : index
    %get3A_32 = vector.load %arg1[%get3A_30, %get3A_31] : memref<512x128xf32, #tpu.memory_space<vmem>>, vector<512x128xf32>
    %mul3A_33 = vector.broadcast %rsqrt3A : vector<512x1xf32> to vector<512x128xf32>
    %mul3A_34 = arith.mulf %mul3A_33, %get3A_32 : vector<512x128xf32>
    %add3A_35 = arith.addf %mul3A_29, %mul3A_34 : vector<512x128xf32>
    %get3A_36 = arith.constant 0 : index
    %get3A_37 = arith.constant 0 : index
    %get3A_38 = vector.load %arg10[%get3A_36, %get3A_37] : memref<1x128xf32, #tpu.memory_space<vmem>>, vector<1x128xf32>
    %add3A_39 = vector.broadcast %get3A_38 : vector<1x128xf32> to vector<512x128xf32>
    %add3A_40 = arith.addf %add3A_35, %add3A_39 : vector<512x128xf32>
    %max3A_41 = arith.constant 0.000000e+00 : f32
    %max3A_42 = vector.broadcast %max3A_41 : f32 to vector<512x128xf32>
    %max3A_43 = arith.maximumf %add3A_40, %max3A_42 : vector<512x128xf32>
    %get3A_44 = arith.constant 0 : index
    %get3A_45 = arith.constant 0 : index
    %get3A_46 = vector.load %arg6[%get3A_44, %get3A_45] : memref<128x128xf32, #tpu.memory_space<vmem>>, vector<128x128xf32>
    %dot_general3A = arith.constant dense<0.000000e+00> : vector<512x128xf32>
    %dot_general3A_47 = tpu.matmul %max3A_43, %get3A_46, %dot_general3A {dimension_numbers = #tpu.dot_dimension_numbers<[1], [0], [0], [1], [0, 0, 1, 1], [], []>, transpose_lhs_hint = false} : vector<512x128xf32>, vector<128x128xf32>, vector<512x128xf32> -> vector<512x128xf32>
    %mul3A_48 = vector.broadcast %rsqrt3A : vector<512x1xf32> to vector<512x128xf32>
    %mul3A_49 = arith.mulf %mul3A_48, %dot_general3A_47 : vector<512x128xf32>
    %swap3A = arith.constant 0 : index
    %swap3A_50 = arith.constant 0 : index
    %swap3A_51 = vector.load %arg11[%swap3A, %swap3A_50] : memref<512x128xf32, #tpu.memory_space<vmem>>, vector<512x128xf32>
    tpu.vector_store %arg11[%swap3A, %swap3A_50], %mul3A_49 {strides = array<i32>} : memref<512x128xf32, #tpu.memory_space<vmem>>, vector<512x128xf32>,
    %get3A_52 = arith.constant 0 : index
    %get3A_53 = arith.constant 0 : index
    %get3A_54 = arith.constant 0 : index
    %get3A_55 = vector.load %arg3[%get3A_52, %get3A_53, %get3A_54] : memref<2x512x128xf32, #tpu.memory_space<vmem>>, vector<1x512x128xf32>
    %get3A_56 = vector.shape_cast %get3A_55 : vector<1x512x128xf32> to vector<512x128xf32>
    %get3A_57 = arith.constant 1 : index
    %get3A_58 = arith.constant 0 : index
    %get3A_59 = arith.constant 0 : index
    %get3A_60 = vector.load %arg3[%get3A_57, %get3A_58, %get3A_59] : memref<2x512x128xf32, #tpu.memory_space<vmem>>, vector<1x512x128xf32>
    %get3A_61 = vector.shape_cast %get3A_60 : vector<1x512x128xf32> to vector<512x128xf32>
    %add3A_62 = arith.addf %get3A_56, %get3A_61 : vector<512x128xf32>
    %mul3A_63 = vector.broadcast %div3A_17 : vector<512x1xf32> to vector<512x128xf32>
    %mul3A_64 = arith.mulf %add3A_62, %mul3A_63 : vector<512x128xf32>
    %get3A_65 = arith.constant 0 : index
    %get3A_66 = arith.constant 0 : index
    %get3A_67 = vector.load %arg7[%get3A_65, %get3A_66] : memref<128x128xf32, #tpu.memory_space<vmem>>, vector<128x128xf32>
    %dot_general3A_68 = arith.constant dense<0.000000e+00> : vector<512x128xf32>
    %dot_general3A_69 = tpu.matmul %mul3A_64, %get3A_67, %dot_general3A_68 {dimension_numbers = #tpu.dot_dimension_numbers<[1], [0], [0], [1], [0, 0, 1, 1], [], []>, transpose_lhs_hint = false} : vector<512x128xf32>, vector<128x128xf32>, vector<512x128xf32> -> vector<512x128xf32>
    %get3A_70 = arith.constant 0 : index
    %get3A_71 = arith.constant 0 : index
    %get3A_72 = vector.load %arg8[%get3A_70, %get3A_71] : memref<1x128xf32, #tpu.memory_space<vmem>>, vector<1x128xf32>
    %add3A_73 = vector.broadcast %get3A_72 : vector<1x128xf32> to vector<512x128xf32>
    %add3A_74 = arith.addf %dot_general3A_69, %add3A_73 : vector<512x128xf32>
    %get3A_75 = arith.constant 0 : index
    %get3A_76 = arith.constant 0 : index
    %get3A_77 = vector.load %arg5[%get3A_75, %get3A_76] : memref<512x128xf32, #tpu.memory_space<vmem>>, vector<512x128xf32>
    %get3A_78 = arith.constant 0 : index
    %get3A_79 = arith.constant 0 : index
    %get3A_80 = vector.load %arg9[%get3A_78, %get3A_79] : memref<128x128xf32, #tpu.memory_space<vmem>>, vector<128x128xf32>
    %dot_general3A_81 = arith.constant dense<0.000000e+00> : vector<512x128xf32>
    %dot_general3A_82 = tpu.matmul %get3A_77, %get3A_80, %dot_general3A_81 {dimension_numbers = #tpu.dot_dimension_numbers<[1], [0], [0], [1], [0, 0, 1, 1], [], []>, transpose_lhs_hint = false} : vector<512x128xf32>, vector<128x128xf32>, vector<512x128xf32> -> vector<512x128xf32>
    %add3A_83 = arith.addf %add3A_74, %dot_general3A_82 : vector<512x128xf32>
    %swap3A_84 = arith.constant 0 : index
    %swap3A_85 = arith.constant 0 : index
    %swap3A_86 = vector.load %arg12[%swap3A_84, %swap3A_85] : memref<512x128xf32, #tpu.memory_space<vmem>>, vector<512x128xf32>
    tpu.vector_store %arg12[%swap3A_84, %swap3A_85], %add3A_83 {strides = array<i32>} : memref<512x128xf32, #tpu.memory_space<vmem>>, vector<512x128xf32>,
    return
  }
  func.func @transform_0(%arg0: i32) -> (i32, i32) {
    %c0_i32 = arith.constant 0 : i32
    %c0_i32_0 = arith.constant 0 : i32
    return %arg0, %c0_i32 : i32, i32
  }
  func.func @transform_1(%arg0: i32) -> (i32, i32, i32) {
    %c0_i32 = arith.constant 0 : i32
    %c0_i32_0 = arith.constant 0 : i32
    %c0_i32_1 = arith.constant 0 : i32
    return %c0_i32, %arg0, %c0_i32_0 : i32, i32, i32
  }
  func.func @transform_2(%arg0: i32) -> (i32, i32, i32) {
    %c0_i32 = arith.constant 0 : i32
    %c0_i32_0 = arith.constant 0 : i32
    %c0_i32_1 = arith.constant 0 : i32
    return %c0_i32, %arg0, %c0_i32_0 : i32, i32, i32
  }
  func.func @transform_3(%arg0: i32) -> (i32, i32, i32) {
    %c0_i32 = arith.constant 0 : i32
    %c0_i32_0 = arith.constant 0 : i32
    %c0_i32_1 = arith.constant 0 : i32
    return %c0_i32, %arg0, %c0_i32_0 : i32, i32, i32
  }
  func.func @transform_4(%arg0: i32) -> (i32, i32) {
    %c0_i32 = arith.constant 0 : i32
    %c0_i32_0 = arith.constant 0 : i32
    return %arg0, %c0_i32 : i32, i32
  }
  func.func @transform_5(%arg0: i32) -> (i32, i32) {
    %c0_i32 = arith.constant 0 : i32
    %c0_i32_0 = arith.constant 0 : i32
    %c0_i32_1 = arith.constant 0 : i32
    return %c0_i32, %c0_i32_0 : i32, i32
  }
  func.func @transform_6(%arg0: i32) -> (i32, i32) {
    %c0_i32 = arith.constant 0 : i32
    %c0_i32_0 = arith.constant 0 : i32
    %c0_i32_1 = arith.constant 0 : i32
    return %c0_i32, %c0_i32_0 : i32, i32
  }
  func.func @transform_7(%arg0: i32) -> (i32, i32) {
    %c0_i32 = arith.constant 0 : i32
    %c0_i32_0 = arith.constant 0 : i32
    %c0_i32_1 = arith.constant 0 : i32
    return %c0_i32, %c0_i32_0 : i32, i32
  }
  func.func @transform_8(%arg0: i32) -> (i32, i32) {
    %c0_i32 = arith.constant 0 : i32
    %c0_i32_0 = arith.constant 0 : i32
    %c0_i32_1 = arith.constant 0 : i32
    return %c0_i32, %c0_i32_0 : i32, i32
  }
  func.func @transform_9(%arg0: i32) -> (i32, i32) {
    %c0_i32 = arith.constant 0 : i32
    %c0_i32_0 = arith.constant 0 : i32
    %c0_i32_1 = arith.constant 0 : i32
    return %c0_i32, %c0_i32_0 : i32, i32
  }
  func.func @transform_10(%arg0: i32) -> (i32, i32) {
    %c0_i32 = arith.constant 0 : i32
    %c0_i32_0 = arith.constant 0 : i32
    return %arg0, %c0_i32 : i32, i32
  }
  func.func @transform_11(%arg0: i32) -> (i32, i32) {
    %c0_i32 = arith.constant 0 : i32
    %c0_i32_0 = arith.constant 0 : i32
    return %arg0, %c0_i32 : i32, i32
  }
}

module attributes {stable_mosaic.version = 14 : i64} {
  func.func @_tc3_body(%arg0: i32, %arg1: memref<512x128xf32, #tpu.memory_space<vmem>>, %arg2: memref<2x512x128xf32, #tpu.memory_space<vmem>>, %arg3: memref<2x512x16xf32, #tpu.memory_space<vmem>>, %arg4: memref<512x128xf32, #tpu.memory_space<vmem>>, %arg5: memref<1x128xf32, #tpu.memory_space<vmem>>, %arg6: memref<1x128xf32, #tpu.memory_space<vmem>>, %arg7: memref<1x128xf32, #tpu.memory_space<vmem>>, %arg8: memref<1x128xf32, #tpu.memory_space<vmem>>, %arg9: memref<1x128xf32, #tpu.memory_space<vmem>>, %arg10: memref<2x128x128xf32, #tpu.memory_space<vmem>>, %arg11: memref<1x128xf32, #tpu.memory_space<vmem>>, %arg12: memref<512x128xf32, #tpu.memory_space<vmem>>) attributes {dimension_semantics = [#tpu.dimension_semantics<arbitrary>], iteration_bounds = array<i64: 20>, scalar_prefetch = 0 : i64, scratch_operands = 0 : i64, tpu.core_type = #tpu.core_type<tc>, window_params = [{transform_indices = @transform_0, window_bounds = array<i64: 512, 128>}, {transform_indices = @transform_1, window_bounds = array<i64: 2, 512, 128>}, {transform_indices = @transform_2, window_bounds = array<i64: 2, 512, 16>}, {transform_indices = @transform_3, window_bounds = array<i64: 512, 128>}, {pipeline_mode = #tpu.pipeline_mode<synchronous>, transform_indices = @transform_4, window_bounds = array<i64: 1, 128>}, {pipeline_mode = #tpu.pipeline_mode<synchronous>, transform_indices = @transform_5, window_bounds = array<i64: 1, 128>}, {pipeline_mode = #tpu.pipeline_mode<synchronous>, transform_indices = @transform_6, window_bounds = array<i64: 1, 128>}, {pipeline_mode = #tpu.pipeline_mode<synchronous>, transform_indices = @transform_7, window_bounds = array<i64: 1, 128>}, {pipeline_mode = #tpu.pipeline_mode<synchronous>, transform_indices = @transform_8, window_bounds = array<i64: 1, 128>}, {pipeline_mode = #tpu.pipeline_mode<synchronous>, transform_indices = @transform_9, window_bounds = array<i64: 2, 128, 128>}, {pipeline_mode = #tpu.pipeline_mode<synchronous>, transform_indices = @transform_10, window_bounds = array<i64: 1, 128>}, {transform_indices = @transform_11, window_bounds = array<i64: 512, 128>}]} {
    %get3A = arith.constant 0 : index
    %get3A_0 = arith.constant 0 : index
    %get3A_1 = arith.constant 0 : index
    %get3A_2 = vector.load %arg3[%get3A, %get3A_0, %get3A_1] : memref<2x512x16xf32, #tpu.memory_space<vmem>>, vector<1x512x1xf32>
    %get3A_3 = vector.shape_cast %get3A_2 : vector<1x512x1xf32> to vector<512x1xf32>
    %get3A_4 = arith.constant 1 : index
    %get3A_5 = arith.constant 0 : index
    %get3A_6 = arith.constant 0 : index
    %get3A_7 = vector.load %arg3[%get3A_4, %get3A_5, %get3A_6] : memref<2x512x16xf32, #tpu.memory_space<vmem>>, vector<1x512x1xf32>
    %get3A_8 = vector.shape_cast %get3A_7 : vector<1x512x1xf32> to vector<512x1xf32>
    %add3A = arith.addf %get3A_3, %get3A_8 : vector<512x1xf32>
    %add3A_9 = arith.constant 1.000000e+00 : f32
    %add3A_10 = vector.broadcast %add3A_9 : f32 to vector<512x1xf32>
    %add3A_11 = arith.addf %add3A, %add3A_10 : vector<512x1xf32>
    %rsqrt3A = math.rsqrt %add3A_11 : vector<512x1xf32>
    %get3A_12 = arith.constant 0 : index
    %get3A_13 = arith.constant 0 : index
    %get3A_14 = arith.constant 0 : index
    %get3A_15 = vector.load %arg2[%get3A_12, %get3A_13, %get3A_14] : memref<2x512x128xf32, #tpu.memory_space<vmem>>, vector<1x512x128xf32>
    %get3A_16 = vector.shape_cast %get3A_15 : vector<1x512x128xf32> to vector<512x128xf32>
    %get3A_17 = arith.constant 1 : index
    %get3A_18 = arith.constant 0 : index
    %get3A_19 = arith.constant 0 : index
    %get3A_20 = vector.load %arg2[%get3A_17, %get3A_18, %get3A_19] : memref<2x512x128xf32, #tpu.memory_space<vmem>>, vector<1x512x128xf32>
    %get3A_21 = vector.shape_cast %get3A_20 : vector<1x512x128xf32> to vector<512x128xf32>
    %add3A_22 = arith.addf %get3A_16, %get3A_21 : vector<512x128xf32>
    %mul3A = vector.broadcast %rsqrt3A : vector<512x1xf32> to vector<512x128xf32>
    %mul3A_23 = arith.mulf %mul3A, %add3A_22 : vector<512x128xf32>
    %get3A_24 = arith.constant 0 : index
    %get3A_25 = arith.constant 0 : index
    %get3A_26 = vector.load %arg1[%get3A_24, %get3A_25] : memref<512x128xf32, #tpu.memory_space<vmem>>, vector<512x128xf32>
    %mul3A_27 = vector.broadcast %rsqrt3A : vector<512x1xf32> to vector<512x128xf32>
    %mul3A_28 = arith.mulf %mul3A_27, %get3A_26 : vector<512x128xf32>
    %add3A_29 = arith.addf %mul3A_23, %mul3A_28 : vector<512x128xf32>
    %get3A_30 = arith.constant 0 : index
    %get3A_31 = arith.constant 0 : index
    %get3A_32 = vector.load %arg5[%get3A_30, %get3A_31] : memref<1x128xf32, #tpu.memory_space<vmem>>, vector<1x128xf32>
    %add3A_33 = vector.broadcast %get3A_32 : vector<1x128xf32> to vector<512x128xf32>
    %add3A_34 = arith.addf %add3A_29, %add3A_33 : vector<512x128xf32>
    %get3A_35 = arith.constant 0 : index
    %get3A_36 = arith.constant 0 : index
    %get3A_37 = vector.load %arg6[%get3A_35, %get3A_36] : memref<1x128xf32, #tpu.memory_space<vmem>>, vector<1x128xf32>
    %get3A_38 = arith.constant 0 : index
    %get3A_39 = arith.constant 0 : index
    %get3A_40 = vector.load %arg7[%get3A_38, %get3A_39] : memref<1x128xf32, #tpu.memory_space<vmem>>, vector<1x128xf32>
    %reduce_sum3A = arith.constant dense<0.000000e+00> : vector<512xf32>
    %reduce_sum3A_41 = vector.multi_reduction <add>, %add3A_34, %reduce_sum3A [1] : vector<512x128xf32> to vector<512xf32>
    %broadcast_in_dim3A = vector.shape_cast %reduce_sum3A_41 : vector<512xf32> to vector<512x1xf32>
    %div3A = arith.constant 1.280000e+02 : f32
    %div3A_42 = vector.broadcast %div3A : f32 to vector<512x1xf32>
    %div3A_43 = arith.divf %broadcast_in_dim3A, %div3A_42 : vector<512x1xf32>
    %jit3A = arith.constant 0 : i32
    %reduce_sum3A_44 = arith.constant dense<0.000000e+00> : vector<512xf32>
    %reduce_sum3A_45 = vector.multi_reduction <add>, %add3A_34, %reduce_sum3A_44 [1] : vector<512x128xf32> to vector<512xf32>
    %broadcast_in_dim3A_46 = vector.shape_cast %reduce_sum3A_45 : vector<512xf32> to vector<512x1xf32>
    %div3A_47 = arith.constant 1.280000e+02 : f32
    %div3A_48 = vector.broadcast %div3A_47 : f32 to vector<512x1xf32>
    %div3A_49 = arith.divf %broadcast_in_dim3A_46, %div3A_48 : vector<512x1xf32>
    %sub3A = vector.broadcast %div3A_49 : vector<512x1xf32> to vector<512x128xf32>
    %sub3A_50 = arith.subf %add3A_34, %sub3A : vector<512x128xf32>
    %square3A = arith.mulf %sub3A_50, %sub3A_50 : vector<512x128xf32>
    %convert_element_type3A = arith.sitofp %jit3A : i32 to f32
    %sub3A_51 = arith.constant 1.280000e+02 : f32
    %sub3A_52 = arith.subf %sub3A_51, %convert_element_type3A : f32
    %reduce_sum3A_53 = arith.constant dense<0.000000e+00> : vector<512xf32>
    %reduce_sum3A_54 = vector.multi_reduction <add>, %square3A, %reduce_sum3A_53 [1] : vector<512x128xf32> to vector<512xf32>
    %broadcast_in_dim3A_55 = vector.shape_cast %reduce_sum3A_54 : vector<512xf32> to vector<512x1xf32>
    %div3A_56 = vector.broadcast %sub3A_52 : f32 to vector<512x1xf32>
    %div3A_57 = arith.divf %broadcast_in_dim3A_55, %div3A_56 : vector<512x1xf32>
    %gt3A = arith.constant 0.000000e+00 : f32
    %gt3A_58 = arith.cmpf ogt, %sub3A_52, %gt3A : f32
    %jit3A_59 = arith.constant 0x7FC00000 : f32
    %broadcast_in_dim3A_60 = vector.broadcast %jit3A_59 : f32 to vector<512x1xf32>
    %select_n3A = arith.select %gt3A_58, %div3A_57, %broadcast_in_dim3A_60 : vector<512x1xf32>
    %sub3A_61 = vector.broadcast %div3A_43 : vector<512x1xf32> to vector<512x128xf32>
    %sub3A_62 = arith.subf %add3A_34, %sub3A_61 : vector<512x128xf32>
    %add3A_63 = arith.constant 9.99999974E-6 : f32
    %add3A_64 = vector.broadcast %add3A_63 : f32 to vector<512x1xf32>
    %add3A_65 = arith.addf %select_n3A, %add3A_64 : vector<512x1xf32>
    %sqrt3A = math.sqrt %add3A_65 : vector<512x1xf32>
    %div3A_66 = vector.broadcast %sqrt3A : vector<512x1xf32> to vector<512x128xf32>
    %div3A_67 = arith.divf %sub3A_62, %div3A_66 : vector<512x128xf32>
    %mul3A_68 = vector.broadcast %get3A_37 : vector<1x128xf32> to vector<512x128xf32>
    %mul3A_69 = arith.mulf %div3A_67, %mul3A_68 : vector<512x128xf32>
    %add3A_70 = vector.broadcast %get3A_40 : vector<1x128xf32> to vector<512x128xf32>
    %add3A_71 = arith.addf %mul3A_69, %add3A_70 : vector<512x128xf32>
    %get3A_72 = arith.constant 0 : index
    %get3A_73 = arith.constant 0 : index
    %get3A_74 = vector.load %arg4[%get3A_72, %get3A_73] : memref<512x128xf32, #tpu.memory_space<vmem>>, vector<512x128xf32>
    %get3A_75 = arith.constant 0 : index
    %get3A_76 = arith.constant 0 : index
    %get3A_77 = vector.load %arg8[%get3A_75, %get3A_76] : memref<1x128xf32, #tpu.memory_space<vmem>>, vector<1x128xf32>
    %get3A_78 = arith.constant 0 : index
    %get3A_79 = arith.constant 0 : index
    %get3A_80 = vector.load %arg9[%get3A_78, %get3A_79] : memref<1x128xf32, #tpu.memory_space<vmem>>, vector<1x128xf32>
    %reduce_sum3A_81 = arith.constant dense<0.000000e+00> : vector<512xf32>
    %reduce_sum3A_82 = vector.multi_reduction <add>, %get3A_74, %reduce_sum3A_81 [1] : vector<512x128xf32> to vector<512xf32>
    %broadcast_in_dim3A_83 = vector.shape_cast %reduce_sum3A_82 : vector<512xf32> to vector<512x1xf32>
    %div3A_84 = arith.constant 1.280000e+02 : f32
    %div3A_85 = vector.broadcast %div3A_84 : f32 to vector<512x1xf32>
    %div3A_86 = arith.divf %broadcast_in_dim3A_83, %div3A_85 : vector<512x1xf32>
    %jit3A_87 = arith.constant 0 : i32
    %reduce_sum3A_88 = arith.constant dense<0.000000e+00> : vector<512xf32>
    %reduce_sum3A_89 = vector.multi_reduction <add>, %get3A_74, %reduce_sum3A_88 [1] : vector<512x128xf32> to vector<512xf32>
    %broadcast_in_dim3A_90 = vector.shape_cast %reduce_sum3A_89 : vector<512xf32> to vector<512x1xf32>
    %div3A_91 = arith.constant 1.280000e+02 : f32
    %div3A_92 = vector.broadcast %div3A_91 : f32 to vector<512x1xf32>
    %div3A_93 = arith.divf %broadcast_in_dim3A_90, %div3A_92 : vector<512x1xf32>
    %sub3A_94 = vector.broadcast %div3A_93 : vector<512x1xf32> to vector<512x128xf32>
    %sub3A_95 = arith.subf %get3A_74, %sub3A_94 : vector<512x128xf32>
    %square3A_96 = arith.mulf %sub3A_95, %sub3A_95 : vector<512x128xf32>
    %convert_element_type3A_97 = arith.sitofp %jit3A_87 : i32 to f32
    %sub3A_98 = arith.constant 1.280000e+02 : f32
    %sub3A_99 = arith.subf %sub3A_98, %convert_element_type3A_97 : f32
    %reduce_sum3A_100 = arith.constant dense<0.000000e+00> : vector<512xf32>
    %reduce_sum3A_101 = vector.multi_reduction <add>, %square3A_96, %reduce_sum3A_100 [1] : vector<512x128xf32> to vector<512xf32>
    %broadcast_in_dim3A_102 = vector.shape_cast %reduce_sum3A_101 : vector<512xf32> to vector<512x1xf32>
    %div3A_103 = vector.broadcast %sub3A_99 : f32 to vector<512x1xf32>
    %div3A_104 = arith.divf %broadcast_in_dim3A_102, %div3A_103 : vector<512x1xf32>
    %gt3A_105 = arith.constant 0.000000e+00 : f32
    %gt3A_106 = arith.cmpf ogt, %sub3A_99, %gt3A_105 : f32
    %jit3A_107 = arith.constant 0x7FC00000 : f32
    %broadcast_in_dim3A_108 = vector.broadcast %jit3A_107 : f32 to vector<512x1xf32>
    %select_n3A_109 = arith.select %gt3A_106, %div3A_104, %broadcast_in_dim3A_108 : vector<512x1xf32>
    %sub3A_110 = vector.broadcast %div3A_86 : vector<512x1xf32> to vector<512x128xf32>
    %sub3A_111 = arith.subf %get3A_74, %sub3A_110 : vector<512x128xf32>
    %add3A_112 = arith.constant 9.99999974E-6 : f32
    %add3A_113 = vector.broadcast %add3A_112 : f32 to vector<512x1xf32>
    %add3A_114 = arith.addf %select_n3A_109, %add3A_113 : vector<512x1xf32>
    %sqrt3A_115 = math.sqrt %add3A_114 : vector<512x1xf32>
    %div3A_116 = vector.broadcast %sqrt3A_115 : vector<512x1xf32> to vector<512x128xf32>
    %div3A_117 = arith.divf %sub3A_111, %div3A_116 : vector<512x128xf32>
    %mul3A_118 = vector.broadcast %get3A_77 : vector<1x128xf32> to vector<512x128xf32>
    %mul3A_119 = arith.mulf %div3A_117, %mul3A_118 : vector<512x128xf32>
    %add3A_120 = vector.broadcast %get3A_80 : vector<1x128xf32> to vector<512x128xf32>
    %add3A_121 = arith.addf %mul3A_119, %add3A_120 : vector<512x128xf32>
    %get3A_122 = arith.constant 0 : index
    %get3A_123 = arith.constant 0 : index
    %get3A_124 = arith.constant 0 : index
    %get3A_125 = vector.load %arg10[%get3A_122, %get3A_123, %get3A_124] : memref<2x128x128xf32, #tpu.memory_space<vmem>>, vector<1x128x128xf32>
    %get3A_126 = vector.shape_cast %get3A_125 : vector<1x128x128xf32> to vector<128x128xf32>
    %dot_general3A = arith.constant dense<0.000000e+00> : vector<512x128xf32>
    %dot_general3A_127 = tpu.matmul %add3A_71, %get3A_126, %dot_general3A {dimension_numbers = #tpu.dot_dimension_numbers<[1], [0], [0], [1], [0, 0, 1, 1], [], []>, transpose_lhs_hint = false} : vector<512x128xf32>, vector<128x128xf32>, vector<512x128xf32> -> vector<512x128xf32>
    %get3A_128 = arith.constant 1 : index
    %get3A_129 = arith.constant 0 : index
    %get3A_130 = arith.constant 0 : index
    %get3A_131 = vector.load %arg10[%get3A_128, %get3A_129, %get3A_130] : memref<2x128x128xf32, #tpu.memory_space<vmem>>, vector<1x128x128xf32>
    %get3A_132 = vector.shape_cast %get3A_131 : vector<1x128x128xf32> to vector<128x128xf32>
    %dot_general3A_133 = arith.constant dense<0.000000e+00> : vector<512x128xf32>
    %dot_general3A_134 = tpu.matmul %add3A_121, %get3A_132, %dot_general3A_133 {dimension_numbers = #tpu.dot_dimension_numbers<[1], [0], [0], [1], [0, 0, 1, 1], [], []>, transpose_lhs_hint = false} : vector<512x128xf32>, vector<128x128xf32>, vector<512x128xf32> -> vector<512x128xf32>
    %add3A_135 = arith.addf %dot_general3A_127, %dot_general3A_134 : vector<512x128xf32>
    %get3A_136 = arith.constant 0 : index
    %get3A_137 = arith.constant 0 : index
    %get3A_138 = vector.load %arg11[%get3A_136, %get3A_137] : memref<1x128xf32, #tpu.memory_space<vmem>>, vector<1x128xf32>
    %add3A_139 = vector.broadcast %get3A_138 : vector<1x128xf32> to vector<512x128xf32>
    %add3A_140 = arith.addf %add3A_135, %add3A_139 : vector<512x128xf32>
    %swap3A = arith.constant 0 : index
    %swap3A_141 = arith.constant 0 : index
    %swap3A_142 = vector.load %arg12[%swap3A, %swap3A_141] : memref<512x128xf32, #tpu.memory_space<vmem>>, vector<512x128xf32>
    tpu.vector_store %arg12[%swap3A, %swap3A_141], %add3A_140 {strides = array<i32>} : memref<512x128xf32, #tpu.memory_space<vmem>>, vector<512x128xf32>,
    return
  }
  func.func @transform_0(%arg0: i32) -> (i32, i32) {
    %c0_i32 = arith.constant 0 : i32
    %c0_i32_0 = arith.constant 0 : i32
    return %arg0, %c0_i32 : i32, i32
  }
  func.func @transform_1(%arg0: i32) -> (i32, i32, i32) {
    %c0_i32 = arith.constant 0 : i32
    %c0_i32_0 = arith.constant 0 : i32
    %c0_i32_1 = arith.constant 0 : i32
    return %c0_i32, %arg0, %c0_i32_0 : i32, i32, i32
  }
  func.func @transform_2(%arg0: i32) -> (i32, i32, i32) {
    %c0_i32 = arith.constant 0 : i32
    %c0_i32_0 = arith.constant 0 : i32
    %c0_i32_1 = arith.constant 0 : i32
    return %c0_i32, %arg0, %c0_i32_0 : i32, i32, i32
  }
  func.func @transform_3(%arg0: i32) -> (i32, i32) {
    %c0_i32 = arith.constant 0 : i32
    %c0_i32_0 = arith.constant 0 : i32
    return %arg0, %c0_i32 : i32, i32
  }
  func.func @transform_4(%arg0: i32) -> (i32, i32) {
    %c0_i32 = arith.constant 0 : i32
    %c0_i32_0 = arith.constant 0 : i32
    %c0_i32_1 = arith.constant 0 : i32
    return %c0_i32, %c0_i32_0 : i32, i32
  }
  func.func @transform_5(%arg0: i32) -> (i32, i32) {
    %c0_i32 = arith.constant 0 : i32
    %c0_i32_0 = arith.constant 0 : i32
    %c0_i32_1 = arith.constant 0 : i32
    return %c0_i32, %c0_i32_0 : i32, i32
  }
  func.func @transform_6(%arg0: i32) -> (i32, i32) {
    %c0_i32 = arith.constant 0 : i32
    %c0_i32_0 = arith.constant 0 : i32
    %c0_i32_1 = arith.constant 0 : i32
    return %c0_i32, %c0_i32_0 : i32, i32
  }
  func.func @transform_7(%arg0: i32) -> (i32, i32) {
    %c0_i32 = arith.constant 0 : i32
    %c0_i32_0 = arith.constant 0 : i32
    %c0_i32_1 = arith.constant 0 : i32
    return %c0_i32, %c0_i32_0 : i32, i32
  }
  func.func @transform_8(%arg0: i32) -> (i32, i32) {
    %c0_i32 = arith.constant 0 : i32
    %c0_i32_0 = arith.constant 0 : i32
    %c0_i32_1 = arith.constant 0 : i32
    return %c0_i32, %c0_i32_0 : i32, i32
  }
  func.func @transform_9(%arg0: i32) -> (i32, i32, i32) {
    %c0_i32 = arith.constant 0 : i32
    %c0_i32_0 = arith.constant 0 : i32
    %c0_i32_1 = arith.constant 0 : i32
    %c0_i32_2 = arith.constant 0 : i32
    return %c0_i32, %c0_i32_0, %c0_i32_1 : i32, i32, i32
  }
  func.func @transform_10(%arg0: i32) -> (i32, i32) {
    %c0_i32 = arith.constant 0 : i32
    %c0_i32_0 = arith.constant 0 : i32
    %c0_i32_1 = arith.constant 0 : i32
    return %c0_i32, %c0_i32_0 : i32, i32
  }
  func.func @transform_11(%arg0: i32) -> (i32, i32) {
    %c0_i32 = arith.constant 0 : i32
    %c0_i32_0 = arith.constant 0 : i32
    return %arg0, %c0_i32 : i32, i32
  }
}

</mosaic_0001>

<sc_bundles>
// kernel: kernel.10.cloned.1.call-start
scs
__scs_entry_jumppad:
0x0: {  	(pc) =	sbr.rel $0x88, $3  }
0x1: {  	(tag) =	ssettag $0x0;
	lr =	simm.s32 $0x1  }
0x2: {  	[smem:$0x3F8F] =	sst lr;
	_ =	strace $0xD0000000  }
0x3: {  	_ = 	snop  }
0x4: {  	_ = 	snop  }
0x5: {  	_ = 	snop  }
0x6: {  	_ = 	snop  }
0x7: {  	_ = 	snop  }
__scs_overlays_trampoline_lowered:
0x8: {  	[smem:$0x3F9E] =	sst s0  }
0x9: {  	[smem:$0x3F9F] =	sst s1  }
0xa: {  	[smem:$0x3FA0] =	sst s2  }
0xb: {  	[smem:$0x3FA1] =	sst s3  }
0xc: {  	[smem:$0x3FA2] =	sst s4  }
0xd: {  	[smem:$0x3FA3] =	sst s5  }
0xe: {  	[smem:$0x3FA4] =	sst s6  }
0xf: {  	[smem:$0x3FA5] =	sst s7  }
0x10: {  	[smem:$0x3FA6] =	sst s8  }
0x11: {  	[smem:$0x3FA7] =	sst s9;
	s0 =	simm.s32 @!p0 $0x0  }
0x12: {  	s1 =	sld [smem:$0x3F8D];
	s0 =	simm.s32 @p0 $0x1  }
0x13: {  	[smem:$0x3FA8] =	sst s0;
	s0 =	simm.s32 @!p1 $0x0  }
0x14: {  	s2 =	sld [smem:$0x3F8C];
	s0 =	simm.s32 @p1 $0x1  }
0x15: {  	[smem:$0x3FA9] =	sst s0;
	s0 =	simm.s32 @!p2 $0x0  }
0x16: {  	s3 =	sld [smem:$0x3FDB];
	s0 =	simm.s32 @p2 $0x1  }
0x17: {  	s4 =	simm.s32 $0x1BF5;
	[smem:$0x3FAB] =	sst s0  }
0x18: {  	s0 =	sld [smem:$0x3F8E];
	_ =	swait.ge [sflag:s4], $0x0  }
0x19: {  	s7 =	sld [smem:$0x3F8F]  }
0x1a: {  	s8 =	sadd.s32 $0xFFFFE003, lr  }
0x1b: {  	s9 =	sadd.s32 $0xFFFFFEF7, lr;
	s5 =	simm.s32 $0xFFFFFFFF;
	p2 =	slt.u32 s8, $0xFFFFF086  }
0x1c: {  	p1 =	slt.u32 s9, $0xF7A;
	s5 =	simm.s32 @!p2 $0x0  }
0x1d: {  	s5 =	simm.s32 @p1 $0x1;
	p0 =	seq.s32 s7, s2  }
0x1e: {  	s7 =	smul.u32 @!p0 $0xF7A, s2;
	p2 =	seq.s32 @!p0 s5, $0x0  }
0x1f: {  	s9 =	smul.u32 $0xF7A, s1;
	s8 =	simm.s32 @!p0 $0x1BF5;
	p2 =	por !p2, p0  }
0x20: {  	[sflag:s8] =	ssyncset.s32 @!p0 $0xFFFFF086;
	s6 =	sadd.s32 @!p0 s3, s7;
	s7 =	simm.s32 @!p0 $0x108  }
0x21: {  	s3 =	sadd.s32 s3, s9;
	s6 =	sadd.s32 @!p0 $0x88, s6;
	s7 =	simm.s32 @p2 $0x1082  }
0x22: {  	[simem:s7], [sflag:s8] =	dma.local @!p0 [hbm:s6], $0xF7A  }
0x23: {  	s9 =	sor.u32 $0xD0000000, s2;
	s6 =	simm.s32 $0x108;
	_ =	swait.ge @!p0 [sflag:s8], $0x0  }
0x24: {  	s3 =	sadd.s32 $0x88, s3;
	s6 =	simm.s32 @!p1 $0x1082;
	[sflag:s4] =	ssyncset.s32 $0xFFFFF086  }
0x25: {  	[simem:s6], [sflag:s4] =	dma.local [hbm:s3], $0xF7A  }
0x26: {  	[smem:$0x3F8F] =	sst s1;
	(tag) =	ssettag s2;
	_ =	strace s9  }
0x27: {  	s1 =	sld [smem:$0x3F9F]  }
0x28: {  	s2 =	sld [smem:$0x3FA0]  }
0x29: {  	s4 =	sld [smem:$0x3FA2]  }
0x2a: {  	p0 =	seq.s32 s5, $0x0;
	s5 =	sld [smem:$0x3FA3]  }
0x2b: {  	s6 =	sld [smem:$0x3FA4]  }
0x2c: {  	s7 =	sld [smem:$0x3FA5]  }
0x2d: {  	s3 =	simm.s32 $0x108;
	s8 =	sld [smem:$0x3FA6]  }
0x2e: {  	s3 =	simm.s32 @!p0 $0x1082;
	s9 =	sld [smem:$0x3FA7]  }
0x2f: {  	lr =	sadd.s32 s0, s3;
	s0 =	sld [smem:$0x3F9E]  }
0x30: {  	s3 =	sld [smem:$0x3FA1]  }
0x31: {  	[smem:$0x3FAA] =	sst s10  }
0x32: {  	s10 =	sld [smem:$0x3FA8];
	_ =	sdelay $0x3  }
0x33: {  	p0 =	seq.s32 s10, $0x1;
	s10 =	sld [smem:$0x3FAA];
	_ =	sdelay $0x3  }
0x34: {  	[smem:$0x3FAA] =	sst s10  }
0x35: {  	s10 =	sld [smem:$0x3FA9];
	_ =	sdelay $0x3  }
0x36: {  	p1 =	seq.s32 s10, $0x1;
	s10 =	sld [smem:$0x3FAA];
	_ =	sdelay $0x3  }
0x37: {  	[smem:$0x3FAA] =	sst s10  }
0x38: {  	s10 =	sld [smem:$0x3FAB]  }
0x39: {  	_ = 	snop;
	(pc) =	sbr.ind lr, $3  }
0x3a: {  	_ = 	snop  }
0x3b: {  	_ = 	snop  }
0x3c: {  	p2 =	seq.s32 s10, $0x1;
	s10 =	sld [smem:$0x3FAA]  }
0x3d: {  	_ =	shalt  }
0x3e: {  	_ =	shalt  }
0x3f: {  	_ =	shalt  }
0x40: {  	_ =	shalt  }
0x41: {  	_ =	shalt  }
0x42: {  	_ =	shalt  }
0x43: {  	_ =	shalt  }
0x44: {  	_ =	shalt  }
0x45: {  	_ =	shalt  }
0x46: {  	_ =	shalt  }
0x47: {  	_ =	shalt  }
0x48: {  	_ =	shalt  }
0x49: {  	_ =	shalt  }
0x4a: {  	_ =	shalt  }
0x4b: {  	_ =	shalt  }
0x4c: {  	_ =	shalt  }
0x4d: {  	_ =	shalt  }
0x4e: {  	_ =	shalt  }
0x4f: {  	_ =	shalt  }
0x50: {  	_ =	shalt  }
0x51: {  	_ =	shalt  }
0x52: {  	_ =	shalt  }
0x53: {  	_ =	shalt  }
0x54: {  	_ =	shalt  }
0x55: {  	_ =	shalt  }
0x56: {  	_ =	shalt  }
0x57: {  	_ =	shalt  }
0x58: {  	_ =	shalt  }
0x59: {  	_ =	shalt  }
0x5a: {  	_ =	shalt  }
0x5b: {  	_ =	shalt  }
0x5c: {  	_ =	shalt  }
0x5d: {  	_ =	shalt  }
0x5e: {  	_ =	shalt  }
0x5f: {  	_ =	shalt  }
0x60: {  	_ =	shalt  }
0x61: {  	_ =	shalt  }
0x62: {  	_ =	shalt  }
0x63: {  	_ =	shalt  }
0x64: {  	_ =	shalt  }
0x65: {  	_ =	shalt  }
0x66: {  	_ =	shalt  }
0x67: {  	_ =	shalt  }
0x68: {  	_ =	shalt  }
0x69: {  	_ =	shalt  }
0x6a: {  	_ =	shalt  }
0x6b: {  	_ =	shalt  }
0x6c: {  	_ =	shalt  }
0x6d: {  	_ =	shalt  }
0x6e: {  	_ =	shalt  }
0x6f: {  	_ =	shalt  }
0x70: {  	_ =	shalt  }
0x71: {  	_ =	shalt  }
0x72: {  	_ =	shalt  }
0x73: {  	_ =	shalt  }
0x74: {  	_ =	shalt  }
0x75: {  	_ =	shalt  }
0x76: {  	_ =	shalt  }
0x77: {  	_ =	shalt  }
0x78: {  	_ =	shalt  }
0x79: {  	_ =	shalt  }
0x7a: {  	_ =	shalt  }
0x7b: {  	_ =	shalt  }
0x7c: {  	_ =	shalt  }
0x7d: {  	_ =	shalt  }
0x7e: {  	_ =	shalt  }
0x7f: {  	_ =	shalt  }
0x80: {  	_ =	shalt  }
0x81: {  	_ =	shalt  }
0x82: {  	_ =	shalt  }
0x83: {  	_ =	shalt  }
0x84: {  	_ =	shalt  }
0x85: {  	_ =	shalt  }
0x86: {  	_ =	shalt  }
0x87: {  	_ =	shalt  }
.Lfunc_end0:
.L_simem_size_0:
called_computation_lowered:
.L_overlay_start_0:
0x88: {  	s2 =	sld [smem:$0x3FD9]  }
0x89: {  	s3 =	sld [smem:$0x3FFE];
	_ =	sdelay $0x1  }
0x8a: {  	s1 =	srdreg.scid  }
0x8b: {  	s0 =	sand.u32 $0x1, s1  }
0x8c: {  	s17 =	sshll.u32 s0, $0xA;
	s2 =	sadd.s32 s3, s2  }
0x8d: {  	s2 =	sadd.s32 s2, s17  }
0x8e: {  	[smem:$0x3FB6] =	sst s2  }
0x8f: {  	_ = 	snop  }
0x90: {  	s2 =	sld [smem:$0x3FD0];
	(tm) =	ssettm $0x1  }
0x91: {  	s18 =	sld [smem:$0x3FFB];
	_ =	sdelay $0x3  }
0x92: {  	_ =	strace s18  }
0x93: {  	s3 =	sld [smem:$0x3FFC];
	_ =	sdelay $0x3  }
0x94: {  	_ =	strace s3  }
0x95: {  	s3 =	sld [smem:$0x3FFD];
	_ =	sdelay $0x3  }
0x96: {  	_ =	strace s3  }
0x97: {  	_ =	strace $0x8FFFFFFF  }
0x98: {  	s19 =	sld [smem:$0x3FDB];
	_ =	sdelay $0x1  }
0x99: {  	s4 =	simm.s32 $_scs_section_size  }
0x9a: {  	s5 =	simm.s32 $_size__tile_overlayer_lowered;
	s6 =	simm.s32 $_tile_overlayer_lowered  }
0x9b: {  	s22 =	simm.s32 $0x1BFF;
	s21 =	sshll.u32 s6, $0x1;
	s3 =	sadd.s32 s4, s19  }
0x9c: {  	s7 =	simm.s32 $0x0;
	s20 =	sshll.u32 s5, $0x1;
	s5 =	sadd.s32 s21, s3  }
0x9d: {  	[timem:s7], [sflag:s22] =	dma.local [hbm:s5], s20  }
0x9e: {  	_ =	swait.ge [sflag:s22], s20  }
0x9f: {  	s4 =	ssub.s32 $0x0, s20;
	[sflag:s22] =	ssyncset.done $0x0  }
0xa0: {  	[sflag:s22] =	ssyncadd.s32 s4;
	_ =	sdelay $0x1  }
0xa1: {  	s23 =	simm.s32 $0x1B8B  }
0xa2: {  	_ =	swait.ge [sflag:s23], $0x1  }
0xa3: {  	[sflag:s23] =	ssyncset.done $0x0  }
0xa4: {  	s25 =	simm.s32 $0x1B8E;
	s24 =	sld [smem:$0x3FFE];
	[sflag:s23] =	ssyncadd.s32 $0xFFFFFFFF  }
0xa5: {  	s26 =	simm.s32 $execute0_lowered;
	[smem:$0x3FD2] =	sst s25  }
0xa6: {  	s5 =	sshll.u32 s26, $0x1;
	_ =	strace $0x80000046;
	[dreg:$0x1] =	wrdreg $0xFFFFFFFF  }
0xa7: {  	s28 =	simm.s32 $_size_execute0_lowered;
	s3 =	sadd.s32 s3, s5;
	[dreg:$0x0] =	wrdreg $0x0  }
0xa8: {  	s5 =	sshll.u32 s28, $0x1;
	[dreg:$0x2] =	wrdreg s3  }
0xa9: {  	[dreg:$0x3] =	wrdreg s5  }
0xaa: {  	[dreg:$0x4] =	wrdreg $0xC0  }
0xab: {  	_ =	task [dreg:s7], $0x5FFFF  }
0xac: {  	[dreg:$0x1] =	wrdreg $0xFFFFFFFF  }
0xad: {  	[dreg:$0x0] =	wrdreg $0x60  }
0xae: {  	[dreg:$0x2] =	wrdreg s24  }
0xaf: {  	[dreg:$0x3] =	wrdreg s2  }
0xb0: {  	[dreg:$0x4] =	wrdreg $0x68000  }
0xb1: {  	[dreg:$0x5] =	wrdreg $0x9  }
0xb2: {  	_ =	task.clear_ibuf [dreg:s7], $0x6FFFF;
	_ =	strace $0x90000046  }
0xb3: {  	s29 =	simm.s32 $0x9;
	_ =	strace $0x80000048  }
0xb4: {  	_ =	swait.ge [sflag:s29], $0x1  }
0xb5: {  	[sflag:s29] =	ssyncadd.s32 $0xFFFFFFFF  }
0xb6: {  	_ =	strace $0x90000048  }
0xb7: {  	_ =	sfence  }
0xb8: {  	s30 =	sld [smem:$0x0];
	_ =	sdelay $0x2  }
0xb9: {  	s31 =	sshll.u32 s1, $0xD;
	s1 =	sshrl.u32 s1, $0x2  }
0xba: {  	s3 =	sand.u32 $0x4000, s31;
	s1 =	sadd.s32 s1, s30  }
0xbb: {  	s0 =	sor.u32 s3, s0;
	s1 =	sshll.u32 s1, $0x11  }
0xbc: {  	s0 =	sor.u32 s1, s0  }
0xbd: {  	s0 =	sadd.s32 $0x8F2B, s0  }
0xbe: {  	[sflag:s0] =	ssyncadd.remote.s32 $0x1  }
0xbf: {  	_ =	sfence.sel $0xFFFF  }
0xc0: {  	[dreg:$0x0] =	wrdreg $0xFFFFFFFF;
	(pc) =	sbr.abs _section_cstart, $3  }
0xc1: {  	[dreg:$0x1] =	wrdreg $0xFFFFFFFF  }
0xc2: {  	_ =	task.clear_ibuf [dreg:s7], $0x2FFFF;
	_ =	strace $0x9FFFFFFF  }
0xc3: {  	(tm) =	ssettm $0x7FFFFFFF  }
tec
execute0_lowered:
.L_overlay_start_1:
0x0: {  	(tag) =	ssettag $0x1  }
0x1: {  	s5 =	rddreg [dreg:$0x0]  }
0x2: {  	s1 =	srdreg.scid;
	s2 =	rddreg [dreg:$0x1]  }
0x3: {  	s0 =	stileid.u32;
	s3 =	rddreg [dreg:$0x2]  }
0x4: {  	s4 =	simm.s32 $0x0;
	s13 =	simm.s32 $0x80;
	s14 =	simm.s32 $0x0  }
0x5: {  	s6 =	sand.u32 $0x1, s1;
	s28 =	sshll.u32 s0, $0x1;
	s8 =	smul.u32 $0x14000, s0  }
0x6: {  	[smem:$0x7FF] =	sst s4;
	s29 =	smul.u32 $0x50000, s0;
	s31 =	sshll.u32 s0, $0x6  }
0x7: {  	s1 =	sor.u32 s6, s28;
	s9 =	smul.u32 $0x140000, s6;
	s6 =	ssub.s32 $0x2, s6  }
0x8: {  	s7 =	smul.u32 $0x500, s1;
	s1 =	rddreg [dreg:$0x3];
	_ =	strace $0x80000047  }
0x9: {  	s10 =	sshrl.u32 s8, $0x3;
	s11 =	sshrl.u32 s6, $0x1;
	s30 =	sshrl.u32 s29, $0x2  }
0xa: {  	s8 =	sadd.s32 s8, s9;
	s10 =	sadd.s32 s10, s5;
	s11 =	ssub.s32 s6, s11  }
0xb: {  	s12 =	sadd.s32 s30, s3;
	s6 =	sor.u32 $0x1C01, s31;
	s7 =	sadd.s32 s7, s5  }
0xc: {  	s8 =	sshrl.u32 s8, $0x3;
	s9 =	smax.u32 s11, $0x1;
	s11 =	simm.s32 $0x1  }
0xd: {  	s8 =	sadd.s32 s8, s5;
	s5 =	sadd.s32 $0x19A00, s10;
	s7 =	sadd.s32 $0x5A00, s7  }
0xe: {  	s10 =	sshrl.u32 s12, $0x3;
	s12 =	simm.s32 $0x2800;
	s8 =	sadd.s32 $0x41A00, s8  }
.LBB2_1:
0xf: {  	[spmem:s10], [sflag:s6] =	dma.local [hbm:s5], $0x2800  }
0x10: {  	_ =	swait.ge [sflag:s11], $0x2800  }
0x11: {  	[sflag:s11] =	ssyncset.done $0x0  }
0x12: {  	[sflag:s11] =	ssyncadd.s32 $0xFFFFD800  }
0x13: {  	[tilespmem:s12], [sflag:$0x1] =	stream.linear.gather [hbm4b:s2+s4], $0x4000, $0x38;
	[tilespmem:$0x9000] =	vst v63  }
0x14: {  	_ =	swait.ge [sflag:s11], $0x4000  }
0x15: {  	[sflag:s11] =	ssyncset.done $0x0  }
0x16: {  	[sflag:s11] =	ssyncadd.s32 $0xFFFFC000  }
0x17: {  	[tilespmem:s4], [sflag:$0x1] =	stream.linear.gather [hbm4b:s7+s4], $0x2800, $0x38;
	[tilespmem:$0x9000] =	vst v63  }
0x18: {  	_ =	swait.ge [sflag:s11], $0x2800  }
0x19: {  	[sflag:s11] =	ssyncset.done $0x0  }
0x1a: {  	[sflag:s11] =	ssyncadd.s32 $0xFFFFD800  }
0x1b: {  	s15 =	simm.s32 $0x0;
	[bflag:$0x0] =	sbarrier.arrive $0xFFFF  }
0x1c: {  	[spmem:s3] =	stream.indirect.scatter.add.f32 [tilespmem:s12], [sflag:$0x1], $0x10, s15, s13, $0xb8;
	[tilespmem:$0x9000] =	vst v63  }
0x1d: {  	_ =	swait.ge [sflag:s11], $0x800  }
0x1e: {  	s15 =	simm.s32 $0x200;
	[sflag:s11] =	ssyncset.done $0x0  }
.LBB2_2:
0x1f: {  	s16 =	sshra.s32 s15, $0x2;
	[sflag:s11] =	ssyncadd.s32 $0xFFFFF800;
	p0 =	sne.s32 s15, $0x9E00  }
0x20: {  	[spmem:s3] =	stream.indirect.scatter.add.f32 [tilespmem:s12], [sflag:$0x1], $0x10, s16, s13, $0xb8;
	[tilespmem:$0x9000] =	vst v63  }
.Ltmp0:
0x21: {  	_ = 	snop;
	(pc) =	sbr.rel @p0 .LBB2_2-.Ltmp0, $4  }
0x22: {  	_ = 	snop  }
0x23: {  	s15 =	sadd.s32 $0x200, s15  }
0x24: {  	_ =	swait.ge [sflag:s11], $0x800  }
0x25: {  	[sflag:s11] =	ssyncset.done $0x0  }
0x26: {  	s14 =	sadd.s32 $0x1, s14  }
0x27: {  	[sflag:s11] =	ssyncadd.s32 $0xFFFFF800;
	p0 =	sne.s32 s14, s9  }
.Ltmp1:
0x28: {  	[bflag:$0x0] =	sbarrier.arrive $0xFFFF;
	(pc) =	sbr.rel @p0 .LBB2_1-.Ltmp1, $4  }
0x29: {  	[hbm:s8], [sflag:s6] =	dma.local [spmem:s10], $0x2800  }
0x2a: {  	_ =	swait.ge [sflag:s11], $0x2800  }
0x2b: {  	[sflag:s11] =	ssyncset.done $0x0  }
0x2c: {  	[sflag:s11] =	ssyncadd.s32 $0xFFFFD800  }
0x2d: {  	_ =	sfence.sel $0x180000  }
0x2e: {  	[bflag:$0x0] =	sbarrier.arrive $0xFFFF  }
0x2f: {  	p0 =	sne.s32 s0, $0x0;
	_ =	strace $0x90000047  }
0x30: {  	s0 =	sadd.s32 @!p0 $0x100000, s1;
	[bflag:$0x2] =	sbarrier.arrive $0xFFFF  }
0x31: {  	[sflag:s0] =	ssyncadd.tile.s32 @!p0 $0x1;
	_ =	shalt  }
.Lfunc_end2:
_tile_overlayer_lowered:
.L_overlay_start_2:
0x32: {  	(tag) =	ssettag $0x2  }
0x33: {  	s0 =	rddreg [dreg:$0x0];
	s2 =	stileid.u32  }
0x34: {  	s1 =	rddreg [dreg:$0x1];
	p0 =	sne.s32 s2, $0x0  }
0x35: {  	s3 =	rddreg [dreg:$0x2];
	[bflag:$0x3] =	sbarrier.arrive $0xFFFF;
	s2 =	simm.s32 @!p0 $0x1C01  }
0x36: {  	[timem:s3], [sflag:s2] =	dma.local @!p0 [hbm:s0], s1  }
0x37: {  	s0 =	simm.s32 @!p0 $0x1  }
0x38: {  	_ =	swait.ge @!p0 [sflag:s0], s1  }
0x39: {  	s1 =	ssub.s32 @!p0 $0x0, s1;
	[sflag:s0] =	ssyncset.done @!p0 $0x0  }
0x3a: {  	[sflag:s0] =	ssyncadd.s32 @!p0 s1  }
0x3b: {  	[bflag:$0x3] =	sbarrier.arrive $0xFFFF  }
0x3c: {  	_ =	shalt  }

// kernel: kernel.13.cloned.1.call-start
scs
__scs_entry_jumppad:
0x0: {  	(pc) =	sbr.rel $0x88, $3  }
0x1: {  	(tag) =	ssettag $0x0;
	lr =	simm.s32 $0x1  }
0x2: {  	[smem:$0x3F8F] =	sst lr;
	_ =	strace $0xD0000000  }
0x3: {  	_ = 	snop  }
0x4: {  	_ = 	snop  }
0x5: {  	_ = 	snop  }
0x6: {  	_ = 	snop  }
0x7: {  	_ = 	snop  }
__scs_overlays_trampoline_lowered:
0x8: {  	[smem:$0x3F9E] =	sst s0  }
0x9: {  	[smem:$0x3F9F] =	sst s1  }
0xa: {  	[smem:$0x3FA0] =	sst s2  }
0xb: {  	[smem:$0x3FA1] =	sst s3  }
0xc: {  	[smem:$0x3FA2] =	sst s4  }
0xd: {  	[smem:$0x3FA3] =	sst s5  }
0xe: {  	[smem:$0x3FA4] =	sst s6  }
0xf: {  	[smem:$0x3FA5] =	sst s7  }
0x10: {  	[smem:$0x3FA6] =	sst s8  }
0x11: {  	[smem:$0x3FA7] =	sst s9;
	s0 =	simm.s32 @!p0 $0x0  }
0x12: {  	s1 =	sld [smem:$0x3F8D];
	s0 =	simm.s32 @p0 $0x1  }
0x13: {  	[smem:$0x3FA8] =	sst s0;
	s0 =	simm.s32 @!p1 $0x0  }
0x14: {  	s2 =	sld [smem:$0x3F8C];
	s0 =	simm.s32 @p1 $0x1  }
0x15: {  	[smem:$0x3FA9] =	sst s0;
	s0 =	simm.s32 @!p2 $0x0  }
0x16: {  	s3 =	sld [smem:$0x3FDB];
	s0 =	simm.s32 @p2 $0x1  }
0x17: {  	s4 =	simm.s32 $0x1BF5;
	[smem:$0x3FAB] =	sst s0  }
0x18: {  	s0 =	sld [smem:$0x3F8E];
	_ =	swait.ge [sflag:s4], $0x0  }
0x19: {  	s7 =	sld [smem:$0x3F8F]  }
0x1a: {  	s8 =	sadd.s32 $0xFFFFE003, lr  }
0x1b: {  	s9 =	sadd.s32 $0xFFFFFEF7, lr;
	s5 =	simm.s32 $0xFFFFFFFF;
	p2 =	slt.u32 s8, $0xFFFFF086  }
0x1c: {  	p1 =	slt.u32 s9, $0xF7A;
	s5 =	simm.s32 @!p2 $0x0  }
0x1d: {  	s5 =	simm.s32 @p1 $0x1;
	p0 =	seq.s32 s7, s2  }
0x1e: {  	s7 =	smul.u32 @!p0 $0xF7A, s2;
	p2 =	seq.s32 @!p0 s5, $0x0  }
0x1f: {  	s9 =	smul.u32 $0xF7A, s1;
	s8 =	simm.s32 @!p0 $0x1BF5;
	p2 =	por !p2, p0  }
0x20: {  	[sflag:s8] =	ssyncset.s32 @!p0 $0xFFFFF086;
	s6 =	sadd.s32 @!p0 s3, s7;
	s7 =	simm.s32 @!p0 $0x108  }
0x21: {  	s3 =	sadd.s32 s3, s9;
	s6 =	sadd.s32 @!p0 $0x88, s6;
	s7 =	simm.s32 @p2 $0x1082  }
0x22: {  	[simem:s7], [sflag:s8] =	dma.local @!p0 [hbm:s6], $0xF7A  }
0x23: {  	s9 =	sor.u32 $0xD0000000, s2;
	s6 =	simm.s32 $0x108;
	_ =	swait.ge @!p0 [sflag:s8], $0x0  }
0x24: {  	s3 =	sadd.s32 $0x88, s3;
	s6 =	simm.s32 @!p1 $0x1082;
	[sflag:s4] =	ssyncset.s32 $0xFFFFF086  }
0x25: {  	[simem:s6], [sflag:s4] =	dma.local [hbm:s3], $0xF7A  }
0x26: {  	[smem:$0x3F8F] =	sst s1;
	(tag) =	ssettag s2;
	_ =	strace s9  }
0x27: {  	s1 =	sld [smem:$0x3F9F]  }
0x28: {  	s2 =	sld [smem:$0x3FA0]  }
0x29: {  	s4 =	sld [smem:$0x3FA2]  }
0x2a: {  	p0 =	seq.s32 s5, $0x0;
	s5 =	sld [smem:$0x3FA3]  }
0x2b: {  	s6 =	sld [smem:$0x3FA4]  }
0x2c: {  	s7 =	sld [smem:$0x3FA5]  }
0x2d: {  	s3 =	simm.s32 $0x108;
	s8 =	sld [smem:$0x3FA6]  }
0x2e: {  	s3 =	simm.s32 @!p0 $0x1082;
	s9 =	sld [smem:$0x3FA7]  }
0x2f: {  	lr =	sadd.s32 s0, s3;
	s0 =	sld [smem:$0x3F9E]  }
0x30: {  	s3 =	sld [smem:$0x3FA1]  }
0x31: {  	[smem:$0x3FAA] =	sst s10  }
0x32: {  	s10 =	sld [smem:$0x3FA8];
	_ =	sdelay $0x3  }
0x33: {  	p0 =	seq.s32 s10, $0x1;
	s10 =	sld [smem:$0x3FAA];
	_ =	sdelay $0x3  }
0x34: {  	[smem:$0x3FAA] =	sst s10  }
0x35: {  	s10 =	sld [smem:$0x3FA9];
	_ =	sdelay $0x3  }
0x36: {  	p1 =	seq.s32 s10, $0x1;
	s10 =	sld [smem:$0x3FAA];
	_ =	sdelay $0x3  }
0x37: {  	[smem:$0x3FAA] =	sst s10  }
0x38: {  	s10 =	sld [smem:$0x3FAB]  }
0x39: {  	_ = 	snop;
	(pc) =	sbr.ind lr, $3  }
0x3a: {  	_ = 	snop  }
0x3b: {  	_ = 	snop  }
0x3c: {  	p2 =	seq.s32 s10, $0x1;
	s10 =	sld [smem:$0x3FAA]  }
0x3d: {  	_ =	shalt  }
0x3e: {  	_ =	shalt  }
0x3f: {  	_ =	shalt  }
0x40: {  	_ =	shalt  }
0x41: {  	_ =	shalt  }
0x42: {  	_ =	shalt  }
0x43: {  	_ =	shalt  }
0x44: {  	_ =	shalt  }
0x45: {  	_ =	shalt  }
0x46: {  	_ =	shalt  }
0x47: {  	_ =	shalt  }
0x48: {  	_ =	shalt  }
0x49: {  	_ =	shalt  }
0x4a: {  	_ =	shalt  }
0x4b: {  	_ =	shalt  }
0x4c: {  	_ =	shalt  }
0x4d: {  	_ =	shalt  }
0x4e: {  	_ =	shalt  }
0x4f: {  	_ =	shalt  }
0x50: {  	_ =	shalt  }
0x51: {  	_ =	shalt  }
0x52: {  	_ =	shalt  }
0x53: {  	_ =	shalt  }
0x54: {  	_ =	shalt  }
0x55: {  	_ =	shalt  }
0x56: {  	_ =	shalt  }
0x57: {  	_ =	shalt  }
0x58: {  	_ =	shalt  }
0x59: {  	_ =	shalt  }
0x5a: {  	_ =	shalt  }
0x5b: {  	_ =	shalt  }
0x5c: {  	_ =	shalt  }
0x5d: {  	_ =	shalt  }
0x5e: {  	_ =	shalt  }
0x5f: {  	_ =	shalt  }
0x60: {  	_ =	shalt  }
0x61: {  	_ =	shalt  }
0x62: {  	_ =	shalt  }
0x63: {  	_ =	shalt  }
0x64: {  	_ =	shalt  }
0x65: {  	_ =	shalt  }
0x66: {  	_ =	shalt  }
0x67: {  	_ =	shalt  }
0x68: {  	_ =	shalt  }
0x69: {  	_ =	shalt  }
0x6a: {  	_ =	shalt  }
0x6b: {  	_ =	shalt  }
0x6c: {  	_ =	shalt  }
0x6d: {  	_ =	shalt  }
0x6e: {  	_ =	shalt  }
0x6f: {  	_ =	shalt  }
0x70: {  	_ =	shalt  }
0x71: {  	_ =	shalt  }
0x72: {  	_ =	shalt  }
0x73: {  	_ =	shalt  }
0x74: {  	_ =	shalt  }
0x75: {  	_ =	shalt  }
0x76: {  	_ =	shalt  }
0x77: {  	_ =	shalt  }
0x78: {  	_ =	shalt  }
0x79: {  	_ =	shalt  }
0x7a: {  	_ =	shalt  }
0x7b: {  	_ =	shalt  }
0x7c: {  	_ =	shalt  }
0x7d: {  	_ =	shalt  }
0x7e: {  	_ =	shalt  }
0x7f: {  	_ =	shalt  }
0x80: {  	_ =	shalt  }
0x81: {  	_ =	shalt  }
0x82: {  	_ =	shalt  }
0x83: {  	_ =	shalt  }
0x84: {  	_ =	shalt  }
0x85: {  	_ =	shalt  }
0x86: {  	_ =	shalt  }
0x87: {  	_ =	shalt  }
.Lfunc_end0:
.L_simem_size_0:
called_computation.1_lowered:
.L_overlay_start_0:
0x88: {  	s2 =	sld [smem:$0x3FD9]  }
0x89: {  	s3 =	sld [smem:$0x3FFE];
	_ =	sdelay $0x1  }
0x8a: {  	s1 =	srdreg.scid  }
0x8b: {  	s0 =	sand.u32 $0x1, s1  }
0x8c: {  	s17 =	sshll.u32 s0, $0xA;
	s2 =	sadd.s32 s3, s2  }
0x8d: {  	s2 =	sadd.s32 s2, s17  }
0x8e: {  	[smem:$0x3FB6] =	sst s2  }
0x8f: {  	_ = 	snop  }
0x90: {  	s18 =	sld [smem:$0x3FC9];
	(tm) =	ssettm $0x1  }
0x91: {  	s19 =	sld [smem:$0x3FFB];
	_ =	sdelay $0x3  }
0x92: {  	_ =	strace s19  }
0x93: {  	s2 =	sld [smem:$0x3FFC];
	_ =	sdelay $0x3  }
0x94: {  	_ =	strace s2  }
0x95: {  	s2 =	sld [smem:$0x3FFD];
	_ =	sdelay $0x3  }
0x96: {  	_ =	strace s2  }
0x97: {  	_ =	strace $0x8FFFFFFF  }
0x98: {  	s20 =	sld [smem:$0x3FDB];
	_ =	sdelay $0x1  }
0x99: {  	s4 =	simm.s32 $_scs_section_size  }
0x9a: {  	s5 =	simm.s32 $_size__tile_overlayer_lowered;
	s6 =	simm.s32 $_tile_overlayer_lowered  }
0x9b: {  	s7 =	simm.s32 $0x1BFF;
	s21 =	sshll.u32 s6, $0x1;
	s4 =	sadd.s32 s4, s20  }
0x9c: {  	s22 =	simm.s32 $0x0;
	s5 =	sshll.u32 s5, $0x1;
	s6 =	sadd.s32 s21, s4  }
0x9d: {  	[timem:s22], [sflag:s7] =	dma.local [hbm:s6], s5  }
0x9e: {  	_ =	swait.ge [sflag:s7], s5  }
0x9f: {  	s5 =	ssub.s32 $0x0, s5;
	[sflag:s7] =	ssyncset.done $0x0  }
0xa0: {  	[sflag:s7] =	ssyncadd.s32 s5;
	_ =	sdelay $0x1  }
0xa1: {  	s23 =	simm.s32 $0x1B8B  }
0xa2: {  	_ =	swait.ge [sflag:s23], $0x1  }
0xa3: {  	[sflag:s23] =	ssyncset.done $0x0  }
0xa4: {  	[sflag:s23] =	ssyncadd.s32 $0xFFFFFFFF  }
0xa5: {  	s5 =	sld [smem:$0x0]  }
0xa6: {  	s6 =	sand.u32 $0xFFFFFFFE, s1  }
0xa7: {  	p0 =	sne.s32 s1, s6  }
0xa8: {  	s6 =	sshll.u32 @p0 s6, $0xE  }
0xa9: {  	s6 =	sadd.s32 @p0 $0x11B8D, s6;
	s7 =	sshll.u32 @p0 s5, $0x11  }
0xaa: {  	s6 =	sor.u32 @p0 s7, s6  }
0xab: {  	[sflag:s6] =	ssyncadd.remote.s32 @p0 $0x1;
	_ =	sdelay $0x1  }
0xac: {  	s6 =	simm.s32 @p0 $0x1B8D  }
0xad: {  	_ =	swait.eq @p0 [sflag:s6], $0x1  }
0xae: {  	[sflag:s6] =	ssyncadd.s32 @p0 $0xFFFFFFFF  }
0xaf: {  	s7 =	sshll.u32 @!p0 s1, $0xE  }
0xb0: {  	s7 =	sor.u32 @!p0 $0x4000, s7;
	s6 =	simm.s32 @!p0 $0x1B8D  }
0xb1: {  	s5 =	sshll.u32 @!p0 s5, $0x11;
	s7 =	sadd.s32 @!p0 $0x11B8D, s7;
	_ =	swait.eq @!p0 [sflag:s6], $0x1  }
0xb2: {  	s5 =	sor.u32 @!p0 s5, s7;
	[sflag:s6] =	ssyncadd.s32 @!p0 $0xFFFFFFFF  }
0xb3: {  	s25 =	simm.s32 $0x1B8E;
	s24 =	sld [smem:$0x3FFE];
	[sflag:s5] =	ssyncadd.remote.s32 @!p0 $0x1  }
0xb4: {  	s26 =	simm.s32 $execute0_lowered;
	[smem:$0x3FD2] =	sst s25  }
0xb5: {  	s6 =	sshll.u32 s26, $0x1;
	_ =	strace $0x80000049;
	[dreg:$0x1] =	wrdreg $0xFFFFFFFF  }
0xb6: {  	s28 =	simm.s32 $_size_execute0_lowered;
	s4 =	sadd.s32 s4, s6;
	[dreg:$0x0] =	wrdreg $0x0  }
0xb7: {  	s6 =	sshll.u32 s28, $0x1;
	[dreg:$0x2] =	wrdreg s4  }
0xb8: {  	[dreg:$0x3] =	wrdreg s6  }
0xb9: {  	[dreg:$0x4] =	wrdreg $0xC0  }
0xba: {  	_ =	task [dreg:s22], $0x5FFFF  }
0xbb: {  	[dreg:$0x1] =	wrdreg $0xFFFFFFFF  }
0xbc: {  	[dreg:$0x0] =	wrdreg $0x60  }
0xbd: {  	[dreg:$0x2] =	wrdreg s18  }
0xbe: {  	[dreg:$0x3] =	wrdreg s24  }
0xbf: {  	[dreg:$0x4] =	wrdreg $0x40000  }
0xc0: {  	[dreg:$0x5] =	wrdreg $0xA  }
0xc1: {  	_ =	task.clear_ibuf [dreg:s22], $0x6FFFF;
	_ =	strace $0x90000049  }
0xc2: {  	s29 =	simm.s32 $0xA;
	_ =	strace $0x8000004B  }
0xc3: {  	_ =	swait.ge [sflag:s29], $0x1  }
0xc4: {  	[sflag:s29] =	ssyncadd.s32 $0xFFFFFFFF  }
0xc5: {  	_ =	strace $0x9000004B  }
0xc6: {  	_ =	sfence  }
0xc7: {  	s30 =	sld [smem:$0x0];
	_ =	sdelay $0x2  }
0xc8: {  	s31 =	sshll.u32 s1, $0xD;
	s1 =	sshrl.u32 s1, $0x2  }
0xc9: {  	s4 =	sand.u32 $0x4000, s31;
	s1 =	sadd.s32 s1, s30  }
0xca: {  	s0 =	sor.u32 s4, s0;
	s1 =	sshll.u32 s1, $0x11  }
0xcb: {  	s0 =	sor.u32 s1, s0  }
0xcc: {  	s0 =	sadd.s32 $0x8F2B, s0  }
0xcd: {  	[sflag:s0] =	ssyncadd.remote.s32 $0x1  }
0xce: {  	_ =	sfence.sel $0xFFFF  }
0xcf: {  	[dreg:$0x0] =	wrdreg $0xFFFFFFFF;
	(pc) =	sbr.abs _section_cstart, $3  }
0xd0: {  	[dreg:$0x1] =	wrdreg $0xFFFFFFFF  }
0xd1: {  	_ =	task.clear_ibuf [dreg:s22], $0x2FFFF;
	_ =	strace $0x9FFFFFFF  }
0xd2: {  	(tm) =	ssettm $0x7FFFFFFF  }
0xd3: {  	_ =	shalt  }
tec
execute0_lowered:
.L_overlay_start_1:
0x0: {  	(tag) =	ssettag $0x1  }
0x1: {  	s2 =	rddreg [dreg:$0x0]  }
0x2: {  	s0 =	rddreg [dreg:$0x1]  }
0x3: {  	s3 =	rddreg [dreg:$0x2]  }
0x4: {  	s14 =	stileid.u32;
	s1 =	srdreg.scid  }
0x5: {  	s4 =	simm.s32 $0x0;
	s15 =	simm.s32 $0x2000;
	s16 =	simm.s32 $0x80  }
0x6: {  	s17 =	simm.s32 $0x18000;
	s18 =	simm.s32 $0x1;
	s19 =	simm.s32 $0x1C000  }
0x7: {  	s28 =	simm.s32 $0x2700;
	s29 =	simm.s32 $0x2780;
	s30 =	simm.s32 $0x0  }
0x8: {  	s5 =	smul.u32 $0x14000, s14;
	s1 =	sand.u32 $0x1, s1;
	[smem:$0x7FF] =	sst s4  }
0x9: {  	s9 =	sadd.s32 $0xFA00, s0;
	s10 =	sadd.s32 $0x5A00, s0;
	s8 =	sshll.u32 s14, $0x1  }
0xa: {  	s11 =	smul.u32 $0x50000, s14;
	s25 =	sshll.u32 s14, $0x6;
	s14 =	simm.s32 $0x3  }
0xb: {  	s6 =	smul.u32 $0x140000, s1;
	s21 =	ssub.s32 $0x2, s1;
	s1 =	sor.u32 s1, s8  }
0xc: {  	_ =	strace $0x8000004A;
	s7 =	sshrl.u32 s5, $0x3;
	s24 =	smul.u32 $0x2800, s1  }
0xd: {  	s22 =	sshrl.u32 s21, $0x1;
	s23 =	sshrl.u32 s11, $0x2;
	s1 =	smul.u32 $0x500, s1  }
0xe: {  	s5 =	sadd.s32 s5, s6;
	s20 =	sadd.s32 s7, s0;
	s12 =	ssub.s32 s21, s22  }
0xf: {  	s13 =	sadd.s32 s23, s3;
	s6 =	sor.u32 $0x1C03, s25;
	s21 =	simm.s32 $0x2580  }
0x10: {  	s22 =	simm.s32 $0x680;
	s23 =	simm.s32 $0x2600;
	s25 =	simm.s32 $0x2680  }
0x11: {  	s5 =	sshrl.u32 s5, $0x3;
	s26 =	sshrl.u32 s24, $0x3;
	s7 =	sadd.s32 s9, s1  }
0x12: {  	s8 =	sadd.s32 s10, s1;
	s12 =	smax.u32 s12, $0x1;
	s13 =	sshrl.u32 s13, $0x3  }
0x13: {  	s24 =	simm.s32 $0x700;
	s0 =	sadd.s32 s5, s0;
	s5 =	sadd.s32 $0x91A00, s20  }
0x14: {  	s31 =	sadd.s32 $0x400, s26;
	s20 =	simm.s32 $0x2;
	s26 =	simm.s32 $0x780  }
0x15: {  	s9 =	sadd.s32 s9, s31;
	s10 =	sadd.s32 s10, s31;
	s11 =	sadd.s32 $0xB9A00, s0  }
.LBB2_1:
0x16: {  	[spmem:s13], [sflag:s6] =	dma.local [hbm:s5], $0x2800  }
0x17: {  	_ =	swait.ge [sflag:s14], $0x2800  }
0x18: {  	[sflag:s14] =	ssyncset.done $0x0  }
0x19: {  	[sflag:s14] =	ssyncadd.s32 $0xFFFFD800  }
0x1a: {  	[bflag:$0x0] =	sbarrier.arrive $0xFFFF  }
0x1b: {  	[tilespmem:s4], [sflag:$0x3] =	stream.linear.gather [hbm4b:s7+s4], $0x2000, $0x38;
	v63 =	vld [tilespmem:$0x0]  }
0x1c: {  	_ =	swait.ge [sflag:s14], $0x2000  }
0x1d: {  	[sflag:s14] =	ssyncset.done $0x0  }
0x1e: {  	[sflag:s14] =	ssyncadd.s32 $0xFFFFE000  }
0x1f: {  	[tilespmem:s15], [sflag:$0x3] =	stream.linear.gather [hbm4b:s8+s4], $0x2000, $0x38;
	v63 =	vld [tilespmem:$0x0]  }
0x20: {  	_ =	swait.ge [sflag:s14], $0x2000  }
0x21: {  	[sflag:s14] =	ssyncset.done $0x0  }
0x22: {  	[sflag:s14] =	ssyncadd.s32 $0xFFFFE000  }
0x23: {  	[tilespmem:s17], [sflag:$0x1] =	stream.indirect.gather [hbm4b:s2+s16], $0x80, s4, s16, $0xb8;
	v63 =	vld [tilespmem:$0x0]  }
0x24: {  	_ =	swait.ge [sflag:s18], $0x4000  }
0x25: {  	[sflag:s18] =	ssyncset.done $0x0  }
0x26: {  	s31 =	simm.s32 $0x80;
	[sflag:s18] =	ssyncadd.s32 $0xFFFFC000  }
0x27: {  	[tilespmem:s19], [sflag:$0x2] =	stream.indirect.gather [hbm4b:s2+s16], $0x80, s31, s16, $0xb8;
	v63 =	vld [tilespmem:$0x0]  }
0x28: {  	s31 =	simm.s32 $0x2000  }
0x29: {  	[spmem:s3] =	stream.indirect.scatter.add.f32 [tilespmem:s17], [sflag:$0x3], $0x80, s31, s16, $0xb8;
	v63 =	vld [tilespmem:$0x0]  }
0x2a: {  	_ =	swait.ge [sflag:s14], $0x4000  }
0x2b: {  	[sflag:s14] =	ssyncset.done $0x0  }
0x2c: {  	[sflag:s14] =	ssyncadd.s32 $0xFFFFC000  }
0x2d: {  	_ =	swait.ge [sflag:s20], $0x4000  }
0x2e: {  	[sflag:s20] =	ssyncset.done $0x0  }
0x2f: {  	s31 =	simm.s32 $0x100;
	[sflag:s20] =	ssyncadd.s32 $0xFFFFC000  }
0x30: {  	[tilespmem:s17], [sflag:$0x1] =	stream.indirect.gather [hbm4b:s2+s16], $0x80, s31, s16, $0xb8;
	v63 =	vld [tilespmem:$0x0]  }
0x31: {  	s31 =	simm.s32 $0x2080  }
0x32: {  	[spmem:s3] =	stream.indirect.scatter.add.f32 [tilespmem:s19], [sflag:$0x3], $0x80, s31, s16, $0xb8;
	v63 =	vld [tilespmem:$0x0]  }
0x33: {  	_ =	swait.ge [sflag:s14], $0x4000  }
0x34: {  	s31 =	simm.s32 $0x400;
	[sflag:s14] =	ssyncset.done $0x0  }
.LBB2_2:
0x35: {  	p0 =	sne.s32 s31, $0x7800  }
0x36: {  	[sflag:s14] =	ssyncadd.s32 $0xFFFFC000;
	s0 =	smov.u32 s31;
	s31 =	sadd.s32 $0x400, s31  }
0x37: {  	_ = 	snop  }
0x38: {  	_ =	swait.ge [sflag:s18], $0x4000  }
0x39: {  	s0 =	sshra.s32 s0, $0x2;
	[sflag:s18] =	ssyncset.done $0x0  }
0x3a: {  	s1 =	sadd.s32 $0x80, s0;
	[sflag:s18] =	ssyncadd.s32 $0xFFFFC000  }
0x3b: {  	[tilespmem:s19], [sflag:$0x2] =	stream.indirect.gather [hbm4b:s2+s16], $0x80, s1, s16, $0xb8;
	v63 =	vld [tilespmem:$0x0]  }
0x3c: {  	s1 =	sadd.s32 $0x2000, s0  }
0x3d: {  	[spmem:s3] =	stream.indirect.scatter.add.f32 [tilespmem:s17], [sflag:$0x3], $0x80, s1, s16, $0xb8;
	v63 =	vld [tilespmem:$0x0]  }
0x3e: {  	_ =	swait.ge [sflag:s14], $0x4000  }
0x3f: {  	[sflag:s14] =	ssyncset.done $0x0  }
0x40: {  	[sflag:s14] =	ssyncadd.s32 $0xFFFFC000  }
0x41: {  	_ =	swait.ge [sflag:s20], $0x4000  }
0x42: {  	[sflag:s20] =	ssyncset.done $0x0  }
0x43: {  	s1 =	sadd.s32 $0x100, s0;
	[sflag:s20] =	ssyncadd.s32 $0xFFFFC000  }
0x44: {  	[tilespmem:s17], [sflag:$0x1] =	stream.indirect.gather [hbm4b:s2+s16], $0x80, s1, s16, $0xb8;
	v63 =	vld [tilespmem:$0x0]  }
.Ltmp0:
0x45: {  	_ = 	snop;
	(pc) =	sbr.rel @p0 .LBB2_2-.Ltmp0, $4  }
0x46: {  	s0 =	sadd.s32 $0x2080, s0  }
0x47: {  	[spmem:s3] =	stream.indirect.scatter.add.f32 [tilespmem:s19], [sflag:$0x3], $0x80, s0, s16, $0xb8;
	v63 =	vld [tilespmem:$0x0]  }
0x48: {  	_ =	swait.ge [sflag:s14], $0x4000  }
0x49: {  	[sflag:s14] =	ssyncset.done $0x0  }
0x4a: {  	[sflag:s14] =	ssyncadd.s32 $0xFFFFC000  }
0x4b: {  	_ =	swait.ge [sflag:s18], $0x4000  }
0x4c: {  	[sflag:s18] =	ssyncset.done $0x0  }
0x4d: {  	s0 =	simm.s32 $0x1F80;
	[sflag:s18] =	ssyncadd.s32 $0xFFFFC000  }
0x4e: {  	[tilespmem:s19], [sflag:$0x2] =	stream.indirect.gather [hbm4b:s2+s16], $0x80, s0, s16, $0xb8;
	v63 =	vld [tilespmem:$0x0]  }
0x4f: {  	s31 =	simm.s32 $0x3F00  }
0x50: {  	[spmem:s3] =	stream.indirect.scatter.add.f32 [tilespmem:s17], [sflag:$0x3], $0x80, s31, s16, $0xb8;
	v63 =	vld [tilespmem:$0x0]  }
0x51: {  	_ =	swait.ge [sflag:s14], $0x4000  }
0x52: {  	[sflag:s14] =	ssyncset.done $0x0  }
0x53: {  	[sflag:s14] =	ssyncadd.s32 $0xFFFFC000  }
0x54: {  	_ =	swait.ge [sflag:s20], $0x4000  }
0x55: {  	[sflag:s20] =	ssyncset.done $0x0  }
0x56: {  	s1 =	simm.s32 $0x3F80;
	[sflag:s20] =	ssyncadd.s32 $0xFFFFC000  }
0x57: {  	[spmem:s3] =	stream.indirect.scatter.add.f32 [tilespmem:s19], [sflag:$0x3], $0x80, s1, s16, $0xb8;
	v63 =	vld [tilespmem:$0x0]  }
0x58: {  	_ =	swait.ge [sflag:s14], $0x4000  }
0x59: {  	[sflag:s14] =	ssyncset.done $0x0  }
0x5a: {  	[sflag:s14] =	ssyncadd.s32 $0xFFFFC000  }
0x5b: {  	[tilespmem:s4], [sflag:$0x3] =	stream.linear.gather [hbm4b:s9+s4], $0x800, $0x38;
	v63 =	vld [tilespmem:$0x0]  }
0x5c: {  	_ =	swait.ge [sflag:s14], $0x800  }
0x5d: {  	[sflag:s14] =	ssyncset.done $0x0  }
0x5e: {  	[sflag:s14] =	ssyncadd.s32 $0xFFFFF800  }
0x5f: {  	[tilespmem:s15], [sflag:$0x3] =	stream.linear.gather [hbm4b:s10+s4], $0x800, $0x38;
	v63 =	vld [tilespmem:$0x0]  }
0x60: {  	_ =	swait.ge [sflag:s14], $0x800  }
0x61: {  	[sflag:s14] =	ssyncset.done $0x0  }
0x62: {  	[sflag:s14] =	ssyncadd.s32 $0xFFFFF800  }
0x63: {  	[tilespmem:s17], [sflag:$0x1] =	stream.indirect.gather [hbm4b:s2+s16], $0x80, s4, s16, $0xb8;
	v63 =	vld [tilespmem:$0x0]  }
0x64: {  	_ =	swait.ge [sflag:s18], $0x4000  }
0x65: {  	[sflag:s18] =	ssyncset.done $0x0  }
0x66: {  	[sflag:s18] =	ssyncadd.s32 $0xFFFFC000  }
0x67: {  	[tilespmem:s19], [sflag:$0x2] =	stream.indirect.gather [hbm4b:s2+s16], $0x80, s16, s16, $0xb8;
	v63 =	vld [tilespmem:$0x0]  }
0x68: {  	_ = 	snop  }
0x69: {  	[spmem:s3] =	stream.indirect.scatter.add.f32 [tilespmem:s17], [sflag:$0x3], $0x80, s15, s16, $0xb8;
	v63 =	vld [tilespmem:$0x0]  }
0x6a: {  	_ =	swait.ge [sflag:s14], $0x4000  }
0x6b: {  	[sflag:s14] =	ssyncset.done $0x0  }
0x6c: {  	[sflag:s14] =	ssyncadd.s32 $0xFFFFC000  }
0x6d: {  	_ =	swait.ge [sflag:s20], $0x4000  }
0x6e: {  	[sflag:s20] =	ssyncset.done $0x0  }
0x6f: {  	s31 =	simm.s32 $0x100;
	[sflag:s20] =	ssyncadd.s32 $0xFFFFC000  }
0x70: {  	[tilespmem:s17], [sflag:$0x1] =	stream.indirect.gather [hbm4b:s2+s16], $0x80, s31, s16, $0xb8;
	v63 =	vld [tilespmem:$0x0]  }
0x71: {  	s1 =	simm.s32 $0x2080  }
0x72: {  	[spmem:s3] =	stream.indirect.scatter.add.f32 [tilespmem:s19], [sflag:$0x3], $0x80, s1, s16, $0xb8;
	v63 =	vld [tilespmem:$0x0]  }
0x73: {  	_ =	swait.ge [sflag:s14], $0x4000  }
0x74: {  	[sflag:s14] =	ssyncset.done $0x0  }
0x75: {  	[sflag:s14] =	ssyncadd.s32 $0xFFFFC000  }
0x76: {  	_ =	swait.ge [sflag:s18], $0x4000  }
0x77: {  	[sflag:s18] =	ssyncset.done $0x0  }
0x78: {  	s31 =	simm.s32 $0x180;
	[sflag:s18] =	ssyncadd.s32 $0xFFFFC000  }
0x79: {  	[tilespmem:s19], [sflag:$0x2] =	stream.indirect.gather [hbm4b:s2+s16], $0x80, s31, s16, $0xb8;
	v63 =	vld [tilespmem:$0x0]  }
0x7a: {  	s1 =	simm.s32 $0x2100  }
0x7b: {  	[spmem:s3] =	stream.indirect.scatter.add.f32 [tilespmem:s17], [sflag:$0x3], $0x80, s1, s16, $0xb8;
	v63 =	vld [tilespmem:$0x0]  }
0x7c: {  	_ =	swait.ge [sflag:s14], $0x4000  }
0x7d: {  	[sflag:s14] =	ssyncset.done $0x0  }
0x7e: {  	[sflag:s14] =	ssyncadd.s32 $0xFFFFC000  }
0x7f: {  	_ =	swait.ge [sflag:s20], $0x4000  }
0x80: {  	[sflag:s20] =	ssyncset.done $0x0  }
0x81: {  	s31 =	simm.s32 $0x200;
	[sflag:s20] =	ssyncadd.s32 $0xFFFFC000  }
0x82: {  	[tilespmem:s17], [sflag:$0x1] =	stream.indirect.gather [hbm4b:s2+s16], $0x80, s31, s16, $0xb8;
	v63 =	vld [tilespmem:$0x0]  }
0x83: {  	s1 =	simm.s32 $0x2180  }
0x84: {  	[spmem:s3] =	stream.indirect.scatter.add.f32 [tilespmem:s19], [sflag:$0x3], $0x80, s1, s16, $0xb8;
	v63 =	vld [tilespmem:$0x0]  }
0x85: {  	_ =	swait.ge [sflag:s14], $0x4000  }
0x86: {  	[sflag:s14] =	ssyncset.done $0x0  }
0x87: {  	[sflag:s14] =	ssyncadd.s32 $0xFFFFC000  }
0x88: {  	_ =	swait.ge [sflag:s18], $0x4000  }
0x89: {  	[sflag:s18] =	ssyncset.done $0x0  }
0x8a: {  	s31 =	simm.s32 $0x280;
	[sflag:s18] =	ssyncadd.s32 $0xFFFFC000  }
0x8b: {  	[tilespmem:s19], [sflag:$0x2] =	stream.indirect.gather [hbm4b:s2+s16], $0x80, s31, s16, $0xb8;
	v63 =	vld [tilespmem:$0x0]  }
0x8c: {  	s1 =	simm.s32 $0x2200  }
0x8d: {  	[spmem:s3] =	stream.indirect.scatter.add.f32 [tilespmem:s17], [sflag:$0x3], $0x80, s1, s16, $0xb8;
	v63 =	vld [tilespmem:$0x0]  }
0x8e: {  	_ =	swait.ge [sflag:s14], $0x4000  }
0x8f: {  	[sflag:s14] =	ssyncset.done $0x0  }
0x90: {  	[sflag:s14] =	ssyncadd.s32 $0xFFFFC000  }
0x91: {  	_ =	swait.ge [sflag:s20], $0x4000  }
0x92: {  	[sflag:s20] =	ssyncset.done $0x0  }
0x93: {  	s31 =	simm.s32 $0x300;
	[sflag:s20] =	ssyncadd.s32 $0xFFFFC000  }
0x94: {  	[tilespmem:s17], [sflag:$0x1] =	stream.indirect.gather [hbm4b:s2+s16], $0x80, s31, s16, $0xb8;
	v63 =	vld [tilespmem:$0x0]  }
0x95: {  	s1 =	simm.s32 $0x2280  }
0x96: {  	[spmem:s3] =	stream.indirect.scatter.add.f32 [tilespmem:s19], [sflag:$0x3], $0x80, s1, s16, $0xb8;
	v63 =	vld [tilespmem:$0x0]  }
0x97: {  	_ =	swait.ge [sflag:s14], $0x4000  }
0x98: {  	[sflag:s14] =	ssyncset.done $0x0  }
0x99: {  	[sflag:s14] =	ssyncadd.s32 $0xFFFFC000  }
0x9a: {  	_ =	swait.ge [sflag:s18], $0x4000  }
0x9b: {  	[sflag:s18] =	ssyncset.done $0x0  }
0x9c: {  	s31 =	simm.s32 $0x380;
	[sflag:s18] =	ssyncadd.s32 $0xFFFFC000  }
0x9d: {  	[tilespmem:s19], [sflag:$0x2] =	stream.indirect.gather [hbm4b:s2+s16], $0x80, s31, s16, $0xb8;
	v63 =	vld [tilespmem:$0x0]  }
0x9e: {  	s1 =	simm.s32 $0x2300  }
0x9f: {  	[spmem:s3] =	stream.indirect.scatter.add.f32 [tilespmem:s17], [sflag:$0x3], $0x80, s1, s16, $0xb8;
	v63 =	vld [tilespmem:$0x0]  }
0xa0: {  	_ =	swait.ge [sflag:s14], $0x4000  }
0xa1: {  	[sflag:s14] =	ssyncset.done $0x0  }
0xa2: {  	[sflag:s14] =	ssyncadd.s32 $0xFFFFC000  }
0xa3: {  	_ =	swait.ge [sflag:s20], $0x4000  }
0xa4: {  	[sflag:s20] =	ssyncset.done $0x0  }
0xa5: {  	s31 =	simm.s32 $0x400;
	[sflag:s20] =	ssyncadd.s32 $0xFFFFC000  }
0xa6: {  	[tilespmem:s17], [sflag:$0x1] =	stream.indirect.gather [hbm4b:s2+s16], $0x80, s31, s16, $0xb8;
	v63 =	vld [tilespmem:$0x0]  }
0xa7: {  	s1 =	simm.s32 $0x2380  }
0xa8: {  	[spmem:s3] =	stream.indirect.scatter.add.f32 [tilespmem:s19], [sflag:$0x3], $0x80, s1, s16, $0xb8;
	v63 =	vld [tilespmem:$0x0]  }
0xa9: {  	_ =	swait.ge [sflag:s14], $0x4000  }
0xaa: {  	[sflag:s14] =	ssyncset.done $0x0  }
0xab: {  	[sflag:s14] =	ssyncadd.s32 $0xFFFFC000  }
0xac: {  	_ =	swait.ge [sflag:s18], $0x4000  }
0xad: {  	[sflag:s18] =	ssyncset.done $0x0  }
0xae: {  	s31 =	simm.s32 $0x480;
	[sflag:s18] =	ssyncadd.s32 $0xFFFFC000  }
0xaf: {  	[tilespmem:s19], [sflag:$0x2] =	stream.indirect.gather [hbm4b:s2+s16], $0x80, s31, s16, $0xb8;
	v63 =	vld [tilespmem:$0x0]  }
0xb0: {  	s1 =	simm.s32 $0x2400  }
0xb1: {  	[spmem:s3] =	stream.indirect.scatter.add.f32 [tilespmem:s17], [sflag:$0x3], $0x80, s1, s16, $0xb8;
	v63 =	vld [tilespmem:$0x0]  }
0xb2: {  	_ =	swait.ge [sflag:s14], $0x4000  }
0xb3: {  	[sflag:s14] =	ssyncset.done $0x0  }
0xb4: {  	[sflag:s14] =	ssyncadd.s32 $0xFFFFC000  }
0xb5: {  	_ =	swait.ge [sflag:s20], $0x4000  }
0xb6: {  	[sflag:s20] =	ssyncset.done $0x0  }
0xb7: {  	s31 =	simm.s32 $0x500;
	[sflag:s20] =	ssyncadd.s32 $0xFFFFC000  }
0xb8: {  	[tilespmem:s17], [sflag:$0x1] =	stream.indirect.gather [hbm4b:s2+s16], $0x80, s31, s16, $0xb8;
	v63 =	vld [tilespmem:$0x0]  }
0xb9: {  	s1 =	simm.s32 $0x2480  }
0xba: {  	[spmem:s3] =	stream.indirect.scatter.add.f32 [tilespmem:s19], [sflag:$0x3], $0x80, s1, s16, $0xb8;
	v63 =	vld [tilespmem:$0x0]  }
0xbb: {  	_ =	swait.ge [sflag:s14], $0x4000  }
0xbc: {  	[sflag:s14] =	ssyncset.done $0x0  }
0xbd: {  	[sflag:s14] =	ssyncadd.s32 $0xFFFFC000  }
0xbe: {  	_ =	swait.ge [sflag:s18], $0x4000  }
0xbf: {  	[sflag:s18] =	ssyncset.done $0x0  }
0xc0: {  	s31 =	simm.s32 $0x580;
	[sflag:s18] =	ssyncadd.s32 $0xFFFFC000  }
0xc1: {  	[tilespmem:s19], [sflag:$0x2] =	stream.indirect.gather [hbm4b:s2+s16], $0x80, s31, s16, $0xb8;
	v63 =	vld [tilespmem:$0x0]  }
0xc2: {  	s1 =	simm.s32 $0x2500  }
0xc3: {  	[spmem:s3] =	stream.indirect.scatter.add.f32 [tilespmem:s17], [sflag:$0x3], $0x80, s1, s16, $0xb8;
	v63 =	vld [tilespmem:$0x0]  }
0xc4: {  	_ =	swait.ge [sflag:s14], $0x4000  }
0xc5: {  	[sflag:s14] =	ssyncset.done $0x0  }
0xc6: {  	[sflag:s14] =	ssyncadd.s32 $0xFFFFC000  }
0xc7: {  	_ =	swait.ge [sflag:s20], $0x4000  }
0xc8: {  	[sflag:s20] =	ssyncset.done $0x0  }
0xc9: {  	s31 =	simm.s32 $0x600;
	[sflag:s20] =	ssyncadd.s32 $0xFFFFC000  }
0xca: {  	[tilespmem:s17], [sflag:$0x1] =	stream.indirect.gather [hbm4b:s2+s16], $0x80, s31, s16, $0xb8;
	v63 =	vld [tilespmem:$0x0]  }
0xcb: {  	_ = 	snop  }
0xcc: {  	[spmem:s3] =	stream.indirect.scatter.add.f32 [tilespmem:s19], [sflag:$0x3], $0x80, s21, s16, $0xb8;
	v63 =	vld [tilespmem:$0x0]  }
0xcd: {  	_ =	swait.ge [sflag:s14], $0x4000  }
0xce: {  	[sflag:s14] =	ssyncset.done $0x0  }
0xcf: {  	[sflag:s14] =	ssyncadd.s32 $0xFFFFC000  }
0xd0: {  	_ =	swait.ge [sflag:s18], $0x4000  }
0xd1: {  	[sflag:s18] =	ssyncset.done $0x0  }
0xd2: {  	[sflag:s18] =	ssyncadd.s32 $0xFFFFC000  }
0xd3: {  	[tilespmem:s19], [sflag:$0x2] =	stream.indirect.gather [hbm4b:s2+s16], $0x80, s22, s16, $0xb8;
	v63 =	vld [tilespmem:$0x0]  }
0xd4: {  	_ = 	snop  }
0xd5: {  	[spmem:s3] =	stream.indirect.scatter.add.f32 [tilespmem:s17], [sflag:$0x3], $0x80, s23, s16, $0xb8;
	v63 =	vld [tilespmem:$0x0]  }
0xd6: {  	_ =	swait.ge [sflag:s14], $0x4000  }
0xd7: {  	[sflag:s14] =	ssyncset.done $0x0  }
0xd8: {  	[sflag:s14] =	ssyncadd.s32 $0xFFFFC000  }
0xd9: {  	_ =	swait.ge [sflag:s20], $0x4000  }
0xda: {  	[sflag:s20] =	ssyncset.done $0x0  }
0xdb: {  	[sflag:s20] =	ssyncadd.s32 $0xFFFFC000  }
0xdc: {  	[tilespmem:s17], [sflag:$0x1] =	stream.indirect.gather [hbm4b:s2+s16], $0x80, s24, s16, $0xb8;
	v63 =	vld [tilespmem:$0x0]  }
0xdd: {  	_ = 	snop  }
0xde: {  	[spmem:s3] =	stream.indirect.scatter.add.f32 [tilespmem:s19], [sflag:$0x3], $0x80, s25, s16, $0xb8;
	v63 =	vld [tilespmem:$0x0]  }
0xdf: {  	_ =	swait.ge [sflag:s14], $0x4000  }
0xe0: {  	[sflag:s14] =	ssyncset.done $0x0  }
0xe1: {  	[sflag:s14] =	ssyncadd.s32 $0xFFFFC000  }
0xe2: {  	_ =	swait.ge [sflag:s18], $0x4000  }
0xe3: {  	[sflag:s18] =	ssyncset.done $0x0  }
0xe4: {  	[sflag:s18] =	ssyncadd.s32 $0xFFFFC000  }
0xe5: {  	[tilespmem:s19], [sflag:$0x2] =	stream.indirect.gather [hbm4b:s2+s16], $0x80, s26, s16, $0xb8;
	v63 =	vld [tilespmem:$0x0]  }
0xe6: {  	_ = 	snop  }
0xe7: {  	[spmem:s3] =	stream.indirect.scatter.add.f32 [tilespmem:s17], [sflag:$0x3], $0x80, s28, s16, $0xb8;
	v63 =	vld [tilespmem:$0x0]  }
0xe8: {  	_ =	swait.ge [sflag:s14], $0x4000  }
0xe9: {  	[sflag:s14] =	ssyncset.done $0x0  }
0xea: {  	[sflag:s14] =	ssyncadd.s32 $0xFFFFC000  }
0xeb: {  	_ =	swait.ge [sflag:s20], $0x4000  }
0xec: {  	[sflag:s20] =	ssyncset.done $0x0  }
0xed: {  	[sflag:s20] =	ssyncadd.s32 $0xFFFFC000  }
0xee: {  	[spmem:s3] =	stream.indirect.scatter.add.f32 [tilespmem:s19], [sflag:$0x3], $0x80, s29, s16, $0xb8;
	v63 =	vld [tilespmem:$0x0]  }
0xef: {  	_ =	swait.ge [sflag:s14], $0x4000  }
0xf0: {  	s30 =	sadd.s32 $0x1, s30;
	[sflag:s14] =	ssyncset.done $0x0  }
0xf1: {  	p0 =	sne.s32 s30, s12;
	[sflag:s14] =	ssyncadd.s32 $0xFFFFC000  }
.Ltmp1:
0xf2: {  	[bflag:$0x0] =	sbarrier.arrive $0xFFFF;
	(pc) =	sbr.rel @p0 .LBB2_1-.Ltmp1, $4  }
0xf3: {  	[hbm:s11], [sflag:s6] =	dma.local [spmem:s13], $0x2800  }
0xf4: {  	_ =	swait.ge [sflag:s14], $0x2800  }
0xf5: {  	[sflag:s14] =	ssyncset.done $0x0  }
0xf6: {  	[sflag:s14] =	ssyncadd.s32 $0xFFFFD800  }
0xf7: {  	_ =	sfence.sel $0x180000  }
0xf8: {  	[bflag:$0x0] =	sbarrier.arrive $0xFFFF  }
0xf9: {  	_ =	strace $0x9000004A  }
0xfa: {  	s0 =	stileid.u32;
	[bflag:$0x2] =	sbarrier.arrive $0xFFFF  }
0xfb: {  	p0 =	sne.s32 s0, $0x0;
	s0 =	rddreg [dreg:$0x3]  }
0xfc: {  	s0 =	sadd.s32 @!p0 $0x100000, s0  }
0xfd: {  	[sflag:s0] =	ssyncadd.tile.s32 @!p0 $0x1;
	_ =	shalt  }
.Lfunc_end2:
_tile_overlayer_lowered:
.L_overlay_start_2:
0xfe: {  	(tag) =	ssettag $0x2  }
0xff: {  	s0 =	rddreg [dreg:$0x0];
	s2 =	stileid.u32  }
0x100: {  	s1 =	rddreg [dreg:$0x1];
	p0 =	sne.s32 s2, $0x0  }
0x101: {  	s3 =	rddreg [dreg:$0x2];
	[bflag:$0x3] =	sbarrier.arrive $0xFFFF;
	s2 =	simm.s32 @!p0 $0x1C03  }
0x102: {  	[timem:s3], [sflag:s2] =	dma.local @!p0 [hbm:s0], s1  }
0x103: {  	s0 =	simm.s32 @!p0 $0x3  }
0x104: {  	_ =	swait.ge @!p0 [sflag:s0], s1  }
0x105: {  	s1 =	ssub.s32 @!p0 $0x0, s1;
	[sflag:s0] =	ssyncset.done @!p0 $0x0  }
0x106: {  	[sflag:s0] =	ssyncadd.s32 @!p0 s1  }
0x107: {  	[bflag:$0x3] =	sbarrier.arrive $0xFFFF  }
0x108: {  	_ =	shalt  }

// kernel: kernel.16.cloned.1.call-start
scs
__scs_entry_jumppad:
0x0: {  	(pc) =	sbr.rel $0x88, $3  }
0x1: {  	(tag) =	ssettag $0x0;
	lr =	simm.s32 $0x1  }
0x2: {  	[smem:$0x3F8F] =	sst lr;
	_ =	strace $0xD0000000  }
0x3: {  	_ = 	snop  }
0x4: {  	_ = 	snop  }
0x5: {  	_ = 	snop  }
0x6: {  	_ = 	snop  }
0x7: {  	_ = 	snop  }
__scs_overlays_trampoline_lowered:
0x8: {  	[smem:$0x3F9E] =	sst s0  }
0x9: {  	[smem:$0x3F9F] =	sst s1  }
0xa: {  	[smem:$0x3FA0] =	sst s2  }
0xb: {  	[smem:$0x3FA1] =	sst s3  }
0xc: {  	[smem:$0x3FA2] =	sst s4  }
0xd: {  	[smem:$0x3FA3] =	sst s5  }
0xe: {  	[smem:$0x3FA4] =	sst s6  }
0xf: {  	[smem:$0x3FA5] =	sst s7  }
0x10: {  	[smem:$0x3FA6] =	sst s8  }
0x11: {  	[smem:$0x3FA7] =	sst s9;
	s0 =	simm.s32 @!p0 $0x0  }
0x12: {  	s1 =	sld [smem:$0x3F8D];
	s0 =	simm.s32 @p0 $0x1  }
0x13: {  	[smem:$0x3FA8] =	sst s0;
	s0 =	simm.s32 @!p1 $0x0  }
0x14: {  	s2 =	sld [smem:$0x3F8C];
	s0 =	simm.s32 @p1 $0x1  }
0x15: {  	[smem:$0x3FA9] =	sst s0;
	s0 =	simm.s32 @!p2 $0x0  }
0x16: {  	s3 =	sld [smem:$0x3FDB];
	s0 =	simm.s32 @p2 $0x1  }
0x17: {  	s4 =	simm.s32 $0x1BF5;
	[smem:$0x3FAB] =	sst s0  }
0x18: {  	s0 =	sld [smem:$0x3F8E];
	_ =	swait.ge [sflag:s4], $0x0  }
0x19: {  	s7 =	sld [smem:$0x3F8F]  }
0x1a: {  	s8 =	sadd.s32 $0xFFFFE003, lr  }
0x1b: {  	s9 =	sadd.s32 $0xFFFFFEF7, lr;
	s5 =	simm.s32 $0xFFFFFFFF;
	p2 =	slt.u32 s8, $0xFFFFF086  }
0x1c: {  	p1 =	slt.u32 s9, $0xF7A;
	s5 =	simm.s32 @!p2 $0x0  }
0x1d: {  	s5 =	simm.s32 @p1 $0x1;
	p0 =	seq.s32 s7, s2  }
0x1e: {  	s7 =	smul.u32 @!p0 $0xF7A, s2;
	p2 =	seq.s32 @!p0 s5, $0x0  }
0x1f: {  	s9 =	smul.u32 $0xF7A, s1;
	s8 =	simm.s32 @!p0 $0x1BF5;
	p2 =	por !p2, p0  }
0x20: {  	[sflag:s8] =	ssyncset.s32 @!p0 $0xFFFFF086;
	s6 =	sadd.s32 @!p0 s3, s7;
	s7 =	simm.s32 @!p0 $0x108  }
0x21: {  	s3 =	sadd.s32 s3, s9;
	s6 =	sadd.s32 @!p0 $0x88, s6;
	s7 =	simm.s32 @p2 $0x1082  }
0x22: {  	[simem:s7], [sflag:s8] =	dma.local @!p0 [hbm:s6], $0xF7A  }
0x23: {  	s9 =	sor.u32 $0xD0000000, s2;
	s6 =	simm.s32 $0x108;
	_ =	swait.ge @!p0 [sflag:s8], $0x0  }
0x24: {  	s3 =	sadd.s32 $0x88, s3;
	s6 =	simm.s32 @!p1 $0x1082;
	[sflag:s4] =	ssyncset.s32 $0xFFFFF086  }
0x25: {  	[simem:s6], [sflag:s4] =	dma.local [hbm:s3], $0xF7A  }
0x26: {  	[smem:$0x3F8F] =	sst s1;
	(tag) =	ssettag s2;
	_ =	strace s9  }
0x27: {  	s1 =	sld [smem:$0x3F9F]  }
0x28: {  	s2 =	sld [smem:$0x3FA0]  }
0x29: {  	s4 =	sld [smem:$0x3FA2]  }
0x2a: {  	p0 =	seq.s32 s5, $0x0;
	s5 =	sld [smem:$0x3FA3]  }
0x2b: {  	s6 =	sld [smem:$0x3FA4]  }
0x2c: {  	s7 =	sld [smem:$0x3FA5]  }
0x2d: {  	s3 =	simm.s32 $0x108;
	s8 =	sld [smem:$0x3FA6]  }
0x2e: {  	s3 =	simm.s32 @!p0 $0x1082;
	s9 =	sld [smem:$0x3FA7]  }
0x2f: {  	lr =	sadd.s32 s0, s3;
	s0 =	sld [smem:$0x3F9E]  }
0x30: {  	s3 =	sld [smem:$0x3FA1]  }
0x31: {  	[smem:$0x3FAA] =	sst s10  }
0x32: {  	s10 =	sld [smem:$0x3FA8];
	_ =	sdelay $0x3  }
0x33: {  	p0 =	seq.s32 s10, $0x1;
	s10 =	sld [smem:$0x3FAA];
	_ =	sdelay $0x3  }
0x34: {  	[smem:$0x3FAA] =	sst s10  }
0x35: {  	s10 =	sld [smem:$0x3FA9];
	_ =	sdelay $0x3  }
0x36: {  	p1 =	seq.s32 s10, $0x1;
	s10 =	sld [smem:$0x3FAA];
	_ =	sdelay $0x3  }
0x37: {  	[smem:$0x3FAA] =	sst s10  }
0x38: {  	s10 =	sld [smem:$0x3FAB]  }
0x39: {  	_ = 	snop;
	(pc) =	sbr.ind lr, $3  }
0x3a: {  	_ = 	snop  }
0x3b: {  	_ = 	snop  }
0x3c: {  	p2 =	seq.s32 s10, $0x1;
	s10 =	sld [smem:$0x3FAA]  }
0x3d: {  	_ =	shalt  }
0x3e: {  	_ =	shalt  }
0x3f: {  	_ =	shalt  }
0x40: {  	_ =	shalt  }
0x41: {  	_ =	shalt  }
0x42: {  	_ =	shalt  }
0x43: {  	_ =	shalt  }
0x44: {  	_ =	shalt  }
0x45: {  	_ =	shalt  }
0x46: {  	_ =	shalt  }
0x47: {  	_ =	shalt  }
0x48: {  	_ =	shalt  }
0x49: {  	_ =	shalt  }
0x4a: {  	_ =	shalt  }
0x4b: {  	_ =	shalt  }
0x4c: {  	_ =	shalt  }
0x4d: {  	_ =	shalt  }
0x4e: {  	_ =	shalt  }
0x4f: {  	_ =	shalt  }
0x50: {  	_ =	shalt  }
0x51: {  	_ =	shalt  }
0x52: {  	_ =	shalt  }
0x53: {  	_ =	shalt  }
0x54: {  	_ =	shalt  }
0x55: {  	_ =	shalt  }
0x56: {  	_ =	shalt  }
0x57: {  	_ =	shalt  }
0x58: {  	_ =	shalt  }
0x59: {  	_ =	shalt  }
0x5a: {  	_ =	shalt  }
0x5b: {  	_ =	shalt  }
0x5c: {  	_ =	shalt  }
0x5d: {  	_ =	shalt  }
0x5e: {  	_ =	shalt  }
0x5f: {  	_ =	shalt  }
0x60: {  	_ =	shalt  }
0x61: {  	_ =	shalt  }
0x62: {  	_ =	shalt  }
0x63: {  	_ =	shalt  }
0x64: {  	_ =	shalt  }
0x65: {  	_ =	shalt  }
0x66: {  	_ =	shalt  }
0x67: {  	_ =	shalt  }
0x68: {  	_ =	shalt  }
0x69: {  	_ =	shalt  }
0x6a: {  	_ =	shalt  }
0x6b: {  	_ =	shalt  }
0x6c: {  	_ =	shalt  }
0x6d: {  	_ =	shalt  }
0x6e: {  	_ =	shalt  }
0x6f: {  	_ =	shalt  }
0x70: {  	_ =	shalt  }
0x71: {  	_ =	shalt  }
0x72: {  	_ =	shalt  }
0x73: {  	_ =	shalt  }
0x74: {  	_ =	shalt  }
0x75: {  	_ =	shalt  }
0x76: {  	_ =	shalt  }
0x77: {  	_ =	shalt  }
0x78: {  	_ =	shalt  }
0x79: {  	_ =	shalt  }
0x7a: {  	_ =	shalt  }
0x7b: {  	_ =	shalt  }
0x7c: {  	_ =	shalt  }
0x7d: {  	_ =	shalt  }
0x7e: {  	_ =	shalt  }
0x7f: {  	_ =	shalt  }
0x80: {  	_ =	shalt  }
0x81: {  	_ =	shalt  }
0x82: {  	_ =	shalt  }
0x83: {  	_ =	shalt  }
0x84: {  	_ =	shalt  }
0x85: {  	_ =	shalt  }
0x86: {  	_ =	shalt  }
0x87: {  	_ =	shalt  }
.Lfunc_end0:
.L_simem_size_0:
called_computation.2_lowered:
.L_overlay_start_0:
0x88: {  	s2 =	sld [smem:$0x3FD9]  }
0x89: {  	s3 =	sld [smem:$0x3FFE];
	_ =	sdelay $0x1  }
0x8a: {  	s1 =	srdreg.scid  }
0x8b: {  	s0 =	sand.u32 $0x1, s1  }
0x8c: {  	s17 =	sshll.u32 s0, $0xA;
	s2 =	sadd.s32 s3, s2  }
0x8d: {  	s2 =	sadd.s32 s2, s17  }
0x8e: {  	[smem:$0x3FB6] =	sst s2  }
0x8f: {  	_ = 	snop  }
0x90: {  	s2 =	sld [smem:$0x3FD0];
	(tm) =	ssettm $0x1  }
0x91: {  	s18 =	sld [smem:$0x3FFB];
	_ =	sdelay $0x3  }
0x92: {  	_ =	strace s18  }
0x93: {  	s3 =	sld [smem:$0x3FFC];
	_ =	sdelay $0x3  }
0x94: {  	_ =	strace s3  }
0x95: {  	s3 =	sld [smem:$0x3FFD];
	_ =	sdelay $0x3  }
0x96: {  	_ =	strace s3  }
0x97: {  	_ =	strace $0x8FFFFFFF  }
0x98: {  	s19 =	sld [smem:$0x3FDB];
	_ =	sdelay $0x1  }
0x99: {  	s4 =	simm.s32 $_scs_section_size  }
0x9a: {  	s5 =	simm.s32 $_size__tile_overlayer_lowered;
	s6 =	simm.s32 $_tile_overlayer_lowered  }
0x9b: {  	s22 =	simm.s32 $0x1BFF;
	s21 =	sshll.u32 s6, $0x1;
	s3 =	sadd.s32 s4, s19  }
0x9c: {  	s7 =	simm.s32 $0x0;
	s20 =	sshll.u32 s5, $0x1;
	s5 =	sadd.s32 s21, s3  }
0x9d: {  	[timem:s7], [sflag:s22] =	dma.local [hbm:s5], s20  }
0x9e: {  	_ =	swait.ge [sflag:s22], s20  }
0x9f: {  	s4 =	ssub.s32 $0x0, s20;
	[sflag:s22] =	ssyncset.done $0x0  }
0xa0: {  	[sflag:s22] =	ssyncadd.s32 s4;
	_ =	sdelay $0x1  }
0xa1: {  	s23 =	simm.s32 $0x1B8B  }
0xa2: {  	_ =	swait.ge [sflag:s23], $0x1  }
0xa3: {  	[sflag:s23] =	ssyncset.done $0x0  }
0xa4: {  	s25 =	simm.s32 $0x1B8E;
	s24 =	sld [smem:$0x3FFE];
	[sflag:s23] =	ssyncadd.s32 $0xFFFFFFFF  }
0xa5: {  	s26 =	simm.s32 $execute0_lowered;
	[smem:$0x3FD2] =	sst s25  }
0xa6: {  	s5 =	sshll.u32 s26, $0x1;
	_ =	strace $0x8000004C;
	[dreg:$0x1] =	wrdreg $0xFFFFFFFF  }
0xa7: {  	s28 =	simm.s32 $_size_execute0_lowered;
	s3 =	sadd.s32 s3, s5;
	[dreg:$0x0] =	wrdreg $0x0  }
0xa8: {  	s5 =	sshll.u32 s28, $0x1;
	[dreg:$0x2] =	wrdreg s3  }
0xa9: {  	[dreg:$0x3] =	wrdreg s5  }
0xaa: {  	[dreg:$0x4] =	wrdreg $0xC0  }
0xab: {  	_ =	task [dreg:s7], $0x5FFFF  }
0xac: {  	[dreg:$0x1] =	wrdreg $0xFFFFFFFF  }
0xad: {  	[dreg:$0x0] =	wrdreg $0x60  }
0xae: {  	[dreg:$0x2] =	wrdreg s2  }
0xaf: {  	[dreg:$0x3] =	wrdreg s24  }
0xb0: {  	[dreg:$0x4] =	wrdreg $0x40000  }
0xb1: {  	[dreg:$0x5] =	wrdreg $0x9  }
0xb2: {  	_ =	task.clear_ibuf [dreg:s7], $0x6FFFF;
	_ =	strace $0x9000004C  }
0xb3: {  	s29 =	simm.s32 $0x9;
	_ =	strace $0x8000004E  }
0xb4: {  	_ =	swait.ge [sflag:s29], $0x1  }
0xb5: {  	[sflag:s29] =	ssyncadd.s32 $0xFFFFFFFF  }
0xb6: {  	_ =	strace $0x9000004E  }
0xb7: {  	_ =	sfence  }
0xb8: {  	s30 =	sld [smem:$0x0];
	_ =	sdelay $0x2  }
0xb9: {  	s31 =	sshll.u32 s1, $0xD;
	s1 =	sshrl.u32 s1, $0x2  }
0xba: {  	s3 =	sand.u32 $0x4000, s31;
	s1 =	sadd.s32 s1, s30  }
0xbb: {  	s0 =	sor.u32 s3, s0;
	s1 =	sshll.u32 s1, $0x11  }
0xbc: {  	s0 =	sor.u32 s1, s0  }
0xbd: {  	s0 =	sadd.s32 $0x8F2B, s0  }
0xbe: {  	[sflag:s0] =	ssyncadd.remote.s32 $0x1  }
0xbf: {  	_ =	sfence.sel $0xFFFF  }
0xc0: {  	[dreg:$0x0] =	wrdreg $0xFFFFFFFF;
	(pc) =	sbr.abs _section_cstart, $3  }
0xc1: {  	[dreg:$0x1] =	wrdreg $0xFFFFFFFF  }
0xc2: {  	_ =	task.clear_ibuf [dreg:s7], $0x2FFFF;
	_ =	strace $0x9FFFFFFF  }
0xc3: {  	(tm) =	ssettm $0x7FFFFFFF  }
tec
execute0_lowered:
.L_overlay_start_1:
0x0: {  	(tag) =	ssettag $0x1  }
0x1: {  	s2 =	rddreg [dreg:$0x0]  }
0x2: {  	s0 =	rddreg [dreg:$0x1]  }
0x3: {  	s3 =	rddreg [dreg:$0x2]  }
0x4: {  	s14 =	stileid.u32;
	s1 =	srdreg.scid  }
0x5: {  	s4 =	simm.s32 $0x0;
	s15 =	simm.s32 $0x2000;
	s16 =	simm.s32 $0x80  }
0x6: {  	s17 =	simm.s32 $0x18000;
	s18 =	simm.s32 $0x1;
	s19 =	simm.s32 $0x1C000  }
0x7: {  	s28 =	simm.s32 $0x2700;
	s29 =	simm.s32 $0x2780;
	s30 =	simm.s32 $0x0  }
0x8: {  	s5 =	smul.u32 $0x14000, s14;
	s1 =	sand.u32 $0x1, s1;
	[smem:$0x7FF] =	sst s4  }
0x9: {  	s9 =	sadd.s32 $0xFA00, s0;
	s10 =	sadd.s32 $0x5A00, s0;
	s8 =	sshll.u32 s14, $0x1  }
0xa: {  	s11 =	smul.u32 $0x50000, s14;
	s25 =	sshll.u32 s14, $0x6;
	s14 =	simm.s32 $0x3  }
0xb: {  	s6 =	smul.u32 $0x140000, s1;
	s21 =	ssub.s32 $0x2, s1;
	s1 =	sor.u32 s1, s8  }
0xc: {  	_ =	strace $0x8000004D;
	s7 =	sshrl.u32 s5, $0x3;
	s24 =	smul.u32 $0x2800, s1  }
0xd: {  	s22 =	sshrl.u32 s21, $0x1;
	s23 =	sshrl.u32 s11, $0x2;
	s1 =	smul.u32 $0x500, s1  }
0xe: {  	s5 =	sadd.s32 s5, s6;
	s20 =	sadd.s32 s7, s0;
	s12 =	ssub.s32 s21, s22  }
0xf: {  	s13 =	sadd.s32 s23, s3;
	s6 =	sor.u32 $0x1C03, s25;
	s21 =	simm.s32 $0x2580  }
0x10: {  	s22 =	simm.s32 $0x680;
	s23 =	simm.s32 $0x2600;
	s25 =	simm.s32 $0x2680  }
0x11: {  	s5 =	sshrl.u32 s5, $0x3;
	s26 =	sshrl.u32 s24, $0x3;
	s7 =	sadd.s32 s9, s1  }
0x12: {  	s8 =	sadd.s32 s10, s1;
	s12 =	smax.u32 s12, $0x1;
	s13 =	sshrl.u32 s13, $0x3  }
0x13: {  	s24 =	simm.s32 $0x700;
	s0 =	sadd.s32 s5, s0;
	s5 =	sadd.s32 $0x91A00, s20  }
0x14: {  	s31 =	sadd.s32 $0x400, s26;
	s20 =	simm.s32 $0x2;
	s26 =	simm.s32 $0x780  }
0x15: {  	s9 =	sadd.s32 s9, s31;
	s10 =	sadd.s32 s10, s31;
	s11 =	sadd.s32 $0xB9A00, s0  }
.LBB2_1:
0x16: {  	[spmem:s13], [sflag:s6] =	dma.local [hbm:s5], $0x2800  }
0x17: {  	_ =	swait.ge [sflag:s14], $0x2800  }
0x18: {  	[sflag:s14] =	ssyncset.done $0x0  }
0x19: {  	[sflag:s14] =	ssyncadd.s32 $0xFFFFD800  }
0x1a: {  	[bflag:$0x0] =	sbarrier.arrive $0xFFFF  }
0x1b: {  	[tilespmem:s4], [sflag:$0x3] =	stream.linear.gather [hbm4b:s7+s4], $0x2000, $0x38;
	v63 =	vld [tilespmem:$0x0]  }
0x1c: {  	_ =	swait.ge [sflag:s14], $0x2000  }
0x1d: {  	[sflag:s14] =	ssyncset.done $0x0  }
0x1e: {  	[sflag:s14] =	ssyncadd.s32 $0xFFFFE000  }
0x1f: {  	[tilespmem:s15], [sflag:$0x3] =	stream.linear.gather [hbm4b:s8+s4], $0x2000, $0x38;
	v63 =	vld [tilespmem:$0x0]  }
0x20: {  	_ =	swait.ge [sflag:s14], $0x2000  }
0x21: {  	[sflag:s14] =	ssyncset.done $0x0  }
0x22: {  	[sflag:s14] =	ssyncadd.s32 $0xFFFFE000  }
0x23: {  	[tilespmem:s17], [sflag:$0x1] =	stream.indirect.gather [hbm4b:s2+s16], $0x80, s4, s16, $0xb8;
	v63 =	vld [tilespmem:$0x0]  }
0x24: {  	_ =	swait.ge [sflag:s18], $0x4000  }
0x25: {  	[sflag:s18] =	ssyncset.done $0x0  }
0x26: {  	s31 =	simm.s32 $0x80;
	[sflag:s18] =	ssyncadd.s32 $0xFFFFC000  }
0x27: {  	[tilespmem:s19], [sflag:$0x2] =	stream.indirect.gather [hbm4b:s2+s16], $0x80, s31, s16, $0xb8;
	v63 =	vld [tilespmem:$0x0]  }
0x28: {  	s31 =	simm.s32 $0x2000  }
0x29: {  	[spmem:s3] =	stream.indirect.scatter.add.f32 [tilespmem:s17], [sflag:$0x3], $0x80, s31, s16, $0xb8;
	v63 =	vld [tilespmem:$0x0]  }
0x2a: {  	_ =	swait.ge [sflag:s14], $0x4000  }
0x2b: {  	[sflag:s14] =	ssyncset.done $0x0  }
0x2c: {  	[sflag:s14] =	ssyncadd.s32 $0xFFFFC000  }
0x2d: {  	_ =	swait.ge [sflag:s20], $0x4000  }
0x2e: {  	[sflag:s20] =	ssyncset.done $0x0  }
0x2f: {  	s31 =	simm.s32 $0x100;
	[sflag:s20] =	ssyncadd.s32 $0xFFFFC000  }
0x30: {  	[tilespmem:s17], [sflag:$0x1] =	stream.indirect.gather [hbm4b:s2+s16], $0x80, s31, s16, $0xb8;
	v63 =	vld [tilespmem:$0x0]  }
0x31: {  	s31 =	simm.s32 $0x2080  }
0x32: {  	[spmem:s3] =	stream.indirect.scatter.add.f32 [tilespmem:s19], [sflag:$0x3], $0x80, s31, s16, $0xb8;
	v63 =	vld [tilespmem:$0x0]  }
0x33: {  	_ =	swait.ge [sflag:s14], $0x4000  }
0x34: {  	s31 =	simm.s32 $0x400;
	[sflag:s14] =	ssyncset.done $0x0  }
.LBB2_2:
0x35: {  	p0 =	sne.s32 s31, $0x7800  }
0x36: {  	[sflag:s14] =	ssyncadd.s32 $0xFFFFC000;
	s0 =	smov.u32 s31;
	s31 =	sadd.s32 $0x400, s31  }
0x37: {  	_ = 	snop  }
0x38: {  	_ =	swait.ge [sflag:s18], $0x4000  }
0x39: {  	s0 =	sshra.s32 s0, $0x2;
	[sflag:s18] =	ssyncset.done $0x0  }
0x3a: {  	s1 =	sadd.s32 $0x80, s0;
	[sflag:s18] =	ssyncadd.s32 $0xFFFFC000  }
0x3b: {  	[tilespmem:s19], [sflag:$0x2] =	stream.indirect.gather [hbm4b:s2+s16], $0x80, s1, s16, $0xb8;
	v63 =	vld [tilespmem:$0x0]  }
0x3c: {  	s1 =	sadd.s32 $0x2000, s0  }
0x3d: {  	[spmem:s3] =	stream.indirect.scatter.add.f32 [tilespmem:s17], [sflag:$0x3], $0x80, s1, s16, $0xb8;
	v63 =	vld [tilespmem:$0x0]  }
0x3e: {  	_ =	swait.ge [sflag:s14], $0x4000  }
0x3f: {  	[sflag:s14] =	ssyncset.done $0x0  }
0x40: {  	[sflag:s14] =	ssyncadd.s32 $0xFFFFC000  }
0x41: {  	_ =	swait.ge [sflag:s20], $0x4000  }
0x42: {  	[sflag:s20] =	ssyncset.done $0x0  }
0x43: {  	s1 =	sadd.s32 $0x100, s0;
	[sflag:s20] =	ssyncadd.s32 $0xFFFFC000  }
0x44: {  	[tilespmem:s17], [sflag:$0x1] =	stream.indirect.gather [hbm4b:s2+s16], $0x80, s1, s16, $0xb8;
	v63 =	vld [tilespmem:$0x0]  }
.Ltmp0:
0x45: {  	_ = 	snop;
	(pc) =	sbr.rel @p0 .LBB2_2-.Ltmp0, $4  }
0x46: {  	s0 =	sadd.s32 $0x2080, s0  }
0x47: {  	[spmem:s3] =	stream.indirect.scatter.add.f32 [tilespmem:s19], [sflag:$0x3], $0x80, s0, s16, $0xb8;
	v63 =	vld [tilespmem:$0x0]  }
0x48: {  	_ =	swait.ge [sflag:s14], $0x4000  }
0x49: {  	[sflag:s14] =	ssyncset.done $0x0  }
0x4a: {  	[sflag:s14] =	ssyncadd.s32 $0xFFFFC000  }
0x4b: {  	_ =	swait.ge [sflag:s18], $0x4000  }
0x4c: {  	[sflag:s18] =	ssyncset.done $0x0  }
0x4d: {  	s0 =	simm.s32 $0x1F80;
	[sflag:s18] =	ssyncadd.s32 $0xFFFFC000  }
0x4e: {  	[tilespmem:s19], [sflag:$0x2] =	stream.indirect.gather [hbm4b:s2+s16], $0x80, s0, s16, $0xb8;
	v63 =	vld [tilespmem:$0x0]  }
0x4f: {  	s31 =	simm.s32 $0x3F00  }
0x50: {  	[spmem:s3] =	stream.indirect.scatter.add.f32 [tilespmem:s17], [sflag:$0x3], $0x80, s31, s16, $0xb8;
	v63 =	vld [tilespmem:$0x0]  }
0x51: {  	_ =	swait.ge [sflag:s14], $0x4000  }
0x52: {  	[sflag:s14] =	ssyncset.done $0x0  }
0x53: {  	[sflag:s14] =	ssyncadd.s32 $0xFFFFC000  }
0x54: {  	_ =	swait.ge [sflag:s20], $0x4000  }
0x55: {  	[sflag:s20] =	ssyncset.done $0x0  }
0x56: {  	s1 =	simm.s32 $0x3F80;
	[sflag:s20] =	ssyncadd.s32 $0xFFFFC000  }
0x57: {  	[spmem:s3] =	stream.indirect.scatter.add.f32 [tilespmem:s19], [sflag:$0x3], $0x80, s1, s16, $0xb8;
	v63 =	vld [tilespmem:$0x0]  }
0x58: {  	_ =	swait.ge [sflag:s14], $0x4000  }
0x59: {  	[sflag:s14] =	ssyncset.done $0x0  }
0x5a: {  	[sflag:s14] =	ssyncadd.s32 $0xFFFFC000  }
0x5b: {  	[tilespmem:s4], [sflag:$0x3] =	stream.linear.gather [hbm4b:s9+s4], $0x800, $0x38;
	v63 =	vld [tilespmem:$0x0]  }
0x5c: {  	_ =	swait.ge [sflag:s14], $0x800  }
0x5d: {  	[sflag:s14] =	ssyncset.done $0x0  }
0x5e: {  	[sflag:s14] =	ssyncadd.s32 $0xFFFFF800  }
0x5f: {  	[tilespmem:s15], [sflag:$0x3] =	stream.linear.gather [hbm4b:s10+s4], $0x800, $0x38;
	v63 =	vld [tilespmem:$0x0]  }
0x60: {  	_ =	swait.ge [sflag:s14], $0x800  }
0x61: {  	[sflag:s14] =	ssyncset.done $0x0  }
0x62: {  	[sflag:s14] =	ssyncadd.s32 $0xFFFFF800  }
0x63: {  	[tilespmem:s17], [sflag:$0x1] =	stream.indirect.gather [hbm4b:s2+s16], $0x80, s4, s16, $0xb8;
	v63 =	vld [tilespmem:$0x0]  }
0x64: {  	_ =	swait.ge [sflag:s18], $0x4000  }
0x65: {  	[sflag:s18] =	ssyncset.done $0x0  }
0x66: {  	[sflag:s18] =	ssyncadd.s32 $0xFFFFC000  }
0x67: {  	[tilespmem:s19], [sflag:$0x2] =	stream.indirect.gather [hbm4b:s2+s16], $0x80, s16, s16, $0xb8;
	v63 =	vld [tilespmem:$0x0]  }
0x68: {  	_ = 	snop  }
0x69: {  	[spmem:s3] =	stream.indirect.scatter.add.f32 [tilespmem:s17], [sflag:$0x3], $0x80, s15, s16, $0xb8;
	v63 =	vld [tilespmem:$0x0]  }
0x6a: {  	_ =	swait.ge [sflag:s14], $0x4000  }
0x6b: {  	[sflag:s14] =	ssyncset.done $0x0  }
0x6c: {  	[sflag:s14] =	ssyncadd.s32 $0xFFFFC000  }
0x6d: {  	_ =	swait.ge [sflag:s20], $0x4000  }
0x6e: {  	[sflag:s20] =	ssyncset.done $0x0  }
0x6f: {  	s31 =	simm.s32 $0x100;
	[sflag:s20] =	ssyncadd.s32 $0xFFFFC000  }
0x70: {  	[tilespmem:s17], [sflag:$0x1] =	stream.indirect.gather [hbm4b:s2+s16], $0x80, s31, s16, $0xb8;
	v63 =	vld [tilespmem:$0x0]  }
0x71: {  	s1 =	simm.s32 $0x2080  }
0x72: {  	[spmem:s3] =	stream.indirect.scatter.add.f32 [tilespmem:s19], [sflag:$0x3], $0x80, s1, s16, $0xb8;
	v63 =	vld [tilespmem:$0x0]  }
0x73: {  	_ =	swait.ge [sflag:s14], $0x4000  }
0x74: {  	[sflag:s14] =	ssyncset.done $0x0  }
0x75: {  	[sflag:s14] =	ssyncadd.s32 $0xFFFFC000  }
0x76: {  	_ =	swait.ge [sflag:s18], $0x4000  }
0x77: {  	[sflag:s18] =	ssyncset.done $0x0  }
0x78: {  	s31 =	simm.s32 $0x180;
	[sflag:s18] =	ssyncadd.s32 $0xFFFFC000  }
0x79: {  	[tilespmem:s19], [sflag:$0x2] =	stream.indirect.gather [hbm4b:s2+s16], $0x80, s31, s16, $0xb8;
	v63 =	vld [tilespmem:$0x0]  }
0x7a: {  	s1 =	simm.s32 $0x2100  }
0x7b: {  	[spmem:s3] =	stream.indirect.scatter.add.f32 [tilespmem:s17], [sflag:$0x3], $0x80, s1, s16, $0xb8;
	v63 =	vld [tilespmem:$0x0]  }
0x7c: {  	_ =	swait.ge [sflag:s14], $0x4000  }
0x7d: {  	[sflag:s14] =	ssyncset.done $0x0  }
0x7e: {  	[sflag:s14] =	ssyncadd.s32 $0xFFFFC000  }
0x7f: {  	_ =	swait.ge [sflag:s20], $0x4000  }
0x80: {  	[sflag:s20] =	ssyncset.done $0x0  }
0x81: {  	s31 =	simm.s32 $0x200;
	[sflag:s20] =	ssyncadd.s32 $0xFFFFC000  }
0x82: {  	[tilespmem:s17], [sflag:$0x1] =	stream.indirect.gather [hbm4b:s2+s16], $0x80, s31, s16, $0xb8;
	v63 =	vld [tilespmem:$0x0]  }
0x83: {  	s1 =	simm.s32 $0x2180  }
0x84: {  	[spmem:s3] =	stream.indirect.scatter.add.f32 [tilespmem:s19], [sflag:$0x3], $0x80, s1, s16, $0xb8;
	v63 =	vld [tilespmem:$0x0]  }
0x85: {  	_ =	swait.ge [sflag:s14], $0x4000  }
0x86: {  	[sflag:s14] =	ssyncset.done $0x0  }
0x87: {  	[sflag:s14] =	ssyncadd.s32 $0xFFFFC000  }
0x88: {  	_ =	swait.ge [sflag:s18], $0x4000  }
0x89: {  	[sflag:s18] =	ssyncset.done $0x0  }
0x8a: {  	s31 =	simm.s32 $0x280;
	[sflag:s18] =	ssyncadd.s32 $0xFFFFC000  }
0x8b: {  	[tilespmem:s19], [sflag:$0x2] =	stream.indirect.gather [hbm4b:s2+s16], $0x80, s31, s16, $0xb8;
	v63 =	vld [tilespmem:$0x0]  }
0x8c: {  	s1 =	simm.s32 $0x2200  }
0x8d: {  	[spmem:s3] =	stream.indirect.scatter.add.f32 [tilespmem:s17], [sflag:$0x3], $0x80, s1, s16, $0xb8;
	v63 =	vld [tilespmem:$0x0]  }
0x8e: {  	_ =	swait.ge [sflag:s14], $0x4000  }
0x8f: {  	[sflag:s14] =	ssyncset.done $0x0  }
0x90: {  	[sflag:s14] =	ssyncadd.s32 $0xFFFFC000  }
0x91: {  	_ =	swait.ge [sflag:s20], $0x4000  }
0x92: {  	[sflag:s20] =	ssyncset.done $0x0  }
0x93: {  	s31 =	simm.s32 $0x300;
	[sflag:s20] =	ssyncadd.s32 $0xFFFFC000  }
0x94: {  	[tilespmem:s17], [sflag:$0x1] =	stream.indirect.gather [hbm4b:s2+s16], $0x80, s31, s16, $0xb8;
	v63 =	vld [tilespmem:$0x0]  }
0x95: {  	s1 =	simm.s32 $0x2280  }
0x96: {  	[spmem:s3] =	stream.indirect.scatter.add.f32 [tilespmem:s19], [sflag:$0x3], $0x80, s1, s16, $0xb8;
	v63 =	vld [tilespmem:$0x0]  }
0x97: {  	_ =	swait.ge [sflag:s14], $0x4000  }
0x98: {  	[sflag:s14] =	ssyncset.done $0x0  }
0x99: {  	[sflag:s14] =	ssyncadd.s32 $0xFFFFC000  }
0x9a: {  	_ =	swait.ge [sflag:s18], $0x4000  }
0x9b: {  	[sflag:s18] =	ssyncset.done $0x0  }
0x9c: {  	s31 =	simm.s32 $0x380;
	[sflag:s18] =	ssyncadd.s32 $0xFFFFC000  }
0x9d: {  	[tilespmem:s19], [sflag:$0x2] =	stream.indirect.gather [hbm4b:s2+s16], $0x80, s31, s16, $0xb8;
	v63 =	vld [tilespmem:$0x0]  }
0x9e: {  	s1 =	simm.s32 $0x2300  }
0x9f: {  	[spmem:s3] =	stream.indirect.scatter.add.f32 [tilespmem:s17], [sflag:$0x3], $0x80, s1, s16, $0xb8;
	v63 =	vld [tilespmem:$0x0]  }
0xa0: {  	_ =	swait.ge [sflag:s14], $0x4000  }
0xa1: {  	[sflag:s14] =	ssyncset.done $0x0  }
0xa2: {  	[sflag:s14] =	ssyncadd.s32 $0xFFFFC000  }
0xa3: {  	_ =	swait.ge [sflag:s20], $0x4000  }
0xa4: {  	[sflag:s20] =	ssyncset.done $0x0  }
0xa5: {  	s31 =	simm.s32 $0x400;
	[sflag:s20] =	ssyncadd.s32 $0xFFFFC000  }
0xa6: {  	[tilespmem:s17], [sflag:$0x1] =	stream.indirect.gather [hbm4b:s2+s16], $0x80, s31, s16, $0xb8;
	v63 =	vld [tilespmem:$0x0]  }
0xa7: {  	s1 =	simm.s32 $0x2380  }
0xa8: {  	[spmem:s3] =	stream.indirect.scatter.add.f32 [tilespmem:s19], [sflag:$0x3], $0x80, s1, s16, $0xb8;
	v63 =	vld [tilespmem:$0x0]  }
0xa9: {  	_ =	swait.ge [sflag:s14], $0x4000  }
0xaa: {  	[sflag:s14] =	ssyncset.done $0x0  }
0xab: {  	[sflag:s14] =	ssyncadd.s32 $0xFFFFC000  }
0xac: {  	_ =	swait.ge [sflag:s18], $0x4000  }
0xad: {  	[sflag:s18] =	ssyncset.done $0x0  }
0xae: {  	s31 =	simm.s32 $0x480;
	[sflag:s18] =	ssyncadd.s32 $0xFFFFC000  }
0xaf: {  	[tilespmem:s19], [sflag:$0x2] =	stream.indirect.gather [hbm4b:s2+s16], $0x80, s31, s16, $0xb8;
	v63 =	vld [tilespmem:$0x0]  }
0xb0: {  	s1 =	simm.s32 $0x2400  }
0xb1: {  	[spmem:s3] =	stream.indirect.scatter.add.f32 [tilespmem:s17], [sflag:$0x3], $0x80, s1, s16, $0xb8;
	v63 =	vld [tilespmem:$0x0]  }
0xb2: {  	_ =	swait.ge [sflag:s14], $0x4000  }
0xb3: {  	[sflag:s14] =	ssyncset.done $0x0  }
0xb4: {  	[sflag:s14] =	ssyncadd.s32 $0xFFFFC000  }
0xb5: {  	_ =	swait.ge [sflag:s20], $0x4000  }
0xb6: {  	[sflag:s20] =	ssyncset.done $0x0  }
0xb7: {  	s31 =	simm.s32 $0x500;
	[sflag:s20] =	ssyncadd.s32 $0xFFFFC000  }
0xb8: {  	[tilespmem:s17], [sflag:$0x1] =	stream.indirect.gather [hbm4b:s2+s16], $0x80, s31, s16, $0xb8;
	v63 =	vld [tilespmem:$0x0]  }
0xb9: {  	s1 =	simm.s32 $0x2480  }
0xba: {  	[spmem:s3] =	stream.indirect.scatter.add.f32 [tilespmem:s19], [sflag:$0x3], $0x80, s1, s16, $0xb8;
	v63 =	vld [tilespmem:$0x0]  }
0xbb: {  	_ =	swait.ge [sflag:s14], $0x4000  }
0xbc: {  	[sflag:s14] =	ssyncset.done $0x0  }
0xbd: {  	[sflag:s14] =	ssyncadd.s32 $0xFFFFC000  }
0xbe: {  	_ =	swait.ge [sflag:s18], $0x4000  }
0xbf: {  	[sflag:s18] =	ssyncset.done $0x0  }
0xc0: {  	s31 =	simm.s32 $0x580;
	[sflag:s18] =	ssyncadd.s32 $0xFFFFC000  }
0xc1: {  	[tilespmem:s19], [sflag:$0x2] =	stream.indirect.gather [hbm4b:s2+s16], $0x80, s31, s16, $0xb8;
	v63 =	vld [tilespmem:$0x0]  }
0xc2: {  	s1 =	simm.s32 $0x2500  }
0xc3: {  	[spmem:s3] =	stream.indirect.scatter.add.f32 [tilespmem:s17], [sflag:$0x3], $0x80, s1, s16, $0xb8;
	v63 =	vld [tilespmem:$0x0]  }
0xc4: {  	_ =	swait.ge [sflag:s14], $0x4000  }
0xc5: {  	[sflag:s14] =	ssyncset.done $0x0  }
0xc6: {  	[sflag:s14] =	ssyncadd.s32 $0xFFFFC000  }
0xc7: {  	_ =	swait.ge [sflag:s20], $0x4000  }
0xc8: {  	[sflag:s20] =	ssyncset.done $0x0  }
0xc9: {  	s31 =	simm.s32 $0x600;
	[sflag:s20] =	ssyncadd.s32 $0xFFFFC000  }
0xca: {  	[tilespmem:s17], [sflag:$0x1] =	stream.indirect.gather [hbm4b:s2+s16], $0x80, s31, s16, $0xb8;
	v63 =	vld [tilespmem:$0x0]  }
0xcb: {  	_ = 	snop  }
0xcc: {  	[spmem:s3] =	stream.indirect.scatter.add.f32 [tilespmem:s19], [sflag:$0x3], $0x80, s21, s16, $0xb8;
	v63 =	vld [tilespmem:$0x0]  }
0xcd: {  	_ =	swait.ge [sflag:s14], $0x4000  }
0xce: {  	[sflag:s14] =	ssyncset.done $0x0  }
0xcf: {  	[sflag:s14] =	ssyncadd.s32 $0xFFFFC000  }
0xd0: {  	_ =	swait.ge [sflag:s18], $0x4000  }
0xd1: {  	[sflag:s18] =	ssyncset.done $0x0  }
0xd2: {  	[sflag:s18] =	ssyncadd.s32 $0xFFFFC000  }
0xd3: {  	[tilespmem:s19], [sflag:$0x2] =	stream.indirect.gather [hbm4b:s2+s16], $0x80, s22, s16, $0xb8;
	v63 =	vld [tilespmem:$0x0]  }
0xd4: {  	_ = 	snop  }
0xd5: {  	[spmem:s3] =	stream.indirect.scatter.add.f32 [tilespmem:s17], [sflag:$0x3], $0x80, s23, s16, $0xb8;
	v63 =	vld [tilespmem:$0x0]  }
0xd6: {  	_ =	swait.ge [sflag:s14], $0x4000  }
0xd7: {  	[sflag:s14] =	ssyncset.done $0x0  }
0xd8: {  	[sflag:s14] =	ssyncadd.s32 $0xFFFFC000  }
0xd9: {  	_ =	swait.ge [sflag:s20], $0x4000  }
0xda: {  	[sflag:s20] =	ssyncset.done $0x0  }
0xdb: {  	[sflag:s20] =	ssyncadd.s32 $0xFFFFC000  }
0xdc: {  	[tilespmem:s17], [sflag:$0x1] =	stream.indirect.gather [hbm4b:s2+s16], $0x80, s24, s16, $0xb8;
	v63 =	vld [tilespmem:$0x0]  }
0xdd: {  	_ = 	snop  }
0xde: {  	[spmem:s3] =	stream.indirect.scatter.add.f32 [tilespmem:s19], [sflag:$0x3], $0x80, s25, s16, $0xb8;
	v63 =	vld [tilespmem:$0x0]  }
0xdf: {  	_ =	swait.ge [sflag:s14], $0x4000  }
0xe0: {  	[sflag:s14] =	ssyncset.done $0x0  }
0xe1: {  	[sflag:s14] =	ssyncadd.s32 $0xFFFFC000  }
0xe2: {  	_ =	swait.ge [sflag:s18], $0x4000  }
0xe3: {  	[sflag:s18] =	ssyncset.done $0x0  }
0xe4: {  	[sflag:s18] =	ssyncadd.s32 $0xFFFFC000  }
0xe5: {  	[tilespmem:s19], [sflag:$0x2] =	stream.indirect.gather [hbm4b:s2+s16], $0x80, s26, s16, $0xb8;
	v63 =	vld [tilespmem:$0x0]  }
0xe6: {  	_ = 	snop  }
0xe7: {  	[spmem:s3] =	stream.indirect.scatter.add.f32 [tilespmem:s17], [sflag:$0x3], $0x80, s28, s16, $0xb8;
	v63 =	vld [tilespmem:$0x0]  }
0xe8: {  	_ =	swait.ge [sflag:s14], $0x4000  }
0xe9: {  	[sflag:s14] =	ssyncset.done $0x0  }
0xea: {  	[sflag:s14] =	ssyncadd.s32 $0xFFFFC000  }
0xeb: {  	_ =	swait.ge [sflag:s20], $0x4000  }
0xec: {  	[sflag:s20] =	ssyncset.done $0x0  }
0xed: {  	[sflag:s20] =	ssyncadd.s32 $0xFFFFC000  }
0xee: {  	[spmem:s3] =	stream.indirect.scatter.add.f32 [tilespmem:s19], [sflag:$0x3], $0x80, s29, s16, $0xb8;
	v63 =	vld [tilespmem:$0x0]  }
0xef: {  	_ =	swait.ge [sflag:s14], $0x4000  }
0xf0: {  	s30 =	sadd.s32 $0x1, s30;
	[sflag:s14] =	ssyncset.done $0x0  }
0xf1: {  	p0 =	sne.s32 s30, s12;
	[sflag:s14] =	ssyncadd.s32 $0xFFFFC000  }
.Ltmp1:
0xf2: {  	[bflag:$0x0] =	sbarrier.arrive $0xFFFF;
	(pc) =	sbr.rel @p0 .LBB2_1-.Ltmp1, $4  }
0xf3: {  	[hbm:s11], [sflag:s6] =	dma.local [spmem:s13], $0x2800  }
0xf4: {  	_ =	swait.ge [sflag:s14], $0x2800  }
0xf5: {  	[sflag:s14] =	ssyncset.done $0x0  }
0xf6: {  	[sflag:s14] =	ssyncadd.s32 $0xFFFFD800  }
0xf7: {  	_ =	sfence.sel $0x180000  }
0xf8: {  	[bflag:$0x0] =	sbarrier.arrive $0xFFFF  }
0xf9: {  	_ =	strace $0x9000004D  }
0xfa: {  	s0 =	stileid.u32;
	[bflag:$0x2] =	sbarrier.arrive $0xFFFF  }
0xfb: {  	p0 =	sne.s32 s0, $0x0;
	s0 =	rddreg [dreg:$0x3]  }
0xfc: {  	s0 =	sadd.s32 @!p0 $0x100000, s0  }
0xfd: {  	[sflag:s0] =	ssyncadd.tile.s32 @!p0 $0x1;
	_ =	shalt  }
.Lfunc_end2:
_tile_overlayer_lowered:
.L_overlay_start_2:
0xfe: {  	(tag) =	ssettag $0x2  }
0xff: {  	s0 =	rddreg [dreg:$0x0];
	s2 =	stileid.u32  }
0x100: {  	s1 =	rddreg [dreg:$0x1];
	p0 =	sne.s32 s2, $0x0  }
0x101: {  	s3 =	rddreg [dreg:$0x2];
	[bflag:$0x3] =	sbarrier.arrive $0xFFFF;
	s2 =	simm.s32 @!p0 $0x1C03  }
0x102: {  	[timem:s3], [sflag:s2] =	dma.local @!p0 [hbm:s0], s1  }
0x103: {  	s0 =	simm.s32 @!p0 $0x3  }
0x104: {  	_ =	swait.ge @!p0 [sflag:s0], s1  }
0x105: {  	s1 =	ssub.s32 @!p0 $0x0, s1;
	[sflag:s0] =	ssyncset.done @!p0 $0x0  }
0x106: {  	[sflag:s0] =	ssyncadd.s32 @!p0 s1  }
0x107: {  	[bflag:$0x3] =	sbarrier.arrive $0xFFFF  }
0x108: {  	_ =	shalt  }

// kernel: kernel.19.cloned.1.call-start
scs
__scs_entry_jumppad:
0x0: {  	(pc) =	sbr.rel $0x88, $3  }
0x1: {  	(tag) =	ssettag $0x0;
	lr =	simm.s32 $0x1  }
0x2: {  	[smem:$0x3F8F] =	sst lr;
	_ =	strace $0xD0000000  }
0x3: {  	_ = 	snop  }
0x4: {  	_ = 	snop  }
0x5: {  	_ = 	snop  }
0x6: {  	_ = 	snop  }
0x7: {  	_ = 	snop  }
__scs_overlays_trampoline_lowered:
0x8: {  	[smem:$0x3F9E] =	sst s0  }
0x9: {  	[smem:$0x3F9F] =	sst s1  }
0xa: {  	[smem:$0x3FA0] =	sst s2  }
0xb: {  	[smem:$0x3FA1] =	sst s3  }
0xc: {  	[smem:$0x3FA2] =	sst s4  }
0xd: {  	[smem:$0x3FA3] =	sst s5  }
0xe: {  	[smem:$0x3FA4] =	sst s6  }
0xf: {  	[smem:$0x3FA5] =	sst s7  }
0x10: {  	[smem:$0x3FA6] =	sst s8  }
0x11: {  	[smem:$0x3FA7] =	sst s9;
	s0 =	simm.s32 @!p0 $0x0  }
0x12: {  	s1 =	sld [smem:$0x3F8D];
	s0 =	simm.s32 @p0 $0x1  }
0x13: {  	[smem:$0x3FA8] =	sst s0;
	s0 =	simm.s32 @!p1 $0x0  }
0x14: {  	s2 =	sld [smem:$0x3F8C];
	s0 =	simm.s32 @p1 $0x1  }
0x15: {  	[smem:$0x3FA9] =	sst s0;
	s0 =	simm.s32 @!p2 $0x0  }
0x16: {  	s3 =	sld [smem:$0x3FDB];
	s0 =	simm.s32 @p2 $0x1  }
0x17: {  	s4 =	simm.s32 $0x1BF5;
	[smem:$0x3FAB] =	sst s0  }
0x18: {  	s0 =	sld [smem:$0x3F8E];
	_ =	swait.ge [sflag:s4], $0x0  }
0x19: {  	s7 =	sld [smem:$0x3F8F]  }
0x1a: {  	s8 =	sadd.s32 $0xFFFFE003, lr  }
0x1b: {  	s9 =	sadd.s32 $0xFFFFFEF7, lr;
	s5 =	simm.s32 $0xFFFFFFFF;
	p2 =	slt.u32 s8, $0xFFFFF086  }
0x1c: {  	p1 =	slt.u32 s9, $0xF7A;
	s5 =	simm.s32 @!p2 $0x0  }
0x1d: {  	s5 =	simm.s32 @p1 $0x1;
	p0 =	seq.s32 s7, s2  }
0x1e: {  	s7 =	smul.u32 @!p0 $0xF7A, s2;
	p2 =	seq.s32 @!p0 s5, $0x0  }
0x1f: {  	s9 =	smul.u32 $0xF7A, s1;
	s8 =	simm.s32 @!p0 $0x1BF5;
	p2 =	por !p2, p0  }
0x20: {  	[sflag:s8] =	ssyncset.s32 @!p0 $0xFFFFF086;
	s6 =	sadd.s32 @!p0 s3, s7;
	s7 =	simm.s32 @!p0 $0x108  }
0x21: {  	s3 =	sadd.s32 s3, s9;
	s6 =	sadd.s32 @!p0 $0x88, s6;
	s7 =	simm.s32 @p2 $0x1082  }
0x22: {  	[simem:s7], [sflag:s8] =	dma.local @!p0 [hbm:s6], $0xF7A  }
0x23: {  	s9 =	sor.u32 $0xD0000000, s2;
	s6 =	simm.s32 $0x108;
	_ =	swait.ge @!p0 [sflag:s8], $0x0  }
0x24: {  	s3 =	sadd.s32 $0x88, s3;
	s6 =	simm.s32 @!p1 $0x1082;
	[sflag:s4] =	ssyncset.s32 $0xFFFFF086  }
0x25: {  	[simem:s6], [sflag:s4] =	dma.local [hbm:s3], $0xF7A  }
0x26: {  	[smem:$0x3F8F] =	sst s1;
	(tag) =	ssettag s2;
	_ =	strace s9  }
0x27: {  	s1 =	sld [smem:$0x3F9F]  }
0x28: {  	s2 =	sld [smem:$0x3FA0]  }
0x29: {  	s4 =	sld [smem:$0x3FA2]  }
0x2a: {  	p0 =	seq.s32 s5, $0x0;
	s5 =	sld [smem:$0x3FA3]  }
0x2b: {  	s6 =	sld [smem:$0x3FA4]  }
0x2c: {  	s7 =	sld [smem:$0x3FA5]  }
0x2d: {  	s3 =	simm.s32 $0x108;
	s8 =	sld [smem:$0x3FA6]  }
0x2e: {  	s3 =	simm.s32 @!p0 $0x1082;
	s9 =	sld [smem:$0x3FA7]  }
0x2f: {  	lr =	sadd.s32 s0, s3;
	s0 =	sld [smem:$0x3F9E]  }
0x30: {  	s3 =	sld [smem:$0x3FA1]  }
0x31: {  	[smem:$0x3FAA] =	sst s10  }
0x32: {  	s10 =	sld [smem:$0x3FA8];
	_ =	sdelay $0x3  }
0x33: {  	p0 =	seq.s32 s10, $0x1;
	s10 =	sld [smem:$0x3FAA];
	_ =	sdelay $0x3  }
0x34: {  	[smem:$0x3FAA] =	sst s10  }
0x35: {  	s10 =	sld [smem:$0x3FA9];
	_ =	sdelay $0x3  }
0x36: {  	p1 =	seq.s32 s10, $0x1;
	s10 =	sld [smem:$0x3FAA];
	_ =	sdelay $0x3  }
0x37: {  	[smem:$0x3FAA] =	sst s10  }
0x38: {  	s10 =	sld [smem:$0x3FAB]  }
0x39: {  	_ = 	snop;
	(pc) =	sbr.ind lr, $3  }
0x3a: {  	_ = 	snop  }
0x3b: {  	_ = 	snop  }
0x3c: {  	p2 =	seq.s32 s10, $0x1;
	s10 =	sld [smem:$0x3FAA]  }
0x3d: {  	_ =	shalt  }
0x3e: {  	_ =	shalt  }
0x3f: {  	_ =	shalt  }
0x40: {  	_ =	shalt  }
0x41: {  	_ =	shalt  }
0x42: {  	_ =	shalt  }
0x43: {  	_ =	shalt  }
0x44: {  	_ =	shalt  }
0x45: {  	_ =	shalt  }
0x46: {  	_ =	shalt  }
0x47: {  	_ =	shalt  }
0x48: {  	_ =	shalt  }
0x49: {  	_ =	shalt  }
0x4a: {  	_ =	shalt  }
0x4b: {  	_ =	shalt  }
0x4c: {  	_ =	shalt  }
0x4d: {  	_ =	shalt  }
0x4e: {  	_ =	shalt  }
0x4f: {  	_ =	shalt  }
0x50: {  	_ =	shalt  }
0x51: {  	_ =	shalt  }
0x52: {  	_ =	shalt  }
0x53: {  	_ =	shalt  }
0x54: {  	_ =	shalt  }
0x55: {  	_ =	shalt  }
0x56: {  	_ =	shalt  }
0x57: {  	_ =	shalt  }
0x58: {  	_ =	shalt  }
0x59: {  	_ =	shalt  }
0x5a: {  	_ =	shalt  }
0x5b: {  	_ =	shalt  }
0x5c: {  	_ =	shalt  }
0x5d: {  	_ =	shalt  }
0x5e: {  	_ =	shalt  }
0x5f: {  	_ =	shalt  }
0x60: {  	_ =	shalt  }
0x61: {  	_ =	shalt  }
0x62: {  	_ =	shalt  }
0x63: {  	_ =	shalt  }
0x64: {  	_ =	shalt  }
0x65: {  	_ =	shalt  }
0x66: {  	_ =	shalt  }
0x67: {  	_ =	shalt  }
0x68: {  	_ =	shalt  }
0x69: {  	_ =	shalt  }
0x6a: {  	_ =	shalt  }
0x6b: {  	_ =	shalt  }
0x6c: {  	_ =	shalt  }
0x6d: {  	_ =	shalt  }
0x6e: {  	_ =	shalt  }
0x6f: {  	_ =	shalt  }
0x70: {  	_ =	shalt  }
0x71: {  	_ =	shalt  }
0x72: {  	_ =	shalt  }
0x73: {  	_ =	shalt  }
0x74: {  	_ =	shalt  }
0x75: {  	_ =	shalt  }
0x76: {  	_ =	shalt  }
0x77: {  	_ =	shalt  }
0x78: {  	_ =	shalt  }
0x79: {  	_ =	shalt  }
0x7a: {  	_ =	shalt  }
0x7b: {  	_ =	shalt  }
0x7c: {  	_ =	shalt  }
0x7d: {  	_ =	shalt  }
0x7e: {  	_ =	shalt  }
0x7f: {  	_ =	shalt  }
0x80: {  	_ =	shalt  }
0x81: {  	_ =	shalt  }
0x82: {  	_ =	shalt  }
0x83: {  	_ =	shalt  }
0x84: {  	_ =	shalt  }
0x85: {  	_ =	shalt  }
0x86: {  	_ =	shalt  }
0x87: {  	_ =	shalt  }
.Lfunc_end0:
.L_simem_size_0:
called_computation.3_lowered:
.L_overlay_start_0:
0x88: {  	s2 =	sld [smem:$0x3FD9]  }
0x89: {  	s3 =	sld [smem:$0x3FFE];
	_ =	sdelay $0x1  }
0x8a: {  	s1 =	srdreg.scid  }
0x8b: {  	s0 =	sand.u32 $0x1, s1  }
0x8c: {  	s17 =	sshll.u32 s0, $0xA;
	s2 =	sadd.s32 s3, s2  }
0x8d: {  	s2 =	sadd.s32 s2, s17  }
0x8e: {  	[smem:$0x3FB6] =	sst s2  }
0x8f: {  	_ = 	snop  }
0x90: {  	(tm) =	ssettm $0x1  }
0x91: {  	s18 =	sld [smem:$0x3FFB];
	_ =	sdelay $0x3  }
0x92: {  	_ =	strace s18  }
0x93: {  	s2 =	sld [smem:$0x3FFC];
	_ =	sdelay $0x3  }
0x94: {  	_ =	strace s2  }
0x95: {  	s2 =	sld [smem:$0x3FFD];
	_ =	sdelay $0x3  }
0x96: {  	_ =	strace s2  }
0x97: {  	_ =	strace $0x8FFFFFFF  }
0x98: {  	s19 =	sld [smem:$0x3FDB];
	_ =	sdelay $0x1  }
0x99: {  	s20 =	simm.s32 $_scs_section_size  }
0x9a: {  	s4 =	simm.s32 $_size__tile_overlayer_lowered;
	s5 =	simm.s32 $_tile_overlayer_lowered  }
0x9b: {  	s6 =	simm.s32 $0x1BFF;
	s21 =	sshll.u32 s5, $0x1;
	s3 =	sadd.s32 s20, s19  }
0x9c: {  	s22 =	simm.s32 $0x0;
	s4 =	sshll.u32 s4, $0x1;
	s5 =	sadd.s32 s21, s3  }
0x9d: {  	[timem:s22], [sflag:s6] =	dma.local [hbm:s5], s4  }
0x9e: {  	_ =	swait.ge [sflag:s6], s4  }
0x9f: {  	s4 =	ssub.s32 $0x0, s4;
	[sflag:s6] =	ssyncset.done $0x0  }
0xa0: {  	[sflag:s6] =	ssyncadd.s32 s4;
	_ =	sdelay $0x1  }
0xa1: {  	s23 =	simm.s32 $0x1B8B  }
0xa2: {  	_ =	swait.ge [sflag:s23], $0x1  }
0xa3: {  	[sflag:s23] =	ssyncset.done $0x0  }
0xa4: {  	[sflag:s23] =	ssyncadd.s32 $0xFFFFFFFF  }
0xa5: {  	s4 =	sld [smem:$0x0]  }
0xa6: {  	s5 =	sand.u32 $0xFFFFFFFE, s1  }
0xa7: {  	p0 =	sne.s32 s1, s5  }
0xa8: {  	s5 =	sshll.u32 @p0 s5, $0xE  }
0xa9: {  	s5 =	sadd.s32 @p0 $0x11B8D, s5;
	s6 =	sshll.u32 @p0 s4, $0x11  }
0xaa: {  	s5 =	sor.u32 @p0 s6, s5  }
0xab: {  	[sflag:s5] =	ssyncadd.remote.s32 @p0 $0x1;
	_ =	sdelay $0x1  }
0xac: {  	s5 =	simm.s32 @p0 $0x1B8D  }
0xad: {  	_ =	swait.eq @p0 [sflag:s5], $0x1  }
0xae: {  	[sflag:s5] =	ssyncadd.s32 @p0 $0xFFFFFFFF  }
0xaf: {  	s6 =	sshll.u32 @!p0 s1, $0xE  }
0xb0: {  	s6 =	sor.u32 @!p0 $0x4000, s6;
	s5 =	simm.s32 @!p0 $0x1B8D  }
0xb1: {  	s4 =	sshll.u32 @!p0 s4, $0x11;
	s6 =	sadd.s32 @!p0 $0x11B8D, s6;
	_ =	swait.eq @!p0 [sflag:s5], $0x1  }
0xb2: {  	s4 =	sor.u32 @!p0 s4, s6;
	[sflag:s5] =	ssyncadd.s32 @!p0 $0xFFFFFFFF  }
0xb3: {  	s25 =	simm.s32 $0x1B8E;
	s24 =	sld [smem:$0x3FFE];
	[sflag:s4] =	ssyncadd.remote.s32 @!p0 $0x1  }
0xb4: {  	s26 =	simm.s32 $execute0_lowered;
	[smem:$0x3FD2] =	sst s25  }
0xb5: {  	s5 =	sshll.u32 s26, $0x1;
	_ =	strace $0x8000004F;
	[dreg:$0x1] =	wrdreg $0xFFFFFFFF  }
0xb6: {  	s28 =	simm.s32 $_size_execute0_lowered;
	s3 =	sadd.s32 s3, s5;
	[dreg:$0x0] =	wrdreg $0x0  }
0xb7: {  	s5 =	sshll.u32 s28, $0x1;
	[dreg:$0x2] =	wrdreg s3  }
0xb8: {  	[dreg:$0x3] =	wrdreg s5  }
0xb9: {  	[dreg:$0x4] =	wrdreg $0xC0  }
0xba: {  	_ =	task [dreg:s22], $0x5FFFF  }
0xbb: {  	[dreg:$0x1] =	wrdreg $0xFFFFFFFF  }
0xbc: {  	[dreg:$0x0] =	wrdreg $0x60  }
0xbd: {  	[dreg:$0x2] =	wrdreg s24  }
0xbe: {  	[dreg:$0x3] =	wrdreg $0x40000  }
0xbf: {  	[dreg:$0x4] =	wrdreg $0xA  }
0xc0: {  	_ =	task.clear_ibuf [dreg:s22], $0x5FFFF;
	_ =	strace $0x9000004F  }
0xc1: {  	s29 =	simm.s32 $0xA;
	_ =	strace $0x80000051  }
0xc2: {  	_ =	swait.ge [sflag:s29], $0x1  }
0xc3: {  	[sflag:s29] =	ssyncadd.s32 $0xFFFFFFFF  }
0xc4: {  	_ =	strace $0x90000051  }
0xc5: {  	_ =	sfence  }
0xc6: {  	s30 =	sld [smem:$0x0];
	_ =	sdelay $0x2  }
0xc7: {  	s31 =	sshll.u32 s1, $0xD;
	s1 =	sshrl.u32 s1, $0x2  }
0xc8: {  	s4 =	sand.u32 $0x4000, s31;
	s1 =	sadd.s32 s1, s30  }
0xc9: {  	s0 =	sor.u32 s4, s0;
	s1 =	sshll.u32 s1, $0x11  }
0xca: {  	s0 =	sor.u32 s1, s0  }
0xcb: {  	s0 =	sadd.s32 $0x8F2B, s0  }
0xcc: {  	[sflag:s0] =	ssyncadd.remote.s32 $0x1  }
0xcd: {  	_ =	sfence.sel $0xFFFF  }
0xce: {  	[dreg:$0x0] =	wrdreg $0xFFFFFFFF;
	(pc) =	sbr.abs _section_cstart, $3  }
0xcf: {  	[dreg:$0x1] =	wrdreg $0xFFFFFFFF  }
0xd0: {  	_ =	task.clear_ibuf [dreg:s22], $0x2FFFF;
	_ =	strace $0x9FFFFFFF  }
0xd1: {  	(tm) =	ssettm $0x7FFFFFFF  }
tec
execute0_lowered:
.L_overlay_start_1:
0x0: {  	(tag) =	ssettag $0x1  }
0x1: {  	s0 =	rddreg [dreg:$0x0]  }
0x2: {  	s2 =	rddreg [dreg:$0x1]  }
0x3: {  	s14 =	stileid.u32;
	s1 =	srdreg.scid;
	s3 =	simm.s32 $0x0  }
0x4: {  	s15 =	simm.s32 $0x2000;
	s16 =	simm.s32 $0x80;
	s17 =	simm.s32 $0x18000  }
0x5: {  	s18 =	simm.s32 $0x1;
	s19 =	simm.s32 $0x1C000;
	s28 =	simm.s32 $0x2700  }
0x6: {  	s29 =	simm.s32 $0x2780;
	s30 =	simm.s32 $0x0;
	s5 =	smul.u32 $0x14000, s14  }
0x7: {  	s1 =	sand.u32 $0x1, s1;
	[smem:$0x7FF] =	sst s3;
	s4 =	sadd.s32 $0x19A00, s0  }
0x8: {  	s9 =	sadd.s32 $0xFA00, s0;
	s10 =	sadd.s32 $0x5A00, s0;
	s8 =	sshll.u32 s14, $0x1  }
0x9: {  	s11 =	smul.u32 $0x50000, s14;
	s25 =	sshll.u32 s14, $0x6;
	s14 =	simm.s32 $0x3  }
0xa: {  	s6 =	smul.u32 $0x140000, s1;
	s21 =	ssub.s32 $0x2, s1;
	s1 =	sor.u32 s1, s8  }
0xb: {  	_ =	strace $0x80000050;
	s7 =	sshrl.u32 s5, $0x3;
	s24 =	smul.u32 $0x2800, s1  }
0xc: {  	s22 =	sshrl.u32 s21, $0x1;
	s23 =	sshrl.u32 s11, $0x2;
	s1 =	smul.u32 $0x500, s1  }
0xd: {  	s5 =	sadd.s32 s5, s6;
	s20 =	sadd.s32 s7, s0;
	s12 =	ssub.s32 s21, s22  }
0xe: {  	s13 =	sadd.s32 s23, s2;
	s6 =	sor.u32 $0x1C03, s25;
	s21 =	simm.s32 $0x2580  }
0xf: {  	s22 =	simm.s32 $0x680;
	s23 =	simm.s32 $0x2600;
	s25 =	simm.s32 $0x2680  }
0x10: {  	s5 =	sshrl.u32 s5, $0x3;
	s26 =	sshrl.u32 s24, $0x3;
	s7 =	sadd.s32 s9, s1  }
0x11: {  	s8 =	sadd.s32 s10, s1;
	s12 =	smax.u32 s12, $0x1;
	s13 =	sshrl.u32 s13, $0x3  }
0x12: {  	s24 =	simm.s32 $0x700;
	s0 =	sadd.s32 s5, s0;
	s5 =	sadd.s32 $0x91A00, s20  }
0x13: {  	s31 =	sadd.s32 $0x400, s26;
	s20 =	simm.s32 $0x2;
	s26 =	simm.s32 $0x780  }
0x14: {  	s9 =	sadd.s32 s9, s31;
	s10 =	sadd.s32 s10, s31;
	s11 =	sadd.s32 $0x109A00, s0  }
.LBB2_1:
0x15: {  	[spmem:s13], [sflag:s6] =	dma.local [hbm:s5], $0x2800  }
0x16: {  	_ =	swait.ge [sflag:s14], $0x2800  }
0x17: {  	[sflag:s14] =	ssyncset.done $0x0  }
0x18: {  	[sflag:s14] =	ssyncadd.s32 $0xFFFFD800  }
0x19: {  	[bflag:$0x0] =	sbarrier.arrive $0xFFFF  }
0x1a: {  	[tilespmem:s3], [sflag:$0x3] =	stream.linear.gather [hbm4b:s7+s3], $0x2000, $0x38;
	v63 =	vld [tilespmem:$0x0]  }
0x1b: {  	_ =	swait.ge [sflag:s14], $0x2000  }
0x1c: {  	[sflag:s14] =	ssyncset.done $0x0  }
0x1d: {  	[sflag:s14] =	ssyncadd.s32 $0xFFFFE000  }
0x1e: {  	[tilespmem:s15], [sflag:$0x3] =	stream.linear.gather [hbm4b:s8+s3], $0x2000, $0x38;
	v63 =	vld [tilespmem:$0x0]  }
0x1f: {  	_ =	swait.ge [sflag:s14], $0x2000  }
0x20: {  	[sflag:s14] =	ssyncset.done $0x0  }
0x21: {  	[sflag:s14] =	ssyncadd.s32 $0xFFFFE000  }
0x22: {  	[tilespmem:s17], [sflag:$0x1] =	stream.indirect.gather [hbm4b:s4+s16], $0x80, s3, s16, $0xb8;
	v63 =	vld [tilespmem:$0x0]  }
0x23: {  	_ =	swait.ge [sflag:s18], $0x4000  }
0x24: {  	[sflag:s18] =	ssyncset.done $0x0  }
0x25: {  	s31 =	simm.s32 $0x80;
	[sflag:s18] =	ssyncadd.s32 $0xFFFFC000  }
0x26: {  	[tilespmem:s19], [sflag:$0x2] =	stream.indirect.gather [hbm4b:s4+s16], $0x80, s31, s16, $0xb8;
	v63 =	vld [tilespmem:$0x0]  }
0x27: {  	s31 =	simm.s32 $0x2000  }
0x28: {  	[spmem:s2] =	stream.indirect.scatter.add.f32 [tilespmem:s17], [sflag:$0x3], $0x80, s31, s16, $0xb8;
	v63 =	vld [tilespmem:$0x0]  }
0x29: {  	_ =	swait.ge [sflag:s14], $0x4000  }
0x2a: {  	[sflag:s14] =	ssyncset.done $0x0  }
0x2b: {  	[sflag:s14] =	ssyncadd.s32 $0xFFFFC000  }
0x2c: {  	_ =	swait.ge [sflag:s20], $0x4000  }
0x2d: {  	[sflag:s20] =	ssyncset.done $0x0  }
0x2e: {  	s31 =	simm.s32 $0x100;
	[sflag:s20] =	ssyncadd.s32 $0xFFFFC000  }
0x2f: {  	[tilespmem:s17], [sflag:$0x1] =	stream.indirect.gather [hbm4b:s4+s16], $0x80, s31, s16, $0xb8;
	v63 =	vld [tilespmem:$0x0]  }
0x30: {  	s31 =	simm.s32 $0x2080  }
0x31: {  	[spmem:s2] =	stream.indirect.scatter.add.f32 [tilespmem:s19], [sflag:$0x3], $0x80, s31, s16, $0xb8;
	v63 =	vld [tilespmem:$0x0]  }
0x32: {  	_ =	swait.ge [sflag:s14], $0x4000  }
0x33: {  	s31 =	simm.s32 $0x400;
	[sflag:s14] =	ssyncset.done $0x0  }
.LBB2_2:
0x34: {  	p0 =	sne.s32 s31, $0x7800  }
0x35: {  	[sflag:s14] =	ssyncadd.s32 $0xFFFFC000;
	s0 =	smov.u32 s31;
	s31 =	sadd.s32 $0x400, s31  }
0x36: {  	_ = 	snop  }
0x37: {  	_ =	swait.ge [sflag:s18], $0x4000  }
0x38: {  	s0 =	sshra.s32 s0, $0x2;
	[sflag:s18] =	ssyncset.done $0x0  }
0x39: {  	s1 =	sadd.s32 $0x80, s0;
	[sflag:s18] =	ssyncadd.s32 $0xFFFFC000  }
0x3a: {  	[tilespmem:s19], [sflag:$0x2] =	stream.indirect.gather [hbm4b:s4+s16], $0x80, s1, s16, $0xb8;
	v63 =	vld [tilespmem:$0x0]  }
0x3b: {  	s1 =	sadd.s32 $0x2000, s0  }
0x3c: {  	[spmem:s2] =	stream.indirect.scatter.add.f32 [tilespmem:s17], [sflag:$0x3], $0x80, s1, s16, $0xb8;
	v63 =	vld [tilespmem:$0x0]  }
0x3d: {  	_ =	swait.ge [sflag:s14], $0x4000  }
0x3e: {  	[sflag:s14] =	ssyncset.done $0x0  }
0x3f: {  	[sflag:s14] =	ssyncadd.s32 $0xFFFFC000  }
0x40: {  	_ =	swait.ge [sflag:s20], $0x4000  }
0x41: {  	[sflag:s20] =	ssyncset.done $0x0  }
0x42: {  	s1 =	sadd.s32 $0x100, s0;
	[sflag:s20] =	ssyncadd.s32 $0xFFFFC000  }
0x43: {  	[tilespmem:s17], [sflag:$0x1] =	stream.indirect.gather [hbm4b:s4+s16], $0x80, s1, s16, $0xb8;
	v63 =	vld [tilespmem:$0x0]  }
.Ltmp0:
0x44: {  	_ = 	snop;
	(pc) =	sbr.rel @p0 .LBB2_2-.Ltmp0, $4  }
0x45: {  	s0 =	sadd.s32 $0x2080, s0  }
0x46: {  	[spmem:s2] =	stream.indirect.scatter.add.f32 [tilespmem:s19], [sflag:$0x3], $0x80, s0, s16, $0xb8;
	v63 =	vld [tilespmem:$0x0]  }
0x47: {  	_ =	swait.ge [sflag:s14], $0x4000  }
0x48: {  	[sflag:s14] =	ssyncset.done $0x0  }
0x49: {  	[sflag:s14] =	ssyncadd.s32 $0xFFFFC000  }
0x4a: {  	_ =	swait.ge [sflag:s18], $0x4000  }
0x4b: {  	[sflag:s18] =	ssyncset.done $0x0  }
0x4c: {  	s0 =	simm.s32 $0x1F80;
	[sflag:s18] =	ssyncadd.s32 $0xFFFFC000  }
0x4d: {  	[tilespmem:s19], [sflag:$0x2] =	stream.indirect.gather [hbm4b:s4+s16], $0x80, s0, s16, $0xb8;
	v63 =	vld [tilespmem:$0x0]  }
0x4e: {  	s31 =	simm.s32 $0x3F00  }
0x4f: {  	[spmem:s2] =	stream.indirect.scatter.add.f32 [tilespmem:s17], [sflag:$0x3], $0x80, s31, s16, $0xb8;
	v63 =	vld [tilespmem:$0x0]  }
0x50: {  	_ =	swait.ge [sflag:s14], $0x4000  }
0x51: {  	[sflag:s14] =	ssyncset.done $0x0  }
0x52: {  	[sflag:s14] =	ssyncadd.s32 $0xFFFFC000  }
0x53: {  	_ =	swait.ge [sflag:s20], $0x4000  }
0x54: {  	[sflag:s20] =	ssyncset.done $0x0  }
0x55: {  	s1 =	simm.s32 $0x3F80;
	[sflag:s20] =	ssyncadd.s32 $0xFFFFC000  }
0x56: {  	[spmem:s2] =	stream.indirect.scatter.add.f32 [tilespmem:s19], [sflag:$0x3], $0x80, s1, s16, $0xb8;
	v63 =	vld [tilespmem:$0x0]  }
0x57: {  	_ =	swait.ge [sflag:s14], $0x4000  }
0x58: {  	[sflag:s14] =	ssyncset.done $0x0  }
0x59: {  	[sflag:s14] =	ssyncadd.s32 $0xFFFFC000  }
0x5a: {  	[tilespmem:s3], [sflag:$0x3] =	stream.linear.gather [hbm4b:s9+s3], $0x800, $0x38;
	v63 =	vld [tilespmem:$0x0]  }
0x5b: {  	_ =	swait.ge [sflag:s14], $0x800  }
0x5c: {  	[sflag:s14] =	ssyncset.done $0x0  }
0x5d: {  	[sflag:s14] =	ssyncadd.s32 $0xFFFFF800  }
0x5e: {  	[tilespmem:s15], [sflag:$0x3] =	stream.linear.gather [hbm4b:s10+s3], $0x800, $0x38;
	v63 =	vld [tilespmem:$0x0]  }
0x5f: {  	_ =	swait.ge [sflag:s14], $0x800  }
0x60: {  	[sflag:s14] =	ssyncset.done $0x0  }
0x61: {  	[sflag:s14] =	ssyncadd.s32 $0xFFFFF800  }
0x62: {  	[tilespmem:s17], [sflag:$0x1] =	stream.indirect.gather [hbm4b:s4+s16], $0x80, s3, s16, $0xb8;
	v63 =	vld [tilespmem:$0x0]  }
0x63: {  	_ =	swait.ge [sflag:s18], $0x4000  }
0x64: {  	[sflag:s18] =	ssyncset.done $0x0  }
0x65: {  	[sflag:s18] =	ssyncadd.s32 $0xFFFFC000  }
0x66: {  	[tilespmem:s19], [sflag:$0x2] =	stream.indirect.gather [hbm4b:s4+s16], $0x80, s16, s16, $0xb8;
	v63 =	vld [tilespmem:$0x0]  }
0x67: {  	_ = 	snop  }
0x68: {  	[spmem:s2] =	stream.indirect.scatter.add.f32 [tilespmem:s17], [sflag:$0x3], $0x80, s15, s16, $0xb8;
	v63 =	vld [tilespmem:$0x0]  }
0x69: {  	_ =	swait.ge [sflag:s14], $0x4000  }
0x6a: {  	[sflag:s14] =	ssyncset.done $0x0  }
0x6b: {  	[sflag:s14] =	ssyncadd.s32 $0xFFFFC000  }
0x6c: {  	_ =	swait.ge [sflag:s20], $0x4000  }
0x6d: {  	[sflag:s20] =	ssyncset.done $0x0  }
0x6e: {  	s31 =	simm.s32 $0x100;
	[sflag:s20] =	ssyncadd.s32 $0xFFFFC000  }
0x6f: {  	[tilespmem:s17], [sflag:$0x1] =	stream.indirect.gather [hbm4b:s4+s16], $0x80, s31, s16, $0xb8;
	v63 =	vld [tilespmem:$0x0]  }
0x70: {  	s1 =	simm.s32 $0x2080  }
0x71: {  	[spmem:s2] =	stream.indirect.scatter.add.f32 [tilespmem:s19], [sflag:$0x3], $0x80, s1, s16, $0xb8;
	v63 =	vld [tilespmem:$0x0]  }
0x72: {  	_ =	swait.ge [sflag:s14], $0x4000  }
0x73: {  	[sflag:s14] =	ssyncset.done $0x0  }
0x74: {  	[sflag:s14] =	ssyncadd.s32 $0xFFFFC000  }
0x75: {  	_ =	swait.ge [sflag:s18], $0x4000  }
0x76: {  	[sflag:s18] =	ssyncset.done $0x0  }
0x77: {  	s31 =	simm.s32 $0x180;
	[sflag:s18] =	ssyncadd.s32 $0xFFFFC000  }
0x78: {  	[tilespmem:s19], [sflag:$0x2] =	stream.indirect.gather [hbm4b:s4+s16], $0x80, s31, s16, $0xb8;
	v63 =	vld [tilespmem:$0x0]  }
0x79: {  	s1 =	simm.s32 $0x2100  }
0x7a: {  	[spmem:s2] =	stream.indirect.scatter.add.f32 [tilespmem:s17], [sflag:$0x3], $0x80, s1, s16, $0xb8;
	v63 =	vld [tilespmem:$0x0]  }
0x7b: {  	_ =	swait.ge [sflag:s14], $0x4000  }
0x7c: {  	[sflag:s14] =	ssyncset.done $0x0  }
0x7d: {  	[sflag:s14] =	ssyncadd.s32 $0xFFFFC000  }
0x7e: {  	_ =	swait.ge [sflag:s20], $0x4000  }
0x7f: {  	[sflag:s20] =	ssyncset.done $0x0  }
0x80: {  	s31 =	simm.s32 $0x200;
	[sflag:s20] =	ssyncadd.s32 $0xFFFFC000  }
0x81: {  	[tilespmem:s17], [sflag:$0x1] =	stream.indirect.gather [hbm4b:s4+s16], $0x80, s31, s16, $0xb8;
	v63 =	vld [tilespmem:$0x0]  }
0x82: {  	s1 =	simm.s32 $0x2180  }
0x83: {  	[spmem:s2] =	stream.indirect.scatter.add.f32 [tilespmem:s19], [sflag:$0x3], $0x80, s1, s16, $0xb8;
	v63 =	vld [tilespmem:$0x0]  }
0x84: {  	_ =	swait.ge [sflag:s14], $0x4000  }
0x85: {  	[sflag:s14] =	ssyncset.done $0x0  }
0x86: {  	[sflag:s14] =	ssyncadd.s32 $0xFFFFC000  }
0x87: {  	_ =	swait.ge [sflag:s18], $0x4000  }
0x88: {  	[sflag:s18] =	ssyncset.done $0x0  }
0x89: {  	s31 =	simm.s32 $0x280;
	[sflag:s18] =	ssyncadd.s32 $0xFFFFC000  }
0x8a: {  	[tilespmem:s19], [sflag:$0x2] =	stream.indirect.gather [hbm4b:s4+s16], $0x80, s31, s16, $0xb8;
	v63 =	vld [tilespmem:$0x0]  }
0x8b: {  	s1 =	simm.s32 $0x2200  }
0x8c: {  	[spmem:s2] =	stream.indirect.scatter.add.f32 [tilespmem:s17], [sflag:$0x3], $0x80, s1, s16, $0xb8;
	v63 =	vld [tilespmem:$0x0]  }
0x8d: {  	_ =	swait.ge [sflag:s14], $0x4000  }
0x8e: {  	[sflag:s14] =	ssyncset.done $0x0  }
0x8f: {  	[sflag:s14] =	ssyncadd.s32 $0xFFFFC000  }
0x90: {  	_ =	swait.ge [sflag:s20], $0x4000  }
0x91: {  	[sflag:s20] =	ssyncset.done $0x0  }
0x92: {  	s31 =	simm.s32 $0x300;
	[sflag:s20] =	ssyncadd.s32 $0xFFFFC000  }
0x93: {  	[tilespmem:s17], [sflag:$0x1] =	stream.indirect.gather [hbm4b:s4+s16], $0x80, s31, s16, $0xb8;
	v63 =	vld [tilespmem:$0x0]  }
0x94: {  	s1 =	simm.s32 $0x2280  }
0x95: {  	[spmem:s2] =	stream.indirect.scatter.add.f32 [tilespmem:s19], [sflag:$0x3], $0x80, s1, s16, $0xb8;
	v63 =	vld [tilespmem:$0x0]  }
0x96: {  	_ =	swait.ge [sflag:s14], $0x4000  }
0x97: {  	[sflag:s14] =	ssyncset.done $0x0  }
0x98: {  	[sflag:s14] =	ssyncadd.s32 $0xFFFFC000  }
0x99: {  	_ =	swait.ge [sflag:s18], $0x4000  }
0x9a: {  	[sflag:s18] =	ssyncset.done $0x0  }
0x9b: {  	s31 =	simm.s32 $0x380;
	[sflag:s18] =	ssyncadd.s32 $0xFFFFC000  }
0x9c: {  	[tilespmem:s19], [sflag:$0x2] =	stream.indirect.gather [hbm4b:s4+s16], $0x80, s31, s16, $0xb8;
	v63 =	vld [tilespmem:$0x0]  }
0x9d: {  	s1 =	simm.s32 $0x2300  }
0x9e: {  	[spmem:s2] =	stream.indirect.scatter.add.f32 [tilespmem:s17], [sflag:$0x3], $0x80, s1, s16, $0xb8;
	v63 =	vld [tilespmem:$0x0]  }
0x9f: {  	_ =	swait.ge [sflag:s14], $0x4000  }
0xa0: {  	[sflag:s14] =	ssyncset.done $0x0  }
0xa1: {  	[sflag:s14] =	ssyncadd.s32 $0xFFFFC000  }
0xa2: {  	_ =	swait.ge [sflag:s20], $0x4000  }
0xa3: {  	[sflag:s20] =	ssyncset.done $0x0  }
0xa4: {  	s31 =	simm.s32 $0x400;
	[sflag:s20] =	ssyncadd.s32 $0xFFFFC000  }
0xa5: {  	[tilespmem:s17], [sflag:$0x1] =	stream.indirect.gather [hbm4b:s4+s16], $0x80, s31, s16, $0xb8;
	v63 =	vld [tilespmem:$0x0]  }
0xa6: {  	s1 =	simm.s32 $0x2380  }
0xa7: {  	[spmem:s2] =	stream.indirect.scatter.add.f32 [tilespmem:s19], [sflag:$0x3], $0x80, s1, s16, $0xb8;
	v63 =	vld [tilespmem:$0x0]  }
0xa8: {  	_ =	swait.ge [sflag:s14], $0x4000  }
0xa9: {  	[sflag:s14] =	ssyncset.done $0x0  }
0xaa: {  	[sflag:s14] =	ssyncadd.s32 $0xFFFFC000  }
0xab: {  	_ =	swait.ge [sflag:s18], $0x4000  }
0xac: {  	[sflag:s18] =	ssyncset.done $0x0  }
0xad: {  	s31 =	simm.s32 $0x480;
	[sflag:s18] =	ssyncadd.s32 $0xFFFFC000  }
0xae: {  	[tilespmem:s19], [sflag:$0x2] =	stream.indirect.gather [hbm4b:s4+s16], $0x80, s31, s16, $0xb8;
	v63 =	vld [tilespmem:$0x0]  }
0xaf: {  	s1 =	simm.s32 $0x2400  }
0xb0: {  	[spmem:s2] =	stream.indirect.scatter.add.f32 [tilespmem:s17], [sflag:$0x3], $0x80, s1, s16, $0xb8;
	v63 =	vld [tilespmem:$0x0]  }
0xb1: {  	_ =	swait.ge [sflag:s14], $0x4000  }
0xb2: {  	[sflag:s14] =	ssyncset.done $0x0  }
0xb3: {  	[sflag:s14] =	ssyncadd.s32 $0xFFFFC000  }
0xb4: {  	_ =	swait.ge [sflag:s20], $0x4000  }
0xb5: {  	[sflag:s20] =	ssyncset.done $0x0  }
0xb6: {  	s31 =	simm.s32 $0x500;
	[sflag:s20] =	ssyncadd.s32 $0xFFFFC000  }
0xb7: {  	[tilespmem:s17], [sflag:$0x1] =	stream.indirect.gather [hbm4b:s4+s16], $0x80, s31, s16, $0xb8;
	v63 =	vld [tilespmem:$0x0]  }
0xb8: {  	s1 =	simm.s32 $0x2480  }
0xb9: {  	[spmem:s2] =	stream.indirect.scatter.add.f32 [tilespmem:s19], [sflag:$0x3], $0x80, s1, s16, $0xb8;
	v63 =	vld [tilespmem:$0x0]  }
0xba: {  	_ =	swait.ge [sflag:s14], $0x4000  }
0xbb: {  	[sflag:s14] =	ssyncset.done $0x0  }
0xbc: {  	[sflag:s14] =	ssyncadd.s32 $0xFFFFC000  }
0xbd: {  	_ =	swait.ge [sflag:s18], $0x4000  }
0xbe: {  	[sflag:s18] =	ssyncset.done $0x0  }
0xbf: {  	s31 =	simm.s32 $0x580;
	[sflag:s18] =	ssyncadd.s32 $0xFFFFC000  }
0xc0: {  	[tilespmem:s19], [sflag:$0x2] =	stream.indirect.gather [hbm4b:s4+s16], $0x80, s31, s16, $0xb8;
	v63 =	vld [tilespmem:$0x0]  }
0xc1: {  	s1 =	simm.s32 $0x2500  }
0xc2: {  	[spmem:s2] =	stream.indirect.scatter.add.f32 [tilespmem:s17], [sflag:$0x3], $0x80, s1, s16, $0xb8;
	v63 =	vld [tilespmem:$0x0]  }
0xc3: {  	_ =	swait.ge [sflag:s14], $0x4000  }
0xc4: {  	[sflag:s14] =	ssyncset.done $0x0  }
0xc5: {  	[sflag:s14] =	ssyncadd.s32 $0xFFFFC000  }
0xc6: {  	_ =	swait.ge [sflag:s20], $0x4000  }
0xc7: {  	[sflag:s20] =	ssyncset.done $0x0  }
0xc8: {  	s31 =	simm.s32 $0x600;
	[sflag:s20] =	ssyncadd.s32 $0xFFFFC000  }
0xc9: {  	[tilespmem:s17], [sflag:$0x1] =	stream.indirect.gather [hbm4b:s4+s16], $0x80, s31, s16, $0xb8;
	v63 =	vld [tilespmem:$0x0]  }
0xca: {  	_ = 	snop  }
0xcb: {  	[spmem:s2] =	stream.indirect.scatter.add.f32 [tilespmem:s19], [sflag:$0x3], $0x80, s21, s16, $0xb8;
	v63 =	vld [tilespmem:$0x0]  }
0xcc: {  	_ =	swait.ge [sflag:s14], $0x4000  }
0xcd: {  	[sflag:s14] =	ssyncset.done $0x0  }
0xce: {  	[sflag:s14] =	ssyncadd.s32 $0xFFFFC000  }
0xcf: {  	_ =	swait.ge [sflag:s18], $0x4000  }
0xd0: {  	[sflag:s18] =	ssyncset.done $0x0  }
0xd1: {  	[sflag:s18] =	ssyncadd.s32 $0xFFFFC000  }
0xd2: {  	[tilespmem:s19], [sflag:$0x2] =	stream.indirect.gather [hbm4b:s4+s16], $0x80, s22, s16, $0xb8;
	v63 =	vld [tilespmem:$0x0]  }
0xd3: {  	_ = 	snop  }
0xd4: {  	[spmem:s2] =	stream.indirect.scatter.add.f32 [tilespmem:s17], [sflag:$0x3], $0x80, s23, s16, $0xb8;
	v63 =	vld [tilespmem:$0x0]  }
0xd5: {  	_ =	swait.ge [sflag:s14], $0x4000  }
0xd6: {  	[sflag:s14] =	ssyncset.done $0x0  }
0xd7: {  	[sflag:s14] =	ssyncadd.s32 $0xFFFFC000  }
0xd8: {  	_ =	swait.ge [sflag:s20], $0x4000  }
0xd9: {  	[sflag:s20] =	ssyncset.done $0x0  }
0xda: {  	[sflag:s20] =	ssyncadd.s32 $0xFFFFC000  }
0xdb: {  	[tilespmem:s17], [sflag:$0x1] =	stream.indirect.gather [hbm4b:s4+s16], $0x80, s24, s16, $0xb8;
	v63 =	vld [tilespmem:$0x0]  }
0xdc: {  	_ = 	snop  }
0xdd: {  	[spmem:s2] =	stream.indirect.scatter.add.f32 [tilespmem:s19], [sflag:$0x3], $0x80, s25, s16, $0xb8;
	v63 =	vld [tilespmem:$0x0]  }
0xde: {  	_ =	swait.ge [sflag:s14], $0x4000  }
0xdf: {  	[sflag:s14] =	ssyncset.done $0x0  }
0xe0: {  	[sflag:s14] =	ssyncadd.s32 $0xFFFFC000  }
0xe1: {  	_ =	swait.ge [sflag:s18], $0x4000  }
0xe2: {  	[sflag:s18] =	ssyncset.done $0x0  }
0xe3: {  	[sflag:s18] =	ssyncadd.s32 $0xFFFFC000  }
0xe4: {  	[tilespmem:s19], [sflag:$0x2] =	stream.indirect.gather [hbm4b:s4+s16], $0x80, s26, s16, $0xb8;
	v63 =	vld [tilespmem:$0x0]  }
0xe5: {  	_ = 	snop  }
0xe6: {  	[spmem:s2] =	stream.indirect.scatter.add.f32 [tilespmem:s17], [sflag:$0x3], $0x80, s28, s16, $0xb8;
	v63 =	vld [tilespmem:$0x0]  }
0xe7: {  	_ =	swait.ge [sflag:s14], $0x4000  }
0xe8: {  	[sflag:s14] =	ssyncset.done $0x0  }
0xe9: {  	[sflag:s14] =	ssyncadd.s32 $0xFFFFC000  }
0xea: {  	_ =	swait.ge [sflag:s20], $0x4000  }
0xeb: {  	[sflag:s20] =	ssyncset.done $0x0  }
0xec: {  	[sflag:s20] =	ssyncadd.s32 $0xFFFFC000  }
0xed: {  	[spmem:s2] =	stream.indirect.scatter.add.f32 [tilespmem:s19], [sflag:$0x3], $0x80, s29, s16, $0xb8;
	v63 =	vld [tilespmem:$0x0]  }
0xee: {  	_ =	swait.ge [sflag:s14], $0x4000  }
0xef: {  	s30 =	sadd.s32 $0x1, s30;
	[sflag:s14] =	ssyncset.done $0x0  }
0xf0: {  	p0 =	sne.s32 s30, s12;
	[sflag:s14] =	ssyncadd.s32 $0xFFFFC000  }
.Ltmp1:
0xf1: {  	[bflag:$0x0] =	sbarrier.arrive $0xFFFF;
	(pc) =	sbr.rel @p0 .LBB2_1-.Ltmp1, $4  }
0xf2: {  	[hbm:s11], [sflag:s6] =	dma.local [spmem:s13], $0x2800  }
0xf3: {  	_ =	swait.ge [sflag:s14], $0x2800  }
0xf4: {  	[sflag:s14] =	ssyncset.done $0x0  }
0xf5: {  	[sflag:s14] =	ssyncadd.s32 $0xFFFFD800  }
0xf6: {  	_ =	sfence.sel $0x180000  }
0xf7: {  	[bflag:$0x0] =	sbarrier.arrive $0xFFFF  }
0xf8: {  	_ =	strace $0x90000050  }
0xf9: {  	s0 =	stileid.u32;
	[bflag:$0x2] =	sbarrier.arrive $0xFFFF  }
0xfa: {  	p0 =	sne.s32 s0, $0x0;
	s0 =	rddreg [dreg:$0x2]  }
0xfb: {  	s0 =	sadd.s32 @!p0 $0x100000, s0  }
0xfc: {  	[sflag:s0] =	ssyncadd.tile.s32 @!p0 $0x1;
	_ =	shalt  }
.Lfunc_end2:
_tile_overlayer_lowered:
.L_overlay_start_2:
0xfd: {  	(tag) =	ssettag $0x2  }
0xfe: {  	s0 =	rddreg [dreg:$0x0];
	s2 =	stileid.u32  }
0xff: {  	s1 =	rddreg [dreg:$0x1];
	p0 =	sne.s32 s2, $0x0  }
0x100: {  	s3 =	rddreg [dreg:$0x2];
	[bflag:$0x3] =	sbarrier.arrive $0xFFFF;
	s2 =	simm.s32 @!p0 $0x1C03  }
0x101: {  	[timem:s3], [sflag:s2] =	dma.local @!p0 [hbm:s0], s1  }
0x102: {  	s0 =	simm.s32 @!p0 $0x3  }
0x103: {  	_ =	swait.ge @!p0 [sflag:s0], s1  }
0x104: {  	s1 =	ssub.s32 @!p0 $0x0, s1;
	[sflag:s0] =	ssyncset.done @!p0 $0x0  }
0x105: {  	[sflag:s0] =	ssyncadd.s32 @!p0 s1  }
0x106: {  	[bflag:$0x3] =	sbarrier.arrive $0xFFFF  }
0x107: {  	_ =	shalt  }

// kernel: kernel.22.cloned.1.call-start
scs
__scs_entry_jumppad:
0x0: {  	(pc) =	sbr.rel $0x88, $3  }
0x1: {  	(tag) =	ssettag $0x0;
	lr =	simm.s32 $0x1  }
0x2: {  	[smem:$0x3F8F] =	sst lr;
	_ =	strace $0xD0000000  }
0x3: {  	_ = 	snop  }
0x4: {  	_ = 	snop  }
0x5: {  	_ = 	snop  }
0x6: {  	_ = 	snop  }
0x7: {  	_ = 	snop  }
__scs_overlays_trampoline_lowered:
0x8: {  	[smem:$0x3F9E] =	sst s0  }
0x9: {  	[smem:$0x3F9F] =	sst s1  }
0xa: {  	[smem:$0x3FA0] =	sst s2  }
0xb: {  	[smem:$0x3FA1] =	sst s3  }
0xc: {  	[smem:$0x3FA2] =	sst s4  }
0xd: {  	[smem:$0x3FA3] =	sst s5  }
0xe: {  	[smem:$0x3FA4] =	sst s6  }
0xf: {  	[smem:$0x3FA5] =	sst s7  }
0x10: {  	[smem:$0x3FA6] =	sst s8  }
0x11: {  	[smem:$0x3FA7] =	sst s9;
	s0 =	simm.s32 @!p0 $0x0  }
0x12: {  	s1 =	sld [smem:$0x3F8D];
	s0 =	simm.s32 @p0 $0x1  }
0x13: {  	[smem:$0x3FA8] =	sst s0;
	s0 =	simm.s32 @!p1 $0x0  }
0x14: {  	s2 =	sld [smem:$0x3F8C];
	s0 =	simm.s32 @p1 $0x1  }
0x15: {  	[smem:$0x3FA9] =	sst s0;
	s0 =	simm.s32 @!p2 $0x0  }
0x16: {  	s3 =	sld [smem:$0x3FDB];
	s0 =	simm.s32 @p2 $0x1  }
0x17: {  	s4 =	simm.s32 $0x1BF5;
	[smem:$0x3FAB] =	sst s0  }
0x18: {  	s0 =	sld [smem:$0x3F8E];
	_ =	swait.ge [sflag:s4], $0x0  }
0x19: {  	s7 =	sld [smem:$0x3F8F]  }
0x1a: {  	s8 =	sadd.s32 $0xFFFFE003, lr  }
0x1b: {  	s9 =	sadd.s32 $0xFFFFFEF7, lr;
	s5 =	simm.s32 $0xFFFFFFFF;
	p2 =	slt.u32 s8, $0xFFFFF086  }
0x1c: {  	p1 =	slt.u32 s9, $0xF7A;
	s5 =	simm.s32 @!p2 $0x0  }
0x1d: {  	s5 =	simm.s32 @p1 $0x1;
	p0 =	seq.s32 s7, s2  }
0x1e: {  	s7 =	smul.u32 @!p0 $0xF7A, s2;
	p2 =	seq.s32 @!p0 s5, $0x0  }
0x1f: {  	s9 =	smul.u32 $0xF7A, s1;
	s8 =	simm.s32 @!p0 $0x1BF5;
	p2 =	por !p2, p0  }
0x20: {  	[sflag:s8] =	ssyncset.s32 @!p0 $0xFFFFF086;
	s6 =	sadd.s32 @!p0 s3, s7;
	s7 =	simm.s32 @!p0 $0x108  }
0x21: {  	s3 =	sadd.s32 s3, s9;
	s6 =	sadd.s32 @!p0 $0x88, s6;
	s7 =	simm.s32 @p2 $0x1082  }
0x22: {  	[simem:s7], [sflag:s8] =	dma.local @!p0 [hbm:s6], $0xF7A  }
0x23: {  	s9 =	sor.u32 $0xD0000000, s2;
	s6 =	simm.s32 $0x108;
	_ =	swait.ge @!p0 [sflag:s8], $0x0  }
0x24: {  	s3 =	sadd.s32 $0x88, s3;
	s6 =	simm.s32 @!p1 $0x1082;
	[sflag:s4] =	ssyncset.s32 $0xFFFFF086  }
0x25: {  	[simem:s6], [sflag:s4] =	dma.local [hbm:s3], $0xF7A  }
0x26: {  	[smem:$0x3F8F] =	sst s1;
	(tag) =	ssettag s2;
	_ =	strace s9  }
0x27: {  	s1 =	sld [smem:$0x3F9F]  }
0x28: {  	s2 =	sld [smem:$0x3FA0]  }
0x29: {  	s4 =	sld [smem:$0x3FA2]  }
0x2a: {  	p0 =	seq.s32 s5, $0x0;
	s5 =	sld [smem:$0x3FA3]  }
0x2b: {  	s6 =	sld [smem:$0x3FA4]  }
0x2c: {  	s7 =	sld [smem:$0x3FA5]  }
0x2d: {  	s3 =	simm.s32 $0x108;
	s8 =	sld [smem:$0x3FA6]  }
0x2e: {  	s3 =	simm.s32 @!p0 $0x1082;
	s9 =	sld [smem:$0x3FA7]  }
0x2f: {  	lr =	sadd.s32 s0, s3;
	s0 =	sld [smem:$0x3F9E]  }
0x30: {  	s3 =	sld [smem:$0x3FA1]  }
0x31: {  	[smem:$0x3FAA] =	sst s10  }
0x32: {  	s10 =	sld [smem:$0x3FA8];
	_ =	sdelay $0x3  }
0x33: {  	p0 =	seq.s32 s10, $0x1;
	s10 =	sld [smem:$0x3FAA];
	_ =	sdelay $0x3  }
0x34: {  	[smem:$0x3FAA] =	sst s10  }
0x35: {  	s10 =	sld [smem:$0x3FA9];
	_ =	sdelay $0x3  }
0x36: {  	p1 =	seq.s32 s10, $0x1;
	s10 =	sld [smem:$0x3FAA];
	_ =	sdelay $0x3  }
0x37: {  	[smem:$0x3FAA] =	sst s10  }
0x38: {  	s10 =	sld [smem:$0x3FAB]  }
0x39: {  	_ = 	snop;
	(pc) =	sbr.ind lr, $3  }
0x3a: {  	_ = 	snop  }
0x3b: {  	_ = 	snop  }
0x3c: {  	p2 =	seq.s32 s10, $0x1;
	s10 =	sld [smem:$0x3FAA]  }
0x3d: {  	_ =	shalt  }
0x3e: {  	_ =	shalt  }
0x3f: {  	_ =	shalt  }
0x40: {  	_ =	shalt  }
0x41: {  	_ =	shalt  }
0x42: {  	_ =	shalt  }
0x43: {  	_ =	shalt  }
0x44: {  	_ =	shalt  }
0x45: {  	_ =	shalt  }
0x46: {  	_ =	shalt  }
0x47: {  	_ =	shalt  }
0x48: {  	_ =	shalt  }
0x49: {  	_ =	shalt  }
0x4a: {  	_ =	shalt  }
0x4b: {  	_ =	shalt  }
0x4c: {  	_ =	shalt  }
0x4d: {  	_ =	shalt  }
0x4e: {  	_ =	shalt  }
0x4f: {  	_ =	shalt  }
0x50: {  	_ =	shalt  }
0x51: {  	_ =	shalt  }
0x52: {  	_ =	shalt  }
0x53: {  	_ =	shalt  }
0x54: {  	_ =	shalt  }
0x55: {  	_ =	shalt  }
0x56: {  	_ =	shalt  }
0x57: {  	_ =	shalt  }
0x58: {  	_ =	shalt  }
0x59: {  	_ =	shalt  }
0x5a: {  	_ =	shalt  }
0x5b: {  	_ =	shalt  }
0x5c: {  	_ =	shalt  }
0x5d: {  	_ =	shalt  }
0x5e: {  	_ =	shalt  }
0x5f: {  	_ =	shalt  }
0x60: {  	_ =	shalt  }
0x61: {  	_ =	shalt  }
0x62: {  	_ =	shalt  }
0x63: {  	_ =	shalt  }
0x64: {  	_ =	shalt  }
0x65: {  	_ =	shalt  }
0x66: {  	_ =	shalt  }
0x67: {  	_ =	shalt  }
0x68: {  	_ =	shalt  }
0x69: {  	_ =	shalt  }
0x6a: {  	_ =	shalt  }
0x6b: {  	_ =	shalt  }
0x6c: {  	_ =	shalt  }
0x6d: {  	_ =	shalt  }
0x6e: {  	_ =	shalt  }
0x6f: {  	_ =	shalt  }
0x70: {  	_ =	shalt  }
0x71: {  	_ =	shalt  }
0x72: {  	_ =	shalt  }
0x73: {  	_ =	shalt  }
0x74: {  	_ =	shalt  }
0x75: {  	_ =	shalt  }
0x76: {  	_ =	shalt  }
0x77: {  	_ =	shalt  }
0x78: {  	_ =	shalt  }
0x79: {  	_ =	shalt  }
0x7a: {  	_ =	shalt  }
0x7b: {  	_ =	shalt  }
0x7c: {  	_ =	shalt  }
0x7d: {  	_ =	shalt  }
0x7e: {  	_ =	shalt  }
0x7f: {  	_ =	shalt  }
0x80: {  	_ =	shalt  }
0x81: {  	_ =	shalt  }
0x82: {  	_ =	shalt  }
0x83: {  	_ =	shalt  }
0x84: {  	_ =	shalt  }
0x85: {  	_ =	shalt  }
0x86: {  	_ =	shalt  }
0x87: {  	_ =	shalt  }
.Lfunc_end0:
.L_simem_size_0:
called_computation.4_lowered:
.L_overlay_start_0:
0x88: {  	s2 =	sld [smem:$0x3FD9]  }
0x89: {  	s3 =	sld [smem:$0x3FFE];
	_ =	sdelay $0x1  }
0x8a: {  	s1 =	srdreg.scid  }
0x8b: {  	s0 =	sand.u32 $0x1, s1  }
0x8c: {  	s17 =	sshll.u32 s0, $0xA;
	s2 =	sadd.s32 s3, s2  }
0x8d: {  	s2 =	sadd.s32 s2, s17  }
0x8e: {  	[smem:$0x3FB6] =	sst s2  }
0x8f: {  	_ = 	snop  }
0x90: {  	s2 =	sld [smem:$0x3FD0];
	(tm) =	ssettm $0x1  }
0x91: {  	s18 =	sld [smem:$0x3FFB];
	_ =	sdelay $0x3  }
0x92: {  	_ =	strace s18  }
0x93: {  	s3 =	sld [smem:$0x3FFC];
	_ =	sdelay $0x3  }
0x94: {  	_ =	strace s3  }
0x95: {  	s3 =	sld [smem:$0x3FFD];
	_ =	sdelay $0x3  }
0x96: {  	_ =	strace s3  }
0x97: {  	_ =	strace $0x8FFFFFFF  }
0x98: {  	s19 =	sld [smem:$0x3FDB];
	_ =	sdelay $0x1  }
0x99: {  	s4 =	simm.s32 $_scs_section_size  }
0x9a: {  	s5 =	simm.s32 $_size__tile_overlayer_lowered;
	s6 =	simm.s32 $_tile_overlayer_lowered  }
0x9b: {  	s22 =	simm.s32 $0x1BFF;
	s21 =	sshll.u32 s6, $0x1;
	s3 =	sadd.s32 s4, s19  }
0x9c: {  	s7 =	simm.s32 $0x0;
	s20 =	sshll.u32 s5, $0x1;
	s5 =	sadd.s32 s21, s3  }
0x9d: {  	[timem:s7], [sflag:s22] =	dma.local [hbm:s5], s20  }
0x9e: {  	_ =	swait.ge [sflag:s22], s20  }
0x9f: {  	s4 =	ssub.s32 $0x0, s20;
	[sflag:s22] =	ssyncset.done $0x0  }
0xa0: {  	[sflag:s22] =	ssyncadd.s32 s4;
	_ =	sdelay $0x1  }
0xa1: {  	s23 =	simm.s32 $0x1B8B  }
0xa2: {  	_ =	swait.ge [sflag:s23], $0x1  }
0xa3: {  	[sflag:s23] =	ssyncset.done $0x0  }
0xa4: {  	s25 =	simm.s32 $0x1B8E;
	s24 =	sld [smem:$0x3FFE];
	[sflag:s23] =	ssyncadd.s32 $0xFFFFFFFF  }
0xa5: {  	s26 =	simm.s32 $execute0_lowered;
	[smem:$0x3FD2] =	sst s25  }
0xa6: {  	s5 =	sshll.u32 s26, $0x1;
	_ =	strace $0x80000052;
	[dreg:$0x1] =	wrdreg $0xFFFFFFFF  }
0xa7: {  	s28 =	simm.s32 $_size_execute0_lowered;
	s3 =	sadd.s32 s3, s5;
	[dreg:$0x0] =	wrdreg $0x0  }
0xa8: {  	s5 =	sshll.u32 s28, $0x1;
	[dreg:$0x2] =	wrdreg s3  }
0xa9: {  	[dreg:$0x3] =	wrdreg s5  }
0xaa: {  	[dreg:$0x4] =	wrdreg $0xC0  }
0xab: {  	_ =	task [dreg:s7], $0x5FFFF  }
0xac: {  	[dreg:$0x1] =	wrdreg $0xFFFFFFFF  }
0xad: {  	[dreg:$0x0] =	wrdreg $0x60  }
0xae: {  	[dreg:$0x2] =	wrdreg s2  }
0xaf: {  	[dreg:$0x3] =	wrdreg s24  }
0xb0: {  	[dreg:$0x4] =	wrdreg $0x40000  }
0xb1: {  	[dreg:$0x5] =	wrdreg $0x9  }
0xb2: {  	_ =	task.clear_ibuf [dreg:s7], $0x6FFFF;
	_ =	strace $0x90000052  }
0xb3: {  	s29 =	simm.s32 $0x9;
	_ =	strace $0x80000054  }
0xb4: {  	_ =	swait.ge [sflag:s29], $0x1  }
0xb5: {  	[sflag:s29] =	ssyncadd.s32 $0xFFFFFFFF  }
0xb6: {  	_ =	strace $0x90000054  }
0xb7: {  	_ =	sfence  }
0xb8: {  	s30 =	sld [smem:$0x0];
	_ =	sdelay $0x2  }
0xb9: {  	s31 =	sshll.u32 s1, $0xD;
	s1 =	sshrl.u32 s1, $0x2  }
0xba: {  	s3 =	sand.u32 $0x4000, s31;
	s1 =	sadd.s32 s1, s30  }
0xbb: {  	s0 =	sor.u32 s3, s0;
	s1 =	sshll.u32 s1, $0x11  }
0xbc: {  	s0 =	sor.u32 s1, s0  }
0xbd: {  	s0 =	sadd.s32 $0x8F2B, s0  }
0xbe: {  	[sflag:s0] =	ssyncadd.remote.s32 $0x1  }
0xbf: {  	_ =	sfence.sel $0xFFFF  }
0xc0: {  	[dreg:$0x0] =	wrdreg $0xFFFFFFFF;
	(pc) =	sbr.abs _section_cstart, $3  }
0xc1: {  	[dreg:$0x1] =	wrdreg $0xFFFFFFFF  }
0xc2: {  	_ =	task.clear_ibuf [dreg:s7], $0x2FFFF;
	_ =	strace $0x9FFFFFFF  }
0xc3: {  	(tm) =	ssettm $0x7FFFFFFF  }
tec
execute0_lowered:
.L_overlay_start_1:
0x0: {  	(tag) =	ssettag $0x1  }
0x1: {  	s2 =	rddreg [dreg:$0x0]  }
0x2: {  	s0 =	rddreg [dreg:$0x1]  }
0x3: {  	s3 =	rddreg [dreg:$0x2]  }
0x4: {  	s14 =	stileid.u32;
	s1 =	srdreg.scid  }
0x5: {  	s4 =	simm.s32 $0x0;
	s15 =	simm.s32 $0x2000;
	s16 =	simm.s32 $0x80  }
0x6: {  	s17 =	simm.s32 $0x18000;
	s18 =	simm.s32 $0x1;
	s19 =	simm.s32 $0x1C000  }
0x7: {  	s28 =	simm.s32 $0x2700;
	s29 =	simm.s32 $0x2780;
	s30 =	simm.s32 $0x0  }
0x8: {  	s5 =	smul.u32 $0x14000, s14;
	s1 =	sand.u32 $0x1, s1;
	[smem:$0x7FF] =	sst s4  }
0x9: {  	s9 =	sadd.s32 $0xFA00, s0;
	s10 =	sadd.s32 $0x5A00, s0;
	s8 =	sshll.u32 s14, $0x1  }
0xa: {  	s11 =	smul.u32 $0x50000, s14;
	s25 =	sshll.u32 s14, $0x6;
	s14 =	simm.s32 $0x3  }
0xb: {  	s6 =	smul.u32 $0x140000, s1;
	s21 =	ssub.s32 $0x2, s1;
	s1 =	sor.u32 s1, s8  }
0xc: {  	_ =	strace $0x80000053;
	s7 =	sshrl.u32 s5, $0x3;
	s24 =	smul.u32 $0x2800, s1  }
0xd: {  	s22 =	sshrl.u32 s21, $0x1;
	s23 =	sshrl.u32 s11, $0x2;
	s1 =	smul.u32 $0x500, s1  }
0xe: {  	s5 =	sadd.s32 s5, s6;
	s20 =	sadd.s32 s7, s0;
	s12 =	ssub.s32 s21, s22  }
0xf: {  	s13 =	sadd.s32 s23, s3;
	s6 =	sor.u32 $0x1C03, s25;
	s21 =	simm.s32 $0x2580  }
0x10: {  	s22 =	simm.s32 $0x680;
	s23 =	simm.s32 $0x2600;
	s25 =	simm.s32 $0x2680  }
0x11: {  	s5 =	sshrl.u32 s5, $0x3;
	s26 =	sshrl.u32 s24, $0x3;
	s7 =	sadd.s32 s9, s1  }
0x12: {  	s8 =	sadd.s32 s10, s1;
	s12 =	smax.u32 s12, $0x1;
	s13 =	sshrl.u32 s13, $0x3  }
0x13: {  	s24 =	simm.s32 $0x700;
	s0 =	sadd.s32 s5, s0;
	s5 =	sadd.s32 $0x91A00, s20  }
0x14: {  	s31 =	sadd.s32 $0x400, s26;
	s20 =	simm.s32 $0x2;
	s26 =	simm.s32 $0x780  }
0x15: {  	s9 =	sadd.s32 s9, s31;
	s10 =	sadd.s32 s10, s31;
	s11 =	sadd.s32 $0xB9A00, s0  }
.LBB2_1:
0x16: {  	[spmem:s13], [sflag:s6] =	dma.local [hbm:s5], $0x2800  }
0x17: {  	_ =	swait.ge [sflag:s14], $0x2800  }
0x18: {  	[sflag:s14] =	ssyncset.done $0x0  }
0x19: {  	[sflag:s14] =	ssyncadd.s32 $0xFFFFD800  }
0x1a: {  	[bflag:$0x0] =	sbarrier.arrive $0xFFFF  }
0x1b: {  	[tilespmem:s4], [sflag:$0x3] =	stream.linear.gather [hbm4b:s7+s4], $0x2000, $0x38;
	v63 =	vld [tilespmem:$0x0]  }
0x1c: {  	_ =	swait.ge [sflag:s14], $0x2000  }
0x1d: {  	[sflag:s14] =	ssyncset.done $0x0  }
0x1e: {  	[sflag:s14] =	ssyncadd.s32 $0xFFFFE000  }
0x1f: {  	[tilespmem:s15], [sflag:$0x3] =	stream.linear.gather [hbm4b:s8+s4], $0x2000, $0x38;
	v63 =	vld [tilespmem:$0x0]  }
0x20: {  	_ =	swait.ge [sflag:s14], $0x2000  }
0x21: {  	[sflag:s14] =	ssyncset.done $0x0  }
0x22: {  	[sflag:s14] =	ssyncadd.s32 $0xFFFFE000  }
0x23: {  	[tilespmem:s17], [sflag:$0x1] =	stream.indirect.gather [hbm4b:s2+s16], $0x80, s4, s16, $0xb8;
	v63 =	vld [tilespmem:$0x0]  }
0x24: {  	_ =	swait.ge [sflag:s18], $0x4000  }
0x25: {  	[sflag:s18] =	ssyncset.done $0x0  }
0x26: {  	s31 =	simm.s32 $0x80;
	[sflag:s18] =	ssyncadd.s32 $0xFFFFC000  }
0x27: {  	[tilespmem:s19], [sflag:$0x2] =	stream.indirect.gather [hbm4b:s2+s16], $0x80, s31, s16, $0xb8;
	v63 =	vld [tilespmem:$0x0]  }
0x28: {  	s31 =	simm.s32 $0x2000  }
0x29: {  	[spmem:s3] =	stream.indirect.scatter.add.f32 [tilespmem:s17], [sflag:$0x3], $0x80, s31, s16, $0xb8;
	v63 =	vld [tilespmem:$0x0]  }
0x2a: {  	_ =	swait.ge [sflag:s14], $0x4000  }
0x2b: {  	[sflag:s14] =	ssyncset.done $0x0  }
0x2c: {  	[sflag:s14] =	ssyncadd.s32 $0xFFFFC000  }
0x2d: {  	_ =	swait.ge [sflag:s20], $0x4000  }
0x2e: {  	[sflag:s20] =	ssyncset.done $0x0  }
0x2f: {  	s31 =	simm.s32 $0x100;
	[sflag:s20] =	ssyncadd.s32 $0xFFFFC000  }
0x30: {  	[tilespmem:s17], [sflag:$0x1] =	stream.indirect.gather [hbm4b:s2+s16], $0x80, s31, s16, $0xb8;
	v63 =	vld [tilespmem:$0x0]  }
0x31: {  	s31 =	simm.s32 $0x2080  }
0x32: {  	[spmem:s3] =	stream.indirect.scatter.add.f32 [tilespmem:s19], [sflag:$0x3], $0x80, s31, s16, $0xb8;
	v63 =	vld [tilespmem:$0x0]  }
0x33: {  	_ =	swait.ge [sflag:s14], $0x4000  }
0x34: {  	s31 =	simm.s32 $0x400;
	[sflag:s14] =	ssyncset.done $0x0  }
.LBB2_2:
0x35: {  	p0 =	sne.s32 s31, $0x7800  }
0x36: {  	[sflag:s14] =	ssyncadd.s32 $0xFFFFC000;
	s0 =	smov.u32 s31;
	s31 =	sadd.s32 $0x400, s31  }
0x37: {  	_ = 	snop  }
0x38: {  	_ =	swait.ge [sflag:s18], $0x4000  }
0x39: {  	s0 =	sshra.s32 s0, $0x2;
	[sflag:s18] =	ssyncset.done $0x0  }
0x3a: {  	s1 =	sadd.s32 $0x80, s0;
	[sflag:s18] =	ssyncadd.s32 $0xFFFFC000  }
0x3b: {  	[tilespmem:s19], [sflag:$0x2] =	stream.indirect.gather [hbm4b:s2+s16], $0x80, s1, s16, $0xb8;
	v63 =	vld [tilespmem:$0x0]  }
0x3c: {  	s1 =	sadd.s32 $0x2000, s0  }
0x3d: {  	[spmem:s3] =	stream.indirect.scatter.add.f32 [tilespmem:s17], [sflag:$0x3], $0x80, s1, s16, $0xb8;
	v63 =	vld [tilespmem:$0x0]  }
0x3e: {  	_ =	swait.ge [sflag:s14], $0x4000  }
0x3f: {  	[sflag:s14] =	ssyncset.done $0x0  }
0x40: {  	[sflag:s14] =	ssyncadd.s32 $0xFFFFC000  }
0x41: {  	_ =	swait.ge [sflag:s20], $0x4000  }
0x42: {  	[sflag:s20] =	ssyncset.done $0x0  }
0x43: {  	s1 =	sadd.s32 $0x100, s0;
	[sflag:s20] =	ssyncadd.s32 $0xFFFFC000  }
0x44: {  	[tilespmem:s17], [sflag:$0x1] =	stream.indirect.gather [hbm4b:s2+s16], $0x80, s1, s16, $0xb8;
	v63 =	vld [tilespmem:$0x0]  }
.Ltmp0:
0x45: {  	_ = 	snop;
	(pc) =	sbr.rel @p0 .LBB2_2-.Ltmp0, $4  }
0x46: {  	s0 =	sadd.s32 $0x2080, s0  }
0x47: {  	[spmem:s3] =	stream.indirect.scatter.add.f32 [tilespmem:s19], [sflag:$0x3], $0x80, s0, s16, $0xb8;
	v63 =	vld [tilespmem:$0x0]  }
0x48: {  	_ =	swait.ge [sflag:s14], $0x4000  }
0x49: {  	[sflag:s14] =	ssyncset.done $0x0  }
0x4a: {  	[sflag:s14] =	ssyncadd.s32 $0xFFFFC000  }
0x4b: {  	_ =	swait.ge [sflag:s18], $0x4000  }
0x4c: {  	[sflag:s18] =	ssyncset.done $0x0  }
0x4d: {  	s0 =	simm.s32 $0x1F80;
	[sflag:s18] =	ssyncadd.s32 $0xFFFFC000  }
0x4e: {  	[tilespmem:s19], [sflag:$0x2] =	stream.indirect.gather [hbm4b:s2+s16], $0x80, s0, s16, $0xb8;
	v63 =	vld [tilespmem:$0x0]  }
0x4f: {  	s31 =	simm.s32 $0x3F00  }
0x50: {  	[spmem:s3] =	stream.indirect.scatter.add.f32 [tilespmem:s17], [sflag:$0x3], $0x80, s31, s16, $0xb8;
	v63 =	vld [tilespmem:$0x0]  }
0x51: {  	_ =	swait.ge [sflag:s14], $0x4000  }
0x52: {  	[sflag:s14] =	ssyncset.done $0x0  }
0x53: {  	[sflag:s14] =	ssyncadd.s32 $0xFFFFC000  }
0x54: {  	_ =	swait.ge [sflag:s20], $0x4000  }
0x55: {  	[sflag:s20] =	ssyncset.done $0x0  }
0x56: {  	s1 =	simm.s32 $0x3F80;
	[sflag:s20] =	ssyncadd.s32 $0xFFFFC000  }
0x57: {  	[spmem:s3] =	stream.indirect.scatter.add.f32 [tilespmem:s19], [sflag:$0x3], $0x80, s1, s16, $0xb8;
	v63 =	vld [tilespmem:$0x0]  }
0x58: {  	_ =	swait.ge [sflag:s14], $0x4000  }
0x59: {  	[sflag:s14] =	ssyncset.done $0x0  }
0x5a: {  	[sflag:s14] =	ssyncadd.s32 $0xFFFFC000  }
0x5b: {  	[tilespmem:s4], [sflag:$0x3] =	stream.linear.gather [hbm4b:s9+s4], $0x800, $0x38;
	v63 =	vld [tilespmem:$0x0]  }
0x5c: {  	_ =	swait.ge [sflag:s14], $0x800  }
0x5d: {  	[sflag:s14] =	ssyncset.done $0x0  }
0x5e: {  	[sflag:s14] =	ssyncadd.s32 $0xFFFFF800  }
0x5f: {  	[tilespmem:s15], [sflag:$0x3] =	stream.linear.gather [hbm4b:s10+s4], $0x800, $0x38;
	v63 =	vld [tilespmem:$0x0]  }
0x60: {  	_ =	swait.ge [sflag:s14], $0x800  }
0x61: {  	[sflag:s14] =	ssyncset.done $0x0  }
0x62: {  	[sflag:s14] =	ssyncadd.s32 $0xFFFFF800  }
0x63: {  	[tilespmem:s17], [sflag:$0x1] =	stream.indirect.gather [hbm4b:s2+s16], $0x80, s4, s16, $0xb8;
	v63 =	vld [tilespmem:$0x0]  }
0x64: {  	_ =	swait.ge [sflag:s18], $0x4000  }
0x65: {  	[sflag:s18] =	ssyncset.done $0x0  }
0x66: {  	[sflag:s18] =	ssyncadd.s32 $0xFFFFC000  }
0x67: {  	[tilespmem:s19], [sflag:$0x2] =	stream.indirect.gather [hbm4b:s2+s16], $0x80, s16, s16, $0xb8;
	v63 =	vld [tilespmem:$0x0]  }
0x68: {  	_ = 	snop  }
0x69: {  	[spmem:s3] =	stream.indirect.scatter.add.f32 [tilespmem:s17], [sflag:$0x3], $0x80, s15, s16, $0xb8;
	v63 =	vld [tilespmem:$0x0]  }
0x6a: {  	_ =	swait.ge [sflag:s14], $0x4000  }
0x6b: {  	[sflag:s14] =	ssyncset.done $0x0  }
0x6c: {  	[sflag:s14] =	ssyncadd.s32 $0xFFFFC000  }
0x6d: {  	_ =	swait.ge [sflag:s20], $0x4000  }
0x6e: {  	[sflag:s20] =	ssyncset.done $0x0  }
0x6f: {  	s31 =	simm.s32 $0x100;
	[sflag:s20] =	ssyncadd.s32 $0xFFFFC000  }
0x70: {  	[tilespmem:s17], [sflag:$0x1] =	stream.indirect.gather [hbm4b:s2+s16], $0x80, s31, s16, $0xb8;
	v63 =	vld [tilespmem:$0x0]  }
0x71: {  	s1 =	simm.s32 $0x2080  }
0x72: {  	[spmem:s3] =	stream.indirect.scatter.add.f32 [tilespmem:s19], [sflag:$0x3], $0x80, s1, s16, $0xb8;
	v63 =	vld [tilespmem:$0x0]  }
0x73: {  	_ =	swait.ge [sflag:s14], $0x4000  }
0x74: {  	[sflag:s14] =	ssyncset.done $0x0  }
0x75: {  	[sflag:s14] =	ssyncadd.s32 $0xFFFFC000  }
0x76: {  	_ =	swait.ge [sflag:s18], $0x4000  }
0x77: {  	[sflag:s18] =	ssyncset.done $0x0  }
0x78: {  	s31 =	simm.s32 $0x180;
	[sflag:s18] =	ssyncadd.s32 $0xFFFFC000  }
0x79: {  	[tilespmem:s19], [sflag:$0x2] =	stream.indirect.gather [hbm4b:s2+s16], $0x80, s31, s16, $0xb8;
	v63 =	vld [tilespmem:$0x0]  }
0x7a: {  	s1 =	simm.s32 $0x2100  }
0x7b: {  	[spmem:s3] =	stream.indirect.scatter.add.f32 [tilespmem:s17], [sflag:$0x3], $0x80, s1, s16, $0xb8;
	v63 =	vld [tilespmem:$0x0]  }
0x7c: {  	_ =	swait.ge [sflag:s14], $0x4000  }
0x7d: {  	[sflag:s14] =	ssyncset.done $0x0  }
0x7e: {  	[sflag:s14] =	ssyncadd.s32 $0xFFFFC000  }
0x7f: {  	_ =	swait.ge [sflag:s20], $0x4000  }
0x80: {  	[sflag:s20] =	ssyncset.done $0x0  }
0x81: {  	s31 =	simm.s32 $0x200;
	[sflag:s20] =	ssyncadd.s32 $0xFFFFC000  }
0x82: {  	[tilespmem:s17], [sflag:$0x1] =	stream.indirect.gather [hbm4b:s2+s16], $0x80, s31, s16, $0xb8;
	v63 =	vld [tilespmem:$0x0]  }
0x83: {  	s1 =	simm.s32 $0x2180  }
0x84: {  	[spmem:s3] =	stream.indirect.scatter.add.f32 [tilespmem:s19], [sflag:$0x3], $0x80, s1, s16, $0xb8;
	v63 =	vld [tilespmem:$0x0]  }
0x85: {  	_ =	swait.ge [sflag:s14], $0x4000  }
0x86: {  	[sflag:s14] =	ssyncset.done $0x0  }
0x87: {  	[sflag:s14] =	ssyncadd.s32 $0xFFFFC000  }
0x88: {  	_ =	swait.ge [sflag:s18], $0x4000  }
0x89: {  	[sflag:s18] =	ssyncset.done $0x0  }
0x8a: {  	s31 =	simm.s32 $0x280;
	[sflag:s18] =	ssyncadd.s32 $0xFFFFC000  }
0x8b: {  	[tilespmem:s19], [sflag:$0x2] =	stream.indirect.gather [hbm4b:s2+s16], $0x80, s31, s16, $0xb8;
	v63 =	vld [tilespmem:$0x0]  }
0x8c: {  	s1 =	simm.s32 $0x2200  }
0x8d: {  	[spmem:s3] =	stream.indirect.scatter.add.f32 [tilespmem:s17], [sflag:$0x3], $0x80, s1, s16, $0xb8;
	v63 =	vld [tilespmem:$0x0]  }
0x8e: {  	_ =	swait.ge [sflag:s14], $0x4000  }
0x8f: {  	[sflag:s14] =	ssyncset.done $0x0  }
0x90: {  	[sflag:s14] =	ssyncadd.s32 $0xFFFFC000  }
0x91: {  	_ =	swait.ge [sflag:s20], $0x4000  }
0x92: {  	[sflag:s20] =	ssyncset.done $0x0  }
0x93: {  	s31 =	simm.s32 $0x300;
	[sflag:s20] =	ssyncadd.s32 $0xFFFFC000  }
0x94: {  	[tilespmem:s17], [sflag:$0x1] =	stream.indirect.gather [hbm4b:s2+s16], $0x80, s31, s16, $0xb8;
	v63 =	vld [tilespmem:$0x0]  }
0x95: {  	s1 =	simm.s32 $0x2280  }
0x96: {  	[spmem:s3] =	stream.indirect.scatter.add.f32 [tilespmem:s19], [sflag:$0x3], $0x80, s1, s16, $0xb8;
	v63 =	vld [tilespmem:$0x0]  }
0x97: {  	_ =	swait.ge [sflag:s14], $0x4000  }
0x98: {  	[sflag:s14] =	ssyncset.done $0x0  }
0x99: {  	[sflag:s14] =	ssyncadd.s32 $0xFFFFC000  }
0x9a: {  	_ =	swait.ge [sflag:s18], $0x4000  }
0x9b: {  	[sflag:s18] =	ssyncset.done $0x0  }
0x9c: {  	s31 =	simm.s32 $0x380;
	[sflag:s18] =	ssyncadd.s32 $0xFFFFC000  }
0x9d: {  	[tilespmem:s19], [sflag:$0x2] =	stream.indirect.gather [hbm4b:s2+s16], $0x80, s31, s16, $0xb8;
	v63 =	vld [tilespmem:$0x0]  }
0x9e: {  	s1 =	simm.s32 $0x2300  }
0x9f: {  	[spmem:s3] =	stream.indirect.scatter.add.f32 [tilespmem:s17], [sflag:$0x3], $0x80, s1, s16, $0xb8;
	v63 =	vld [tilespmem:$0x0]  }
0xa0: {  	_ =	swait.ge [sflag:s14], $0x4000  }
0xa1: {  	[sflag:s14] =	ssyncset.done $0x0  }
0xa2: {  	[sflag:s14] =	ssyncadd.s32 $0xFFFFC000  }
0xa3: {  	_ =	swait.ge [sflag:s20], $0x4000  }
0xa4: {  	[sflag:s20] =	ssyncset.done $0x0  }
0xa5: {  	s31 =	simm.s32 $0x400;
	[sflag:s20] =	ssyncadd.s32 $0xFFFFC000  }
0xa6: {  	[tilespmem:s17], [sflag:$0x1] =	stream.indirect.gather [hbm4b:s2+s16], $0x80, s31, s16, $0xb8;
	v63 =	vld [tilespmem:$0x0]  }
0xa7: {  	s1 =	simm.s32 $0x2380  }
0xa8: {  	[spmem:s3] =	stream.indirect.scatter.add.f32 [tilespmem:s19], [sflag:$0x3], $0x80, s1, s16, $0xb8;
	v63 =	vld [tilespmem:$0x0]  }
0xa9: {  	_ =	swait.ge [sflag:s14], $0x4000  }
0xaa: {  	[sflag:s14] =	ssyncset.done $0x0  }
0xab: {  	[sflag:s14] =	ssyncadd.s32 $0xFFFFC000  }
0xac: {  	_ =	swait.ge [sflag:s18], $0x4000  }
0xad: {  	[sflag:s18] =	ssyncset.done $0x0  }
0xae: {  	s31 =	simm.s32 $0x480;
	[sflag:s18] =	ssyncadd.s32 $0xFFFFC000  }
0xaf: {  	[tilespmem:s19], [sflag:$0x2] =	stream.indirect.gather [hbm4b:s2+s16], $0x80, s31, s16, $0xb8;
	v63 =	vld [tilespmem:$0x0]  }
0xb0: {  	s1 =	simm.s32 $0x2400  }
0xb1: {  	[spmem:s3] =	stream.indirect.scatter.add.f32 [tilespmem:s17], [sflag:$0x3], $0x80, s1, s16, $0xb8;
	v63 =	vld [tilespmem:$0x0]  }
0xb2: {  	_ =	swait.ge [sflag:s14], $0x4000  }
0xb3: {  	[sflag:s14] =	ssyncset.done $0x0  }
0xb4: {  	[sflag:s14] =	ssyncadd.s32 $0xFFFFC000  }
0xb5: {  	_ =	swait.ge [sflag:s20], $0x4000  }
0xb6: {  	[sflag:s20] =	ssyncset.done $0x0  }
0xb7: {  	s31 =	simm.s32 $0x500;
	[sflag:s20] =	ssyncadd.s32 $0xFFFFC000  }
0xb8: {  	[tilespmem:s17], [sflag:$0x1] =	stream.indirect.gather [hbm4b:s2+s16], $0x80, s31, s16, $0xb8;
	v63 =	vld [tilespmem:$0x0]  }
0xb9: {  	s1 =	simm.s32 $0x2480  }
0xba: {  	[spmem:s3] =	stream.indirect.scatter.add.f32 [tilespmem:s19], [sflag:$0x3], $0x80, s1, s16, $0xb8;
	v63 =	vld [tilespmem:$0x0]  }
0xbb: {  	_ =	swait.ge [sflag:s14], $0x4000  }
0xbc: {  	[sflag:s14] =	ssyncset.done $0x0  }
0xbd: {  	[sflag:s14] =	ssyncadd.s32 $0xFFFFC000  }
0xbe: {  	_ =	swait.ge [sflag:s18], $0x4000  }
0xbf: {  	[sflag:s18] =	ssyncset.done $0x0  }
0xc0: {  	s31 =	simm.s32 $0x580;
	[sflag:s18] =	ssyncadd.s32 $0xFFFFC000  }
0xc1: {  	[tilespmem:s19], [sflag:$0x2] =	stream.indirect.gather [hbm4b:s2+s16], $0x80, s31, s16, $0xb8;
	v63 =	vld [tilespmem:$0x0]  }
0xc2: {  	s1 =	simm.s32 $0x2500  }
0xc3: {  	[spmem:s3] =	stream.indirect.scatter.add.f32 [tilespmem:s17], [sflag:$0x3], $0x80, s1, s16, $0xb8;
	v63 =	vld [tilespmem:$0x0]  }
0xc4: {  	_ =	swait.ge [sflag:s14], $0x4000  }
0xc5: {  	[sflag:s14] =	ssyncset.done $0x0  }
0xc6: {  	[sflag:s14] =	ssyncadd.s32 $0xFFFFC000  }
0xc7: {  	_ =	swait.ge [sflag:s20], $0x4000  }
0xc8: {  	[sflag:s20] =	ssyncset.done $0x0  }
0xc9: {  	s31 =	simm.s32 $0x600;
	[sflag:s20] =	ssyncadd.s32 $0xFFFFC000  }
0xca: {  	[tilespmem:s17], [sflag:$0x1] =	stream.indirect.gather [hbm4b:s2+s16], $0x80, s31, s16, $0xb8;
	v63 =	vld [tilespmem:$0x0]  }
0xcb: {  	_ = 	snop  }
0xcc: {  	[spmem:s3] =	stream.indirect.scatter.add.f32 [tilespmem:s19], [sflag:$0x3], $0x80, s21, s16, $0xb8;
	v63 =	vld [tilespmem:$0x0]  }
0xcd: {  	_ =	swait.ge [sflag:s14], $0x4000  }
0xce: {  	[sflag:s14] =	ssyncset.done $0x0  }
0xcf: {  	[sflag:s14] =	ssyncadd.s32 $0xFFFFC000  }
0xd0: {  	_ =	swait.ge [sflag:s18], $0x4000  }
0xd1: {  	[sflag:s18] =	ssyncset.done $0x0  }
0xd2: {  	[sflag:s18] =	ssyncadd.s32 $0xFFFFC000  }
0xd3: {  	[tilespmem:s19], [sflag:$0x2] =	stream.indirect.gather [hbm4b:s2+s16], $0x80, s22, s16, $0xb8;
	v63 =	vld [tilespmem:$0x0]  }
0xd4: {  	_ = 	snop  }
0xd5: {  	[spmem:s3] =	stream.indirect.scatter.add.f32 [tilespmem:s17], [sflag:$0x3], $0x80, s23, s16, $0xb8;
	v63 =	vld [tilespmem:$0x0]  }
0xd6: {  	_ =	swait.ge [sflag:s14], $0x4000  }
0xd7: {  	[sflag:s14] =	ssyncset.done $0x0  }
0xd8: {  	[sflag:s14] =	ssyncadd.s32 $0xFFFFC000  }
0xd9: {  	_ =	swait.ge [sflag:s20], $0x4000  }
0xda: {  	[sflag:s20] =	ssyncset.done $0x0  }
0xdb: {  	[sflag:s20] =	ssyncadd.s32 $0xFFFFC000  }
0xdc: {  	[tilespmem:s17], [sflag:$0x1] =	stream.indirect.gather [hbm4b:s2+s16], $0x80, s24, s16, $0xb8;
	v63 =	vld [tilespmem:$0x0]  }
0xdd: {  	_ = 	snop  }
0xde: {  	[spmem:s3] =	stream.indirect.scatter.add.f32 [tilespmem:s19], [sflag:$0x3], $0x80, s25, s16, $0xb8;
	v63 =	vld [tilespmem:$0x0]  }
0xdf: {  	_ =	swait.ge [sflag:s14], $0x4000  }
0xe0: {  	[sflag:s14] =	ssyncset.done $0x0  }
0xe1: {  	[sflag:s14] =	ssyncadd.s32 $0xFFFFC000  }
0xe2: {  	_ =	swait.ge [sflag:s18], $0x4000  }
0xe3: {  	[sflag:s18] =	ssyncset.done $0x0  }
0xe4: {  	[sflag:s18] =	ssyncadd.s32 $0xFFFFC000  }
0xe5: {  	[tilespmem:s19], [sflag:$0x2] =	stream.indirect.gather [hbm4b:s2+s16], $0x80, s26, s16, $0xb8;
	v63 =	vld [tilespmem:$0x0]  }
0xe6: {  	_ = 	snop  }
0xe7: {  	[spmem:s3] =	stream.indirect.scatter.add.f32 [tilespmem:s17], [sflag:$0x3], $0x80, s28, s16, $0xb8;
	v63 =	vld [tilespmem:$0x0]  }
0xe8: {  	_ =	swait.ge [sflag:s14], $0x4000  }
0xe9: {  	[sflag:s14] =	ssyncset.done $0x0  }
0xea: {  	[sflag:s14] =	ssyncadd.s32 $0xFFFFC000  }
0xeb: {  	_ =	swait.ge [sflag:s20], $0x4000  }
0xec: {  	[sflag:s20] =	ssyncset.done $0x0  }
0xed: {  	[sflag:s20] =	ssyncadd.s32 $0xFFFFC000  }
0xee: {  	[spmem:s3] =	stream.indirect.scatter.add.f32 [tilespmem:s19], [sflag:$0x3], $0x80, s29, s16, $0xb8;
	v63 =	vld [tilespmem:$0x0]  }
0xef: {  	_ =	swait.ge [sflag:s14], $0x4000  }
0xf0: {  	s30 =	sadd.s32 $0x1, s30;
	[sflag:s14] =	ssyncset.done $0x0  }
0xf1: {  	p0 =	sne.s32 s30, s12;
	[sflag:s14] =	ssyncadd.s32 $0xFFFFC000  }
.Ltmp1:
0xf2: {  	[bflag:$0x0] =	sbarrier.arrive $0xFFFF;
	(pc) =	sbr.rel @p0 .LBB2_1-.Ltmp1, $4  }
0xf3: {  	[hbm:s11], [sflag:s6] =	dma.local [spmem:s13], $0x2800  }
0xf4: {  	_ =	swait.ge [sflag:s14], $0x2800  }
0xf5: {  	[sflag:s14] =	ssyncset.done $0x0  }
0xf6: {  	[sflag:s14] =	ssyncadd.s32 $0xFFFFD800  }
0xf7: {  	_ =	sfence.sel $0x180000  }
0xf8: {  	[bflag:$0x0] =	sbarrier.arrive $0xFFFF  }
0xf9: {  	_ =	strace $0x90000053  }
0xfa: {  	s0 =	stileid.u32;
	[bflag:$0x2] =	sbarrier.arrive $0xFFFF  }
0xfb: {  	p0 =	sne.s32 s0, $0x0;
	s0 =	rddreg [dreg:$0x3]  }
0xfc: {  	s0 =	sadd.s32 @!p0 $0x100000, s0  }
0xfd: {  	[sflag:s0] =	ssyncadd.tile.s32 @!p0 $0x1;
	_ =	shalt  }
.Lfunc_end2:
_tile_overlayer_lowered:
.L_overlay_start_2:
0xfe: {  	(tag) =	ssettag $0x2  }
0xff: {  	s0 =	rddreg [dreg:$0x0];
	s2 =	stileid.u32  }
0x100: {  	s1 =	rddreg [dreg:$0x1];
	p0 =	sne.s32 s2, $0x0  }
0x101: {  	s3 =	rddreg [dreg:$0x2];
	[bflag:$0x3] =	sbarrier.arrive $0xFFFF;
	s2 =	simm.s32 @!p0 $0x1C03  }
0x102: {  	[timem:s3], [sflag:s2] =	dma.local @!p0 [hbm:s0], s1  }
0x103: {  	s0 =	simm.s32 @!p0 $0x3  }
0x104: {  	_ =	swait.ge @!p0 [sflag:s0], s1  }
0x105: {  	s1 =	ssub.s32 @!p0 $0x0, s1;
	[sflag:s0] =	ssyncset.done @!p0 $0x0  }
0x106: {  	[sflag:s0] =	ssyncadd.s32 @!p0 s1  }
0x107: {  	[bflag:$0x3] =	sbarrier.arrive $0xFFFF  }
0x108: {  	_ =	shalt  }

</sc_bundles>
